<compile_context>
chip_gen: v7x
topology: tpu7x:2x2x1
jax: 0.10.2.dev20260603
libtpu: 0.0.44.dev20260713+nightly
codegen_flags: <defaults>
</compile_context>

<pallas_src>
import functools

import jax
import jax.numpy as jnp
from jax import lax
from jax.experimental import pallas as pl
from jax.experimental.pallas import tpu as pltpu
from jax.experimental.pallas import tpu_sc as plsc

N = 10000
E = 320000
D = 128
NC = 2
NS = 16
NW = NC * NS
CHUNK = 128
CH = 80
EPW = CH * CHUNK
E_PAD = NW * EPW
N_PAD = 10112
RPT = N_PAD // NS

_mesh = plsc.VectorSubcoreMesh(core_axis_name="c", subcore_axis_name="s")



@functools.partial(
    pl.kernel,
    out_type=jax.ShapeDtypeStruct((NC, N_PAD, D), jnp.float32),
    mesh=_mesh,
    scratch_types=[
        pltpu.VMEM((CH, CHUNK), jnp.int32),
        pltpu.VMEM((CHUNK, D), jnp.float32),
        pltpu.VMEM_SHARED((N_PAD, D), jnp.float32),
    ],
)
def _deg_kernel(dst_hbm, zeros_hbm, ones_hbm, out_hbm, dst_v, buf, acc_sh):
    c = lax.axis_index("c")
    s = lax.axis_index("s")
    wid = s * NC + c
    r0 = s * RPT
    pltpu.sync_copy(dst_hbm.at[wid], dst_v)
    pltpu.sync_copy(zeros_hbm, buf)
    for k in range(4):
        pltpu.sync_copy(buf, acc_sh.at[pl.ds(r0 + k * CHUNK, CHUNK)])
    pltpu.sync_copy(buf.at[pl.ds(0, RPT - 4 * CHUNK)],
                    acc_sh.at[pl.ds(r0 + 4 * CHUNK, RPT - 4 * CHUNK)])
    pltpu.sync_copy(ones_hbm, buf)
    plsc.subcore_barrier()

    def body(j, carry):
        pltpu.sync_copy(buf, acc_sh.at[dst_v.at[j]], add=True)
        return carry

    lax.fori_loop(0, CH, body, 0)
    plsc.subcore_barrier()
    pltpu.sync_copy(acc_sh.at[pl.ds(r0, RPT)], out_hbm.at[c, pl.ds(r0, RPT)])


CH_G = 40
NG = CH // CH_G


@functools.partial(
    pl.kernel,
    out_type=jax.ShapeDtypeStruct((NC, N_PAD, D), jnp.float32),
    mesh=_mesh,
    scratch_types=[
        pltpu.VMEM((CH_G, CHUNK), jnp.int32),
        pltpu.VMEM((CH_G, CHUNK), jnp.int32),
        pltpu.VMEM((CHUNK, D), jnp.float32),
        pltpu.VMEM((CHUNK, D), jnp.float32),
        pltpu.VMEM_SHARED((N_PAD, D), jnp.float32),
        pltpu.SemaphoreType.DMA,
        pltpu.SemaphoreType.DMA,
    ],
)
def _agg_kernel(g_hbm, src_hbm, dst_hbm, zeros_hbm, out_hbm, src_v, dst_v,
                buf0, buf1, acc_sh, sem0, sem1):
    c = lax.axis_index("c")
    s = lax.axis_index("s")
    wid = s * NC + c
    r0 = s * RPT
    pltpu.sync_copy(zeros_hbm, buf0)
    for k in range(4):
        pltpu.sync_copy(buf0, acc_sh.at[pl.ds(r0 + k * CHUNK, CHUNK)])
    pltpu.sync_copy(buf0.at[pl.ds(0, RPT - 4 * CHUNK)],
                    acc_sh.at[pl.ds(r0 + 4 * CHUNK, RPT - 4 * CHUNK)])
    plsc.subcore_barrier()

    NSUB = 2
    SUB = CHUNK // NSUB

    def issue_gather(c, buf, sem):
        for h in range(NSUB):
            pltpu.async_copy(g_hbm.at[src_v.at[c, pl.ds(h * SUB, SUB)]],
                             buf.at[pl.ds(h * SUB, SUB)], sem)

    def wait_gather(c, buf, sem):
        for h in range(NSUB):
            pltpu.make_async_copy(g_hbm.at[src_v.at[c, pl.ds(h * SUB, SUB)]],
                                  buf.at[pl.ds(h * SUB, SUB)], sem).wait()

    for g in range(NG):
        pltpu.sync_copy(src_hbm.at[wid, pl.ds(g * CH_G, CH_G)], src_v)
        pltpu.sync_copy(dst_hbm.at[wid, pl.ds(g * CH_G, CH_G)], dst_v)
        issue_gather(0, buf0, sem0)
        issue_gather(1, buf1, sem1)

        def body(j2, carry):
            c0 = 2 * j2
            wait_gather(c0, buf0, sem0)
            pltpu.sync_copy(buf0, acc_sh.at[dst_v.at[c0]], add=True)
            issue_gather(c0 + 2, buf0, sem0)
            wait_gather(c0 + 1, buf1, sem1)
            pltpu.sync_copy(buf1, acc_sh.at[dst_v.at[c0 + 1]], add=True)
            issue_gather(c0 + 3, buf1, sem1)
            return carry

        lax.fori_loop(0, CH_G // 2 - 1, body, 0)
        wait_gather(CH_G - 2, buf0, sem0)
        pltpu.sync_copy(buf0, acc_sh.at[dst_v.at[CH_G - 2]], add=True)
        wait_gather(CH_G - 1, buf1, sem1)
        pltpu.sync_copy(buf1, acc_sh.at[dst_v.at[CH_G - 1]], add=True)
    plsc.subcore_barrier()
    pltpu.sync_copy(acc_sh.at[pl.ds(r0, RPT)], out_hbm.at[c, pl.ds(r0, RPT)])



R_BLK = 1000
GRID = N // R_BLK


def _dinv_from_parts(degp):
    deg = degp[0][:, 0:1] + degp[1][:, 0:1] + 1.0
    return lax.rsqrt(deg)


def _first_body(x_ref, w_ref, degp_ref, g_ref):
    dinv = _dinv_from_parts(degp_ref[...])
    h = jnp.dot(x_ref[...], w_ref[...], preferred_element_type=jnp.float32)
    g_ref[...] = h * dinv


def _mid_body(p_ref, g_ref, degp_ref, b_ref, w_ref, out_ref):
    dinv = _dinv_from_parts(degp_ref[...])
    agg = p_ref[0] + p_ref[1] + g_ref[...]
    z = jnp.maximum(agg * dinv + b_ref[...], 0.0)
    out_ref[...] = jnp.dot(z, w_ref[...], preferred_element_type=jnp.float32) * dinv


def _last_body(p_ref, g_ref, degp_ref, b_ref, out_ref):
    dinv = _dinv_from_parts(degp_ref[...])
    agg = p_ref[0] + p_ref[1] + g_ref[...]
    out_ref[...] = agg * dinv + b_ref[...]


_row_spec = pl.BlockSpec((R_BLK, D), lambda i: (i, 0))
_w_spec = pl.BlockSpec((D, D), lambda i: (0, 0))
_b_spec = pl.BlockSpec((1, D), lambda i: (0, 0))
_degp_spec = pl.BlockSpec((NC, R_BLK, D), lambda i: (0, i, 0))
_part_spec = pl.BlockSpec((NC, R_BLK, D), lambda i: (0, i, 0))
_row_out = jax.ShapeDtypeStruct((N, D), jnp.float32)

_first_tc = pl.pallas_call(
    _first_body, grid=(GRID,),
    in_specs=[_row_spec, _w_spec, _degp_spec],
    out_specs=_row_spec, out_shape=_row_out)

_mid_tc = pl.pallas_call(
    _mid_body, grid=(GRID,),
    in_specs=[_part_spec, _row_spec, _degp_spec, _b_spec, _w_spec],
    out_specs=_row_spec, out_shape=_row_out)

_last_tc = pl.pallas_call(
    _last_body, grid=(GRID,),
    in_specs=[_part_spec, _row_spec, _degp_spec, _b_spec],
    out_specs=_row_spec, out_shape=_row_out)



def kernel(x, edge_index, W1, b1, W2, b2, W3, b3):
    src = edge_index[0]
    dst = edge_index[1]
    pad = E_PAD - E
    srcp = jnp.concatenate([src, jnp.zeros((pad,), jnp.int32)])
    dstp = jnp.concatenate(
        [dst, N + (jnp.arange(pad, dtype=jnp.int32) % NS)])
    srcp = srcp.reshape(NW, CH, CHUNK)
    dstp = dstp.reshape(NW, CH, CHUNK)
    ones_row = jnp.ones((CHUNK, D), jnp.float32)
    zrow = jnp.zeros((CHUNK, D), jnp.float32)
    b1r = b1.reshape(1, D)
    b2r = b2.reshape(1, D)
    b3r = b3.reshape(1, D)

    degp = _deg_kernel(dstp, zrow, ones_row)
    g1 = _first_tc(x, W1, degp)
    p1 = _agg_kernel(g1, srcp, dstp, zrow)
    g2 = _mid_tc(p1, g1, degp, b1r, W2)
    p2 = _agg_kernel(g2, srcp, dstp, zrow)
    g3 = _mid_tc(p2, g2, degp, b2r, W3)
    p3 = _agg_kernel(g3, srcp, dstp, zrow)
    return _last_tc(p3, g3, degp, b3r)

# --- scband reference (transcript-rebuilt; emitter-appended) ---
"""Pipeline reference for scband-gcnencoder3-layer-56616258895894 (READ-ONLY COPY).

The authoritative reference and input builder live on the scoring server;
editing this copy changes nothing except your own understanding.
"""

import jax, jax.numpy as jnp
import numpy as np

N = 10000
E = 320000
D_IN = 128
D_HID = 128
D_OUT = 128


def gcn_layer(x, src, dst, W, b, n_nodes):
    # GCNConv (PyG semantics): add self-loops, symmetric normalization,
    # then propagate: out = D^{-1/2} (A + I) D^{-1/2} (x @ W) + b
    loop = jnp.arange(n_nodes, dtype=src.dtype)
    s = jnp.concatenate([src, loop])
    d = jnp.concatenate([dst, loop])
    deg = jnp.zeros((n_nodes,), dtype=x.dtype).at[d].add(1.0)
    dinv = jnp.where(deg > 0, 1.0 / jnp.sqrt(deg), 0.0)
    norm = dinv[s] * dinv[d]
    h = x @ W
    msg = h[s] * norm[:, None]
    out = jnp.zeros((n_nodes, W.shape[1]), dtype=x.dtype).at[d].add(msg)
    return out + b


def setup_inputs(seed: int = 0) -> dict:
    key = jax.random.key(seed)
    ks = jax.random.split(key, 8)
    x = jax.random.normal(ks[0], (N, D_IN), dtype=jnp.float32)
    edge_index = jax.random.randint(ks[1], (2, E), 0, N, dtype=jnp.int32)
    # Glorot-style init for the three GCNConv weight matrices + biases
    def glorot(k, fan_in, fan_out):
        lim = jnp.sqrt(6.0 / (fan_in + fan_out))
        return jax.random.uniform(k, (fan_in, fan_out), dtype=jnp.float32, minval=-lim, maxval=lim)
    W1 = glorot(ks[2], D_IN, D_HID)
    b1 = jnp.zeros((D_HID,), dtype=jnp.float32)
    W2 = glorot(ks[3], D_HID, D_HID)
    b2 = jnp.zeros((D_HID,), dtype=jnp.float32)
    W3 = glorot(ks[4], D_HID, D_OUT)
    b3 = jnp.zeros((D_OUT,), dtype=jnp.float32)
    return {"x": x, "edge_index": edge_index, "W1": W1, "b1": b1, "W2": W2, "b2": b2, "W3": W3, "b3": b3}


def reference(x, edge_index, W1, b1, W2, b2, W3, b3):
    src = edge_index[0]
    dst = edge_index[1]
    h = jax.nn.relu(gcn_layer(x, src, dst, W1, b1, N))
    h = jax.nn.relu(gcn_layer(h, src, dst, W2, b2, N))
    out = gcn_layer(h, src, dst, W3, b3, N)
    return out

if __name__ == "__main__":
    import jax
    _d = setup_inputs()
    print(jax.jit(kernel)(*tuple(_d.values())))

</pallas_src>

<mosaic_0001>
#map = affine_map<(d0, d1) -> (0, 0)>
#map1 = affine_map<(d0, d1) -> (0, 0, 0)>
module attributes {stable_mosaic.version = 14 : i64} {
  func.func @_agg_kernel(%arg0: i32, %arg1: i32, %arg2: memref<10000x128xf32, #tpu.memory_space<hbm>>, %arg3: memref<32x80x128xi32, #tpu.memory_space<hbm>>, %arg4: memref<32x80x128xi32, #tpu.memory_space<hbm>>, %arg5: memref<128x128xf32, #tpu.memory_space<hbm>>, %arg6: memref<2x10112x128xf32, #tpu.memory_space<hbm>>, %arg7: memref<40x128xi32, #tpu.memory_space<vmem>>, %arg8: memref<40x128xi32, #tpu.memory_space<vmem>>, %arg9: memref<128x128xf32, #tpu.memory_space<vmem>>, %arg10: memref<128x128xf32, #tpu.memory_space<vmem>>, %arg11: memref<10112x128xf32, #tpu.memory_space<vmem_shared>>, %arg12: memref<!tpu.dma_semaphore, #tpu.memory_space<semaphore_mem>>, %arg13: memref<!tpu.dma_semaphore, #tpu.memory_space<semaphore_mem>>) attributes {dimension_semantics = [#tpu.dimension_semantics<core_parallel>, #tpu.dimension_semantics<subcore_parallel>], iteration_bounds = array<i64: 2, 16>, scalar_prefetch = 0 : i64, scratch_operands = 7 : i64, tpu.core_type = #tpu.core_type<sc_vector_subcore>, window_params = [{transform_indices = #map}, {transform_indices = #map1}, {transform_indices = #map1}, {transform_indices = #map}, {transform_indices = #map1}]} {
    %mul3A = arith.constant 2 : i32
    %mul3A_0 = arith.muli %arg1, %mul3A : i32
    %add3A = arith.addi %mul3A_0, %arg0 : i32
    %mul3A_1 = arith.constant 632 : i32
    %mul3A_2 = arith.muli %arg1, %mul3A_1 : i32
    "tpu.region"() ({
      %run_scoped3A_186 = tpu.sem_alloc : memref<!tpu.dma_semaphore, #tpu.memory_space<semaphore_mem>>
      tpu.enqueue_dma source(%arg5 : memref<128x128xf32, #tpu.memory_space<hbm>>) target(%arg9 : memref<128x128xf32, #tpu.memory_space<vmem>>) target_semaphore(%run_scoped3A_186 : memref<!tpu.dma_semaphore, #tpu.memory_space<semaphore_mem>>)
      tpu.wait_dma2 semaphore(%run_scoped3A_186 : memref<!tpu.dma_semaphore, #tpu.memory_space<semaphore_mem>>) src(%arg5 : memref<128x128xf32, #tpu.memory_space<hbm>>) dst(%arg9 : memref<128x128xf32, #tpu.memory_space<vmem>>)
      tpu.yield
    }) : () -> ()
    %add3A_3 = arith.constant 0 : i32
    %add3A_4 = arith.addi %mul3A_2, %add3A_3 : i32
    "tpu.region"() ({
      %run_scoped3A_186 = tpu.sem_alloc : memref<!tpu.dma_semaphore, #tpu.memory_space<semaphore_mem>>
      %dma_start3A_187 = arith.constant 0 : i32
      %dma_start3A_188 = tpu.memref_slice %arg11[%add3A_4, %dma_start3A_187] : memref<10112x128xf32, #tpu.memory_space<vmem_shared>> -> memref<128x128xf32, #tpu.memory_space<vmem_shared>>
      %dma_start3A_189 = arith.constant 0 : i32
      %dma_start3A_190 = tpu.memref_slice %arg11[%add3A_4, %dma_start3A_189] : memref<10112x128xf32, #tpu.memory_space<vmem_shared>> -> memref<128x128xf32, #tpu.memory_space<vmem_shared>>
      tpu.enqueue_dma source(%arg9 : memref<128x128xf32, #tpu.memory_space<vmem>>) target(%dma_start3A_190 : memref<128x128xf32, #tpu.memory_space<vmem_shared>>) target_semaphore(%run_scoped3A_186 : memref<!tpu.dma_semaphore, #tpu.memory_space<semaphore_mem>>)
      %dma_wait3A_191 = arith.constant 0 : i32
      %dma_wait3A_192 = tpu.memref_slice %arg11[%add3A_4, %dma_wait3A_191] : memref<10112x128xf32, #tpu.memory_space<vmem_shared>> -> memref<128x128xf32, #tpu.memory_space<vmem_shared>>
      %dma_wait3A_193 = arith.constant 0 : i32
      %dma_wait3A_194 = tpu.memref_slice %arg11[%add3A_4, %dma_wait3A_193] : memref<10112x128xf32, #tpu.memory_space<vmem_shared>> -> memref<128x128xf32, #tpu.memory_space<vmem_shared>>
      tpu.wait_dma2 semaphore(%run_scoped3A_186 : memref<!tpu.dma_semaphore, #tpu.memory_space<semaphore_mem>>) src(%arg9 : memref<128x128xf32, #tpu.memory_space<vmem>>) dst(%dma_wait3A_194 : memref<128x128xf32, #tpu.memory_space<vmem_shared>>)
      tpu.yield
    }) : () -> ()
    %add3A_5 = arith.constant 128 : i32
    %add3A_6 = arith.addi %mul3A_2, %add3A_5 : i32
    "tpu.region"() ({
      %run_scoped3A_186 = tpu.sem_alloc : memref<!tpu.dma_semaphore, #tpu.memory_space<semaphore_mem>>
      %dma_start3A_187 = arith.constant 0 : i32
      %dma_start3A_188 = tpu.memref_slice %arg11[%add3A_6, %dma_start3A_187] : memref<10112x128xf32, #tpu.memory_space<vmem_shared>> -> memref<128x128xf32, #tpu.memory_space<vmem_shared>>
      %dma_start3A_189 = arith.constant 0 : i32
      %dma_start3A_190 = tpu.memref_slice %arg11[%add3A_6, %dma_start3A_189] : memref<10112x128xf32, #tpu.memory_space<vmem_shared>> -> memref<128x128xf32, #tpu.memory_space<vmem_shared>>
      tpu.enqueue_dma source(%arg9 : memref<128x128xf32, #tpu.memory_space<vmem>>) target(%dma_start3A_190 : memref<128x128xf32, #tpu.memory_space<vmem_shared>>) target_semaphore(%run_scoped3A_186 : memref<!tpu.dma_semaphore, #tpu.memory_space<semaphore_mem>>)
      %dma_wait3A_191 = arith.constant 0 : i32
      %dma_wait3A_192 = tpu.memref_slice %arg11[%add3A_6, %dma_wait3A_191] : memref<10112x128xf32, #tpu.memory_space<vmem_shared>> -> memref<128x128xf32, #tpu.memory_space<vmem_shared>>
      %dma_wait3A_193 = arith.constant 0 : i32
      %dma_wait3A_194 = tpu.memref_slice %arg11[%add3A_6, %dma_wait3A_193] : memref<10112x128xf32, #tpu.memory_space<vmem_shared>> -> memref<128x128xf32, #tpu.memory_space<vmem_shared>>
      tpu.wait_dma2 semaphore(%run_scoped3A_186 : memref<!tpu.dma_semaphore, #tpu.memory_space<semaphore_mem>>) src(%arg9 : memref<128x128xf32, #tpu.memory_space<vmem>>) dst(%dma_wait3A_194 : memref<128x128xf32, #tpu.memory_space<vmem_shared>>)
      tpu.yield
    }) : () -> ()
    %add3A_7 = arith.constant 256 : i32
    %add3A_8 = arith.addi %mul3A_2, %add3A_7 : i32
    "tpu.region"() ({
      %run_scoped3A_186 = tpu.sem_alloc : memref<!tpu.dma_semaphore, #tpu.memory_space<semaphore_mem>>
      %dma_start3A_187 = arith.constant 0 : i32
      %dma_start3A_188 = tpu.memref_slice %arg11[%add3A_8, %dma_start3A_187] : memref<10112x128xf32, #tpu.memory_space<vmem_shared>> -> memref<128x128xf32, #tpu.memory_space<vmem_shared>>
      %dma_start3A_189 = arith.constant 0 : i32
      %dma_start3A_190 = tpu.memref_slice %arg11[%add3A_8, %dma_start3A_189] : memref<10112x128xf32, #tpu.memory_space<vmem_shared>> -> memref<128x128xf32, #tpu.memory_space<vmem_shared>>
      tpu.enqueue_dma source(%arg9 : memref<128x128xf32, #tpu.memory_space<vmem>>) target(%dma_start3A_190 : memref<128x128xf32, #tpu.memory_space<vmem_shared>>) target_semaphore(%run_scoped3A_186 : memref<!tpu.dma_semaphore, #tpu.memory_space<semaphore_mem>>)
      %dma_wait3A_191 = arith.constant 0 : i32
      %dma_wait3A_192 = tpu.memref_slice %arg11[%add3A_8, %dma_wait3A_191] : memref<10112x128xf32, #tpu.memory_space<vmem_shared>> -> memref<128x128xf32, #tpu.memory_space<vmem_shared>>
      %dma_wait3A_193 = arith.constant 0 : i32
      %dma_wait3A_194 = tpu.memref_slice %arg11[%add3A_8, %dma_wait3A_193] : memref<10112x128xf32, #tpu.memory_space<vmem_shared>> -> memref<128x128xf32, #tpu.memory_space<vmem_shared>>
      tpu.wait_dma2 semaphore(%run_scoped3A_186 : memref<!tpu.dma_semaphore, #tpu.memory_space<semaphore_mem>>) src(%arg9 : memref<128x128xf32, #tpu.memory_space<vmem>>) dst(%dma_wait3A_194 : memref<128x128xf32, #tpu.memory_space<vmem_shared>>)
      tpu.yield
    }) : () -> ()
    %add3A_9 = arith.constant 384 : i32
    %add3A_10 = arith.addi %mul3A_2, %add3A_9 : i32
    "tpu.region"() ({
      %run_scoped3A_186 = tpu.sem_alloc : memref<!tpu.dma_semaphore, #tpu.memory_space<semaphore_mem>>
      %dma_start3A_187 = arith.constant 0 : i32
      %dma_start3A_188 = tpu.memref_slice %arg11[%add3A_10, %dma_start3A_187] : memref<10112x128xf32, #tpu.memory_space<vmem_shared>> -> memref<128x128xf32, #tpu.memory_space<vmem_shared>>
      %dma_start3A_189 = arith.constant 0 : i32
      %dma_start3A_190 = tpu.memref_slice %arg11[%add3A_10, %dma_start3A_189] : memref<10112x128xf32, #tpu.memory_space<vmem_shared>> -> memref<128x128xf32, #tpu.memory_space<vmem_shared>>
      tpu.enqueue_dma source(%arg9 : memref<128x128xf32, #tpu.memory_space<vmem>>) target(%dma_start3A_190 : memref<128x128xf32, #tpu.memory_space<vmem_shared>>) target_semaphore(%run_scoped3A_186 : memref<!tpu.dma_semaphore, #tpu.memory_space<semaphore_mem>>)
      %dma_wait3A_191 = arith.constant 0 : i32
      %dma_wait3A_192 = tpu.memref_slice %arg11[%add3A_10, %dma_wait3A_191] : memref<10112x128xf32, #tpu.memory_space<vmem_shared>> -> memref<128x128xf32, #tpu.memory_space<vmem_shared>>
      %dma_wait3A_193 = arith.constant 0 : i32
      %dma_wait3A_194 = tpu.memref_slice %arg11[%add3A_10, %dma_wait3A_193] : memref<10112x128xf32, #tpu.memory_space<vmem_shared>> -> memref<128x128xf32, #tpu.memory_space<vmem_shared>>
      tpu.wait_dma2 semaphore(%run_scoped3A_186 : memref<!tpu.dma_semaphore, #tpu.memory_space<semaphore_mem>>) src(%arg9 : memref<128x128xf32, #tpu.memory_space<vmem>>) dst(%dma_wait3A_194 : memref<128x128xf32, #tpu.memory_space<vmem_shared>>)
      tpu.yield
    }) : () -> ()
    %add3A_11 = arith.constant 512 : i32
    %add3A_12 = arith.addi %mul3A_2, %add3A_11 : i32
    "tpu.region"() ({
      %run_scoped3A_186 = tpu.sem_alloc : memref<!tpu.dma_semaphore, #tpu.memory_space<semaphore_mem>>
      %dma_start3A_187 = arith.constant 0 : i32
      %dma_start3A_188 = arith.constant 0 : i32
      %dma_start3A_189 = tpu.memref_slice %arg9[%dma_start3A_187, %dma_start3A_188] : memref<128x128xf32, #tpu.memory_space<vmem>> -> memref<120x128xf32, #tpu.memory_space<vmem>>
      %dma_start3A_190 = arith.constant 0 : i32
      %dma_start3A_191 = tpu.memref_slice %arg11[%add3A_12, %dma_start3A_190] : memref<10112x128xf32, #tpu.memory_space<vmem_shared>> -> memref<120x128xf32, #tpu.memory_space<vmem_shared>>
      %dma_start3A_192 = arith.constant 0 : i32
      %dma_start3A_193 = tpu.memref_slice %arg11[%add3A_12, %dma_start3A_192] : memref<10112x128xf32, #tpu.memory_space<vmem_shared>> -> memref<120x128xf32, #tpu.memory_space<vmem_shared>>
      %dma_start3A_194 = arith.constant 0 : i32
      %dma_start3A_195 = arith.constant 0 : i32
      %dma_start3A_196 = tpu.memref_slice %arg9[%dma_start3A_194, %dma_start3A_195] : memref<128x128xf32, #tpu.memory_space<vmem>> -> memref<120x128xf32, #tpu.memory_space<vmem>>
      tpu.enqueue_dma source(%dma_start3A_196 : memref<120x128xf32, #tpu.memory_space<vmem>>) target(%dma_start3A_193 : memref<120x128xf32, #tpu.memory_space<vmem_shared>>) target_semaphore(%run_scoped3A_186 : memref<!tpu.dma_semaphore, #tpu.memory_space<semaphore_mem>>)
      %dma_wait3A_197 = arith.constant 0 : i32
      %dma_wait3A_198 = arith.constant 0 : i32
      %dma_wait3A_199 = tpu.memref_slice %arg9[%dma_wait3A_197, %dma_wait3A_198] : memref<128x128xf32, #tpu.memory_space<vmem>> -> memref<120x128xf32, #tpu.memory_space<vmem>>
      %dma_wait3A_200 = arith.constant 0 : i32
      %dma_wait3A_201 = tpu.memref_slice %arg11[%add3A_12, %dma_wait3A_200] : memref<10112x128xf32, #tpu.memory_space<vmem_shared>> -> memref<120x128xf32, #tpu.memory_space<vmem_shared>>
      %dma_wait3A_202 = arith.constant 0 : i32
      %dma_wait3A_203 = tpu.memref_slice %arg11[%add3A_12, %dma_wait3A_202] : memref<10112x128xf32, #tpu.memory_space<vmem_shared>> -> memref<120x128xf32, #tpu.memory_space<vmem_shared>>
      %dma_wait3A_204 = arith.constant 0 : i32
      %dma_wait3A_205 = arith.constant 0 : i32
      %dma_wait3A_206 = tpu.memref_slice %arg9[%dma_wait3A_204, %dma_wait3A_205] : memref<128x128xf32, #tpu.memory_space<vmem>> -> memref<120x128xf32, #tpu.memory_space<vmem>>
      tpu.wait_dma2 semaphore(%run_scoped3A_186 : memref<!tpu.dma_semaphore, #tpu.memory_space<semaphore_mem>>) src(%dma_wait3A_206 : memref<120x128xf32, #tpu.memory_space<vmem>>) dst(%dma_wait3A_203 : memref<120x128xf32, #tpu.memory_space<vmem_shared>>)
      tpu.yield
    }) : () -> ()
    %barrier3A = arith.constant 0 : index
    tpu.barrier barrier_id(%barrier3A)
    "tpu.region"() ({
      %run_scoped3A_186 = tpu.sem_alloc : memref<!tpu.dma_semaphore, #tpu.memory_space<semaphore_mem>>
      %dma_start3A_187 = arith.constant 0 : i32
      %dma_start3A_188 = arith.constant 0 : i32
      %dma_start3A_189 = tpu.memref_slice %arg3[%add3A, %dma_start3A_187, %dma_start3A_188] : memref<32x80x128xi32, #tpu.memory_space<hbm>> -> memref<1x40x128xi32, #tpu.memory_space<hbm>>
      %dma_start3A_190 = tpu.memref_squeeze %dma_start3A_189 : memref<1x40x128xi32, #tpu.memory_space<hbm>> -> memref<40x128xi32, #tpu.memory_space<hbm>>
      %dma_start3A_191 = arith.constant 0 : i32
      %dma_start3A_192 = arith.constant 0 : i32
      %dma_start3A_193 = tpu.memref_slice %arg3[%add3A, %dma_start3A_191, %dma_start3A_192] : memref<32x80x128xi32, #tpu.memory_space<hbm>> -> memref<1x40x128xi32, #tpu.memory_space<hbm>>
      %dma_start3A_194 = tpu.memref_squeeze %dma_start3A_193 : memref<1x40x128xi32, #tpu.memory_space<hbm>> -> memref<40x128xi32, #tpu.memory_space<hbm>>
      tpu.enqueue_dma source(%dma_start3A_194 : memref<40x128xi32, #tpu.memory_space<hbm>>) target(%arg7 : memref<40x128xi32, #tpu.memory_space<vmem>>) target_semaphore(%run_scoped3A_186 : memref<!tpu.dma_semaphore, #tpu.memory_space<semaphore_mem>>)
      %dma_wait3A_195 = arith.constant 0 : i32
      %dma_wait3A_196 = arith.constant 0 : i32
      %dma_wait3A_197 = tpu.memref_slice %arg3[%add3A, %dma_wait3A_195, %dma_wait3A_196] : memref<32x80x128xi32, #tpu.memory_space<hbm>> -> memref<1x40x128xi32, #tpu.memory_space<hbm>>
      %dma_wait3A_198 = tpu.memref_squeeze %dma_wait3A_197 : memref<1x40x128xi32, #tpu.memory_space<hbm>> -> memref<40x128xi32, #tpu.memory_space<hbm>>
      %dma_wait3A_199 = arith.constant 0 : i32
      %dma_wait3A_200 = arith.constant 0 : i32
      %dma_wait3A_201 = tpu.memref_slice %arg3[%add3A, %dma_wait3A_199, %dma_wait3A_200] : memref<32x80x128xi32, #tpu.memory_space<hbm>> -> memref<1x40x128xi32, #tpu.memory_space<hbm>>
      %dma_wait3A_202 = tpu.memref_squeeze %dma_wait3A_201 : memref<1x40x128xi32, #tpu.memory_space<hbm>> -> memref<40x128xi32, #tpu.memory_space<hbm>>
      tpu.wait_dma2 semaphore(%run_scoped3A_186 : memref<!tpu.dma_semaphore, #tpu.memory_space<semaphore_mem>>) src(%dma_wait3A_202 : memref<40x128xi32, #tpu.memory_space<hbm>>) dst(%arg7 : memref<40x128xi32, #tpu.memory_space<vmem>>)
      tpu.yield
    }) : () -> ()
    "tpu.region"() ({
      %run_scoped3A_186 = tpu.sem_alloc : memref<!tpu.dma_semaphore, #tpu.memory_space<semaphore_mem>>
      %dma_start3A_187 = arith.constant 0 : i32
      %dma_start3A_188 = arith.constant 0 : i32
      %dma_start3A_189 = tpu.memref_slice %arg4[%add3A, %dma_start3A_187, %dma_start3A_188] : memref<32x80x128xi32, #tpu.memory_space<hbm>> -> memref<1x40x128xi32, #tpu.memory_space<hbm>>
      %dma_start3A_190 = tpu.memref_squeeze %dma_start3A_189 : memref<1x40x128xi32, #tpu.memory_space<hbm>> -> memref<40x128xi32, #tpu.memory_space<hbm>>
      %dma_start3A_191 = arith.constant 0 : i32
      %dma_start3A_192 = arith.constant 0 : i32
      %dma_start3A_193 = tpu.memref_slice %arg4[%add3A, %dma_start3A_191, %dma_start3A_192] : memref<32x80x128xi32, #tpu.memory_space<hbm>> -> memref<1x40x128xi32, #tpu.memory_space<hbm>>
      %dma_start3A_194 = tpu.memref_squeeze %dma_start3A_193 : memref<1x40x128xi32, #tpu.memory_space<hbm>> -> memref<40x128xi32, #tpu.memory_space<hbm>>
      tpu.enqueue_dma source(%dma_start3A_194 : memref<40x128xi32, #tpu.memory_space<hbm>>) target(%arg8 : memref<40x128xi32, #tpu.memory_space<vmem>>) target_semaphore(%run_scoped3A_186 : memref<!tpu.dma_semaphore, #tpu.memory_space<semaphore_mem>>)
      %dma_wait3A_195 = arith.constant 0 : i32
      %dma_wait3A_196 = arith.constant 0 : i32
      %dma_wait3A_197 = tpu.memref_slice %arg4[%add3A, %dma_wait3A_195, %dma_wait3A_196] : memref<32x80x128xi32, #tpu.memory_space<hbm>> -> memref<1x40x128xi32, #tpu.memory_space<hbm>>
      %dma_wait3A_198 = tpu.memref_squeeze %dma_wait3A_197 : memref<1x40x128xi32, #tpu.memory_space<hbm>> -> memref<40x128xi32, #tpu.memory_space<hbm>>
      %dma_wait3A_199 = arith.constant 0 : i32
      %dma_wait3A_200 = arith.constant 0 : i32
      %dma_wait3A_201 = tpu.memref_slice %arg4[%add3A, %dma_wait3A_199, %dma_wait3A_200] : memref<32x80x128xi32, #tpu.memory_space<hbm>> -> memref<1x40x128xi32, #tpu.memory_space<hbm>>
      %dma_wait3A_202 = tpu.memref_squeeze %dma_wait3A_201 : memref<1x40x128xi32, #tpu.memory_space<hbm>> -> memref<40x128xi32, #tpu.memory_space<hbm>>
      tpu.wait_dma2 semaphore(%run_scoped3A_186 : memref<!tpu.dma_semaphore, #tpu.memory_space<semaphore_mem>>) src(%dma_wait3A_202 : memref<40x128xi32, #tpu.memory_space<hbm>>) dst(%arg8 : memref<40x128xi32, #tpu.memory_space<vmem>>)
      tpu.yield
    }) : () -> ()
    %dma_start3A = arith.constant 0 : i32
    %dma_start3A_13 = arith.constant 0 : i32
    %dma_start3A_14 = arith.constant 0 : i32
    %dma_start3A_15 = tpu.memref_slice %arg9[%dma_start3A_13, %dma_start3A_14] : memref<128x128xf32, #tpu.memory_space<vmem>> -> memref<64x128xf32, #tpu.memory_space<vmem>>
    %dma_start3A_16 = arith.constant 0 : i32
    %dma_start3A_17 = tpu.memref_slice %arg7[%dma_start3A, %dma_start3A_16] : memref<40x128xi32, #tpu.memory_space<vmem>> -> memref<1x64xi32, #tpu.memory_space<vmem>>
    %dma_start3A_18 = tpu.memref_squeeze %dma_start3A_17 : memref<1x64xi32, #tpu.memory_space<vmem>> -> memref<64xi32, #tpu.memory_space<vmem>>
    %dma_start3A_19 = arith.constant 0 : i32
    %dma_start3A_20 = arith.constant 0 : i32
    %dma_start3A_21 = tpu.memref_slice %arg2[%dma_start3A_19, %dma_start3A_20] : memref<10000x128xf32, #tpu.memory_space<hbm>> -> memref<10000x128xf32, #tpu.memory_space<hbm>>
    tpu.enqueue_indirect_dma source(%dma_start3A_21 : memref<10000x128xf32, #tpu.memory_space<hbm>>) target(%dma_start3A_15 : memref<64x128xf32, #tpu.memory_space<vmem>>) offsets(%dma_start3A_18 : memref<64xi32, #tpu.memory_space<vmem>>) semaphore(%arg12 : memref<!tpu.dma_semaphore, #tpu.memory_space<semaphore_mem>>)
    %dma_start3A_22 = arith.constant 0 : i32
    %dma_start3A_23 = arith.constant 64 : i32
    %dma_start3A_24 = arith.constant 0 : i32
    %dma_start3A_25 = tpu.memref_slice %arg9[%dma_start3A_23, %dma_start3A_24] : memref<128x128xf32, #tpu.memory_space<vmem>> -> memref<64x128xf32, #tpu.memory_space<vmem>>
    %dma_start3A_26 = arith.constant 64 : i32
    %dma_start3A_27 = tpu.memref_slice %arg7[%dma_start3A_22, %dma_start3A_26] : memref<40x128xi32, #tpu.memory_space<vmem>> -> memref<1x64xi32, #tpu.memory_space<vmem>>
    %dma_start3A_28 = tpu.memref_squeeze %dma_start3A_27 : memref<1x64xi32, #tpu.memory_space<vmem>> -> memref<64xi32, #tpu.memory_space<vmem>>
    %dma_start3A_29 = arith.constant 0 : i32
    %dma_start3A_30 = arith.constant 0 : i32
    %dma_start3A_31 = tpu.memref_slice %arg2[%dma_start3A_29, %dma_start3A_30] : memref<10000x128xf32, #tpu.memory_space<hbm>> -> memref<10000x128xf32, #tpu.memory_space<hbm>>
    tpu.enqueue_indirect_dma source(%dma_start3A_31 : memref<10000x128xf32, #tpu.memory_space<hbm>>) target(%dma_start3A_25 : memref<64x128xf32, #tpu.memory_space<vmem>>) offsets(%dma_start3A_28 : memref<64xi32, #tpu.memory_space<vmem>>) semaphore(%arg12 : memref<!tpu.dma_semaphore, #tpu.memory_space<semaphore_mem>>)
    %dma_start3A_32 = arith.constant 1 : i32
    %dma_start3A_33 = arith.constant 0 : i32
    %dma_start3A_34 = arith.constant 0 : i32
    %dma_start3A_35 = tpu.memref_slice %arg10[%dma_start3A_33, %dma_start3A_34] : memref<128x128xf32, #tpu.memory_space<vmem>> -> memref<64x128xf32, #tpu.memory_space<vmem>>
    %dma_start3A_36 = arith.constant 0 : i32
    %dma_start3A_37 = tpu.memref_slice %arg7[%dma_start3A_32, %dma_start3A_36] : memref<40x128xi32, #tpu.memory_space<vmem>> -> memref<1x64xi32, #tpu.memory_space<vmem>>
    %dma_start3A_38 = tpu.memref_squeeze %dma_start3A_37 : memref<1x64xi32, #tpu.memory_space<vmem>> -> memref<64xi32, #tpu.memory_space<vmem>>
    %dma_start3A_39 = arith.constant 0 : i32
    %dma_start3A_40 = arith.constant 0 : i32
    %dma_start3A_41 = tpu.memref_slice %arg2[%dma_start3A_39, %dma_start3A_40] : memref<10000x128xf32, #tpu.memory_space<hbm>> -> memref<10000x128xf32, #tpu.memory_space<hbm>>
    tpu.enqueue_indirect_dma source(%dma_start3A_41 : memref<10000x128xf32, #tpu.memory_space<hbm>>) target(%dma_start3A_35 : memref<64x128xf32, #tpu.memory_space<vmem>>) offsets(%dma_start3A_38 : memref<64xi32, #tpu.memory_space<vmem>>) semaphore(%arg13 : memref<!tpu.dma_semaphore, #tpu.memory_space<semaphore_mem>>)
    %dma_start3A_42 = arith.constant 1 : i32
    %dma_start3A_43 = arith.constant 64 : i32
    %dma_start3A_44 = arith.constant 0 : i32
    %dma_start3A_45 = tpu.memref_slice %arg10[%dma_start3A_43, %dma_start3A_44] : memref<128x128xf32, #tpu.memory_space<vmem>> -> memref<64x128xf32, #tpu.memory_space<vmem>>
    %dma_start3A_46 = arith.constant 64 : i32
    %dma_start3A_47 = tpu.memref_slice %arg7[%dma_start3A_42, %dma_start3A_46] : memref<40x128xi32, #tpu.memory_space<vmem>> -> memref<1x64xi32, #tpu.memory_space<vmem>>
    %dma_start3A_48 = tpu.memref_squeeze %dma_start3A_47 : memref<1x64xi32, #tpu.memory_space<vmem>> -> memref<64xi32, #tpu.memory_space<vmem>>
    %dma_start3A_49 = arith.constant 0 : i32
    %dma_start3A_50 = arith.constant 0 : i32
    %dma_start3A_51 = tpu.memref_slice %arg2[%dma_start3A_49, %dma_start3A_50] : memref<10000x128xf32, #tpu.memory_space<hbm>> -> memref<10000x128xf32, #tpu.memory_space<hbm>>
    tpu.enqueue_indirect_dma source(%dma_start3A_51 : memref<10000x128xf32, #tpu.memory_space<hbm>>) target(%dma_start3A_45 : memref<64x128xf32, #tpu.memory_space<vmem>>) offsets(%dma_start3A_48 : memref<64xi32, #tpu.memory_space<vmem>>) semaphore(%arg13 : memref<!tpu.dma_semaphore, #tpu.memory_space<semaphore_mem>>)
    %scan3A = arith.constant 0 : i32
    %scan3A_52 = arith.constant 0 : i32
    %scan3A_53 = arith.constant 19 : i32
    %scan3A_54 = arith.addi %scan3A_52, %scan3A_53 : i32
    %scan3A_55 = arith.constant 1 : i32
    scf.for %scan3A_186 = %scan3A_52 to %scan3A_54 step %scan3A_55  : i32 {
      %mul3A_187 = arith.constant 2 : i32
      %mul3A_188 = arith.muli %mul3A_187, %scan3A_186 : i32
      %dma_wait3A_189 = arith.constant 0 : i32
      %dma_wait3A_190 = arith.constant 0 : i32
      %dma_wait3A_191 = tpu.memref_slice %arg9[%dma_wait3A_189, %dma_wait3A_190] : memref<128x128xf32, #tpu.memory_space<vmem>> -> memref<64x128xf32, #tpu.memory_space<vmem>>
      %dma_wait3A_192 = arith.constant 0 : i32
      %dma_wait3A_193 = tpu.memref_slice %arg7[%mul3A_188, %dma_wait3A_192] : memref<40x128xi32, #tpu.memory_space<vmem>> -> memref<1x64xi32, #tpu.memory_space<vmem>>
      %dma_wait3A_194 = tpu.memref_squeeze %dma_wait3A_193 : memref<1x64xi32, #tpu.memory_space<vmem>> -> memref<64xi32, #tpu.memory_space<vmem>>
      %dma_wait3A_195 = arith.constant 0 : i32
      %dma_wait3A_196 = arith.constant 0 : i32
      %dma_wait3A_197 = tpu.memref_slice %arg2[%dma_wait3A_195, %dma_wait3A_196] : memref<10000x128xf32, #tpu.memory_space<hbm>> -> memref<10000x128xf32, #tpu.memory_space<hbm>>
      tpu.wait_indirect_dma semaphore(%arg12 : memref<!tpu.dma_semaphore, #tpu.memory_space<semaphore_mem>>) src(%dma_wait3A_197 : memref<10000x128xf32, #tpu.memory_space<hbm>>) dst(%dma_wait3A_191 : memref<64x128xf32, #tpu.memory_space<vmem>>)
      %dma_wait3A_198 = arith.constant 64 : i32
      %dma_wait3A_199 = arith.constant 0 : i32
      %dma_wait3A_200 = tpu.memref_slice %arg9[%dma_wait3A_198, %dma_wait3A_199] : memref<128x128xf32, #tpu.memory_space<vmem>> -> memref<64x128xf32, #tpu.memory_space<vmem>>
      %dma_wait3A_201 = arith.constant 64 : i32
      %dma_wait3A_202 = tpu.memref_slice %arg7[%mul3A_188, %dma_wait3A_201] : memref<40x128xi32, #tpu.memory_space<vmem>> -> memref<1x64xi32, #tpu.memory_space<vmem>>
      %dma_wait3A_203 = tpu.memref_squeeze %dma_wait3A_202 : memref<1x64xi32, #tpu.memory_space<vmem>> -> memref<64xi32, #tpu.memory_space<vmem>>
      %dma_wait3A_204 = arith.constant 0 : i32
      %dma_wait3A_205 = arith.constant 0 : i32
      %dma_wait3A_206 = tpu.memref_slice %arg2[%dma_wait3A_204, %dma_wait3A_205] : memref<10000x128xf32, #tpu.memory_space<hbm>> -> memref<10000x128xf32, #tpu.memory_space<hbm>>
      tpu.wait_indirect_dma semaphore(%arg12 : memref<!tpu.dma_semaphore, #tpu.memory_space<semaphore_mem>>) src(%dma_wait3A_206 : memref<10000x128xf32, #tpu.memory_space<hbm>>) dst(%dma_wait3A_200 : memref<64x128xf32, #tpu.memory_space<vmem>>)
      "tpu.region"() ({
        %run_scoped3A_269 = tpu.sem_alloc : memref<!tpu.dma_semaphore, #tpu.memory_space<semaphore_mem>>
        %dma_start3A_270 = arith.constant 0 : i32
        %dma_start3A_271 = tpu.memref_slice %arg8[%mul3A_188, %dma_start3A_270] : memref<40x128xi32, #tpu.memory_space<vmem>> -> memref<1x128xi32, #tpu.memory_space<vmem>>
        %dma_start3A_272 = tpu.memref_squeeze %dma_start3A_271 : memref<1x128xi32, #tpu.memory_space<vmem>> -> memref<128xi32, #tpu.memory_space<vmem>>
        %dma_start3A_273 = arith.constant 0 : i32
        %dma_start3A_274 = arith.constant 0 : i32
        %dma_start3A_275 = tpu.memref_slice %arg11[%dma_start3A_273, %dma_start3A_274] : memref<10112x128xf32, #tpu.memory_space<vmem_shared>> -> memref<10112x128xf32, #tpu.memory_space<vmem_shared>>
        tpu.enqueue_indirect_dma source(%arg9 : memref<128x128xf32, #tpu.memory_space<vmem>>) target(%dma_start3A_275 : memref<10112x128xf32, #tpu.memory_space<vmem_shared>>) offsets(%dma_start3A_272 : memref<128xi32, #tpu.memory_space<vmem>>) semaphore(%run_scoped3A_269 : memref<!tpu.dma_semaphore, #tpu.memory_space<semaphore_mem>>) {add = true}
        %dma_wait3A_276 = arith.constant 0 : i32
        %dma_wait3A_277 = tpu.memref_slice %arg8[%mul3A_188, %dma_wait3A_276] : memref<40x128xi32, #tpu.memory_space<vmem>> -> memref<1x128xi32, #tpu.memory_space<vmem>>
        %dma_wait3A_278 = tpu.memref_squeeze %dma_wait3A_277 : memref<1x128xi32, #tpu.memory_space<vmem>> -> memref<128xi32, #tpu.memory_space<vmem>>
        %dma_wait3A_279 = arith.constant 0 : i32
        %dma_wait3A_280 = arith.constant 0 : i32
        %dma_wait3A_281 = tpu.memref_slice %arg11[%dma_wait3A_279, %dma_wait3A_280] : memref<10112x128xf32, #tpu.memory_space<vmem_shared>> -> memref<10112x128xf32, #tpu.memory_space<vmem_shared>>
        tpu.wait_indirect_dma semaphore(%run_scoped3A_269 : memref<!tpu.dma_semaphore, #tpu.memory_space<semaphore_mem>>) src(%arg9 : memref<128x128xf32, #tpu.memory_space<vmem>>) dst(%dma_wait3A_281 : memref<10112x128xf32, #tpu.memory_space<vmem_shared>>)
        tpu.yield
      }) : () -> ()
      %add3A_207 = arith.constant 2 : i32
      %add3A_208 = arith.addi %mul3A_188, %add3A_207 : i32
      %dma_start3A_209 = arith.constant 0 : i32
      %dma_start3A_210 = arith.constant 0 : i32
      %dma_start3A_211 = tpu.memref_slice %arg9[%dma_start3A_209, %dma_start3A_210] : memref<128x128xf32, #tpu.memory_space<vmem>> -> memref<64x128xf32, #tpu.memory_space<vmem>>
      %dma_start3A_212 = arith.constant 0 : i32
      %dma_start3A_213 = tpu.memref_slice %arg7[%add3A_208, %dma_start3A_212] : memref<40x128xi32, #tpu.memory_space<vmem>> -> memref<1x64xi32, #tpu.memory_space<vmem>>
      %dma_start3A_214 = tpu.memref_squeeze %dma_start3A_213 : memref<1x64xi32, #tpu.memory_space<vmem>> -> memref<64xi32, #tpu.memory_space<vmem>>
      %dma_start3A_215 = arith.constant 0 : i32
      %dma_start3A_216 = arith.constant 0 : i32
      %dma_start3A_217 = tpu.memref_slice %arg2[%dma_start3A_215, %dma_start3A_216] : memref<10000x128xf32, #tpu.memory_space<hbm>> -> memref<10000x128xf32, #tpu.memory_space<hbm>>
      tpu.enqueue_indirect_dma source(%dma_start3A_217 : memref<10000x128xf32, #tpu.memory_space<hbm>>) target(%dma_start3A_211 : memref<64x128xf32, #tpu.memory_space<vmem>>) offsets(%dma_start3A_214 : memref<64xi32, #tpu.memory_space<vmem>>) semaphore(%arg12 : memref<!tpu.dma_semaphore, #tpu.memory_space<semaphore_mem>>)
      %dma_start3A_218 = arith.constant 64 : i32
      %dma_start3A_219 = arith.constant 0 : i32
      %dma_start3A_220 = tpu.memref_slice %arg9[%dma_start3A_218, %dma_start3A_219] : memref<128x128xf32, #tpu.memory_space<vmem>> -> memref<64x128xf32, #tpu.memory_space<vmem>>
      %dma_start3A_221 = arith.constant 64 : i32
      %dma_start3A_222 = tpu.memref_slice %arg7[%add3A_208, %dma_start3A_221] : memref<40x128xi32, #tpu.memory_space<vmem>> -> memref<1x64xi32, #tpu.memory_space<vmem>>
      %dma_start3A_223 = tpu.memref_squeeze %dma_start3A_222 : memref<1x64xi32, #tpu.memory_space<vmem>> -> memref<64xi32, #tpu.memory_space<vmem>>
      %dma_start3A_224 = arith.constant 0 : i32
      %dma_start3A_225 = arith.constant 0 : i32
      %dma_start3A_226 = tpu.memref_slice %arg2[%dma_start3A_224, %dma_start3A_225] : memref<10000x128xf32, #tpu.memory_space<hbm>> -> memref<10000x128xf32, #tpu.memory_space<hbm>>
      tpu.enqueue_indirect_dma source(%dma_start3A_226 : memref<10000x128xf32, #tpu.memory_space<hbm>>) target(%dma_start3A_220 : memref<64x128xf32, #tpu.memory_space<vmem>>) offsets(%dma_start3A_223 : memref<64xi32, #tpu.memory_space<vmem>>) semaphore(%arg12 : memref<!tpu.dma_semaphore, #tpu.memory_space<semaphore_mem>>)
      %add3A_227 = arith.constant 1 : i32
      %add3A_228 = arith.addi %mul3A_188, %add3A_227 : i32
      %dma_wait3A_229 = arith.constant 0 : i32
      %dma_wait3A_230 = arith.constant 0 : i32
      %dma_wait3A_231 = tpu.memref_slice %arg10[%dma_wait3A_229, %dma_wait3A_230] : memref<128x128xf32, #tpu.memory_space<vmem>> -> memref<64x128xf32, #tpu.memory_space<vmem>>
      %dma_wait3A_232 = arith.constant 0 : i32
      %dma_wait3A_233 = tpu.memref_slice %arg7[%add3A_228, %dma_wait3A_232] : memref<40x128xi32, #tpu.memory_space<vmem>> -> memref<1x64xi32, #tpu.memory_space<vmem>>
      %dma_wait3A_234 = tpu.memref_squeeze %dma_wait3A_233 : memref<1x64xi32, #tpu.memory_space<vmem>> -> memref<64xi32, #tpu.memory_space<vmem>>
      %dma_wait3A_235 = arith.constant 0 : i32
      %dma_wait3A_236 = arith.constant 0 : i32
      %dma_wait3A_237 = tpu.memref_slice %arg2[%dma_wait3A_235, %dma_wait3A_236] : memref<10000x128xf32, #tpu.memory_space<hbm>> -> memref<10000x128xf32, #tpu.memory_space<hbm>>
      tpu.wait_indirect_dma semaphore(%arg13 : memref<!tpu.dma_semaphore, #tpu.memory_space<semaphore_mem>>) src(%dma_wait3A_237 : memref<10000x128xf32, #tpu.memory_space<hbm>>) dst(%dma_wait3A_231 : memref<64x128xf32, #tpu.memory_space<vmem>>)
      %dma_wait3A_238 = arith.constant 64 : i32
      %dma_wait3A_239 = arith.constant 0 : i32
      %dma_wait3A_240 = tpu.memref_slice %arg10[%dma_wait3A_238, %dma_wait3A_239] : memref<128x128xf32, #tpu.memory_space<vmem>> -> memref<64x128xf32, #tpu.memory_space<vmem>>
      %dma_wait3A_241 = arith.constant 64 : i32
      %dma_wait3A_242 = tpu.memref_slice %arg7[%add3A_228, %dma_wait3A_241] : memref<40x128xi32, #tpu.memory_space<vmem>> -> memref<1x64xi32, #tpu.memory_space<vmem>>
      %dma_wait3A_243 = tpu.memref_squeeze %dma_wait3A_242 : memref<1x64xi32, #tpu.memory_space<vmem>> -> memref<64xi32, #tpu.memory_space<vmem>>
      %dma_wait3A_244 = arith.constant 0 : i32
      %dma_wait3A_245 = arith.constant 0 : i32
      %dma_wait3A_246 = tpu.memref_slice %arg2[%dma_wait3A_244, %dma_wait3A_245] : memref<10000x128xf32, #tpu.memory_space<hbm>> -> memref<10000x128xf32, #tpu.memory_space<hbm>>
      tpu.wait_indirect_dma semaphore(%arg13 : memref<!tpu.dma_semaphore, #tpu.memory_space<semaphore_mem>>) src(%dma_wait3A_246 : memref<10000x128xf32, #tpu.memory_space<hbm>>) dst(%dma_wait3A_240 : memref<64x128xf32, #tpu.memory_space<vmem>>)
      %add3A_247 = arith.constant 1 : i32
      %add3A_248 = arith.addi %mul3A_188, %add3A_247 : i32
      "tpu.region"() ({
        %run_scoped3A_269 = tpu.sem_alloc : memref<!tpu.dma_semaphore, #tpu.memory_space<semaphore_mem>>
        %dma_start3A_270 = arith.constant 0 : i32
        %dma_start3A_271 = tpu.memref_slice %arg8[%add3A_248, %dma_start3A_270] : memref<40x128xi32, #tpu.memory_space<vmem>> -> memref<1x128xi32, #tpu.memory_space<vmem>>
        %dma_start3A_272 = tpu.memref_squeeze %dma_start3A_271 : memref<1x128xi32, #tpu.memory_space<vmem>> -> memref<128xi32, #tpu.memory_space<vmem>>
        %dma_start3A_273 = arith.constant 0 : i32
        %dma_start3A_274 = arith.constant 0 : i32
        %dma_start3A_275 = tpu.memref_slice %arg11[%dma_start3A_273, %dma_start3A_274] : memref<10112x128xf32, #tpu.memory_space<vmem_shared>> -> memref<10112x128xf32, #tpu.memory_space<vmem_shared>>
        tpu.enqueue_indirect_dma source(%arg10 : memref<128x128xf32, #tpu.memory_space<vmem>>) target(%dma_start3A_275 : memref<10112x128xf32, #tpu.memory_space<vmem_shared>>) offsets(%dma_start3A_272 : memref<128xi32, #tpu.memory_space<vmem>>) semaphore(%run_scoped3A_269 : memref<!tpu.dma_semaphore, #tpu.memory_space<semaphore_mem>>) {add = true}
        %dma_wait3A_276 = arith.constant 0 : i32
        %dma_wait3A_277 = tpu.memref_slice %arg8[%add3A_248, %dma_wait3A_276] : memref<40x128xi32, #tpu.memory_space<vmem>> -> memref<1x128xi32, #tpu.memory_space<vmem>>
        %dma_wait3A_278 = tpu.memref_squeeze %dma_wait3A_277 : memref<1x128xi32, #tpu.memory_space<vmem>> -> memref<128xi32, #tpu.memory_space<vmem>>
        %dma_wait3A_279 = arith.constant 0 : i32
        %dma_wait3A_280 = arith.constant 0 : i32
        %dma_wait3A_281 = tpu.memref_slice %arg11[%dma_wait3A_279, %dma_wait3A_280] : memref<10112x128xf32, #tpu.memory_space<vmem_shared>> -> memref<10112x128xf32, #tpu.memory_space<vmem_shared>>
        tpu.wait_indirect_dma semaphore(%run_scoped3A_269 : memref<!tpu.dma_semaphore, #tpu.memory_space<semaphore_mem>>) src(%arg10 : memref<128x128xf32, #tpu.memory_space<vmem>>) dst(%dma_wait3A_281 : memref<10112x128xf32, #tpu.memory_space<vmem_shared>>)
        tpu.yield
      }) : () -> ()
      %add3A_249 = arith.constant 3 : i32
      %add3A_250 = arith.addi %mul3A_188, %add3A_249 : i32
      %dma_start3A_251 = arith.constant 0 : i32
      %dma_start3A_252 = arith.constant 0 : i32
      %dma_start3A_253 = tpu.memref_slice %arg10[%dma_start3A_251, %dma_start3A_252] : memref<128x128xf32, #tpu.memory_space<vmem>> -> memref<64x128xf32, #tpu.memory_space<vmem>>
      %dma_start3A_254 = arith.constant 0 : i32
      %dma_start3A_255 = tpu.memref_slice %arg7[%add3A_250, %dma_start3A_254] : memref<40x128xi32, #tpu.memory_space<vmem>> -> memref<1x64xi32, #tpu.memory_space<vmem>>
      %dma_start3A_256 = tpu.memref_squeeze %dma_start3A_255 : memref<1x64xi32, #tpu.memory_space<vmem>> -> memref<64xi32, #tpu.memory_space<vmem>>
      %dma_start3A_257 = arith.constant 0 : i32
      %dma_start3A_258 = arith.constant 0 : i32
      %dma_start3A_259 = tpu.memref_slice %arg2[%dma_start3A_257, %dma_start3A_258] : memref<10000x128xf32, #tpu.memory_space<hbm>> -> memref<10000x128xf32, #tpu.memory_space<hbm>>
      tpu.enqueue_indirect_dma source(%dma_start3A_259 : memref<10000x128xf32, #tpu.memory_space<hbm>>) target(%dma_start3A_253 : memref<64x128xf32, #tpu.memory_space<vmem>>) offsets(%dma_start3A_256 : memref<64xi32, #tpu.memory_space<vmem>>) semaphore(%arg13 : memref<!tpu.dma_semaphore, #tpu.memory_space<semaphore_mem>>)
      %dma_start3A_260 = arith.constant 64 : i32
      %dma_start3A_261 = arith.constant 0 : i32
      %dma_start3A_262 = tpu.memref_slice %arg10[%dma_start3A_260, %dma_start3A_261] : memref<128x128xf32, #tpu.memory_space<vmem>> -> memref<64x128xf32, #tpu.memory_space<vmem>>
      %dma_start3A_263 = arith.constant 64 : i32
      %dma_start3A_264 = tpu.memref_slice %arg7[%add3A_250, %dma_start3A_263] : memref<40x128xi32, #tpu.memory_space<vmem>> -> memref<1x64xi32, #tpu.memory_space<vmem>>
      %dma_start3A_265 = tpu.memref_squeeze %dma_start3A_264 : memref<1x64xi32, #tpu.memory_space<vmem>> -> memref<64xi32, #tpu.memory_space<vmem>>
      %dma_start3A_266 = arith.constant 0 : i32
      %dma_start3A_267 = arith.constant 0 : i32
      %dma_start3A_268 = tpu.memref_slice %arg2[%dma_start3A_266, %dma_start3A_267] : memref<10000x128xf32, #tpu.memory_space<hbm>> -> memref<10000x128xf32, #tpu.memory_space<hbm>>
      tpu.enqueue_indirect_dma source(%dma_start3A_268 : memref<10000x128xf32, #tpu.memory_space<hbm>>) target(%dma_start3A_262 : memref<64x128xf32, #tpu.memory_space<vmem>>) offsets(%dma_start3A_265 : memref<64xi32, #tpu.memory_space<vmem>>) semaphore(%arg13 : memref<!tpu.dma_semaphore, #tpu.memory_space<semaphore_mem>>)
    }
    %scan3A_56 = arith.constant 19 : i32
    %dma_wait3A = arith.constant 38 : i32
    %dma_wait3A_57 = arith.constant 0 : i32
    %dma_wait3A_58 = arith.constant 0 : i32
    %dma_wait3A_59 = tpu.memref_slice %arg9[%dma_wait3A_57, %dma_wait3A_58] : memref<128x128xf32, #tpu.memory_space<vmem>> -> memref<64x128xf32, #tpu.memory_space<vmem>>
    %dma_wait3A_60 = arith.constant 0 : i32
    %dma_wait3A_61 = tpu.memref_slice %arg7[%dma_wait3A, %dma_wait3A_60] : memref<40x128xi32, #tpu.memory_space<vmem>> -> memref<1x64xi32, #tpu.memory_space<vmem>>
    %dma_wait3A_62 = tpu.memref_squeeze %dma_wait3A_61 : memref<1x64xi32, #tpu.memory_space<vmem>> -> memref<64xi32, #tpu.memory_space<vmem>>
    %dma_wait3A_63 = arith.constant 0 : i32
    %dma_wait3A_64 = arith.constant 0 : i32
    %dma_wait3A_65 = tpu.memref_slice %arg2[%dma_wait3A_63, %dma_wait3A_64] : memref<10000x128xf32, #tpu.memory_space<hbm>> -> memref<10000x128xf32, #tpu.memory_space<hbm>>
    tpu.wait_indirect_dma semaphore(%arg12 : memref<!tpu.dma_semaphore, #tpu.memory_space<semaphore_mem>>) src(%dma_wait3A_65 : memref<10000x128xf32, #tpu.memory_space<hbm>>) dst(%dma_wait3A_59 : memref<64x128xf32, #tpu.memory_space<vmem>>)
    %dma_wait3A_66 = arith.constant 38 : i32
    %dma_wait3A_67 = arith.constant 64 : i32
    %dma_wait3A_68 = arith.constant 0 : i32
    %dma_wait3A_69 = tpu.memref_slice %arg9[%dma_wait3A_67, %dma_wait3A_68] : memref<128x128xf32, #tpu.memory_space<vmem>> -> memref<64x128xf32, #tpu.memory_space<vmem>>
    %dma_wait3A_70 = arith.constant 64 : i32
    %dma_wait3A_71 = tpu.memref_slice %arg7[%dma_wait3A_66, %dma_wait3A_70] : memref<40x128xi32, #tpu.memory_space<vmem>> -> memref<1x64xi32, #tpu.memory_space<vmem>>
    %dma_wait3A_72 = tpu.memref_squeeze %dma_wait3A_71 : memref<1x64xi32, #tpu.memory_space<vmem>> -> memref<64xi32, #tpu.memory_space<vmem>>
    %dma_wait3A_73 = arith.constant 0 : i32
    %dma_wait3A_74 = arith.constant 0 : i32
    %dma_wait3A_75 = tpu.memref_slice %arg2[%dma_wait3A_73, %dma_wait3A_74] : memref<10000x128xf32, #tpu.memory_space<hbm>> -> memref<10000x128xf32, #tpu.memory_space<hbm>>
    tpu.wait_indirect_dma semaphore(%arg12 : memref<!tpu.dma_semaphore, #tpu.memory_space<semaphore_mem>>) src(%dma_wait3A_75 : memref<10000x128xf32, #tpu.memory_space<hbm>>) dst(%dma_wait3A_69 : memref<64x128xf32, #tpu.memory_space<vmem>>)
    %run_scoped3A = arith.constant 38 : i32
    "tpu.region"() ({
      %run_scoped3A_186 = tpu.sem_alloc : memref<!tpu.dma_semaphore, #tpu.memory_space<semaphore_mem>>
      %dma_start3A_187 = arith.constant 0 : i32
      %dma_start3A_188 = tpu.memref_slice %arg8[%run_scoped3A, %dma_start3A_187] : memref<40x128xi32, #tpu.memory_space<vmem>> -> memref<1x128xi32, #tpu.memory_space<vmem>>
      %dma_start3A_189 = tpu.memref_squeeze %dma_start3A_188 : memref<1x128xi32, #tpu.memory_space<vmem>> -> memref<128xi32, #tpu.memory_space<vmem>>
      %dma_start3A_190 = arith.constant 0 : i32
      %dma_start3A_191 = arith.constant 0 : i32
      %dma_start3A_192 = tpu.memref_slice %arg11[%dma_start3A_190, %dma_start3A_191] : memref<10112x128xf32, #tpu.memory_space<vmem_shared>> -> memref<10112x128xf32, #tpu.memory_space<vmem_shared>>
      tpu.enqueue_indirect_dma source(%arg9 : memref<128x128xf32, #tpu.memory_space<vmem>>) target(%dma_start3A_192 : memref<10112x128xf32, #tpu.memory_space<vmem_shared>>) offsets(%dma_start3A_189 : memref<128xi32, #tpu.memory_space<vmem>>) semaphore(%run_scoped3A_186 : memref<!tpu.dma_semaphore, #tpu.memory_space<semaphore_mem>>) {add = true}
      %dma_wait3A_193 = arith.constant 0 : i32
      %dma_wait3A_194 = tpu.memref_slice %arg8[%run_scoped3A, %dma_wait3A_193] : memref<40x128xi32, #tpu.memory_space<vmem>> -> memref<1x128xi32, #tpu.memory_space<vmem>>
      %dma_wait3A_195 = tpu.memref_squeeze %dma_wait3A_194 : memref<1x128xi32, #tpu.memory_space<vmem>> -> memref<128xi32, #tpu.memory_space<vmem>>
      %dma_wait3A_196 = arith.constant 0 : i32
      %dma_wait3A_197 = arith.constant 0 : i32
      %dma_wait3A_198 = tpu.memref_slice %arg11[%dma_wait3A_196, %dma_wait3A_197] : memref<10112x128xf32, #tpu.memory_space<vmem_shared>> -> memref<10112x128xf32, #tpu.memory_space<vmem_shared>>
      tpu.wait_indirect_dma semaphore(%run_scoped3A_186 : memref<!tpu.dma_semaphore, #tpu.memory_space<semaphore_mem>>) src(%arg9 : memref<128x128xf32, #tpu.memory_space<vmem>>) dst(%dma_wait3A_198 : memref<10112x128xf32, #tpu.memory_space<vmem_shared>>)
      tpu.yield
    }) : () -> ()
    %dma_wait3A_76 = arith.constant 39 : i32
    %dma_wait3A_77 = arith.constant 0 : i32
    %dma_wait3A_78 = arith.constant 0 : i32
    %dma_wait3A_79 = tpu.memref_slice %arg10[%dma_wait3A_77, %dma_wait3A_78] : memref<128x128xf32, #tpu.memory_space<vmem>> -> memref<64x128xf32, #tpu.memory_space<vmem>>
    %dma_wait3A_80 = arith.constant 0 : i32
    %dma_wait3A_81 = tpu.memref_slice %arg7[%dma_wait3A_76, %dma_wait3A_80] : memref<40x128xi32, #tpu.memory_space<vmem>> -> memref<1x64xi32, #tpu.memory_space<vmem>>
    %dma_wait3A_82 = tpu.memref_squeeze %dma_wait3A_81 : memref<1x64xi32, #tpu.memory_space<vmem>> -> memref<64xi32, #tpu.memory_space<vmem>>
    %dma_wait3A_83 = arith.constant 0 : i32
    %dma_wait3A_84 = arith.constant 0 : i32
    %dma_wait3A_85 = tpu.memref_slice %arg2[%dma_wait3A_83, %dma_wait3A_84] : memref<10000x128xf32, #tpu.memory_space<hbm>> -> memref<10000x128xf32, #tpu.memory_space<hbm>>
    tpu.wait_indirect_dma semaphore(%arg13 : memref<!tpu.dma_semaphore, #tpu.memory_space<semaphore_mem>>) src(%dma_wait3A_85 : memref<10000x128xf32, #tpu.memory_space<hbm>>) dst(%dma_wait3A_79 : memref<64x128xf32, #tpu.memory_space<vmem>>)
    %dma_wait3A_86 = arith.constant 39 : i32
    %dma_wait3A_87 = arith.constant 64 : i32
    %dma_wait3A_88 = arith.constant 0 : i32
    %dma_wait3A_89 = tpu.memref_slice %arg10[%dma_wait3A_87, %dma_wait3A_88] : memref<128x128xf32, #tpu.memory_space<vmem>> -> memref<64x128xf32, #tpu.memory_space<vmem>>
    %dma_wait3A_90 = arith.constant 64 : i32
    %dma_wait3A_91 = tpu.memref_slice %arg7[%dma_wait3A_86, %dma_wait3A_90] : memref<40x128xi32, #tpu.memory_space<vmem>> -> memref<1x64xi32, #tpu.memory_space<vmem>>
    %dma_wait3A_92 = tpu.memref_squeeze %dma_wait3A_91 : memref<1x64xi32, #tpu.memory_space<vmem>> -> memref<64xi32, #tpu.memory_space<vmem>>
    %dma_wait3A_93 = arith.constant 0 : i32
    %dma_wait3A_94 = arith.constant 0 : i32
    %dma_wait3A_95 = tpu.memref_slice %arg2[%dma_wait3A_93, %dma_wait3A_94] : memref<10000x128xf32, #tpu.memory_space<hbm>> -> memref<10000x128xf32, #tpu.memory_space<hbm>>
    tpu.wait_indirect_dma semaphore(%arg13 : memref<!tpu.dma_semaphore, #tpu.memory_space<semaphore_mem>>) src(%dma_wait3A_95 : memref<10000x128xf32, #tpu.memory_space<hbm>>) dst(%dma_wait3A_89 : memref<64x128xf32, #tpu.memory_space<vmem>>)
    %run_scoped3A_96 = arith.constant 39 : i32
    "tpu.region"() ({
      %run_scoped3A_186 = tpu.sem_alloc : memref<!tpu.dma_semaphore, #tpu.memory_space<semaphore_mem>>
      %dma_start3A_187 = arith.constant 0 : i32
      %dma_start3A_188 = tpu.memref_slice %arg8[%run_scoped3A_96, %dma_start3A_187] : memref<40x128xi32, #tpu.memory_space<vmem>> -> memref<1x128xi32, #tpu.memory_space<vmem>>
      %dma_start3A_189 = tpu.memref_squeeze %dma_start3A_188 : memref<1x128xi32, #tpu.memory_space<vmem>> -> memref<128xi32, #tpu.memory_space<vmem>>
      %dma_start3A_190 = arith.constant 0 : i32
      %dma_start3A_191 = arith.constant 0 : i32
      %dma_start3A_192 = tpu.memref_slice %arg11[%dma_start3A_190, %dma_start3A_191] : memref<10112x128xf32, #tpu.memory_space<vmem_shared>> -> memref<10112x128xf32, #tpu.memory_space<vmem_shared>>
      tpu.enqueue_indirect_dma source(%arg10 : memref<128x128xf32, #tpu.memory_space<vmem>>) target(%dma_start3A_192 : memref<10112x128xf32, #tpu.memory_space<vmem_shared>>) offsets(%dma_start3A_189 : memref<128xi32, #tpu.memory_space<vmem>>) semaphore(%run_scoped3A_186 : memref<!tpu.dma_semaphore, #tpu.memory_space<semaphore_mem>>) {add = true}
      %dma_wait3A_193 = arith.constant 0 : i32
      %dma_wait3A_194 = tpu.memref_slice %arg8[%run_scoped3A_96, %dma_wait3A_193] : memref<40x128xi32, #tpu.memory_space<vmem>> -> memref<1x128xi32, #tpu.memory_space<vmem>>
      %dma_wait3A_195 = tpu.memref_squeeze %dma_wait3A_194 : memref<1x128xi32, #tpu.memory_space<vmem>> -> memref<128xi32, #tpu.memory_space<vmem>>
      %dma_wait3A_196 = arith.constant 0 : i32
      %dma_wait3A_197 = arith.constant 0 : i32
      %dma_wait3A_198 = tpu.memref_slice %arg11[%dma_wait3A_196, %dma_wait3A_197] : memref<10112x128xf32, #tpu.memory_space<vmem_shared>> -> memref<10112x128xf32, #tpu.memory_space<vmem_shared>>
      tpu.wait_indirect_dma semaphore(%run_scoped3A_186 : memref<!tpu.dma_semaphore, #tpu.memory_space<semaphore_mem>>) src(%arg10 : memref<128x128xf32, #tpu.memory_space<vmem>>) dst(%dma_wait3A_198 : memref<10112x128xf32, #tpu.memory_space<vmem_shared>>)
      tpu.yield
    }) : () -> ()
    "tpu.region"() ({
      %run_scoped3A_186 = tpu.sem_alloc : memref<!tpu.dma_semaphore, #tpu.memory_space<semaphore_mem>>
      %dma_start3A_187 = arith.constant 40 : i32
      %dma_start3A_188 = arith.constant 0 : i32
      %dma_start3A_189 = tpu.memref_slice %arg3[%add3A, %dma_start3A_187, %dma_start3A_188] : memref<32x80x128xi32, #tpu.memory_space<hbm>> -> memref<1x40x128xi32, #tpu.memory_space<hbm>>
      %dma_start3A_190 = tpu.memref_squeeze %dma_start3A_189 : memref<1x40x128xi32, #tpu.memory_space<hbm>> -> memref<40x128xi32, #tpu.memory_space<hbm>>
      %dma_start3A_191 = arith.constant 40 : i32
      %dma_start3A_192 = arith.constant 0 : i32
      %dma_start3A_193 = tpu.memref_slice %arg3[%add3A, %dma_start3A_191, %dma_start3A_192] : memref<32x80x128xi32, #tpu.memory_space<hbm>> -> memref<1x40x128xi32, #tpu.memory_space<hbm>>
      %dma_start3A_194 = tpu.memref_squeeze %dma_start3A_193 : memref<1x40x128xi32, #tpu.memory_space<hbm>> -> memref<40x128xi32, #tpu.memory_space<hbm>>
      tpu.enqueue_dma source(%dma_start3A_194 : memref<40x128xi32, #tpu.memory_space<hbm>>) target(%arg7 : memref<40x128xi32, #tpu.memory_space<vmem>>) target_semaphore(%run_scoped3A_186 : memref<!tpu.dma_semaphore, #tpu.memory_space<semaphore_mem>>)
      %dma_wait3A_195 = arith.constant 40 : i32
      %dma_wait3A_196 = arith.constant 0 : i32
      %dma_wait3A_197 = tpu.memref_slice %arg3[%add3A, %dma_wait3A_195, %dma_wait3A_196] : memref<32x80x128xi32, #tpu.memory_space<hbm>> -> memref<1x40x128xi32, #tpu.memory_space<hbm>>
      %dma_wait3A_198 = tpu.memref_squeeze %dma_wait3A_197 : memref<1x40x128xi32, #tpu.memory_space<hbm>> -> memref<40x128xi32, #tpu.memory_space<hbm>>
      %dma_wait3A_199 = arith.constant 40 : i32
      %dma_wait3A_200 = arith.constant 0 : i32
      %dma_wait3A_201 = tpu.memref_slice %arg3[%add3A, %dma_wait3A_199, %dma_wait3A_200] : memref<32x80x128xi32, #tpu.memory_space<hbm>> -> memref<1x40x128xi32, #tpu.memory_space<hbm>>
      %dma_wait3A_202 = tpu.memref_squeeze %dma_wait3A_201 : memref<1x40x128xi32, #tpu.memory_space<hbm>> -> memref<40x128xi32, #tpu.memory_space<hbm>>
      tpu.wait_dma2 semaphore(%run_scoped3A_186 : memref<!tpu.dma_semaphore, #tpu.memory_space<semaphore_mem>>) src(%dma_wait3A_202 : memref<40x128xi32, #tpu.memory_space<hbm>>) dst(%arg7 : memref<40x128xi32, #tpu.memory_space<vmem>>)
      tpu.yield
    }) : () -> ()
    "tpu.region"() ({
      %run_scoped3A_186 = tpu.sem_alloc : memref<!tpu.dma_semaphore, #tpu.memory_space<semaphore_mem>>
      %dma_start3A_187 = arith.constant 40 : i32
      %dma_start3A_188 = arith.constant 0 : i32
      %dma_start3A_189 = tpu.memref_slice %arg4[%add3A, %dma_start3A_187, %dma_start3A_188] : memref<32x80x128xi32, #tpu.memory_space<hbm>> -> memref<1x40x128xi32, #tpu.memory_space<hbm>>
      %dma_start3A_190 = tpu.memref_squeeze %dma_start3A_189 : memref<1x40x128xi32, #tpu.memory_space<hbm>> -> memref<40x128xi32, #tpu.memory_space<hbm>>
      %dma_start3A_191 = arith.constant 40 : i32
      %dma_start3A_192 = arith.constant 0 : i32
      %dma_start3A_193 = tpu.memref_slice %arg4[%add3A, %dma_start3A_191, %dma_start3A_192] : memref<32x80x128xi32, #tpu.memory_space<hbm>> -> memref<1x40x128xi32, #tpu.memory_space<hbm>>
      %dma_start3A_194 = tpu.memref_squeeze %dma_start3A_193 : memref<1x40x128xi32, #tpu.memory_space<hbm>> -> memref<40x128xi32, #tpu.memory_space<hbm>>
      tpu.enqueue_dma source(%dma_start3A_194 : memref<40x128xi32, #tpu.memory_space<hbm>>) target(%arg8 : memref<40x128xi32, #tpu.memory_space<vmem>>) target_semaphore(%run_scoped3A_186 : memref<!tpu.dma_semaphore, #tpu.memory_space<semaphore_mem>>)
      %dma_wait3A_195 = arith.constant 40 : i32
      %dma_wait3A_196 = arith.constant 0 : i32
      %dma_wait3A_197 = tpu.memref_slice %arg4[%add3A, %dma_wait3A_195, %dma_wait3A_196] : memref<32x80x128xi32, #tpu.memory_space<hbm>> -> memref<1x40x128xi32, #tpu.memory_space<hbm>>
      %dma_wait3A_198 = tpu.memref_squeeze %dma_wait3A_197 : memref<1x40x128xi32, #tpu.memory_space<hbm>> -> memref<40x128xi32, #tpu.memory_space<hbm>>
      %dma_wait3A_199 = arith.constant 40 : i32
      %dma_wait3A_200 = arith.constant 0 : i32
      %dma_wait3A_201 = tpu.memref_slice %arg4[%add3A, %dma_wait3A_199, %dma_wait3A_200] : memref<32x80x128xi32, #tpu.memory_space<hbm>> -> memref<1x40x128xi32, #tpu.memory_space<hbm>>
      %dma_wait3A_202 = tpu.memref_squeeze %dma_wait3A_201 : memref<1x40x128xi32, #tpu.memory_space<hbm>> -> memref<40x128xi32, #tpu.memory_space<hbm>>
      tpu.wait_dma2 semaphore(%run_scoped3A_186 : memref<!tpu.dma_semaphore, #tpu.memory_space<semaphore_mem>>) src(%dma_wait3A_202 : memref<40x128xi32, #tpu.memory_space<hbm>>) dst(%arg8 : memref<40x128xi32, #tpu.memory_space<vmem>>)
      tpu.yield
    }) : () -> ()
    %dma_start3A_97 = arith.constant 0 : i32
    %dma_start3A_98 = arith.constant 0 : i32
    %dma_start3A_99 = arith.constant 0 : i32
    %dma_start3A_100 = tpu.memref_slice %arg9[%dma_start3A_98, %dma_start3A_99] : memref<128x128xf32, #tpu.memory_space<vmem>> -> memref<64x128xf32, #tpu.memory_space<vmem>>
    %dma_start3A_101 = arith.constant 0 : i32
    %dma_start3A_102 = tpu.memref_slice %arg7[%dma_start3A_97, %dma_start3A_101] : memref<40x128xi32, #tpu.memory_space<vmem>> -> memref<1x64xi32, #tpu.memory_space<vmem>>
    %dma_start3A_103 = tpu.memref_squeeze %dma_start3A_102 : memref<1x64xi32, #tpu.memory_space<vmem>> -> memref<64xi32, #tpu.memory_space<vmem>>
    %dma_start3A_104 = arith.constant 0 : i32
    %dma_start3A_105 = arith.constant 0 : i32
    %dma_start3A_106 = tpu.memref_slice %arg2[%dma_start3A_104, %dma_start3A_105] : memref<10000x128xf32, #tpu.memory_space<hbm>> -> memref<10000x128xf32, #tpu.memory_space<hbm>>
    tpu.enqueue_indirect_dma source(%dma_start3A_106 : memref<10000x128xf32, #tpu.memory_space<hbm>>) target(%dma_start3A_100 : memref<64x128xf32, #tpu.memory_space<vmem>>) offsets(%dma_start3A_103 : memref<64xi32, #tpu.memory_space<vmem>>) semaphore(%arg12 : memref<!tpu.dma_semaphore, #tpu.memory_space<semaphore_mem>>)
    %dma_start3A_107 = arith.constant 0 : i32
    %dma_start3A_108 = arith.constant 64 : i32
    %dma_start3A_109 = arith.constant 0 : i32
    %dma_start3A_110 = tpu.memref_slice %arg9[%dma_start3A_108, %dma_start3A_109] : memref<128x128xf32, #tpu.memory_space<vmem>> -> memref<64x128xf32, #tpu.memory_space<vmem>>
    %dma_start3A_111 = arith.constant 64 : i32
    %dma_start3A_112 = tpu.memref_slice %arg7[%dma_start3A_107, %dma_start3A_111] : memref<40x128xi32, #tpu.memory_space<vmem>> -> memref<1x64xi32, #tpu.memory_space<vmem>>
    %dma_start3A_113 = tpu.memref_squeeze %dma_start3A_112 : memref<1x64xi32, #tpu.memory_space<vmem>> -> memref<64xi32, #tpu.memory_space<vmem>>
    %dma_start3A_114 = arith.constant 0 : i32
    %dma_start3A_115 = arith.constant 0 : i32
    %dma_start3A_116 = tpu.memref_slice %arg2[%dma_start3A_114, %dma_start3A_115] : memref<10000x128xf32, #tpu.memory_space<hbm>> -> memref<10000x128xf32, #tpu.memory_space<hbm>>
    tpu.enqueue_indirect_dma source(%dma_start3A_116 : memref<10000x128xf32, #tpu.memory_space<hbm>>) target(%dma_start3A_110 : memref<64x128xf32, #tpu.memory_space<vmem>>) offsets(%dma_start3A_113 : memref<64xi32, #tpu.memory_space<vmem>>) semaphore(%arg12 : memref<!tpu.dma_semaphore, #tpu.memory_space<semaphore_mem>>)
    %dma_start3A_117 = arith.constant 1 : i32
    %dma_start3A_118 = arith.constant 0 : i32
    %dma_start3A_119 = arith.constant 0 : i32
    %dma_start3A_120 = tpu.memref_slice %arg10[%dma_start3A_118, %dma_start3A_119] : memref<128x128xf32, #tpu.memory_space<vmem>> -> memref<64x128xf32, #tpu.memory_space<vmem>>
    %dma_start3A_121 = arith.constant 0 : i32
    %dma_start3A_122 = tpu.memref_slice %arg7[%dma_start3A_117, %dma_start3A_121] : memref<40x128xi32, #tpu.memory_space<vmem>> -> memref<1x64xi32, #tpu.memory_space<vmem>>
    %dma_start3A_123 = tpu.memref_squeeze %dma_start3A_122 : memref<1x64xi32, #tpu.memory_space<vmem>> -> memref<64xi32, #tpu.memory_space<vmem>>
    %dma_start3A_124 = arith.constant 0 : i32
    %dma_start3A_125 = arith.constant 0 : i32
    %dma_start3A_126 = tpu.memref_slice %arg2[%dma_start3A_124, %dma_start3A_125] : memref<10000x128xf32, #tpu.memory_space<hbm>> -> memref<10000x128xf32, #tpu.memory_space<hbm>>
    tpu.enqueue_indirect_dma source(%dma_start3A_126 : memref<10000x128xf32, #tpu.memory_space<hbm>>) target(%dma_start3A_120 : memref<64x128xf32, #tpu.memory_space<vmem>>) offsets(%dma_start3A_123 : memref<64xi32, #tpu.memory_space<vmem>>) semaphore(%arg13 : memref<!tpu.dma_semaphore, #tpu.memory_space<semaphore_mem>>)
    %dma_start3A_127 = arith.constant 1 : i32
    %dma_start3A_128 = arith.constant 64 : i32
    %dma_start3A_129 = arith.constant 0 : i32
    %dma_start3A_130 = tpu.memref_slice %arg10[%dma_start3A_128, %dma_start3A_129] : memref<128x128xf32, #tpu.memory_space<vmem>> -> memref<64x128xf32, #tpu.memory_space<vmem>>
    %dma_start3A_131 = arith.constant 64 : i32
    %dma_start3A_132 = tpu.memref_slice %arg7[%dma_start3A_127, %dma_start3A_131] : memref<40x128xi32, #tpu.memory_space<vmem>> -> memref<1x64xi32, #tpu.memory_space<vmem>>
    %dma_start3A_133 = tpu.memref_squeeze %dma_start3A_132 : memref<1x64xi32, #tpu.memory_space<vmem>> -> memref<64xi32, #tpu.memory_space<vmem>>
    %dma_start3A_134 = arith.constant 0 : i32
    %dma_start3A_135 = arith.constant 0 : i32
    %dma_start3A_136 = tpu.memref_slice %arg2[%dma_start3A_134, %dma_start3A_135] : memref<10000x128xf32, #tpu.memory_space<hbm>> -> memref<10000x128xf32, #tpu.memory_space<hbm>>
    tpu.enqueue_indirect_dma source(%dma_start3A_136 : memref<10000x128xf32, #tpu.memory_space<hbm>>) target(%dma_start3A_130 : memref<64x128xf32, #tpu.memory_space<vmem>>) offsets(%dma_start3A_133 : memref<64xi32, #tpu.memory_space<vmem>>) semaphore(%arg13 : memref<!tpu.dma_semaphore, #tpu.memory_space<semaphore_mem>>)
    %scan3A_137 = arith.constant 0 : i32
    %scan3A_138 = arith.constant 0 : i32
    %scan3A_139 = arith.constant 19 : i32
    %scan3A_140 = arith.addi %scan3A_138, %scan3A_139 : i32
    %scan3A_141 = arith.constant 1 : i32
    scf.for %scan3A_186 = %scan3A_138 to %scan3A_140 step %scan3A_141  : i32 {
      %mul3A_187 = arith.constant 2 : i32
      %mul3A_188 = arith.muli %mul3A_187, %scan3A_186 : i32
      %dma_wait3A_189 = arith.constant 0 : i32
      %dma_wait3A_190 = arith.constant 0 : i32
      %dma_wait3A_191 = tpu.memref_slice %arg9[%dma_wait3A_189, %dma_wait3A_190] : memref<128x128xf32, #tpu.memory_space<vmem>> -> memref<64x128xf32, #tpu.memory_space<vmem>>
      %dma_wait3A_192 = arith.constant 0 : i32
      %dma_wait3A_193 = tpu.memref_slice %arg7[%mul3A_188, %dma_wait3A_192] : memref<40x128xi32, #tpu.memory_space<vmem>> -> memref<1x64xi32, #tpu.memory_space<vmem>>
      %dma_wait3A_194 = tpu.memref_squeeze %dma_wait3A_193 : memref<1x64xi32, #tpu.memory_space<vmem>> -> memref<64xi32, #tpu.memory_space<vmem>>
      %dma_wait3A_195 = arith.constant 0 : i32
      %dma_wait3A_196 = arith.constant 0 : i32
      %dma_wait3A_197 = tpu.memref_slice %arg2[%dma_wait3A_195, %dma_wait3A_196] : memref<10000x128xf32, #tpu.memory_space<hbm>> -> memref<10000x128xf32, #tpu.memory_space<hbm>>
      tpu.wait_indirect_dma semaphore(%arg12 : memref<!tpu.dma_semaphore, #tpu.memory_space<semaphore_mem>>) src(%dma_wait3A_197 : memref<10000x128xf32, #tpu.memory_space<hbm>>) dst(%dma_wait3A_191 : memref<64x128xf32, #tpu.memory_space<vmem>>)
      %dma_wait3A_198 = arith.constant 64 : i32
      %dma_wait3A_199 = arith.constant 0 : i32
      %dma_wait3A_200 = tpu.memref_slice %arg9[%dma_wait3A_198, %dma_wait3A_199] : memref<128x128xf32, #tpu.memory_space<vmem>> -> memref<64x128xf32, #tpu.memory_space<vmem>>
      %dma_wait3A_201 = arith.constant 64 : i32
      %dma_wait3A_202 = tpu.memref_slice %arg7[%mul3A_188, %dma_wait3A_201] : memref<40x128xi32, #tpu.memory_space<vmem>> -> memref<1x64xi32, #tpu.memory_space<vmem>>
      %dma_wait3A_203 = tpu.memref_squeeze %dma_wait3A_202 : memref<1x64xi32, #tpu.memory_space<vmem>> -> memref<64xi32, #tpu.memory_space<vmem>>
      %dma_wait3A_204 = arith.constant 0 : i32
      %dma_wait3A_205 = arith.constant 0 : i32
      %dma_wait3A_206 = tpu.memref_slice %arg2[%dma_wait3A_204, %dma_wait3A_205] : memref<10000x128xf32, #tpu.memory_space<hbm>> -> memref<10000x128xf32, #tpu.memory_space<hbm>>
      tpu.wait_indirect_dma semaphore(%arg12 : memref<!tpu.dma_semaphore, #tpu.memory_space<semaphore_mem>>) src(%dma_wait3A_206 : memref<10000x128xf32, #tpu.memory_space<hbm>>) dst(%dma_wait3A_200 : memref<64x128xf32, #tpu.memory_space<vmem>>)
      "tpu.region"() ({
        %run_scoped3A_269 = tpu.sem_alloc : memref<!tpu.dma_semaphore, #tpu.memory_space<semaphore_mem>>
        %dma_start3A_270 = arith.constant 0 : i32
        %dma_start3A_271 = tpu.memref_slice %arg8[%mul3A_188, %dma_start3A_270] : memref<40x128xi32, #tpu.memory_space<vmem>> -> memref<1x128xi32, #tpu.memory_space<vmem>>
        %dma_start3A_272 = tpu.memref_squeeze %dma_start3A_271 : memref<1x128xi32, #tpu.memory_space<vmem>> -> memref<128xi32, #tpu.memory_space<vmem>>
        %dma_start3A_273 = arith.constant 0 : i32
        %dma_start3A_274 = arith.constant 0 : i32
        %dma_start3A_275 = tpu.memref_slice %arg11[%dma_start3A_273, %dma_start3A_274] : memref<10112x128xf32, #tpu.memory_space<vmem_shared>> -> memref<10112x128xf32, #tpu.memory_space<vmem_shared>>
        tpu.enqueue_indirect_dma source(%arg9 : memref<128x128xf32, #tpu.memory_space<vmem>>) target(%dma_start3A_275 : memref<10112x128xf32, #tpu.memory_space<vmem_shared>>) offsets(%dma_start3A_272 : memref<128xi32, #tpu.memory_space<vmem>>) semaphore(%run_scoped3A_269 : memref<!tpu.dma_semaphore, #tpu.memory_space<semaphore_mem>>) {add = true}
        %dma_wait3A_276 = arith.constant 0 : i32
        %dma_wait3A_277 = tpu.memref_slice %arg8[%mul3A_188, %dma_wait3A_276] : memref<40x128xi32, #tpu.memory_space<vmem>> -> memref<1x128xi32, #tpu.memory_space<vmem>>
        %dma_wait3A_278 = tpu.memref_squeeze %dma_wait3A_277 : memref<1x128xi32, #tpu.memory_space<vmem>> -> memref<128xi32, #tpu.memory_space<vmem>>
        %dma_wait3A_279 = arith.constant 0 : i32
        %dma_wait3A_280 = arith.constant 0 : i32
        %dma_wait3A_281 = tpu.memref_slice %arg11[%dma_wait3A_279, %dma_wait3A_280] : memref<10112x128xf32, #tpu.memory_space<vmem_shared>> -> memref<10112x128xf32, #tpu.memory_space<vmem_shared>>
        tpu.wait_indirect_dma semaphore(%run_scoped3A_269 : memref<!tpu.dma_semaphore, #tpu.memory_space<semaphore_mem>>) src(%arg9 : memref<128x128xf32, #tpu.memory_space<vmem>>) dst(%dma_wait3A_281 : memref<10112x128xf32, #tpu.memory_space<vmem_shared>>)
        tpu.yield
      }) : () -> ()
      %add3A_207 = arith.constant 2 : i32
      %add3A_208 = arith.addi %mul3A_188, %add3A_207 : i32
      %dma_start3A_209 = arith.constant 0 : i32
      %dma_start3A_210 = arith.constant 0 : i32
      %dma_start3A_211 = tpu.memref_slice %arg9[%dma_start3A_209, %dma_start3A_210] : memref<128x128xf32, #tpu.memory_space<vmem>> -> memref<64x128xf32, #tpu.memory_space<vmem>>
      %dma_start3A_212 = arith.constant 0 : i32
      %dma_start3A_213 = tpu.memref_slice %arg7[%add3A_208, %dma_start3A_212] : memref<40x128xi32, #tpu.memory_space<vmem>> -> memref<1x64xi32, #tpu.memory_space<vmem>>
      %dma_start3A_214 = tpu.memref_squeeze %dma_start3A_213 : memref<1x64xi32, #tpu.memory_space<vmem>> -> memref<64xi32, #tpu.memory_space<vmem>>
      %dma_start3A_215 = arith.constant 0 : i32
      %dma_start3A_216 = arith.constant 0 : i32
      %dma_start3A_217 = tpu.memref_slice %arg2[%dma_start3A_215, %dma_start3A_216] : memref<10000x128xf32, #tpu.memory_space<hbm>> -> memref<10000x128xf32, #tpu.memory_space<hbm>>
      tpu.enqueue_indirect_dma source(%dma_start3A_217 : memref<10000x128xf32, #tpu.memory_space<hbm>>) target(%dma_start3A_211 : memref<64x128xf32, #tpu.memory_space<vmem>>) offsets(%dma_start3A_214 : memref<64xi32, #tpu.memory_space<vmem>>) semaphore(%arg12 : memref<!tpu.dma_semaphore, #tpu.memory_space<semaphore_mem>>)
      %dma_start3A_218 = arith.constant 64 : i32
      %dma_start3A_219 = arith.constant 0 : i32
      %dma_start3A_220 = tpu.memref_slice %arg9[%dma_start3A_218, %dma_start3A_219] : memref<128x128xf32, #tpu.memory_space<vmem>> -> memref<64x128xf32, #tpu.memory_space<vmem>>
      %dma_start3A_221 = arith.constant 64 : i32
      %dma_start3A_222 = tpu.memref_slice %arg7[%add3A_208, %dma_start3A_221] : memref<40x128xi32, #tpu.memory_space<vmem>> -> memref<1x64xi32, #tpu.memory_space<vmem>>
      %dma_start3A_223 = tpu.memref_squeeze %dma_start3A_222 : memref<1x64xi32, #tpu.memory_space<vmem>> -> memref<64xi32, #tpu.memory_space<vmem>>
      %dma_start3A_224 = arith.constant 0 : i32
      %dma_start3A_225 = arith.constant 0 : i32
      %dma_start3A_226 = tpu.memref_slice %arg2[%dma_start3A_224, %dma_start3A_225] : memref<10000x128xf32, #tpu.memory_space<hbm>> -> memref<10000x128xf32, #tpu.memory_space<hbm>>
      tpu.enqueue_indirect_dma source(%dma_start3A_226 : memref<10000x128xf32, #tpu.memory_space<hbm>>) target(%dma_start3A_220 : memref<64x128xf32, #tpu.memory_space<vmem>>) offsets(%dma_start3A_223 : memref<64xi32, #tpu.memory_space<vmem>>) semaphore(%arg12 : memref<!tpu.dma_semaphore, #tpu.memory_space<semaphore_mem>>)
      %add3A_227 = arith.constant 1 : i32
      %add3A_228 = arith.addi %mul3A_188, %add3A_227 : i32
      %dma_wait3A_229 = arith.constant 0 : i32
      %dma_wait3A_230 = arith.constant 0 : i32
      %dma_wait3A_231 = tpu.memref_slice %arg10[%dma_wait3A_229, %dma_wait3A_230] : memref<128x128xf32, #tpu.memory_space<vmem>> -> memref<64x128xf32, #tpu.memory_space<vmem>>
      %dma_wait3A_232 = arith.constant 0 : i32
      %dma_wait3A_233 = tpu.memref_slice %arg7[%add3A_228, %dma_wait3A_232] : memref<40x128xi32, #tpu.memory_space<vmem>> -> memref<1x64xi32, #tpu.memory_space<vmem>>
      %dma_wait3A_234 = tpu.memref_squeeze %dma_wait3A_233 : memref<1x64xi32, #tpu.memory_space<vmem>> -> memref<64xi32, #tpu.memory_space<vmem>>
      %dma_wait3A_235 = arith.constant 0 : i32
      %dma_wait3A_236 = arith.constant 0 : i32
      %dma_wait3A_237 = tpu.memref_slice %arg2[%dma_wait3A_235, %dma_wait3A_236] : memref<10000x128xf32, #tpu.memory_space<hbm>> -> memref<10000x128xf32, #tpu.memory_space<hbm>>
      tpu.wait_indirect_dma semaphore(%arg13 : memref<!tpu.dma_semaphore, #tpu.memory_space<semaphore_mem>>) src(%dma_wait3A_237 : memref<10000x128xf32, #tpu.memory_space<hbm>>) dst(%dma_wait3A_231 : memref<64x128xf32, #tpu.memory_space<vmem>>)
      %dma_wait3A_238 = arith.constant 64 : i32
      %dma_wait3A_239 = arith.constant 0 : i32
      %dma_wait3A_240 = tpu.memref_slice %arg10[%dma_wait3A_238, %dma_wait3A_239] : memref<128x128xf32, #tpu.memory_space<vmem>> -> memref<64x128xf32, #tpu.memory_space<vmem>>
      %dma_wait3A_241 = arith.constant 64 : i32
      %dma_wait3A_242 = tpu.memref_slice %arg7[%add3A_228, %dma_wait3A_241] : memref<40x128xi32, #tpu.memory_space<vmem>> -> memref<1x64xi32, #tpu.memory_space<vmem>>
      %dma_wait3A_243 = tpu.memref_squeeze %dma_wait3A_242 : memref<1x64xi32, #tpu.memory_space<vmem>> -> memref<64xi32, #tpu.memory_space<vmem>>
      %dma_wait3A_244 = arith.constant 0 : i32
      %dma_wait3A_245 = arith.constant 0 : i32
      %dma_wait3A_246 = tpu.memref_slice %arg2[%dma_wait3A_244, %dma_wait3A_245] : memref<10000x128xf32, #tpu.memory_space<hbm>> -> memref<10000x128xf32, #tpu.memory_space<hbm>>
      tpu.wait_indirect_dma semaphore(%arg13 : memref<!tpu.dma_semaphore, #tpu.memory_space<semaphore_mem>>) src(%dma_wait3A_246 : memref<10000x128xf32, #tpu.memory_space<hbm>>) dst(%dma_wait3A_240 : memref<64x128xf32, #tpu.memory_space<vmem>>)
      %add3A_247 = arith.constant 1 : i32
      %add3A_248 = arith.addi %mul3A_188, %add3A_247 : i32
      "tpu.region"() ({
        %run_scoped3A_269 = tpu.sem_alloc : memref<!tpu.dma_semaphore, #tpu.memory_space<semaphore_mem>>
        %dma_start3A_270 = arith.constant 0 : i32
        %dma_start3A_271 = tpu.memref_slice %arg8[%add3A_248, %dma_start3A_270] : memref<40x128xi32, #tpu.memory_space<vmem>> -> memref<1x128xi32, #tpu.memory_space<vmem>>
        %dma_start3A_272 = tpu.memref_squeeze %dma_start3A_271 : memref<1x128xi32, #tpu.memory_space<vmem>> -> memref<128xi32, #tpu.memory_space<vmem>>
        %dma_start3A_273 = arith.constant 0 : i32
        %dma_start3A_274 = arith.constant 0 : i32
        %dma_start3A_275 = tpu.memref_slice %arg11[%dma_start3A_273, %dma_start3A_274] : memref<10112x128xf32, #tpu.memory_space<vmem_shared>> -> memref<10112x128xf32, #tpu.memory_space<vmem_shared>>
        tpu.enqueue_indirect_dma source(%arg10 : memref<128x128xf32, #tpu.memory_space<vmem>>) target(%dma_start3A_275 : memref<10112x128xf32, #tpu.memory_space<vmem_shared>>) offsets(%dma_start3A_272 : memref<128xi32, #tpu.memory_space<vmem>>) semaphore(%run_scoped3A_269 : memref<!tpu.dma_semaphore, #tpu.memory_space<semaphore_mem>>) {add = true}
        %dma_wait3A_276 = arith.constant 0 : i32
        %dma_wait3A_277 = tpu.memref_slice %arg8[%add3A_248, %dma_wait3A_276] : memref<40x128xi32, #tpu.memory_space<vmem>> -> memref<1x128xi32, #tpu.memory_space<vmem>>
        %dma_wait3A_278 = tpu.memref_squeeze %dma_wait3A_277 : memref<1x128xi32, #tpu.memory_space<vmem>> -> memref<128xi32, #tpu.memory_space<vmem>>
        %dma_wait3A_279 = arith.constant 0 : i32
        %dma_wait3A_280 = arith.constant 0 : i32
        %dma_wait3A_281 = tpu.memref_slice %arg11[%dma_wait3A_279, %dma_wait3A_280] : memref<10112x128xf32, #tpu.memory_space<vmem_shared>> -> memref<10112x128xf32, #tpu.memory_space<vmem_shared>>
        tpu.wait_indirect_dma semaphore(%run_scoped3A_269 : memref<!tpu.dma_semaphore, #tpu.memory_space<semaphore_mem>>) src(%arg10 : memref<128x128xf32, #tpu.memory_space<vmem>>) dst(%dma_wait3A_281 : memref<10112x128xf32, #tpu.memory_space<vmem_shared>>)
        tpu.yield
      }) : () -> ()
      %add3A_249 = arith.constant 3 : i32
      %add3A_250 = arith.addi %mul3A_188, %add3A_249 : i32
      %dma_start3A_251 = arith.constant 0 : i32
      %dma_start3A_252 = arith.constant 0 : i32
      %dma_start3A_253 = tpu.memref_slice %arg10[%dma_start3A_251, %dma_start3A_252] : memref<128x128xf32, #tpu.memory_space<vmem>> -> memref<64x128xf32, #tpu.memory_space<vmem>>
      %dma_start3A_254 = arith.constant 0 : i32
      %dma_start3A_255 = tpu.memref_slice %arg7[%add3A_250, %dma_start3A_254] : memref<40x128xi32, #tpu.memory_space<vmem>> -> memref<1x64xi32, #tpu.memory_space<vmem>>
      %dma_start3A_256 = tpu.memref_squeeze %dma_start3A_255 : memref<1x64xi32, #tpu.memory_space<vmem>> -> memref<64xi32, #tpu.memory_space<vmem>>
      %dma_start3A_257 = arith.constant 0 : i32
      %dma_start3A_258 = arith.constant 0 : i32
      %dma_start3A_259 = tpu.memref_slice %arg2[%dma_start3A_257, %dma_start3A_258] : memref<10000x128xf32, #tpu.memory_space<hbm>> -> memref<10000x128xf32, #tpu.memory_space<hbm>>
      tpu.enqueue_indirect_dma source(%dma_start3A_259 : memref<10000x128xf32, #tpu.memory_space<hbm>>) target(%dma_start3A_253 : memref<64x128xf32, #tpu.memory_space<vmem>>) offsets(%dma_start3A_256 : memref<64xi32, #tpu.memory_space<vmem>>) semaphore(%arg13 : memref<!tpu.dma_semaphore, #tpu.memory_space<semaphore_mem>>)
      %dma_start3A_260 = arith.constant 64 : i32
      %dma_start3A_261 = arith.constant 0 : i32
      %dma_start3A_262 = tpu.memref_slice %arg10[%dma_start3A_260, %dma_start3A_261] : memref<128x128xf32, #tpu.memory_space<vmem>> -> memref<64x128xf32, #tpu.memory_space<vmem>>
      %dma_start3A_263 = arith.constant 64 : i32
      %dma_start3A_264 = tpu.memref_slice %arg7[%add3A_250, %dma_start3A_263] : memref<40x128xi32, #tpu.memory_space<vmem>> -> memref<1x64xi32, #tpu.memory_space<vmem>>
      %dma_start3A_265 = tpu.memref_squeeze %dma_start3A_264 : memref<1x64xi32, #tpu.memory_space<vmem>> -> memref<64xi32, #tpu.memory_space<vmem>>
      %dma_start3A_266 = arith.constant 0 : i32
      %dma_start3A_267 = arith.constant 0 : i32
      %dma_start3A_268 = tpu.memref_slice %arg2[%dma_start3A_266, %dma_start3A_267] : memref<10000x128xf32, #tpu.memory_space<hbm>> -> memref<10000x128xf32, #tpu.memory_space<hbm>>
      tpu.enqueue_indirect_dma source(%dma_start3A_268 : memref<10000x128xf32, #tpu.memory_space<hbm>>) target(%dma_start3A_262 : memref<64x128xf32, #tpu.memory_space<vmem>>) offsets(%dma_start3A_265 : memref<64xi32, #tpu.memory_space<vmem>>) semaphore(%arg13 : memref<!tpu.dma_semaphore, #tpu.memory_space<semaphore_mem>>)
    }
    %scan3A_142 = arith.constant 19 : i32
    %dma_wait3A_143 = arith.constant 38 : i32
    %dma_wait3A_144 = arith.constant 0 : i32
    %dma_wait3A_145 = arith.constant 0 : i32
    %dma_wait3A_146 = tpu.memref_slice %arg9[%dma_wait3A_144, %dma_wait3A_145] : memref<128x128xf32, #tpu.memory_space<vmem>> -> memref<64x128xf32, #tpu.memory_space<vmem>>
    %dma_wait3A_147 = arith.constant 0 : i32
    %dma_wait3A_148 = tpu.memref_slice %arg7[%dma_wait3A_143, %dma_wait3A_147] : memref<40x128xi32, #tpu.memory_space<vmem>> -> memref<1x64xi32, #tpu.memory_space<vmem>>
    %dma_wait3A_149 = tpu.memref_squeeze %dma_wait3A_148 : memref<1x64xi32, #tpu.memory_space<vmem>> -> memref<64xi32, #tpu.memory_space<vmem>>
    %dma_wait3A_150 = arith.constant 0 : i32
    %dma_wait3A_151 = arith.constant 0 : i32
    %dma_wait3A_152 = tpu.memref_slice %arg2[%dma_wait3A_150, %dma_wait3A_151] : memref<10000x128xf32, #tpu.memory_space<hbm>> -> memref<10000x128xf32, #tpu.memory_space<hbm>>
    tpu.wait_indirect_dma semaphore(%arg12 : memref<!tpu.dma_semaphore, #tpu.memory_space<semaphore_mem>>) src(%dma_wait3A_152 : memref<10000x128xf32, #tpu.memory_space<hbm>>) dst(%dma_wait3A_146 : memref<64x128xf32, #tpu.memory_space<vmem>>)
    %dma_wait3A_153 = arith.constant 38 : i32
    %dma_wait3A_154 = arith.constant 64 : i32
    %dma_wait3A_155 = arith.constant 0 : i32
    %dma_wait3A_156 = tpu.memref_slice %arg9[%dma_wait3A_154, %dma_wait3A_155] : memref<128x128xf32, #tpu.memory_space<vmem>> -> memref<64x128xf32, #tpu.memory_space<vmem>>
    %dma_wait3A_157 = arith.constant 64 : i32
    %dma_wait3A_158 = tpu.memref_slice %arg7[%dma_wait3A_153, %dma_wait3A_157] : memref<40x128xi32, #tpu.memory_space<vmem>> -> memref<1x64xi32, #tpu.memory_space<vmem>>
    %dma_wait3A_159 = tpu.memref_squeeze %dma_wait3A_158 : memref<1x64xi32, #tpu.memory_space<vmem>> -> memref<64xi32, #tpu.memory_space<vmem>>
    %dma_wait3A_160 = arith.constant 0 : i32
    %dma_wait3A_161 = arith.constant 0 : i32
    %dma_wait3A_162 = tpu.memref_slice %arg2[%dma_wait3A_160, %dma_wait3A_161] : memref<10000x128xf32, #tpu.memory_space<hbm>> -> memref<10000x128xf32, #tpu.memory_space<hbm>>
    tpu.wait_indirect_dma semaphore(%arg12 : memref<!tpu.dma_semaphore, #tpu.memory_space<semaphore_mem>>) src(%dma_wait3A_162 : memref<10000x128xf32, #tpu.memory_space<hbm>>) dst(%dma_wait3A_156 : memref<64x128xf32, #tpu.memory_space<vmem>>)
    %run_scoped3A_163 = arith.constant 38 : i32
    "tpu.region"() ({
      %run_scoped3A_186 = tpu.sem_alloc : memref<!tpu.dma_semaphore, #tpu.memory_space<semaphore_mem>>
      %dma_start3A_187 = arith.constant 0 : i32
      %dma_start3A_188 = tpu.memref_slice %arg8[%run_scoped3A_163, %dma_start3A_187] : memref<40x128xi32, #tpu.memory_space<vmem>> -> memref<1x128xi32, #tpu.memory_space<vmem>>
      %dma_start3A_189 = tpu.memref_squeeze %dma_start3A_188 : memref<1x128xi32, #tpu.memory_space<vmem>> -> memref<128xi32, #tpu.memory_space<vmem>>
      %dma_start3A_190 = arith.constant 0 : i32
      %dma_start3A_191 = arith.constant 0 : i32
      %dma_start3A_192 = tpu.memref_slice %arg11[%dma_start3A_190, %dma_start3A_191] : memref<10112x128xf32, #tpu.memory_space<vmem_shared>> -> memref<10112x128xf32, #tpu.memory_space<vmem_shared>>
      tpu.enqueue_indirect_dma source(%arg9 : memref<128x128xf32, #tpu.memory_space<vmem>>) target(%dma_start3A_192 : memref<10112x128xf32, #tpu.memory_space<vmem_shared>>) offsets(%dma_start3A_189 : memref<128xi32, #tpu.memory_space<vmem>>) semaphore(%run_scoped3A_186 : memref<!tpu.dma_semaphore, #tpu.memory_space<semaphore_mem>>) {add = true}
      %dma_wait3A_193 = arith.constant 0 : i32
      %dma_wait3A_194 = tpu.memref_slice %arg8[%run_scoped3A_163, %dma_wait3A_193] : memref<40x128xi32, #tpu.memory_space<vmem>> -> memref<1x128xi32, #tpu.memory_space<vmem>>
      %dma_wait3A_195 = tpu.memref_squeeze %dma_wait3A_194 : memref<1x128xi32, #tpu.memory_space<vmem>> -> memref<128xi32, #tpu.memory_space<vmem>>
      %dma_wait3A_196 = arith.constant 0 : i32
      %dma_wait3A_197 = arith.constant 0 : i32
      %dma_wait3A_198 = tpu.memref_slice %arg11[%dma_wait3A_196, %dma_wait3A_197] : memref<10112x128xf32, #tpu.memory_space<vmem_shared>> -> memref<10112x128xf32, #tpu.memory_space<vmem_shared>>
      tpu.wait_indirect_dma semaphore(%run_scoped3A_186 : memref<!tpu.dma_semaphore, #tpu.memory_space<semaphore_mem>>) src(%arg9 : memref<128x128xf32, #tpu.memory_space<vmem>>) dst(%dma_wait3A_198 : memref<10112x128xf32, #tpu.memory_space<vmem_shared>>)
      tpu.yield
    }) : () -> ()
    %dma_wait3A_164 = arith.constant 39 : i32
    %dma_wait3A_165 = arith.constant 0 : i32
    %dma_wait3A_166 = arith.constant 0 : i32
    %dma_wait3A_167 = tpu.memref_slice %arg10[%dma_wait3A_165, %dma_wait3A_166] : memref<128x128xf32, #tpu.memory_space<vmem>> -> memref<64x128xf32, #tpu.memory_space<vmem>>
    %dma_wait3A_168 = arith.constant 0 : i32
    %dma_wait3A_169 = tpu.memref_slice %arg7[%dma_wait3A_164, %dma_wait3A_168] : memref<40x128xi32, #tpu.memory_space<vmem>> -> memref<1x64xi32, #tpu.memory_space<vmem>>
    %dma_wait3A_170 = tpu.memref_squeeze %dma_wait3A_169 : memref<1x64xi32, #tpu.memory_space<vmem>> -> memref<64xi32, #tpu.memory_space<vmem>>
    %dma_wait3A_171 = arith.constant 0 : i32
    %dma_wait3A_172 = arith.constant 0 : i32
    %dma_wait3A_173 = tpu.memref_slice %arg2[%dma_wait3A_171, %dma_wait3A_172] : memref<10000x128xf32, #tpu.memory_space<hbm>> -> memref<10000x128xf32, #tpu.memory_space<hbm>>
    tpu.wait_indirect_dma semaphore(%arg13 : memref<!tpu.dma_semaphore, #tpu.memory_space<semaphore_mem>>) src(%dma_wait3A_173 : memref<10000x128xf32, #tpu.memory_space<hbm>>) dst(%dma_wait3A_167 : memref<64x128xf32, #tpu.memory_space<vmem>>)
    %dma_wait3A_174 = arith.constant 39 : i32
    %dma_wait3A_175 = arith.constant 64 : i32
    %dma_wait3A_176 = arith.constant 0 : i32
    %dma_wait3A_177 = tpu.memref_slice %arg10[%dma_wait3A_175, %dma_wait3A_176] : memref<128x128xf32, #tpu.memory_space<vmem>> -> memref<64x128xf32, #tpu.memory_space<vmem>>
    %dma_wait3A_178 = arith.constant 64 : i32
    %dma_wait3A_179 = tpu.memref_slice %arg7[%dma_wait3A_174, %dma_wait3A_178] : memref<40x128xi32, #tpu.memory_space<vmem>> -> memref<1x64xi32, #tpu.memory_space<vmem>>
    %dma_wait3A_180 = tpu.memref_squeeze %dma_wait3A_179 : memref<1x64xi32, #tpu.memory_space<vmem>> -> memref<64xi32, #tpu.memory_space<vmem>>
    %dma_wait3A_181 = arith.constant 0 : i32
    %dma_wait3A_182 = arith.constant 0 : i32
    %dma_wait3A_183 = tpu.memref_slice %arg2[%dma_wait3A_181, %dma_wait3A_182] : memref<10000x128xf32, #tpu.memory_space<hbm>> -> memref<10000x128xf32, #tpu.memory_space<hbm>>
    tpu.wait_indirect_dma semaphore(%arg13 : memref<!tpu.dma_semaphore, #tpu.memory_space<semaphore_mem>>) src(%dma_wait3A_183 : memref<10000x128xf32, #tpu.memory_space<hbm>>) dst(%dma_wait3A_177 : memref<64x128xf32, #tpu.memory_space<vmem>>)
    %run_scoped3A_184 = arith.constant 39 : i32
    "tpu.region"() ({
      %run_scoped3A_186 = tpu.sem_alloc : memref<!tpu.dma_semaphore, #tpu.memory_space<semaphore_mem>>
      %dma_start3A_187 = arith.constant 0 : i32
      %dma_start3A_188 = tpu.memref_slice %arg8[%run_scoped3A_184, %dma_start3A_187] : memref<40x128xi32, #tpu.memory_space<vmem>> -> memref<1x128xi32, #tpu.memory_space<vmem>>
      %dma_start3A_189 = tpu.memref_squeeze %dma_start3A_188 : memref<1x128xi32, #tpu.memory_space<vmem>> -> memref<128xi32, #tpu.memory_space<vmem>>
      %dma_start3A_190 = arith.constant 0 : i32
      %dma_start3A_191 = arith.constant 0 : i32
      %dma_start3A_192 = tpu.memref_slice %arg11[%dma_start3A_190, %dma_start3A_191] : memref<10112x128xf32, #tpu.memory_space<vmem_shared>> -> memref<10112x128xf32, #tpu.memory_space<vmem_shared>>
      tpu.enqueue_indirect_dma source(%arg10 : memref<128x128xf32, #tpu.memory_space<vmem>>) target(%dma_start3A_192 : memref<10112x128xf32, #tpu.memory_space<vmem_shared>>) offsets(%dma_start3A_189 : memref<128xi32, #tpu.memory_space<vmem>>) semaphore(%run_scoped3A_186 : memref<!tpu.dma_semaphore, #tpu.memory_space<semaphore_mem>>) {add = true}
      %dma_wait3A_193 = arith.constant 0 : i32
      %dma_wait3A_194 = tpu.memref_slice %arg8[%run_scoped3A_184, %dma_wait3A_193] : memref<40x128xi32, #tpu.memory_space<vmem>> -> memref<1x128xi32, #tpu.memory_space<vmem>>
      %dma_wait3A_195 = tpu.memref_squeeze %dma_wait3A_194 : memref<1x128xi32, #tpu.memory_space<vmem>> -> memref<128xi32, #tpu.memory_space<vmem>>
      %dma_wait3A_196 = arith.constant 0 : i32
      %dma_wait3A_197 = arith.constant 0 : i32
      %dma_wait3A_198 = tpu.memref_slice %arg11[%dma_wait3A_196, %dma_wait3A_197] : memref<10112x128xf32, #tpu.memory_space<vmem_shared>> -> memref<10112x128xf32, #tpu.memory_space<vmem_shared>>
      tpu.wait_indirect_dma semaphore(%run_scoped3A_186 : memref<!tpu.dma_semaphore, #tpu.memory_space<semaphore_mem>>) src(%arg10 : memref<128x128xf32, #tpu.memory_space<vmem>>) dst(%dma_wait3A_198 : memref<10112x128xf32, #tpu.memory_space<vmem_shared>>)
      tpu.yield
    }) : () -> ()
    %barrier3A_185 = arith.constant 0 : index
    tpu.barrier barrier_id(%barrier3A_185)
    "tpu.region"() ({
      %run_scoped3A_186 = tpu.sem_alloc : memref<!tpu.dma_semaphore, #tpu.memory_space<semaphore_mem>>
      %dma_start3A_187 = arith.constant 0 : i32
      %dma_start3A_188 = tpu.memref_slice %arg6[%arg0, %mul3A_2, %dma_start3A_187] : memref<2x10112x128xf32, #tpu.memory_space<hbm>> -> memref<1x632x128xf32, #tpu.memory_space<hbm>>
      %dma_start3A_189 = tpu.memref_squeeze %dma_start3A_188 : memref<1x632x128xf32, #tpu.memory_space<hbm>> -> memref<632x128xf32, #tpu.memory_space<hbm>>
      %dma_start3A_190 = arith.constant 0 : i32
      %dma_start3A_191 = tpu.memref_slice %arg11[%mul3A_2, %dma_start3A_190] : memref<10112x128xf32, #tpu.memory_space<vmem_shared>> -> memref<632x128xf32, #tpu.memory_space<vmem_shared>>
      tpu.enqueue_dma source(%dma_start3A_191 : memref<632x128xf32, #tpu.memory_space<vmem_shared>>) target(%dma_start3A_189 : memref<632x128xf32, #tpu.memory_space<hbm>>) target_semaphore(%run_scoped3A_186 : memref<!tpu.dma_semaphore, #tpu.memory_space<semaphore_mem>>)
      %dma_wait3A_192 = arith.constant 0 : i32
      %dma_wait3A_193 = tpu.memref_slice %arg6[%arg0, %mul3A_2, %dma_wait3A_192] : memref<2x10112x128xf32, #tpu.memory_space<hbm>> -> memref<1x632x128xf32, #tpu.memory_space<hbm>>
      %dma_wait3A_194 = tpu.memref_squeeze %dma_wait3A_193 : memref<1x632x128xf32, #tpu.memory_space<hbm>> -> memref<632x128xf32, #tpu.memory_space<hbm>>
      %dma_wait3A_195 = arith.constant 0 : i32
      %dma_wait3A_196 = tpu.memref_slice %arg11[%mul3A_2, %dma_wait3A_195] : memref<10112x128xf32, #tpu.memory_space<vmem_shared>> -> memref<632x128xf32, #tpu.memory_space<vmem_shared>>
      tpu.wait_dma2 semaphore(%run_scoped3A_186 : memref<!tpu.dma_semaphore, #tpu.memory_space<semaphore_mem>>) src(%dma_wait3A_196 : memref<632x128xf32, #tpu.memory_space<vmem_shared>>) dst(%dma_wait3A_194 : memref<632x128xf32, #tpu.memory_space<hbm>>)
      tpu.yield
    }) : () -> ()
    return
  }
}

#map = affine_map<(d0, d1) -> (0, 0, 0)>
#map1 = affine_map<(d0, d1) -> (0, 0)>
module attributes {stable_mosaic.version = 14 : i64} {
  func.func @_deg_kernel(%arg0: i32, %arg1: i32, %arg2: memref<32x80x128xi32, #tpu.memory_space<hbm>>, %arg3: memref<128x128xf32, #tpu.memory_space<hbm>>, %arg4: memref<128x128xf32, #tpu.memory_space<hbm>>, %arg5: memref<2x10112x128xf32, #tpu.memory_space<hbm>>, %arg6: memref<80x128xi32, #tpu.memory_space<vmem>>, %arg7: memref<128x128xf32, #tpu.memory_space<vmem>>, %arg8: memref<10112x128xf32, #tpu.memory_space<vmem_shared>>) attributes {dimension_semantics = [#tpu.dimension_semantics<core_parallel>, #tpu.dimension_semantics<subcore_parallel>], iteration_bounds = array<i64: 2, 16>, scalar_prefetch = 0 : i64, scratch_operands = 3 : i64, tpu.core_type = #tpu.core_type<sc_vector_subcore>, window_params = [{transform_indices = #map}, {transform_indices = #map1}, {transform_indices = #map1}, {transform_indices = #map}]} {
    %mul3A = arith.constant 2 : i32
    %mul3A_0 = arith.muli %arg1, %mul3A : i32
    %add3A = arith.addi %mul3A_0, %arg0 : i32
    %mul3A_1 = arith.constant 632 : i32
    %mul3A_2 = arith.muli %arg1, %mul3A_1 : i32
    "tpu.region"() ({
      %run_scoped3A = tpu.sem_alloc : memref<!tpu.dma_semaphore, #tpu.memory_space<semaphore_mem>>
      %dma_start3A = arith.constant 0 : i32
      %dma_start3A_19 = arith.constant 0 : i32
      %dma_start3A_20 = tpu.memref_slice %arg2[%add3A, %dma_start3A, %dma_start3A_19] : memref<32x80x128xi32, #tpu.memory_space<hbm>> -> memref<1x80x128xi32, #tpu.memory_space<hbm>>
      %dma_start3A_21 = tpu.memref_squeeze %dma_start3A_20 : memref<1x80x128xi32, #tpu.memory_space<hbm>> -> memref<80x128xi32, #tpu.memory_space<hbm>>
      %dma_start3A_22 = arith.constant 0 : i32
      %dma_start3A_23 = arith.constant 0 : i32
      %dma_start3A_24 = tpu.memref_slice %arg2[%add3A, %dma_start3A_22, %dma_start3A_23] : memref<32x80x128xi32, #tpu.memory_space<hbm>> -> memref<1x80x128xi32, #tpu.memory_space<hbm>>
      %dma_start3A_25 = tpu.memref_squeeze %dma_start3A_24 : memref<1x80x128xi32, #tpu.memory_space<hbm>> -> memref<80x128xi32, #tpu.memory_space<hbm>>
      tpu.enqueue_dma source(%dma_start3A_25 : memref<80x128xi32, #tpu.memory_space<hbm>>) target(%arg6 : memref<80x128xi32, #tpu.memory_space<vmem>>) target_semaphore(%run_scoped3A : memref<!tpu.dma_semaphore, #tpu.memory_space<semaphore_mem>>)
      %dma_wait3A = arith.constant 0 : i32
      %dma_wait3A_26 = arith.constant 0 : i32
      %dma_wait3A_27 = tpu.memref_slice %arg2[%add3A, %dma_wait3A, %dma_wait3A_26] : memref<32x80x128xi32, #tpu.memory_space<hbm>> -> memref<1x80x128xi32, #tpu.memory_space<hbm>>
      %dma_wait3A_28 = tpu.memref_squeeze %dma_wait3A_27 : memref<1x80x128xi32, #tpu.memory_space<hbm>> -> memref<80x128xi32, #tpu.memory_space<hbm>>
      %dma_wait3A_29 = arith.constant 0 : i32
      %dma_wait3A_30 = arith.constant 0 : i32
      %dma_wait3A_31 = tpu.memref_slice %arg2[%add3A, %dma_wait3A_29, %dma_wait3A_30] : memref<32x80x128xi32, #tpu.memory_space<hbm>> -> memref<1x80x128xi32, #tpu.memory_space<hbm>>
      %dma_wait3A_32 = tpu.memref_squeeze %dma_wait3A_31 : memref<1x80x128xi32, #tpu.memory_space<hbm>> -> memref<80x128xi32, #tpu.memory_space<hbm>>
      tpu.wait_dma2 semaphore(%run_scoped3A : memref<!tpu.dma_semaphore, #tpu.memory_space<semaphore_mem>>) src(%dma_wait3A_32 : memref<80x128xi32, #tpu.memory_space<hbm>>) dst(%arg6 : memref<80x128xi32, #tpu.memory_space<vmem>>)
      tpu.yield
    }) : () -> ()
    "tpu.region"() ({
      %run_scoped3A = tpu.sem_alloc : memref<!tpu.dma_semaphore, #tpu.memory_space<semaphore_mem>>
      tpu.enqueue_dma source(%arg3 : memref<128x128xf32, #tpu.memory_space<hbm>>) target(%arg7 : memref<128x128xf32, #tpu.memory_space<vmem>>) target_semaphore(%run_scoped3A : memref<!tpu.dma_semaphore, #tpu.memory_space<semaphore_mem>>)
      tpu.wait_dma2 semaphore(%run_scoped3A : memref<!tpu.dma_semaphore, #tpu.memory_space<semaphore_mem>>) src(%arg3 : memref<128x128xf32, #tpu.memory_space<hbm>>) dst(%arg7 : memref<128x128xf32, #tpu.memory_space<vmem>>)
      tpu.yield
    }) : () -> ()
    %add3A_3 = arith.constant 0 : i32
    %add3A_4 = arith.addi %mul3A_2, %add3A_3 : i32
    "tpu.region"() ({
      %run_scoped3A = tpu.sem_alloc : memref<!tpu.dma_semaphore, #tpu.memory_space<semaphore_mem>>
      %dma_start3A = arith.constant 0 : i32
      %dma_start3A_19 = tpu.memref_slice %arg8[%add3A_4, %dma_start3A] : memref<10112x128xf32, #tpu.memory_space<vmem_shared>> -> memref<128x128xf32, #tpu.memory_space<vmem_shared>>
      %dma_start3A_20 = arith.constant 0 : i32
      %dma_start3A_21 = tpu.memref_slice %arg8[%add3A_4, %dma_start3A_20] : memref<10112x128xf32, #tpu.memory_space<vmem_shared>> -> memref<128x128xf32, #tpu.memory_space<vmem_shared>>
      tpu.enqueue_dma source(%arg7 : memref<128x128xf32, #tpu.memory_space<vmem>>) target(%dma_start3A_21 : memref<128x128xf32, #tpu.memory_space<vmem_shared>>) target_semaphore(%run_scoped3A : memref<!tpu.dma_semaphore, #tpu.memory_space<semaphore_mem>>)
      %dma_wait3A = arith.constant 0 : i32
      %dma_wait3A_22 = tpu.memref_slice %arg8[%add3A_4, %dma_wait3A] : memref<10112x128xf32, #tpu.memory_space<vmem_shared>> -> memref<128x128xf32, #tpu.memory_space<vmem_shared>>
      %dma_wait3A_23 = arith.constant 0 : i32
      %dma_wait3A_24 = tpu.memref_slice %arg8[%add3A_4, %dma_wait3A_23] : memref<10112x128xf32, #tpu.memory_space<vmem_shared>> -> memref<128x128xf32, #tpu.memory_space<vmem_shared>>
      tpu.wait_dma2 semaphore(%run_scoped3A : memref<!tpu.dma_semaphore, #tpu.memory_space<semaphore_mem>>) src(%arg7 : memref<128x128xf32, #tpu.memory_space<vmem>>) dst(%dma_wait3A_24 : memref<128x128xf32, #tpu.memory_space<vmem_shared>>)
      tpu.yield
    }) : () -> ()
    %add3A_5 = arith.constant 128 : i32
    %add3A_6 = arith.addi %mul3A_2, %add3A_5 : i32
    "tpu.region"() ({
      %run_scoped3A = tpu.sem_alloc : memref<!tpu.dma_semaphore, #tpu.memory_space<semaphore_mem>>
      %dma_start3A = arith.constant 0 : i32
      %dma_start3A_19 = tpu.memref_slice %arg8[%add3A_6, %dma_start3A] : memref<10112x128xf32, #tpu.memory_space<vmem_shared>> -> memref<128x128xf32, #tpu.memory_space<vmem_shared>>
      %dma_start3A_20 = arith.constant 0 : i32
      %dma_start3A_21 = tpu.memref_slice %arg8[%add3A_6, %dma_start3A_20] : memref<10112x128xf32, #tpu.memory_space<vmem_shared>> -> memref<128x128xf32, #tpu.memory_space<vmem_shared>>
      tpu.enqueue_dma source(%arg7 : memref<128x128xf32, #tpu.memory_space<vmem>>) target(%dma_start3A_21 : memref<128x128xf32, #tpu.memory_space<vmem_shared>>) target_semaphore(%run_scoped3A : memref<!tpu.dma_semaphore, #tpu.memory_space<semaphore_mem>>)
      %dma_wait3A = arith.constant 0 : i32
      %dma_wait3A_22 = tpu.memref_slice %arg8[%add3A_6, %dma_wait3A] : memref<10112x128xf32, #tpu.memory_space<vmem_shared>> -> memref<128x128xf32, #tpu.memory_space<vmem_shared>>
      %dma_wait3A_23 = arith.constant 0 : i32
      %dma_wait3A_24 = tpu.memref_slice %arg8[%add3A_6, %dma_wait3A_23] : memref<10112x128xf32, #tpu.memory_space<vmem_shared>> -> memref<128x128xf32, #tpu.memory_space<vmem_shared>>
      tpu.wait_dma2 semaphore(%run_scoped3A : memref<!tpu.dma_semaphore, #tpu.memory_space<semaphore_mem>>) src(%arg7 : memref<128x128xf32, #tpu.memory_space<vmem>>) dst(%dma_wait3A_24 : memref<128x128xf32, #tpu.memory_space<vmem_shared>>)
      tpu.yield
    }) : () -> ()
    %add3A_7 = arith.constant 256 : i32
    %add3A_8 = arith.addi %mul3A_2, %add3A_7 : i32
    "tpu.region"() ({
      %run_scoped3A = tpu.sem_alloc : memref<!tpu.dma_semaphore, #tpu.memory_space<semaphore_mem>>
      %dma_start3A = arith.constant 0 : i32
      %dma_start3A_19 = tpu.memref_slice %arg8[%add3A_8, %dma_start3A] : memref<10112x128xf32, #tpu.memory_space<vmem_shared>> -> memref<128x128xf32, #tpu.memory_space<vmem_shared>>
      %dma_start3A_20 = arith.constant 0 : i32
      %dma_start3A_21 = tpu.memref_slice %arg8[%add3A_8, %dma_start3A_20] : memref<10112x128xf32, #tpu.memory_space<vmem_shared>> -> memref<128x128xf32, #tpu.memory_space<vmem_shared>>
      tpu.enqueue_dma source(%arg7 : memref<128x128xf32, #tpu.memory_space<vmem>>) target(%dma_start3A_21 : memref<128x128xf32, #tpu.memory_space<vmem_shared>>) target_semaphore(%run_scoped3A : memref<!tpu.dma_semaphore, #tpu.memory_space<semaphore_mem>>)
      %dma_wait3A = arith.constant 0 : i32
      %dma_wait3A_22 = tpu.memref_slice %arg8[%add3A_8, %dma_wait3A] : memref<10112x128xf32, #tpu.memory_space<vmem_shared>> -> memref<128x128xf32, #tpu.memory_space<vmem_shared>>
      %dma_wait3A_23 = arith.constant 0 : i32
      %dma_wait3A_24 = tpu.memref_slice %arg8[%add3A_8, %dma_wait3A_23] : memref<10112x128xf32, #tpu.memory_space<vmem_shared>> -> memref<128x128xf32, #tpu.memory_space<vmem_shared>>
      tpu.wait_dma2 semaphore(%run_scoped3A : memref<!tpu.dma_semaphore, #tpu.memory_space<semaphore_mem>>) src(%arg7 : memref<128x128xf32, #tpu.memory_space<vmem>>) dst(%dma_wait3A_24 : memref<128x128xf32, #tpu.memory_space<vmem_shared>>)
      tpu.yield
    }) : () -> ()
    %add3A_9 = arith.constant 384 : i32
    %add3A_10 = arith.addi %mul3A_2, %add3A_9 : i32
    "tpu.region"() ({
      %run_scoped3A = tpu.sem_alloc : memref<!tpu.dma_semaphore, #tpu.memory_space<semaphore_mem>>
      %dma_start3A = arith.constant 0 : i32
      %dma_start3A_19 = tpu.memref_slice %arg8[%add3A_10, %dma_start3A] : memref<10112x128xf32, #tpu.memory_space<vmem_shared>> -> memref<128x128xf32, #tpu.memory_space<vmem_shared>>
      %dma_start3A_20 = arith.constant 0 : i32
      %dma_start3A_21 = tpu.memref_slice %arg8[%add3A_10, %dma_start3A_20] : memref<10112x128xf32, #tpu.memory_space<vmem_shared>> -> memref<128x128xf32, #tpu.memory_space<vmem_shared>>
      tpu.enqueue_dma source(%arg7 : memref<128x128xf32, #tpu.memory_space<vmem>>) target(%dma_start3A_21 : memref<128x128xf32, #tpu.memory_space<vmem_shared>>) target_semaphore(%run_scoped3A : memref<!tpu.dma_semaphore, #tpu.memory_space<semaphore_mem>>)
      %dma_wait3A = arith.constant 0 : i32
      %dma_wait3A_22 = tpu.memref_slice %arg8[%add3A_10, %dma_wait3A] : memref<10112x128xf32, #tpu.memory_space<vmem_shared>> -> memref<128x128xf32, #tpu.memory_space<vmem_shared>>
      %dma_wait3A_23 = arith.constant 0 : i32
      %dma_wait3A_24 = tpu.memref_slice %arg8[%add3A_10, %dma_wait3A_23] : memref<10112x128xf32, #tpu.memory_space<vmem_shared>> -> memref<128x128xf32, #tpu.memory_space<vmem_shared>>
      tpu.wait_dma2 semaphore(%run_scoped3A : memref<!tpu.dma_semaphore, #tpu.memory_space<semaphore_mem>>) src(%arg7 : memref<128x128xf32, #tpu.memory_space<vmem>>) dst(%dma_wait3A_24 : memref<128x128xf32, #tpu.memory_space<vmem_shared>>)
      tpu.yield
    }) : () -> ()
    %add3A_11 = arith.constant 512 : i32
    %add3A_12 = arith.addi %mul3A_2, %add3A_11 : i32
    "tpu.region"() ({
      %run_scoped3A = tpu.sem_alloc : memref<!tpu.dma_semaphore, #tpu.memory_space<semaphore_mem>>
      %dma_start3A = arith.constant 0 : i32
      %dma_start3A_19 = arith.constant 0 : i32
      %dma_start3A_20 = tpu.memref_slice %arg7[%dma_start3A, %dma_start3A_19] : memref<128x128xf32, #tpu.memory_space<vmem>> -> memref<120x128xf32, #tpu.memory_space<vmem>>
      %dma_start3A_21 = arith.constant 0 : i32
      %dma_start3A_22 = tpu.memref_slice %arg8[%add3A_12, %dma_start3A_21] : memref<10112x128xf32, #tpu.memory_space<vmem_shared>> -> memref<120x128xf32, #tpu.memory_space<vmem_shared>>
      %dma_start3A_23 = arith.constant 0 : i32
      %dma_start3A_24 = tpu.memref_slice %arg8[%add3A_12, %dma_start3A_23] : memref<10112x128xf32, #tpu.memory_space<vmem_shared>> -> memref<120x128xf32, #tpu.memory_space<vmem_shared>>
      %dma_start3A_25 = arith.constant 0 : i32
      %dma_start3A_26 = arith.constant 0 : i32
      %dma_start3A_27 = tpu.memref_slice %arg7[%dma_start3A_25, %dma_start3A_26] : memref<128x128xf32, #tpu.memory_space<vmem>> -> memref<120x128xf32, #tpu.memory_space<vmem>>
      tpu.enqueue_dma source(%dma_start3A_27 : memref<120x128xf32, #tpu.memory_space<vmem>>) target(%dma_start3A_24 : memref<120x128xf32, #tpu.memory_space<vmem_shared>>) target_semaphore(%run_scoped3A : memref<!tpu.dma_semaphore, #tpu.memory_space<semaphore_mem>>)
      %dma_wait3A = arith.constant 0 : i32
      %dma_wait3A_28 = arith.constant 0 : i32
      %dma_wait3A_29 = tpu.memref_slice %arg7[%dma_wait3A, %dma_wait3A_28] : memref<128x128xf32, #tpu.memory_space<vmem>> -> memref<120x128xf32, #tpu.memory_space<vmem>>
      %dma_wait3A_30 = arith.constant 0 : i32
      %dma_wait3A_31 = tpu.memref_slice %arg8[%add3A_12, %dma_wait3A_30] : memref<10112x128xf32, #tpu.memory_space<vmem_shared>> -> memref<120x128xf32, #tpu.memory_space<vmem_shared>>
      %dma_wait3A_32 = arith.constant 0 : i32
      %dma_wait3A_33 = tpu.memref_slice %arg8[%add3A_12, %dma_wait3A_32] : memref<10112x128xf32, #tpu.memory_space<vmem_shared>> -> memref<120x128xf32, #tpu.memory_space<vmem_shared>>
      %dma_wait3A_34 = arith.constant 0 : i32
      %dma_wait3A_35 = arith.constant 0 : i32
      %dma_wait3A_36 = tpu.memref_slice %arg7[%dma_wait3A_34, %dma_wait3A_35] : memref<128x128xf32, #tpu.memory_space<vmem>> -> memref<120x128xf32, #tpu.memory_space<vmem>>
      tpu.wait_dma2 semaphore(%run_scoped3A : memref<!tpu.dma_semaphore, #tpu.memory_space<semaphore_mem>>) src(%dma_wait3A_36 : memref<120x128xf32, #tpu.memory_space<vmem>>) dst(%dma_wait3A_33 : memref<120x128xf32, #tpu.memory_space<vmem_shared>>)
      tpu.yield
    }) : () -> ()
    "tpu.region"() ({
      %run_scoped3A = tpu.sem_alloc : memref<!tpu.dma_semaphore, #tpu.memory_space<semaphore_mem>>
      tpu.enqueue_dma source(%arg4 : memref<128x128xf32, #tpu.memory_space<hbm>>) target(%arg7 : memref<128x128xf32, #tpu.memory_space<vmem>>) target_semaphore(%run_scoped3A : memref<!tpu.dma_semaphore, #tpu.memory_space<semaphore_mem>>)
      tpu.wait_dma2 semaphore(%run_scoped3A : memref<!tpu.dma_semaphore, #tpu.memory_space<semaphore_mem>>) src(%arg4 : memref<128x128xf32, #tpu.memory_space<hbm>>) dst(%arg7 : memref<128x128xf32, #tpu.memory_space<vmem>>)
      tpu.yield
    }) : () -> ()
    %barrier3A = arith.constant 0 : index
    tpu.barrier barrier_id(%barrier3A)
    %scan3A = arith.constant 0 : i32
    %scan3A_13 = arith.constant 0 : i32
    %scan3A_14 = arith.constant 80 : i32
    %scan3A_15 = arith.addi %scan3A_13, %scan3A_14 : i32
    %scan3A_16 = arith.constant 1 : i32
    scf.for %scan3A_19 = %scan3A_13 to %scan3A_15 step %scan3A_16  : i32 {
      "tpu.region"() ({
        %run_scoped3A = tpu.sem_alloc : memref<!tpu.dma_semaphore, #tpu.memory_space<semaphore_mem>>
        %dma_start3A = arith.constant 0 : i32
        %dma_start3A_20 = tpu.memref_slice %arg6[%scan3A_19, %dma_start3A] : memref<80x128xi32, #tpu.memory_space<vmem>> -> memref<1x128xi32, #tpu.memory_space<vmem>>
        %dma_start3A_21 = tpu.memref_squeeze %dma_start3A_20 : memref<1x128xi32, #tpu.memory_space<vmem>> -> memref<128xi32, #tpu.memory_space<vmem>>
        %dma_start3A_22 = arith.constant 0 : i32
        %dma_start3A_23 = arith.constant 0 : i32
        %dma_start3A_24 = tpu.memref_slice %arg8[%dma_start3A_22, %dma_start3A_23] : memref<10112x128xf32, #tpu.memory_space<vmem_shared>> -> memref<10112x128xf32, #tpu.memory_space<vmem_shared>>
        tpu.enqueue_indirect_dma source(%arg7 : memref<128x128xf32, #tpu.memory_space<vmem>>) target(%dma_start3A_24 : memref<10112x128xf32, #tpu.memory_space<vmem_shared>>) offsets(%dma_start3A_21 : memref<128xi32, #tpu.memory_space<vmem>>) semaphore(%run_scoped3A : memref<!tpu.dma_semaphore, #tpu.memory_space<semaphore_mem>>) {add = true}
        %dma_wait3A = arith.constant 0 : i32
        %dma_wait3A_25 = tpu.memref_slice %arg6[%scan3A_19, %dma_wait3A] : memref<80x128xi32, #tpu.memory_space<vmem>> -> memref<1x128xi32, #tpu.memory_space<vmem>>
        %dma_wait3A_26 = tpu.memref_squeeze %dma_wait3A_25 : memref<1x128xi32, #tpu.memory_space<vmem>> -> memref<128xi32, #tpu.memory_space<vmem>>
        %dma_wait3A_27 = arith.constant 0 : i32
        %dma_wait3A_28 = arith.constant 0 : i32
        %dma_wait3A_29 = tpu.memref_slice %arg8[%dma_wait3A_27, %dma_wait3A_28] : memref<10112x128xf32, #tpu.memory_space<vmem_shared>> -> memref<10112x128xf32, #tpu.memory_space<vmem_shared>>
        tpu.wait_indirect_dma semaphore(%run_scoped3A : memref<!tpu.dma_semaphore, #tpu.memory_space<semaphore_mem>>) src(%arg7 : memref<128x128xf32, #tpu.memory_space<vmem>>) dst(%dma_wait3A_29 : memref<10112x128xf32, #tpu.memory_space<vmem_shared>>)
        tpu.yield
      }) : () -> ()
    }
    %scan3A_17 = arith.constant 80 : i32
    %barrier3A_18 = arith.constant 0 : index
    tpu.barrier barrier_id(%barrier3A_18)
    "tpu.region"() ({
      %run_scoped3A = tpu.sem_alloc : memref<!tpu.dma_semaphore, #tpu.memory_space<semaphore_mem>>
      %dma_start3A = arith.constant 0 : i32
      %dma_start3A_19 = tpu.memref_slice %arg5[%arg0, %mul3A_2, %dma_start3A] : memref<2x10112x128xf32, #tpu.memory_space<hbm>> -> memref<1x632x128xf32, #tpu.memory_space<hbm>>
      %dma_start3A_20 = tpu.memref_squeeze %dma_start3A_19 : memref<1x632x128xf32, #tpu.memory_space<hbm>> -> memref<632x128xf32, #tpu.memory_space<hbm>>
      %dma_start3A_21 = arith.constant 0 : i32
      %dma_start3A_22 = tpu.memref_slice %arg8[%mul3A_2, %dma_start3A_21] : memref<10112x128xf32, #tpu.memory_space<vmem_shared>> -> memref<632x128xf32, #tpu.memory_space<vmem_shared>>
      tpu.enqueue_dma source(%dma_start3A_22 : memref<632x128xf32, #tpu.memory_space<vmem_shared>>) target(%dma_start3A_20 : memref<632x128xf32, #tpu.memory_space<hbm>>) target_semaphore(%run_scoped3A : memref<!tpu.dma_semaphore, #tpu.memory_space<semaphore_mem>>)
      %dma_wait3A = arith.constant 0 : i32
      %dma_wait3A_23 = tpu.memref_slice %arg5[%arg0, %mul3A_2, %dma_wait3A] : memref<2x10112x128xf32, #tpu.memory_space<hbm>> -> memref<1x632x128xf32, #tpu.memory_space<hbm>>
      %dma_wait3A_24 = tpu.memref_squeeze %dma_wait3A_23 : memref<1x632x128xf32, #tpu.memory_space<hbm>> -> memref<632x128xf32, #tpu.memory_space<hbm>>
      %dma_wait3A_25 = arith.constant 0 : i32
      %dma_wait3A_26 = tpu.memref_slice %arg8[%mul3A_2, %dma_wait3A_25] : memref<10112x128xf32, #tpu.memory_space<vmem_shared>> -> memref<632x128xf32, #tpu.memory_space<vmem_shared>>
      tpu.wait_dma2 semaphore(%run_scoped3A : memref<!tpu.dma_semaphore, #tpu.memory_space<semaphore_mem>>) src(%dma_wait3A_26 : memref<632x128xf32, #tpu.memory_space<vmem_shared>>) dst(%dma_wait3A_24 : memref<632x128xf32, #tpu.memory_space<hbm>>)
      tpu.yield
    }) : () -> ()
    return
  }
}

#map = affine_map<(d0, d1) -> (0, 0)>
#map1 = affine_map<(d0, d1) -> (0, 0, 0)>
module attributes {stable_mosaic.version = 14 : i64} {
  func.func @_agg_kernel(%arg0: i32, %arg1: i32, %arg2: memref<10000x128xf32, #tpu.memory_space<hbm>>, %arg3: memref<32x80x128xi32, #tpu.memory_space<hbm>>, %arg4: memref<32x80x128xi32, #tpu.memory_space<hbm>>, %arg5: memref<128x128xf32, #tpu.memory_space<hbm>>, %arg6: memref<2x10112x128xf32, #tpu.memory_space<hbm>>, %arg7: memref<40x128xi32, #tpu.memory_space<vmem>>, %arg8: memref<40x128xi32, #tpu.memory_space<vmem>>, %arg9: memref<128x128xf32, #tpu.memory_space<vmem>>, %arg10: memref<128x128xf32, #tpu.memory_space<vmem>>, %arg11: memref<10112x128xf32, #tpu.memory_space<vmem_shared>>, %arg12: memref<!tpu.dma_semaphore, #tpu.memory_space<semaphore_mem>>, %arg13: memref<!tpu.dma_semaphore, #tpu.memory_space<semaphore_mem>>) attributes {dimension_semantics = [#tpu.dimension_semantics<core_parallel>, #tpu.dimension_semantics<subcore_parallel>], iteration_bounds = array<i64: 2, 16>, scalar_prefetch = 0 : i64, scratch_operands = 7 : i64, tpu.core_type = #tpu.core_type<sc_vector_subcore>, window_params = [{transform_indices = #map}, {transform_indices = #map1}, {transform_indices = #map1}, {transform_indices = #map}, {transform_indices = #map1}]} {
    %mul3A = arith.constant 2 : i32
    %mul3A_0 = arith.muli %arg1, %mul3A : i32
    %add3A = arith.addi %mul3A_0, %arg0 : i32
    %mul3A_1 = arith.constant 632 : i32
    %mul3A_2 = arith.muli %arg1, %mul3A_1 : i32
    "tpu.region"() ({
      %run_scoped3A_186 = tpu.sem_alloc : memref<!tpu.dma_semaphore, #tpu.memory_space<semaphore_mem>>
      tpu.enqueue_dma source(%arg5 : memref<128x128xf32, #tpu.memory_space<hbm>>) target(%arg9 : memref<128x128xf32, #tpu.memory_space<vmem>>) target_semaphore(%run_scoped3A_186 : memref<!tpu.dma_semaphore, #tpu.memory_space<semaphore_mem>>)
      tpu.wait_dma2 semaphore(%run_scoped3A_186 : memref<!tpu.dma_semaphore, #tpu.memory_space<semaphore_mem>>) src(%arg5 : memref<128x128xf32, #tpu.memory_space<hbm>>) dst(%arg9 : memref<128x128xf32, #tpu.memory_space<vmem>>)
      tpu.yield
    }) : () -> ()
    %add3A_3 = arith.constant 0 : i32
    %add3A_4 = arith.addi %mul3A_2, %add3A_3 : i32
    "tpu.region"() ({
      %run_scoped3A_186 = tpu.sem_alloc : memref<!tpu.dma_semaphore, #tpu.memory_space<semaphore_mem>>
      %dma_start3A_187 = arith.constant 0 : i32
      %dma_start3A_188 = tpu.memref_slice %arg11[%add3A_4, %dma_start3A_187] : memref<10112x128xf32, #tpu.memory_space<vmem_shared>> -> memref<128x128xf32, #tpu.memory_space<vmem_shared>>
      %dma_start3A_189 = arith.constant 0 : i32
      %dma_start3A_190 = tpu.memref_slice %arg11[%add3A_4, %dma_start3A_189] : memref<10112x128xf32, #tpu.memory_space<vmem_shared>> -> memref<128x128xf32, #tpu.memory_space<vmem_shared>>
      tpu.enqueue_dma source(%arg9 : memref<128x128xf32, #tpu.memory_space<vmem>>) target(%dma_start3A_190 : memref<128x128xf32, #tpu.memory_space<vmem_shared>>) target_semaphore(%run_scoped3A_186 : memref<!tpu.dma_semaphore, #tpu.memory_space<semaphore_mem>>)
      %dma_wait3A_191 = arith.constant 0 : i32
      %dma_wait3A_192 = tpu.memref_slice %arg11[%add3A_4, %dma_wait3A_191] : memref<10112x128xf32, #tpu.memory_space<vmem_shared>> -> memref<128x128xf32, #tpu.memory_space<vmem_shared>>
      %dma_wait3A_193 = arith.constant 0 : i32
      %dma_wait3A_194 = tpu.memref_slice %arg11[%add3A_4, %dma_wait3A_193] : memref<10112x128xf32, #tpu.memory_space<vmem_shared>> -> memref<128x128xf32, #tpu.memory_space<vmem_shared>>
      tpu.wait_dma2 semaphore(%run_scoped3A_186 : memref<!tpu.dma_semaphore, #tpu.memory_space<semaphore_mem>>) src(%arg9 : memref<128x128xf32, #tpu.memory_space<vmem>>) dst(%dma_wait3A_194 : memref<128x128xf32, #tpu.memory_space<vmem_shared>>)
      tpu.yield
    }) : () -> ()
    %add3A_5 = arith.constant 128 : i32
    %add3A_6 = arith.addi %mul3A_2, %add3A_5 : i32
    "tpu.region"() ({
      %run_scoped3A_186 = tpu.sem_alloc : memref<!tpu.dma_semaphore, #tpu.memory_space<semaphore_mem>>
      %dma_start3A_187 = arith.constant 0 : i32
      %dma_start3A_188 = tpu.memref_slice %arg11[%add3A_6, %dma_start3A_187] : memref<10112x128xf32, #tpu.memory_space<vmem_shared>> -> memref<128x128xf32, #tpu.memory_space<vmem_shared>>
      %dma_start3A_189 = arith.constant 0 : i32
      %dma_start3A_190 = tpu.memref_slice %arg11[%add3A_6, %dma_start3A_189] : memref<10112x128xf32, #tpu.memory_space<vmem_shared>> -> memref<128x128xf32, #tpu.memory_space<vmem_shared>>
      tpu.enqueue_dma source(%arg9 : memref<128x128xf32, #tpu.memory_space<vmem>>) target(%dma_start3A_190 : memref<128x128xf32, #tpu.memory_space<vmem_shared>>) target_semaphore(%run_scoped3A_186 : memref<!tpu.dma_semaphore, #tpu.memory_space<semaphore_mem>>)
      %dma_wait3A_191 = arith.constant 0 : i32
      %dma_wait3A_192 = tpu.memref_slice %arg11[%add3A_6, %dma_wait3A_191] : memref<10112x128xf32, #tpu.memory_space<vmem_shared>> -> memref<128x128xf32, #tpu.memory_space<vmem_shared>>
      %dma_wait3A_193 = arith.constant 0 : i32
      %dma_wait3A_194 = tpu.memref_slice %arg11[%add3A_6, %dma_wait3A_193] : memref<10112x128xf32, #tpu.memory_space<vmem_shared>> -> memref<128x128xf32, #tpu.memory_space<vmem_shared>>
      tpu.wait_dma2 semaphore(%run_scoped3A_186 : memref<!tpu.dma_semaphore, #tpu.memory_space<semaphore_mem>>) src(%arg9 : memref<128x128xf32, #tpu.memory_space<vmem>>) dst(%dma_wait3A_194 : memref<128x128xf32, #tpu.memory_space<vmem_shared>>)
      tpu.yield
    }) : () -> ()
    %add3A_7 = arith.constant 256 : i32
    %add3A_8 = arith.addi %mul3A_2, %add3A_7 : i32
    "tpu.region"() ({
      %run_scoped3A_186 = tpu.sem_alloc : memref<!tpu.dma_semaphore, #tpu.memory_space<semaphore_mem>>
      %dma_start3A_187 = arith.constant 0 : i32
      %dma_start3A_188 = tpu.memref_slice %arg11[%add3A_8, %dma_start3A_187] : memref<10112x128xf32, #tpu.memory_space<vmem_shared>> -> memref<128x128xf32, #tpu.memory_space<vmem_shared>>
      %dma_start3A_189 = arith.constant 0 : i32
      %dma_start3A_190 = tpu.memref_slice %arg11[%add3A_8, %dma_start3A_189] : memref<10112x128xf32, #tpu.memory_space<vmem_shared>> -> memref<128x128xf32, #tpu.memory_space<vmem_shared>>
      tpu.enqueue_dma source(%arg9 : memref<128x128xf32, #tpu.memory_space<vmem>>) target(%dma_start3A_190 : memref<128x128xf32, #tpu.memory_space<vmem_shared>>) target_semaphore(%run_scoped3A_186 : memref<!tpu.dma_semaphore, #tpu.memory_space<semaphore_mem>>)
      %dma_wait3A_191 = arith.constant 0 : i32
      %dma_wait3A_192 = tpu.memref_slice %arg11[%add3A_8, %dma_wait3A_191] : memref<10112x128xf32, #tpu.memory_space<vmem_shared>> -> memref<128x128xf32, #tpu.memory_space<vmem_shared>>
      %dma_wait3A_193 = arith.constant 0 : i32
      %dma_wait3A_194 = tpu.memref_slice %arg11[%add3A_8, %dma_wait3A_193] : memref<10112x128xf32, #tpu.memory_space<vmem_shared>> -> memref<128x128xf32, #tpu.memory_space<vmem_shared>>
      tpu.wait_dma2 semaphore(%run_scoped3A_186 : memref<!tpu.dma_semaphore, #tpu.memory_space<semaphore_mem>>) src(%arg9 : memref<128x128xf32, #tpu.memory_space<vmem>>) dst(%dma_wait3A_194 : memref<128x128xf32, #tpu.memory_space<vmem_shared>>)
      tpu.yield
    }) : () -> ()
    %add3A_9 = arith.constant 384 : i32
    %add3A_10 = arith.addi %mul3A_2, %add3A_9 : i32
    "tpu.region"() ({
      %run_scoped3A_186 = tpu.sem_alloc : memref<!tpu.dma_semaphore, #tpu.memory_space<semaphore_mem>>
      %dma_start3A_187 = arith.constant 0 : i32
      %dma_start3A_188 = tpu.memref_slice %arg11[%add3A_10, %dma_start3A_187] : memref<10112x128xf32, #tpu.memory_space<vmem_shared>> -> memref<128x128xf32, #tpu.memory_space<vmem_shared>>
      %dma_start3A_189 = arith.constant 0 : i32
      %dma_start3A_190 = tpu.memref_slice %arg11[%add3A_10, %dma_start3A_189] : memref<10112x128xf32, #tpu.memory_space<vmem_shared>> -> memref<128x128xf32, #tpu.memory_space<vmem_shared>>
      tpu.enqueue_dma source(%arg9 : memref<128x128xf32, #tpu.memory_space<vmem>>) target(%dma_start3A_190 : memref<128x128xf32, #tpu.memory_space<vmem_shared>>) target_semaphore(%run_scoped3A_186 : memref<!tpu.dma_semaphore, #tpu.memory_space<semaphore_mem>>)
      %dma_wait3A_191 = arith.constant 0 : i32
      %dma_wait3A_192 = tpu.memref_slice %arg11[%add3A_10, %dma_wait3A_191] : memref<10112x128xf32, #tpu.memory_space<vmem_shared>> -> memref<128x128xf32, #tpu.memory_space<vmem_shared>>
      %dma_wait3A_193 = arith.constant 0 : i32
      %dma_wait3A_194 = tpu.memref_slice %arg11[%add3A_10, %dma_wait3A_193] : memref<10112x128xf32, #tpu.memory_space<vmem_shared>> -> memref<128x128xf32, #tpu.memory_space<vmem_shared>>
      tpu.wait_dma2 semaphore(%run_scoped3A_186 : memref<!tpu.dma_semaphore, #tpu.memory_space<semaphore_mem>>) src(%arg9 : memref<128x128xf32, #tpu.memory_space<vmem>>) dst(%dma_wait3A_194 : memref<128x128xf32, #tpu.memory_space<vmem_shared>>)
      tpu.yield
    }) : () -> ()
    %add3A_11 = arith.constant 512 : i32
    %add3A_12 = arith.addi %mul3A_2, %add3A_11 : i32
    "tpu.region"() ({
      %run_scoped3A_186 = tpu.sem_alloc : memref<!tpu.dma_semaphore, #tpu.memory_space<semaphore_mem>>
      %dma_start3A_187 = arith.constant 0 : i32
      %dma_start3A_188 = arith.constant 0 : i32
      %dma_start3A_189 = tpu.memref_slice %arg9[%dma_start3A_187, %dma_start3A_188] : memref<128x128xf32, #tpu.memory_space<vmem>> -> memref<120x128xf32, #tpu.memory_space<vmem>>
      %dma_start3A_190 = arith.constant 0 : i32
      %dma_start3A_191 = tpu.memref_slice %arg11[%add3A_12, %dma_start3A_190] : memref<10112x128xf32, #tpu.memory_space<vmem_shared>> -> memref<120x128xf32, #tpu.memory_space<vmem_shared>>
      %dma_start3A_192 = arith.constant 0 : i32
      %dma_start3A_193 = tpu.memref_slice %arg11[%add3A_12, %dma_start3A_192] : memref<10112x128xf32, #tpu.memory_space<vmem_shared>> -> memref<120x128xf32, #tpu.memory_space<vmem_shared>>
      %dma_start3A_194 = arith.constant 0 : i32
      %dma_start3A_195 = arith.constant 0 : i32
      %dma_start3A_196 = tpu.memref_slice %arg9[%dma_start3A_194, %dma_start3A_195] : memref<128x128xf32, #tpu.memory_space<vmem>> -> memref<120x128xf32, #tpu.memory_space<vmem>>
      tpu.enqueue_dma source(%dma_start3A_196 : memref<120x128xf32, #tpu.memory_space<vmem>>) target(%dma_start3A_193 : memref<120x128xf32, #tpu.memory_space<vmem_shared>>) target_semaphore(%run_scoped3A_186 : memref<!tpu.dma_semaphore, #tpu.memory_space<semaphore_mem>>)
      %dma_wait3A_197 = arith.constant 0 : i32
      %dma_wait3A_198 = arith.constant 0 : i32
      %dma_wait3A_199 = tpu.memref_slice %arg9[%dma_wait3A_197, %dma_wait3A_198] : memref<128x128xf32, #tpu.memory_space<vmem>> -> memref<120x128xf32, #tpu.memory_space<vmem>>
      %dma_wait3A_200 = arith.constant 0 : i32
      %dma_wait3A_201 = tpu.memref_slice %arg11[%add3A_12, %dma_wait3A_200] : memref<10112x128xf32, #tpu.memory_space<vmem_shared>> -> memref<120x128xf32, #tpu.memory_space<vmem_shared>>
      %dma_wait3A_202 = arith.constant 0 : i32
      %dma_wait3A_203 = tpu.memref_slice %arg11[%add3A_12, %dma_wait3A_202] : memref<10112x128xf32, #tpu.memory_space<vmem_shared>> -> memref<120x128xf32, #tpu.memory_space<vmem_shared>>
      %dma_wait3A_204 = arith.constant 0 : i32
      %dma_wait3A_205 = arith.constant 0 : i32
      %dma_wait3A_206 = tpu.memref_slice %arg9[%dma_wait3A_204, %dma_wait3A_205] : memref<128x128xf32, #tpu.memory_space<vmem>> -> memref<120x128xf32, #tpu.memory_space<vmem>>
      tpu.wait_dma2 semaphore(%run_scoped3A_186 : memref<!tpu.dma_semaphore, #tpu.memory_space<semaphore_mem>>) src(%dma_wait3A_206 : memref<120x128xf32, #tpu.memory_space<vmem>>) dst(%dma_wait3A_203 : memref<120x128xf32, #tpu.memory_space<vmem_shared>>)
      tpu.yield
    }) : () -> ()
    %barrier3A = arith.constant 0 : index
    tpu.barrier barrier_id(%barrier3A)
    "tpu.region"() ({
      %run_scoped3A_186 = tpu.sem_alloc : memref<!tpu.dma_semaphore, #tpu.memory_space<semaphore_mem>>
      %dma_start3A_187 = arith.constant 0 : i32
      %dma_start3A_188 = arith.constant 0 : i32
      %dma_start3A_189 = tpu.memref_slice %arg3[%add3A, %dma_start3A_187, %dma_start3A_188] : memref<32x80x128xi32, #tpu.memory_space<hbm>> -> memref<1x40x128xi32, #tpu.memory_space<hbm>>
      %dma_start3A_190 = tpu.memref_squeeze %dma_start3A_189 : memref<1x40x128xi32, #tpu.memory_space<hbm>> -> memref<40x128xi32, #tpu.memory_space<hbm>>
      %dma_start3A_191 = arith.constant 0 : i32
      %dma_start3A_192 = arith.constant 0 : i32
      %dma_start3A_193 = tpu.memref_slice %arg3[%add3A, %dma_start3A_191, %dma_start3A_192] : memref<32x80x128xi32, #tpu.memory_space<hbm>> -> memref<1x40x128xi32, #tpu.memory_space<hbm>>
      %dma_start3A_194 = tpu.memref_squeeze %dma_start3A_193 : memref<1x40x128xi32, #tpu.memory_space<hbm>> -> memref<40x128xi32, #tpu.memory_space<hbm>>
      tpu.enqueue_dma source(%dma_start3A_194 : memref<40x128xi32, #tpu.memory_space<hbm>>) target(%arg7 : memref<40x128xi32, #tpu.memory_space<vmem>>) target_semaphore(%run_scoped3A_186 : memref<!tpu.dma_semaphore, #tpu.memory_space<semaphore_mem>>)
      %dma_wait3A_195 = arith.constant 0 : i32
      %dma_wait3A_196 = arith.constant 0 : i32
      %dma_wait3A_197 = tpu.memref_slice %arg3[%add3A, %dma_wait3A_195, %dma_wait3A_196] : memref<32x80x128xi32, #tpu.memory_space<hbm>> -> memref<1x40x128xi32, #tpu.memory_space<hbm>>
      %dma_wait3A_198 = tpu.memref_squeeze %dma_wait3A_197 : memref<1x40x128xi32, #tpu.memory_space<hbm>> -> memref<40x128xi32, #tpu.memory_space<hbm>>
      %dma_wait3A_199 = arith.constant 0 : i32
      %dma_wait3A_200 = arith.constant 0 : i32
      %dma_wait3A_201 = tpu.memref_slice %arg3[%add3A, %dma_wait3A_199, %dma_wait3A_200] : memref<32x80x128xi32, #tpu.memory_space<hbm>> -> memref<1x40x128xi32, #tpu.memory_space<hbm>>
      %dma_wait3A_202 = tpu.memref_squeeze %dma_wait3A_201 : memref<1x40x128xi32, #tpu.memory_space<hbm>> -> memref<40x128xi32, #tpu.memory_space<hbm>>
      tpu.wait_dma2 semaphore(%run_scoped3A_186 : memref<!tpu.dma_semaphore, #tpu.memory_space<semaphore_mem>>) src(%dma_wait3A_202 : memref<40x128xi32, #tpu.memory_space<hbm>>) dst(%arg7 : memref<40x128xi32, #tpu.memory_space<vmem>>)
      tpu.yield
    }) : () -> ()
    "tpu.region"() ({
      %run_scoped3A_186 = tpu.sem_alloc : memref<!tpu.dma_semaphore, #tpu.memory_space<semaphore_mem>>
      %dma_start3A_187 = arith.constant 0 : i32
      %dma_start3A_188 = arith.constant 0 : i32
      %dma_start3A_189 = tpu.memref_slice %arg4[%add3A, %dma_start3A_187, %dma_start3A_188] : memref<32x80x128xi32, #tpu.memory_space<hbm>> -> memref<1x40x128xi32, #tpu.memory_space<hbm>>
      %dma_start3A_190 = tpu.memref_squeeze %dma_start3A_189 : memref<1x40x128xi32, #tpu.memory_space<hbm>> -> memref<40x128xi32, #tpu.memory_space<hbm>>
      %dma_start3A_191 = arith.constant 0 : i32
      %dma_start3A_192 = arith.constant 0 : i32
      %dma_start3A_193 = tpu.memref_slice %arg4[%add3A, %dma_start3A_191, %dma_start3A_192] : memref<32x80x128xi32, #tpu.memory_space<hbm>> -> memref<1x40x128xi32, #tpu.memory_space<hbm>>
      %dma_start3A_194 = tpu.memref_squeeze %dma_start3A_193 : memref<1x40x128xi32, #tpu.memory_space<hbm>> -> memref<40x128xi32, #tpu.memory_space<hbm>>
      tpu.enqueue_dma source(%dma_start3A_194 : memref<40x128xi32, #tpu.memory_space<hbm>>) target(%arg8 : memref<40x128xi32, #tpu.memory_space<vmem>>) target_semaphore(%run_scoped3A_186 : memref<!tpu.dma_semaphore, #tpu.memory_space<semaphore_mem>>)
      %dma_wait3A_195 = arith.constant 0 : i32
      %dma_wait3A_196 = arith.constant 0 : i32
      %dma_wait3A_197 = tpu.memref_slice %arg4[%add3A, %dma_wait3A_195, %dma_wait3A_196] : memref<32x80x128xi32, #tpu.memory_space<hbm>> -> memref<1x40x128xi32, #tpu.memory_space<hbm>>
      %dma_wait3A_198 = tpu.memref_squeeze %dma_wait3A_197 : memref<1x40x128xi32, #tpu.memory_space<hbm>> -> memref<40x128xi32, #tpu.memory_space<hbm>>
      %dma_wait3A_199 = arith.constant 0 : i32
      %dma_wait3A_200 = arith.constant 0 : i32
      %dma_wait3A_201 = tpu.memref_slice %arg4[%add3A, %dma_wait3A_199, %dma_wait3A_200] : memref<32x80x128xi32, #tpu.memory_space<hbm>> -> memref<1x40x128xi32, #tpu.memory_space<hbm>>
      %dma_wait3A_202 = tpu.memref_squeeze %dma_wait3A_201 : memref<1x40x128xi32, #tpu.memory_space<hbm>> -> memref<40x128xi32, #tpu.memory_space<hbm>>
      tpu.wait_dma2 semaphore(%run_scoped3A_186 : memref<!tpu.dma_semaphore, #tpu.memory_space<semaphore_mem>>) src(%dma_wait3A_202 : memref<40x128xi32, #tpu.memory_space<hbm>>) dst(%arg8 : memref<40x128xi32, #tpu.memory_space<vmem>>)
      tpu.yield
    }) : () -> ()
    %dma_start3A = arith.constant 0 : i32
    %dma_start3A_13 = arith.constant 0 : i32
    %dma_start3A_14 = arith.constant 0 : i32
    %dma_start3A_15 = tpu.memref_slice %arg9[%dma_start3A_13, %dma_start3A_14] : memref<128x128xf32, #tpu.memory_space<vmem>> -> memref<64x128xf32, #tpu.memory_space<vmem>>
    %dma_start3A_16 = arith.constant 0 : i32
    %dma_start3A_17 = tpu.memref_slice %arg7[%dma_start3A, %dma_start3A_16] : memref<40x128xi32, #tpu.memory_space<vmem>> -> memref<1x64xi32, #tpu.memory_space<vmem>>
    %dma_start3A_18 = tpu.memref_squeeze %dma_start3A_17 : memref<1x64xi32, #tpu.memory_space<vmem>> -> memref<64xi32, #tpu.memory_space<vmem>>
    %dma_start3A_19 = arith.constant 0 : i32
    %dma_start3A_20 = arith.constant 0 : i32
    %dma_start3A_21 = tpu.memref_slice %arg2[%dma_start3A_19, %dma_start3A_20] : memref<10000x128xf32, #tpu.memory_space<hbm>> -> memref<10000x128xf32, #tpu.memory_space<hbm>>
    tpu.enqueue_indirect_dma source(%dma_start3A_21 : memref<10000x128xf32, #tpu.memory_space<hbm>>) target(%dma_start3A_15 : memref<64x128xf32, #tpu.memory_space<vmem>>) offsets(%dma_start3A_18 : memref<64xi32, #tpu.memory_space<vmem>>) semaphore(%arg12 : memref<!tpu.dma_semaphore, #tpu.memory_space<semaphore_mem>>)
    %dma_start3A_22 = arith.constant 0 : i32
    %dma_start3A_23 = arith.constant 64 : i32
    %dma_start3A_24 = arith.constant 0 : i32
    %dma_start3A_25 = tpu.memref_slice %arg9[%dma_start3A_23, %dma_start3A_24] : memref<128x128xf32, #tpu.memory_space<vmem>> -> memref<64x128xf32, #tpu.memory_space<vmem>>
    %dma_start3A_26 = arith.constant 64 : i32
    %dma_start3A_27 = tpu.memref_slice %arg7[%dma_start3A_22, %dma_start3A_26] : memref<40x128xi32, #tpu.memory_space<vmem>> -> memref<1x64xi32, #tpu.memory_space<vmem>>
    %dma_start3A_28 = tpu.memref_squeeze %dma_start3A_27 : memref<1x64xi32, #tpu.memory_space<vmem>> -> memref<64xi32, #tpu.memory_space<vmem>>
    %dma_start3A_29 = arith.constant 0 : i32
    %dma_start3A_30 = arith.constant 0 : i32
    %dma_start3A_31 = tpu.memref_slice %arg2[%dma_start3A_29, %dma_start3A_30] : memref<10000x128xf32, #tpu.memory_space<hbm>> -> memref<10000x128xf32, #tpu.memory_space<hbm>>
    tpu.enqueue_indirect_dma source(%dma_start3A_31 : memref<10000x128xf32, #tpu.memory_space<hbm>>) target(%dma_start3A_25 : memref<64x128xf32, #tpu.memory_space<vmem>>) offsets(%dma_start3A_28 : memref<64xi32, #tpu.memory_space<vmem>>) semaphore(%arg12 : memref<!tpu.dma_semaphore, #tpu.memory_space<semaphore_mem>>)
    %dma_start3A_32 = arith.constant 1 : i32
    %dma_start3A_33 = arith.constant 0 : i32
    %dma_start3A_34 = arith.constant 0 : i32
    %dma_start3A_35 = tpu.memref_slice %arg10[%dma_start3A_33, %dma_start3A_34] : memref<128x128xf32, #tpu.memory_space<vmem>> -> memref<64x128xf32, #tpu.memory_space<vmem>>
    %dma_start3A_36 = arith.constant 0 : i32
    %dma_start3A_37 = tpu.memref_slice %arg7[%dma_start3A_32, %dma_start3A_36] : memref<40x128xi32, #tpu.memory_space<vmem>> -> memref<1x64xi32, #tpu.memory_space<vmem>>
    %dma_start3A_38 = tpu.memref_squeeze %dma_start3A_37 : memref<1x64xi32, #tpu.memory_space<vmem>> -> memref<64xi32, #tpu.memory_space<vmem>>
    %dma_start3A_39 = arith.constant 0 : i32
    %dma_start3A_40 = arith.constant 0 : i32
    %dma_start3A_41 = tpu.memref_slice %arg2[%dma_start3A_39, %dma_start3A_40] : memref<10000x128xf32, #tpu.memory_space<hbm>> -> memref<10000x128xf32, #tpu.memory_space<hbm>>
    tpu.enqueue_indirect_dma source(%dma_start3A_41 : memref<10000x128xf32, #tpu.memory_space<hbm>>) target(%dma_start3A_35 : memref<64x128xf32, #tpu.memory_space<vmem>>) offsets(%dma_start3A_38 : memref<64xi32, #tpu.memory_space<vmem>>) semaphore(%arg13 : memref<!tpu.dma_semaphore, #tpu.memory_space<semaphore_mem>>)
    %dma_start3A_42 = arith.constant 1 : i32
    %dma_start3A_43 = arith.constant 64 : i32
    %dma_start3A_44 = arith.constant 0 : i32
    %dma_start3A_45 = tpu.memref_slice %arg10[%dma_start3A_43, %dma_start3A_44] : memref<128x128xf32, #tpu.memory_space<vmem>> -> memref<64x128xf32, #tpu.memory_space<vmem>>
    %dma_start3A_46 = arith.constant 64 : i32
    %dma_start3A_47 = tpu.memref_slice %arg7[%dma_start3A_42, %dma_start3A_46] : memref<40x128xi32, #tpu.memory_space<vmem>> -> memref<1x64xi32, #tpu.memory_space<vmem>>
    %dma_start3A_48 = tpu.memref_squeeze %dma_start3A_47 : memref<1x64xi32, #tpu.memory_space<vmem>> -> memref<64xi32, #tpu.memory_space<vmem>>
    %dma_start3A_49 = arith.constant 0 : i32
    %dma_start3A_50 = arith.constant 0 : i32
    %dma_start3A_51 = tpu.memref_slice %arg2[%dma_start3A_49, %dma_start3A_50] : memref<10000x128xf32, #tpu.memory_space<hbm>> -> memref<10000x128xf32, #tpu.memory_space<hbm>>
    tpu.enqueue_indirect_dma source(%dma_start3A_51 : memref<10000x128xf32, #tpu.memory_space<hbm>>) target(%dma_start3A_45 : memref<64x128xf32, #tpu.memory_space<vmem>>) offsets(%dma_start3A_48 : memref<64xi32, #tpu.memory_space<vmem>>) semaphore(%arg13 : memref<!tpu.dma_semaphore, #tpu.memory_space<semaphore_mem>>)
    %scan3A = arith.constant 0 : i32
    %scan3A_52 = arith.constant 0 : i32
    %scan3A_53 = arith.constant 19 : i32
    %scan3A_54 = arith.addi %scan3A_52, %scan3A_53 : i32
    %scan3A_55 = arith.constant 1 : i32
    scf.for %scan3A_186 = %scan3A_52 to %scan3A_54 step %scan3A_55  : i32 {
      %mul3A_187 = arith.constant 2 : i32
      %mul3A_188 = arith.muli %mul3A_187, %scan3A_186 : i32
      %dma_wait3A_189 = arith.constant 0 : i32
      %dma_wait3A_190 = arith.constant 0 : i32
      %dma_wait3A_191 = tpu.memref_slice %arg9[%dma_wait3A_189, %dma_wait3A_190] : memref<128x128xf32, #tpu.memory_space<vmem>> -> memref<64x128xf32, #tpu.memory_space<vmem>>
      %dma_wait3A_192 = arith.constant 0 : i32
      %dma_wait3A_193 = tpu.memref_slice %arg7[%mul3A_188, %dma_wait3A_192] : memref<40x128xi32, #tpu.memory_space<vmem>> -> memref<1x64xi32, #tpu.memory_space<vmem>>
      %dma_wait3A_194 = tpu.memref_squeeze %dma_wait3A_193 : memref<1x64xi32, #tpu.memory_space<vmem>> -> memref<64xi32, #tpu.memory_space<vmem>>
      %dma_wait3A_195 = arith.constant 0 : i32
      %dma_wait3A_196 = arith.constant 0 : i32
      %dma_wait3A_197 = tpu.memref_slice %arg2[%dma_wait3A_195, %dma_wait3A_196] : memref<10000x128xf32, #tpu.memory_space<hbm>> -> memref<10000x128xf32, #tpu.memory_space<hbm>>
      tpu.wait_indirect_dma semaphore(%arg12 : memref<!tpu.dma_semaphore, #tpu.memory_space<semaphore_mem>>) src(%dma_wait3A_197 : memref<10000x128xf32, #tpu.memory_space<hbm>>) dst(%dma_wait3A_191 : memref<64x128xf32, #tpu.memory_space<vmem>>)
      %dma_wait3A_198 = arith.constant 64 : i32
      %dma_wait3A_199 = arith.constant 0 : i32
      %dma_wait3A_200 = tpu.memref_slice %arg9[%dma_wait3A_198, %dma_wait3A_199] : memref<128x128xf32, #tpu.memory_space<vmem>> -> memref<64x128xf32, #tpu.memory_space<vmem>>
      %dma_wait3A_201 = arith.constant 64 : i32
      %dma_wait3A_202 = tpu.memref_slice %arg7[%mul3A_188, %dma_wait3A_201] : memref<40x128xi32, #tpu.memory_space<vmem>> -> memref<1x64xi32, #tpu.memory_space<vmem>>
      %dma_wait3A_203 = tpu.memref_squeeze %dma_wait3A_202 : memref<1x64xi32, #tpu.memory_space<vmem>> -> memref<64xi32, #tpu.memory_space<vmem>>
      %dma_wait3A_204 = arith.constant 0 : i32
      %dma_wait3A_205 = arith.constant 0 : i32
      %dma_wait3A_206 = tpu.memref_slice %arg2[%dma_wait3A_204, %dma_wait3A_205] : memref<10000x128xf32, #tpu.memory_space<hbm>> -> memref<10000x128xf32, #tpu.memory_space<hbm>>
      tpu.wait_indirect_dma semaphore(%arg12 : memref<!tpu.dma_semaphore, #tpu.memory_space<semaphore_mem>>) src(%dma_wait3A_206 : memref<10000x128xf32, #tpu.memory_space<hbm>>) dst(%dma_wait3A_200 : memref<64x128xf32, #tpu.memory_space<vmem>>)
      "tpu.region"() ({
        %run_scoped3A_269 = tpu.sem_alloc : memref<!tpu.dma_semaphore, #tpu.memory_space<semaphore_mem>>
        %dma_start3A_270 = arith.constant 0 : i32
        %dma_start3A_271 = tpu.memref_slice %arg8[%mul3A_188, %dma_start3A_270] : memref<40x128xi32, #tpu.memory_space<vmem>> -> memref<1x128xi32, #tpu.memory_space<vmem>>
        %dma_start3A_272 = tpu.memref_squeeze %dma_start3A_271 : memref<1x128xi32, #tpu.memory_space<vmem>> -> memref<128xi32, #tpu.memory_space<vmem>>
        %dma_start3A_273 = arith.constant 0 : i32
        %dma_start3A_274 = arith.constant 0 : i32
        %dma_start3A_275 = tpu.memref_slice %arg11[%dma_start3A_273, %dma_start3A_274] : memref<10112x128xf32, #tpu.memory_space<vmem_shared>> -> memref<10112x128xf32, #tpu.memory_space<vmem_shared>>
        tpu.enqueue_indirect_dma source(%arg9 : memref<128x128xf32, #tpu.memory_space<vmem>>) target(%dma_start3A_275 : memref<10112x128xf32, #tpu.memory_space<vmem_shared>>) offsets(%dma_start3A_272 : memref<128xi32, #tpu.memory_space<vmem>>) semaphore(%run_scoped3A_269 : memref<!tpu.dma_semaphore, #tpu.memory_space<semaphore_mem>>) {add = true}
        %dma_wait3A_276 = arith.constant 0 : i32
        %dma_wait3A_277 = tpu.memref_slice %arg8[%mul3A_188, %dma_wait3A_276] : memref<40x128xi32, #tpu.memory_space<vmem>> -> memref<1x128xi32, #tpu.memory_space<vmem>>
        %dma_wait3A_278 = tpu.memref_squeeze %dma_wait3A_277 : memref<1x128xi32, #tpu.memory_space<vmem>> -> memref<128xi32, #tpu.memory_space<vmem>>
        %dma_wait3A_279 = arith.constant 0 : i32
        %dma_wait3A_280 = arith.constant 0 : i32
        %dma_wait3A_281 = tpu.memref_slice %arg11[%dma_wait3A_279, %dma_wait3A_280] : memref<10112x128xf32, #tpu.memory_space<vmem_shared>> -> memref<10112x128xf32, #tpu.memory_space<vmem_shared>>
        tpu.wait_indirect_dma semaphore(%run_scoped3A_269 : memref<!tpu.dma_semaphore, #tpu.memory_space<semaphore_mem>>) src(%arg9 : memref<128x128xf32, #tpu.memory_space<vmem>>) dst(%dma_wait3A_281 : memref<10112x128xf32, #tpu.memory_space<vmem_shared>>)
        tpu.yield
      }) : () -> ()
      %add3A_207 = arith.constant 2 : i32
      %add3A_208 = arith.addi %mul3A_188, %add3A_207 : i32
      %dma_start3A_209 = arith.constant 0 : i32
      %dma_start3A_210 = arith.constant 0 : i32
      %dma_start3A_211 = tpu.memref_slice %arg9[%dma_start3A_209, %dma_start3A_210] : memref<128x128xf32, #tpu.memory_space<vmem>> -> memref<64x128xf32, #tpu.memory_space<vmem>>
      %dma_start3A_212 = arith.constant 0 : i32
      %dma_start3A_213 = tpu.memref_slice %arg7[%add3A_208, %dma_start3A_212] : memref<40x128xi32, #tpu.memory_space<vmem>> -> memref<1x64xi32, #tpu.memory_space<vmem>>
      %dma_start3A_214 = tpu.memref_squeeze %dma_start3A_213 : memref<1x64xi32, #tpu.memory_space<vmem>> -> memref<64xi32, #tpu.memory_space<vmem>>
      %dma_start3A_215 = arith.constant 0 : i32
      %dma_start3A_216 = arith.constant 0 : i32
      %dma_start3A_217 = tpu.memref_slice %arg2[%dma_start3A_215, %dma_start3A_216] : memref<10000x128xf32, #tpu.memory_space<hbm>> -> memref<10000x128xf32, #tpu.memory_space<hbm>>
      tpu.enqueue_indirect_dma source(%dma_start3A_217 : memref<10000x128xf32, #tpu.memory_space<hbm>>) target(%dma_start3A_211 : memref<64x128xf32, #tpu.memory_space<vmem>>) offsets(%dma_start3A_214 : memref<64xi32, #tpu.memory_space<vmem>>) semaphore(%arg12 : memref<!tpu.dma_semaphore, #tpu.memory_space<semaphore_mem>>)
      %dma_start3A_218 = arith.constant 64 : i32
      %dma_start3A_219 = arith.constant 0 : i32
      %dma_start3A_220 = tpu.memref_slice %arg9[%dma_start3A_218, %dma_start3A_219] : memref<128x128xf32, #tpu.memory_space<vmem>> -> memref<64x128xf32, #tpu.memory_space<vmem>>
      %dma_start3A_221 = arith.constant 64 : i32
      %dma_start3A_222 = tpu.memref_slice %arg7[%add3A_208, %dma_start3A_221] : memref<40x128xi32, #tpu.memory_space<vmem>> -> memref<1x64xi32, #tpu.memory_space<vmem>>
      %dma_start3A_223 = tpu.memref_squeeze %dma_start3A_222 : memref<1x64xi32, #tpu.memory_space<vmem>> -> memref<64xi32, #tpu.memory_space<vmem>>
      %dma_start3A_224 = arith.constant 0 : i32
      %dma_start3A_225 = arith.constant 0 : i32
      %dma_start3A_226 = tpu.memref_slice %arg2[%dma_start3A_224, %dma_start3A_225] : memref<10000x128xf32, #tpu.memory_space<hbm>> -> memref<10000x128xf32, #tpu.memory_space<hbm>>
      tpu.enqueue_indirect_dma source(%dma_start3A_226 : memref<10000x128xf32, #tpu.memory_space<hbm>>) target(%dma_start3A_220 : memref<64x128xf32, #tpu.memory_space<vmem>>) offsets(%dma_start3A_223 : memref<64xi32, #tpu.memory_space<vmem>>) semaphore(%arg12 : memref<!tpu.dma_semaphore, #tpu.memory_space<semaphore_mem>>)
      %add3A_227 = arith.constant 1 : i32
      %add3A_228 = arith.addi %mul3A_188, %add3A_227 : i32
      %dma_wait3A_229 = arith.constant 0 : i32
      %dma_wait3A_230 = arith.constant 0 : i32
      %dma_wait3A_231 = tpu.memref_slice %arg10[%dma_wait3A_229, %dma_wait3A_230] : memref<128x128xf32, #tpu.memory_space<vmem>> -> memref<64x128xf32, #tpu.memory_space<vmem>>
      %dma_wait3A_232 = arith.constant 0 : i32
      %dma_wait3A_233 = tpu.memref_slice %arg7[%add3A_228, %dma_wait3A_232] : memref<40x128xi32, #tpu.memory_space<vmem>> -> memref<1x64xi32, #tpu.memory_space<vmem>>
      %dma_wait3A_234 = tpu.memref_squeeze %dma_wait3A_233 : memref<1x64xi32, #tpu.memory_space<vmem>> -> memref<64xi32, #tpu.memory_space<vmem>>
      %dma_wait3A_235 = arith.constant 0 : i32
      %dma_wait3A_236 = arith.constant 0 : i32
      %dma_wait3A_237 = tpu.memref_slice %arg2[%dma_wait3A_235, %dma_wait3A_236] : memref<10000x128xf32, #tpu.memory_space<hbm>> -> memref<10000x128xf32, #tpu.memory_space<hbm>>
      tpu.wait_indirect_dma semaphore(%arg13 : memref<!tpu.dma_semaphore, #tpu.memory_space<semaphore_mem>>) src(%dma_wait3A_237 : memref<10000x128xf32, #tpu.memory_space<hbm>>) dst(%dma_wait3A_231 : memref<64x128xf32, #tpu.memory_space<vmem>>)
      %dma_wait3A_238 = arith.constant 64 : i32
      %dma_wait3A_239 = arith.constant 0 : i32
      %dma_wait3A_240 = tpu.memref_slice %arg10[%dma_wait3A_238, %dma_wait3A_239] : memref<128x128xf32, #tpu.memory_space<vmem>> -> memref<64x128xf32, #tpu.memory_space<vmem>>
      %dma_wait3A_241 = arith.constant 64 : i32
      %dma_wait3A_242 = tpu.memref_slice %arg7[%add3A_228, %dma_wait3A_241] : memref<40x128xi32, #tpu.memory_space<vmem>> -> memref<1x64xi32, #tpu.memory_space<vmem>>
      %dma_wait3A_243 = tpu.memref_squeeze %dma_wait3A_242 : memref<1x64xi32, #tpu.memory_space<vmem>> -> memref<64xi32, #tpu.memory_space<vmem>>
      %dma_wait3A_244 = arith.constant 0 : i32
      %dma_wait3A_245 = arith.constant 0 : i32
      %dma_wait3A_246 = tpu.memref_slice %arg2[%dma_wait3A_244, %dma_wait3A_245] : memref<10000x128xf32, #tpu.memory_space<hbm>> -> memref<10000x128xf32, #tpu.memory_space<hbm>>
      tpu.wait_indirect_dma semaphore(%arg13 : memref<!tpu.dma_semaphore, #tpu.memory_space<semaphore_mem>>) src(%dma_wait3A_246 : memref<10000x128xf32, #tpu.memory_space<hbm>>) dst(%dma_wait3A_240 : memref<64x128xf32, #tpu.memory_space<vmem>>)
      %add3A_247 = arith.constant 1 : i32
      %add3A_248 = arith.addi %mul3A_188, %add3A_247 : i32
      "tpu.region"() ({
        %run_scoped3A_269 = tpu.sem_alloc : memref<!tpu.dma_semaphore, #tpu.memory_space<semaphore_mem>>
        %dma_start3A_270 = arith.constant 0 : i32
        %dma_start3A_271 = tpu.memref_slice %arg8[%add3A_248, %dma_start3A_270] : memref<40x128xi32, #tpu.memory_space<vmem>> -> memref<1x128xi32, #tpu.memory_space<vmem>>
        %dma_start3A_272 = tpu.memref_squeeze %dma_start3A_271 : memref<1x128xi32, #tpu.memory_space<vmem>> -> memref<128xi32, #tpu.memory_space<vmem>>
        %dma_start3A_273 = arith.constant 0 : i32
        %dma_start3A_274 = arith.constant 0 : i32
        %dma_start3A_275 = tpu.memref_slice %arg11[%dma_start3A_273, %dma_start3A_274] : memref<10112x128xf32, #tpu.memory_space<vmem_shared>> -> memref<10112x128xf32, #tpu.memory_space<vmem_shared>>
        tpu.enqueue_indirect_dma source(%arg10 : memref<128x128xf32, #tpu.memory_space<vmem>>) target(%dma_start3A_275 : memref<10112x128xf32, #tpu.memory_space<vmem_shared>>) offsets(%dma_start3A_272 : memref<128xi32, #tpu.memory_space<vmem>>) semaphore(%run_scoped3A_269 : memref<!tpu.dma_semaphore, #tpu.memory_space<semaphore_mem>>) {add = true}
        %dma_wait3A_276 = arith.constant 0 : i32
        %dma_wait3A_277 = tpu.memref_slice %arg8[%add3A_248, %dma_wait3A_276] : memref<40x128xi32, #tpu.memory_space<vmem>> -> memref<1x128xi32, #tpu.memory_space<vmem>>
        %dma_wait3A_278 = tpu.memref_squeeze %dma_wait3A_277 : memref<1x128xi32, #tpu.memory_space<vmem>> -> memref<128xi32, #tpu.memory_space<vmem>>
        %dma_wait3A_279 = arith.constant 0 : i32
        %dma_wait3A_280 = arith.constant 0 : i32
        %dma_wait3A_281 = tpu.memref_slice %arg11[%dma_wait3A_279, %dma_wait3A_280] : memref<10112x128xf32, #tpu.memory_space<vmem_shared>> -> memref<10112x128xf32, #tpu.memory_space<vmem_shared>>
        tpu.wait_indirect_dma semaphore(%run_scoped3A_269 : memref<!tpu.dma_semaphore, #tpu.memory_space<semaphore_mem>>) src(%arg10 : memref<128x128xf32, #tpu.memory_space<vmem>>) dst(%dma_wait3A_281 : memref<10112x128xf32, #tpu.memory_space<vmem_shared>>)
        tpu.yield
      }) : () -> ()
      %add3A_249 = arith.constant 3 : i32
      %add3A_250 = arith.addi %mul3A_188, %add3A_249 : i32
      %dma_start3A_251 = arith.constant 0 : i32
      %dma_start3A_252 = arith.constant 0 : i32
      %dma_start3A_253 = tpu.memref_slice %arg10[%dma_start3A_251, %dma_start3A_252] : memref<128x128xf32, #tpu.memory_space<vmem>> -> memref<64x128xf32, #tpu.memory_space<vmem>>
      %dma_start3A_254 = arith.constant 0 : i32
      %dma_start3A_255 = tpu.memref_slice %arg7[%add3A_250, %dma_start3A_254] : memref<40x128xi32, #tpu.memory_space<vmem>> -> memref<1x64xi32, #tpu.memory_space<vmem>>
      %dma_start3A_256 = tpu.memref_squeeze %dma_start3A_255 : memref<1x64xi32, #tpu.memory_space<vmem>> -> memref<64xi32, #tpu.memory_space<vmem>>
      %dma_start3A_257 = arith.constant 0 : i32
      %dma_start3A_258 = arith.constant 0 : i32
      %dma_start3A_259 = tpu.memref_slice %arg2[%dma_start3A_257, %dma_start3A_258] : memref<10000x128xf32, #tpu.memory_space<hbm>> -> memref<10000x128xf32, #tpu.memory_space<hbm>>
      tpu.enqueue_indirect_dma source(%dma_start3A_259 : memref<10000x128xf32, #tpu.memory_space<hbm>>) target(%dma_start3A_253 : memref<64x128xf32, #tpu.memory_space<vmem>>) offsets(%dma_start3A_256 : memref<64xi32, #tpu.memory_space<vmem>>) semaphore(%arg13 : memref<!tpu.dma_semaphore, #tpu.memory_space<semaphore_mem>>)
      %dma_start3A_260 = arith.constant 64 : i32
      %dma_start3A_261 = arith.constant 0 : i32
      %dma_start3A_262 = tpu.memref_slice %arg10[%dma_start3A_260, %dma_start3A_261] : memref<128x128xf32, #tpu.memory_space<vmem>> -> memref<64x128xf32, #tpu.memory_space<vmem>>
      %dma_start3A_263 = arith.constant 64 : i32
      %dma_start3A_264 = tpu.memref_slice %arg7[%add3A_250, %dma_start3A_263] : memref<40x128xi32, #tpu.memory_space<vmem>> -> memref<1x64xi32, #tpu.memory_space<vmem>>
      %dma_start3A_265 = tpu.memref_squeeze %dma_start3A_264 : memref<1x64xi32, #tpu.memory_space<vmem>> -> memref<64xi32, #tpu.memory_space<vmem>>
      %dma_start3A_266 = arith.constant 0 : i32
      %dma_start3A_267 = arith.constant 0 : i32
      %dma_start3A_268 = tpu.memref_slice %arg2[%dma_start3A_266, %dma_start3A_267] : memref<10000x128xf32, #tpu.memory_space<hbm>> -> memref<10000x128xf32, #tpu.memory_space<hbm>>
      tpu.enqueue_indirect_dma source(%dma_start3A_268 : memref<10000x128xf32, #tpu.memory_space<hbm>>) target(%dma_start3A_262 : memref<64x128xf32, #tpu.memory_space<vmem>>) offsets(%dma_start3A_265 : memref<64xi32, #tpu.memory_space<vmem>>) semaphore(%arg13 : memref<!tpu.dma_semaphore, #tpu.memory_space<semaphore_mem>>)
    }
    %scan3A_56 = arith.constant 19 : i32
    %dma_wait3A = arith.constant 38 : i32
    %dma_wait3A_57 = arith.constant 0 : i32
    %dma_wait3A_58 = arith.constant 0 : i32
    %dma_wait3A_59 = tpu.memref_slice %arg9[%dma_wait3A_57, %dma_wait3A_58] : memref<128x128xf32, #tpu.memory_space<vmem>> -> memref<64x128xf32, #tpu.memory_space<vmem>>
    %dma_wait3A_60 = arith.constant 0 : i32
    %dma_wait3A_61 = tpu.memref_slice %arg7[%dma_wait3A, %dma_wait3A_60] : memref<40x128xi32, #tpu.memory_space<vmem>> -> memref<1x64xi32, #tpu.memory_space<vmem>>
    %dma_wait3A_62 = tpu.memref_squeeze %dma_wait3A_61 : memref<1x64xi32, #tpu.memory_space<vmem>> -> memref<64xi32, #tpu.memory_space<vmem>>
    %dma_wait3A_63 = arith.constant 0 : i32
    %dma_wait3A_64 = arith.constant 0 : i32
    %dma_wait3A_65 = tpu.memref_slice %arg2[%dma_wait3A_63, %dma_wait3A_64] : memref<10000x128xf32, #tpu.memory_space<hbm>> -> memref<10000x128xf32, #tpu.memory_space<hbm>>
    tpu.wait_indirect_dma semaphore(%arg12 : memref<!tpu.dma_semaphore, #tpu.memory_space<semaphore_mem>>) src(%dma_wait3A_65 : memref<10000x128xf32, #tpu.memory_space<hbm>>) dst(%dma_wait3A_59 : memref<64x128xf32, #tpu.memory_space<vmem>>)
    %dma_wait3A_66 = arith.constant 38 : i32
    %dma_wait3A_67 = arith.constant 64 : i32
    %dma_wait3A_68 = arith.constant 0 : i32
    %dma_wait3A_69 = tpu.memref_slice %arg9[%dma_wait3A_67, %dma_wait3A_68] : memref<128x128xf32, #tpu.memory_space<vmem>> -> memref<64x128xf32, #tpu.memory_space<vmem>>
    %dma_wait3A_70 = arith.constant 64 : i32
    %dma_wait3A_71 = tpu.memref_slice %arg7[%dma_wait3A_66, %dma_wait3A_70] : memref<40x128xi32, #tpu.memory_space<vmem>> -> memref<1x64xi32, #tpu.memory_space<vmem>>
    %dma_wait3A_72 = tpu.memref_squeeze %dma_wait3A_71 : memref<1x64xi32, #tpu.memory_space<vmem>> -> memref<64xi32, #tpu.memory_space<vmem>>
    %dma_wait3A_73 = arith.constant 0 : i32
    %dma_wait3A_74 = arith.constant 0 : i32
    %dma_wait3A_75 = tpu.memref_slice %arg2[%dma_wait3A_73, %dma_wait3A_74] : memref<10000x128xf32, #tpu.memory_space<hbm>> -> memref<10000x128xf32, #tpu.memory_space<hbm>>
    tpu.wait_indirect_dma semaphore(%arg12 : memref<!tpu.dma_semaphore, #tpu.memory_space<semaphore_mem>>) src(%dma_wait3A_75 : memref<10000x128xf32, #tpu.memory_space<hbm>>) dst(%dma_wait3A_69 : memref<64x128xf32, #tpu.memory_space<vmem>>)
    %run_scoped3A = arith.constant 38 : i32
    "tpu.region"() ({
      %run_scoped3A_186 = tpu.sem_alloc : memref<!tpu.dma_semaphore, #tpu.memory_space<semaphore_mem>>
      %dma_start3A_187 = arith.constant 0 : i32
      %dma_start3A_188 = tpu.memref_slice %arg8[%run_scoped3A, %dma_start3A_187] : memref<40x128xi32, #tpu.memory_space<vmem>> -> memref<1x128xi32, #tpu.memory_space<vmem>>
      %dma_start3A_189 = tpu.memref_squeeze %dma_start3A_188 : memref<1x128xi32, #tpu.memory_space<vmem>> -> memref<128xi32, #tpu.memory_space<vmem>>
      %dma_start3A_190 = arith.constant 0 : i32
      %dma_start3A_191 = arith.constant 0 : i32
      %dma_start3A_192 = tpu.memref_slice %arg11[%dma_start3A_190, %dma_start3A_191] : memref<10112x128xf32, #tpu.memory_space<vmem_shared>> -> memref<10112x128xf32, #tpu.memory_space<vmem_shared>>
      tpu.enqueue_indirect_dma source(%arg9 : memref<128x128xf32, #tpu.memory_space<vmem>>) target(%dma_start3A_192 : memref<10112x128xf32, #tpu.memory_space<vmem_shared>>) offsets(%dma_start3A_189 : memref<128xi32, #tpu.memory_space<vmem>>) semaphore(%run_scoped3A_186 : memref<!tpu.dma_semaphore, #tpu.memory_space<semaphore_mem>>) {add = true}
      %dma_wait3A_193 = arith.constant 0 : i32
      %dma_wait3A_194 = tpu.memref_slice %arg8[%run_scoped3A, %dma_wait3A_193] : memref<40x128xi32, #tpu.memory_space<vmem>> -> memref<1x128xi32, #tpu.memory_space<vmem>>
      %dma_wait3A_195 = tpu.memref_squeeze %dma_wait3A_194 : memref<1x128xi32, #tpu.memory_space<vmem>> -> memref<128xi32, #tpu.memory_space<vmem>>
      %dma_wait3A_196 = arith.constant 0 : i32
      %dma_wait3A_197 = arith.constant 0 : i32
      %dma_wait3A_198 = tpu.memref_slice %arg11[%dma_wait3A_196, %dma_wait3A_197] : memref<10112x128xf32, #tpu.memory_space<vmem_shared>> -> memref<10112x128xf32, #tpu.memory_space<vmem_shared>>
      tpu.wait_indirect_dma semaphore(%run_scoped3A_186 : memref<!tpu.dma_semaphore, #tpu.memory_space<semaphore_mem>>) src(%arg9 : memref<128x128xf32, #tpu.memory_space<vmem>>) dst(%dma_wait3A_198 : memref<10112x128xf32, #tpu.memory_space<vmem_shared>>)
      tpu.yield
    }) : () -> ()
    %dma_wait3A_76 = arith.constant 39 : i32
    %dma_wait3A_77 = arith.constant 0 : i32
    %dma_wait3A_78 = arith.constant 0 : i32
    %dma_wait3A_79 = tpu.memref_slice %arg10[%dma_wait3A_77, %dma_wait3A_78] : memref<128x128xf32, #tpu.memory_space<vmem>> -> memref<64x128xf32, #tpu.memory_space<vmem>>
    %dma_wait3A_80 = arith.constant 0 : i32
    %dma_wait3A_81 = tpu.memref_slice %arg7[%dma_wait3A_76, %dma_wait3A_80] : memref<40x128xi32, #tpu.memory_space<vmem>> -> memref<1x64xi32, #tpu.memory_space<vmem>>
    %dma_wait3A_82 = tpu.memref_squeeze %dma_wait3A_81 : memref<1x64xi32, #tpu.memory_space<vmem>> -> memref<64xi32, #tpu.memory_space<vmem>>
    %dma_wait3A_83 = arith.constant 0 : i32
    %dma_wait3A_84 = arith.constant 0 : i32
    %dma_wait3A_85 = tpu.memref_slice %arg2[%dma_wait3A_83, %dma_wait3A_84] : memref<10000x128xf32, #tpu.memory_space<hbm>> -> memref<10000x128xf32, #tpu.memory_space<hbm>>
    tpu.wait_indirect_dma semaphore(%arg13 : memref<!tpu.dma_semaphore, #tpu.memory_space<semaphore_mem>>) src(%dma_wait3A_85 : memref<10000x128xf32, #tpu.memory_space<hbm>>) dst(%dma_wait3A_79 : memref<64x128xf32, #tpu.memory_space<vmem>>)
    %dma_wait3A_86 = arith.constant 39 : i32
    %dma_wait3A_87 = arith.constant 64 : i32
    %dma_wait3A_88 = arith.constant 0 : i32
    %dma_wait3A_89 = tpu.memref_slice %arg10[%dma_wait3A_87, %dma_wait3A_88] : memref<128x128xf32, #tpu.memory_space<vmem>> -> memref<64x128xf32, #tpu.memory_space<vmem>>
    %dma_wait3A_90 = arith.constant 64 : i32
    %dma_wait3A_91 = tpu.memref_slice %arg7[%dma_wait3A_86, %dma_wait3A_90] : memref<40x128xi32, #tpu.memory_space<vmem>> -> memref<1x64xi32, #tpu.memory_space<vmem>>
    %dma_wait3A_92 = tpu.memref_squeeze %dma_wait3A_91 : memref<1x64xi32, #tpu.memory_space<vmem>> -> memref<64xi32, #tpu.memory_space<vmem>>
    %dma_wait3A_93 = arith.constant 0 : i32
    %dma_wait3A_94 = arith.constant 0 : i32
    %dma_wait3A_95 = tpu.memref_slice %arg2[%dma_wait3A_93, %dma_wait3A_94] : memref<10000x128xf32, #tpu.memory_space<hbm>> -> memref<10000x128xf32, #tpu.memory_space<hbm>>
    tpu.wait_indirect_dma semaphore(%arg13 : memref<!tpu.dma_semaphore, #tpu.memory_space<semaphore_mem>>) src(%dma_wait3A_95 : memref<10000x128xf32, #tpu.memory_space<hbm>>) dst(%dma_wait3A_89 : memref<64x128xf32, #tpu.memory_space<vmem>>)
    %run_scoped3A_96 = arith.constant 39 : i32
    "tpu.region"() ({
      %run_scoped3A_186 = tpu.sem_alloc : memref<!tpu.dma_semaphore, #tpu.memory_space<semaphore_mem>>
      %dma_start3A_187 = arith.constant 0 : i32
      %dma_start3A_188 = tpu.memref_slice %arg8[%run_scoped3A_96, %dma_start3A_187] : memref<40x128xi32, #tpu.memory_space<vmem>> -> memref<1x128xi32, #tpu.memory_space<vmem>>
      %dma_start3A_189 = tpu.memref_squeeze %dma_start3A_188 : memref<1x128xi32, #tpu.memory_space<vmem>> -> memref<128xi32, #tpu.memory_space<vmem>>
      %dma_start3A_190 = arith.constant 0 : i32
      %dma_start3A_191 = arith.constant 0 : i32
      %dma_start3A_192 = tpu.memref_slice %arg11[%dma_start3A_190, %dma_start3A_191] : memref<10112x128xf32, #tpu.memory_space<vmem_shared>> -> memref<10112x128xf32, #tpu.memory_space<vmem_shared>>
      tpu.enqueue_indirect_dma source(%arg10 : memref<128x128xf32, #tpu.memory_space<vmem>>) target(%dma_start3A_192 : memref<10112x128xf32, #tpu.memory_space<vmem_shared>>) offsets(%dma_start3A_189 : memref<128xi32, #tpu.memory_space<vmem>>) semaphore(%run_scoped3A_186 : memref<!tpu.dma_semaphore, #tpu.memory_space<semaphore_mem>>) {add = true}
      %dma_wait3A_193 = arith.constant 0 : i32
      %dma_wait3A_194 = tpu.memref_slice %arg8[%run_scoped3A_96, %dma_wait3A_193] : memref<40x128xi32, #tpu.memory_space<vmem>> -> memref<1x128xi32, #tpu.memory_space<vmem>>
      %dma_wait3A_195 = tpu.memref_squeeze %dma_wait3A_194 : memref<1x128xi32, #tpu.memory_space<vmem>> -> memref<128xi32, #tpu.memory_space<vmem>>
      %dma_wait3A_196 = arith.constant 0 : i32
      %dma_wait3A_197 = arith.constant 0 : i32
      %dma_wait3A_198 = tpu.memref_slice %arg11[%dma_wait3A_196, %dma_wait3A_197] : memref<10112x128xf32, #tpu.memory_space<vmem_shared>> -> memref<10112x128xf32, #tpu.memory_space<vmem_shared>>
      tpu.wait_indirect_dma semaphore(%run_scoped3A_186 : memref<!tpu.dma_semaphore, #tpu.memory_space<semaphore_mem>>) src(%arg10 : memref<128x128xf32, #tpu.memory_space<vmem>>) dst(%dma_wait3A_198 : memref<10112x128xf32, #tpu.memory_space<vmem_shared>>)
      tpu.yield
    }) : () -> ()
    "tpu.region"() ({
      %run_scoped3A_186 = tpu.sem_alloc : memref<!tpu.dma_semaphore, #tpu.memory_space<semaphore_mem>>
      %dma_start3A_187 = arith.constant 40 : i32
      %dma_start3A_188 = arith.constant 0 : i32
      %dma_start3A_189 = tpu.memref_slice %arg3[%add3A, %dma_start3A_187, %dma_start3A_188] : memref<32x80x128xi32, #tpu.memory_space<hbm>> -> memref<1x40x128xi32, #tpu.memory_space<hbm>>
      %dma_start3A_190 = tpu.memref_squeeze %dma_start3A_189 : memref<1x40x128xi32, #tpu.memory_space<hbm>> -> memref<40x128xi32, #tpu.memory_space<hbm>>
      %dma_start3A_191 = arith.constant 40 : i32
      %dma_start3A_192 = arith.constant 0 : i32
      %dma_start3A_193 = tpu.memref_slice %arg3[%add3A, %dma_start3A_191, %dma_start3A_192] : memref<32x80x128xi32, #tpu.memory_space<hbm>> -> memref<1x40x128xi32, #tpu.memory_space<hbm>>
      %dma_start3A_194 = tpu.memref_squeeze %dma_start3A_193 : memref<1x40x128xi32, #tpu.memory_space<hbm>> -> memref<40x128xi32, #tpu.memory_space<hbm>>
      tpu.enqueue_dma source(%dma_start3A_194 : memref<40x128xi32, #tpu.memory_space<hbm>>) target(%arg7 : memref<40x128xi32, #tpu.memory_space<vmem>>) target_semaphore(%run_scoped3A_186 : memref<!tpu.dma_semaphore, #tpu.memory_space<semaphore_mem>>)
      %dma_wait3A_195 = arith.constant 40 : i32
      %dma_wait3A_196 = arith.constant 0 : i32
      %dma_wait3A_197 = tpu.memref_slice %arg3[%add3A, %dma_wait3A_195, %dma_wait3A_196] : memref<32x80x128xi32, #tpu.memory_space<hbm>> -> memref<1x40x128xi32, #tpu.memory_space<hbm>>
      %dma_wait3A_198 = tpu.memref_squeeze %dma_wait3A_197 : memref<1x40x128xi32, #tpu.memory_space<hbm>> -> memref<40x128xi32, #tpu.memory_space<hbm>>
      %dma_wait3A_199 = arith.constant 40 : i32
      %dma_wait3A_200 = arith.constant 0 : i32
      %dma_wait3A_201 = tpu.memref_slice %arg3[%add3A, %dma_wait3A_199, %dma_wait3A_200] : memref<32x80x128xi32, #tpu.memory_space<hbm>> -> memref<1x40x128xi32, #tpu.memory_space<hbm>>
      %dma_wait3A_202 = tpu.memref_squeeze %dma_wait3A_201 : memref<1x40x128xi32, #tpu.memory_space<hbm>> -> memref<40x128xi32, #tpu.memory_space<hbm>>
      tpu.wait_dma2 semaphore(%run_scoped3A_186 : memref<!tpu.dma_semaphore, #tpu.memory_space<semaphore_mem>>) src(%dma_wait3A_202 : memref<40x128xi32, #tpu.memory_space<hbm>>) dst(%arg7 : memref<40x128xi32, #tpu.memory_space<vmem>>)
      tpu.yield
    }) : () -> ()
    "tpu.region"() ({
      %run_scoped3A_186 = tpu.sem_alloc : memref<!tpu.dma_semaphore, #tpu.memory_space<semaphore_mem>>
      %dma_start3A_187 = arith.constant 40 : i32
      %dma_start3A_188 = arith.constant 0 : i32
      %dma_start3A_189 = tpu.memref_slice %arg4[%add3A, %dma_start3A_187, %dma_start3A_188] : memref<32x80x128xi32, #tpu.memory_space<hbm>> -> memref<1x40x128xi32, #tpu.memory_space<hbm>>
      %dma_start3A_190 = tpu.memref_squeeze %dma_start3A_189 : memref<1x40x128xi32, #tpu.memory_space<hbm>> -> memref<40x128xi32, #tpu.memory_space<hbm>>
      %dma_start3A_191 = arith.constant 40 : i32
      %dma_start3A_192 = arith.constant 0 : i32
      %dma_start3A_193 = tpu.memref_slice %arg4[%add3A, %dma_start3A_191, %dma_start3A_192] : memref<32x80x128xi32, #tpu.memory_space<hbm>> -> memref<1x40x128xi32, #tpu.memory_space<hbm>>
      %dma_start3A_194 = tpu.memref_squeeze %dma_start3A_193 : memref<1x40x128xi32, #tpu.memory_space<hbm>> -> memref<40x128xi32, #tpu.memory_space<hbm>>
      tpu.enqueue_dma source(%dma_start3A_194 : memref<40x128xi32, #tpu.memory_space<hbm>>) target(%arg8 : memref<40x128xi32, #tpu.memory_space<vmem>>) target_semaphore(%run_scoped3A_186 : memref<!tpu.dma_semaphore, #tpu.memory_space<semaphore_mem>>)
      %dma_wait3A_195 = arith.constant 40 : i32
      %dma_wait3A_196 = arith.constant 0 : i32
      %dma_wait3A_197 = tpu.memref_slice %arg4[%add3A, %dma_wait3A_195, %dma_wait3A_196] : memref<32x80x128xi32, #tpu.memory_space<hbm>> -> memref<1x40x128xi32, #tpu.memory_space<hbm>>
      %dma_wait3A_198 = tpu.memref_squeeze %dma_wait3A_197 : memref<1x40x128xi32, #tpu.memory_space<hbm>> -> memref<40x128xi32, #tpu.memory_space<hbm>>
      %dma_wait3A_199 = arith.constant 40 : i32
      %dma_wait3A_200 = arith.constant 0 : i32
      %dma_wait3A_201 = tpu.memref_slice %arg4[%add3A, %dma_wait3A_199, %dma_wait3A_200] : memref<32x80x128xi32, #tpu.memory_space<hbm>> -> memref<1x40x128xi32, #tpu.memory_space<hbm>>
      %dma_wait3A_202 = tpu.memref_squeeze %dma_wait3A_201 : memref<1x40x128xi32, #tpu.memory_space<hbm>> -> memref<40x128xi32, #tpu.memory_space<hbm>>
      tpu.wait_dma2 semaphore(%run_scoped3A_186 : memref<!tpu.dma_semaphore, #tpu.memory_space<semaphore_mem>>) src(%dma_wait3A_202 : memref<40x128xi32, #tpu.memory_space<hbm>>) dst(%arg8 : memref<40x128xi32, #tpu.memory_space<vmem>>)
      tpu.yield
    }) : () -> ()
    %dma_start3A_97 = arith.constant 0 : i32
    %dma_start3A_98 = arith.constant 0 : i32
    %dma_start3A_99 = arith.constant 0 : i32
    %dma_start3A_100 = tpu.memref_slice %arg9[%dma_start3A_98, %dma_start3A_99] : memref<128x128xf32, #tpu.memory_space<vmem>> -> memref<64x128xf32, #tpu.memory_space<vmem>>
    %dma_start3A_101 = arith.constant 0 : i32
    %dma_start3A_102 = tpu.memref_slice %arg7[%dma_start3A_97, %dma_start3A_101] : memref<40x128xi32, #tpu.memory_space<vmem>> -> memref<1x64xi32, #tpu.memory_space<vmem>>
    %dma_start3A_103 = tpu.memref_squeeze %dma_start3A_102 : memref<1x64xi32, #tpu.memory_space<vmem>> -> memref<64xi32, #tpu.memory_space<vmem>>
    %dma_start3A_104 = arith.constant 0 : i32
    %dma_start3A_105 = arith.constant 0 : i32
    %dma_start3A_106 = tpu.memref_slice %arg2[%dma_start3A_104, %dma_start3A_105] : memref<10000x128xf32, #tpu.memory_space<hbm>> -> memref<10000x128xf32, #tpu.memory_space<hbm>>
    tpu.enqueue_indirect_dma source(%dma_start3A_106 : memref<10000x128xf32, #tpu.memory_space<hbm>>) target(%dma_start3A_100 : memref<64x128xf32, #tpu.memory_space<vmem>>) offsets(%dma_start3A_103 : memref<64xi32, #tpu.memory_space<vmem>>) semaphore(%arg12 : memref<!tpu.dma_semaphore, #tpu.memory_space<semaphore_mem>>)
    %dma_start3A_107 = arith.constant 0 : i32
    %dma_start3A_108 = arith.constant 64 : i32
    %dma_start3A_109 = arith.constant 0 : i32
    %dma_start3A_110 = tpu.memref_slice %arg9[%dma_start3A_108, %dma_start3A_109] : memref<128x128xf32, #tpu.memory_space<vmem>> -> memref<64x128xf32, #tpu.memory_space<vmem>>
    %dma_start3A_111 = arith.constant 64 : i32
    %dma_start3A_112 = tpu.memref_slice %arg7[%dma_start3A_107, %dma_start3A_111] : memref<40x128xi32, #tpu.memory_space<vmem>> -> memref<1x64xi32, #tpu.memory_space<vmem>>
    %dma_start3A_113 = tpu.memref_squeeze %dma_start3A_112 : memref<1x64xi32, #tpu.memory_space<vmem>> -> memref<64xi32, #tpu.memory_space<vmem>>
    %dma_start3A_114 = arith.constant 0 : i32
    %dma_start3A_115 = arith.constant 0 : i32
    %dma_start3A_116 = tpu.memref_slice %arg2[%dma_start3A_114, %dma_start3A_115] : memref<10000x128xf32, #tpu.memory_space<hbm>> -> memref<10000x128xf32, #tpu.memory_space<hbm>>
    tpu.enqueue_indirect_dma source(%dma_start3A_116 : memref<10000x128xf32, #tpu.memory_space<hbm>>) target(%dma_start3A_110 : memref<64x128xf32, #tpu.memory_space<vmem>>) offsets(%dma_start3A_113 : memref<64xi32, #tpu.memory_space<vmem>>) semaphore(%arg12 : memref<!tpu.dma_semaphore, #tpu.memory_space<semaphore_mem>>)
    %dma_start3A_117 = arith.constant 1 : i32
    %dma_start3A_118 = arith.constant 0 : i32
    %dma_start3A_119 = arith.constant 0 : i32
    %dma_start3A_120 = tpu.memref_slice %arg10[%dma_start3A_118, %dma_start3A_119] : memref<128x128xf32, #tpu.memory_space<vmem>> -> memref<64x128xf32, #tpu.memory_space<vmem>>
    %dma_start3A_121 = arith.constant 0 : i32
    %dma_start3A_122 = tpu.memref_slice %arg7[%dma_start3A_117, %dma_start3A_121] : memref<40x128xi32, #tpu.memory_space<vmem>> -> memref<1x64xi32, #tpu.memory_space<vmem>>
    %dma_start3A_123 = tpu.memref_squeeze %dma_start3A_122 : memref<1x64xi32, #tpu.memory_space<vmem>> -> memref<64xi32, #tpu.memory_space<vmem>>
    %dma_start3A_124 = arith.constant 0 : i32
    %dma_start3A_125 = arith.constant 0 : i32
    %dma_start3A_126 = tpu.memref_slice %arg2[%dma_start3A_124, %dma_start3A_125] : memref<10000x128xf32, #tpu.memory_space<hbm>> -> memref<10000x128xf32, #tpu.memory_space<hbm>>
    tpu.enqueue_indirect_dma source(%dma_start3A_126 : memref<10000x128xf32, #tpu.memory_space<hbm>>) target(%dma_start3A_120 : memref<64x128xf32, #tpu.memory_space<vmem>>) offsets(%dma_start3A_123 : memref<64xi32, #tpu.memory_space<vmem>>) semaphore(%arg13 : memref<!tpu.dma_semaphore, #tpu.memory_space<semaphore_mem>>)
    %dma_start3A_127 = arith.constant 1 : i32
    %dma_start3A_128 = arith.constant 64 : i32
    %dma_start3A_129 = arith.constant 0 : i32
    %dma_start3A_130 = tpu.memref_slice %arg10[%dma_start3A_128, %dma_start3A_129] : memref<128x128xf32, #tpu.memory_space<vmem>> -> memref<64x128xf32, #tpu.memory_space<vmem>>
    %dma_start3A_131 = arith.constant 64 : i32
    %dma_start3A_132 = tpu.memref_slice %arg7[%dma_start3A_127, %dma_start3A_131] : memref<40x128xi32, #tpu.memory_space<vmem>> -> memref<1x64xi32, #tpu.memory_space<vmem>>
    %dma_start3A_133 = tpu.memref_squeeze %dma_start3A_132 : memref<1x64xi32, #tpu.memory_space<vmem>> -> memref<64xi32, #tpu.memory_space<vmem>>
    %dma_start3A_134 = arith.constant 0 : i32
    %dma_start3A_135 = arith.constant 0 : i32
    %dma_start3A_136 = tpu.memref_slice %arg2[%dma_start3A_134, %dma_start3A_135] : memref<10000x128xf32, #tpu.memory_space<hbm>> -> memref<10000x128xf32, #tpu.memory_space<hbm>>
    tpu.enqueue_indirect_dma source(%dma_start3A_136 : memref<10000x128xf32, #tpu.memory_space<hbm>>) target(%dma_start3A_130 : memref<64x128xf32, #tpu.memory_space<vmem>>) offsets(%dma_start3A_133 : memref<64xi32, #tpu.memory_space<vmem>>) semaphore(%arg13 : memref<!tpu.dma_semaphore, #tpu.memory_space<semaphore_mem>>)
    %scan3A_137 = arith.constant 0 : i32
    %scan3A_138 = arith.constant 0 : i32
    %scan3A_139 = arith.constant 19 : i32
    %scan3A_140 = arith.addi %scan3A_138, %scan3A_139 : i32
    %scan3A_141 = arith.constant 1 : i32
    scf.for %scan3A_186 = %scan3A_138 to %scan3A_140 step %scan3A_141  : i32 {
      %mul3A_187 = arith.constant 2 : i32
      %mul3A_188 = arith.muli %mul3A_187, %scan3A_186 : i32
      %dma_wait3A_189 = arith.constant 0 : i32
      %dma_wait3A_190 = arith.constant 0 : i32
      %dma_wait3A_191 = tpu.memref_slice %arg9[%dma_wait3A_189, %dma_wait3A_190] : memref<128x128xf32, #tpu.memory_space<vmem>> -> memref<64x128xf32, #tpu.memory_space<vmem>>
      %dma_wait3A_192 = arith.constant 0 : i32
      %dma_wait3A_193 = tpu.memref_slice %arg7[%mul3A_188, %dma_wait3A_192] : memref<40x128xi32, #tpu.memory_space<vmem>> -> memref<1x64xi32, #tpu.memory_space<vmem>>
      %dma_wait3A_194 = tpu.memref_squeeze %dma_wait3A_193 : memref<1x64xi32, #tpu.memory_space<vmem>> -> memref<64xi32, #tpu.memory_space<vmem>>
      %dma_wait3A_195 = arith.constant 0 : i32
      %dma_wait3A_196 = arith.constant 0 : i32
      %dma_wait3A_197 = tpu.memref_slice %arg2[%dma_wait3A_195, %dma_wait3A_196] : memref<10000x128xf32, #tpu.memory_space<hbm>> -> memref<10000x128xf32, #tpu.memory_space<hbm>>
      tpu.wait_indirect_dma semaphore(%arg12 : memref<!tpu.dma_semaphore, #tpu.memory_space<semaphore_mem>>) src(%dma_wait3A_197 : memref<10000x128xf32, #tpu.memory_space<hbm>>) dst(%dma_wait3A_191 : memref<64x128xf32, #tpu.memory_space<vmem>>)
      %dma_wait3A_198 = arith.constant 64 : i32
      %dma_wait3A_199 = arith.constant 0 : i32
      %dma_wait3A_200 = tpu.memref_slice %arg9[%dma_wait3A_198, %dma_wait3A_199] : memref<128x128xf32, #tpu.memory_space<vmem>> -> memref<64x128xf32, #tpu.memory_space<vmem>>
      %dma_wait3A_201 = arith.constant 64 : i32
      %dma_wait3A_202 = tpu.memref_slice %arg7[%mul3A_188, %dma_wait3A_201] : memref<40x128xi32, #tpu.memory_space<vmem>> -> memref<1x64xi32, #tpu.memory_space<vmem>>
      %dma_wait3A_203 = tpu.memref_squeeze %dma_wait3A_202 : memref<1x64xi32, #tpu.memory_space<vmem>> -> memref<64xi32, #tpu.memory_space<vmem>>
      %dma_wait3A_204 = arith.constant 0 : i32
      %dma_wait3A_205 = arith.constant 0 : i32
      %dma_wait3A_206 = tpu.memref_slice %arg2[%dma_wait3A_204, %dma_wait3A_205] : memref<10000x128xf32, #tpu.memory_space<hbm>> -> memref<10000x128xf32, #tpu.memory_space<hbm>>
      tpu.wait_indirect_dma semaphore(%arg12 : memref<!tpu.dma_semaphore, #tpu.memory_space<semaphore_mem>>) src(%dma_wait3A_206 : memref<10000x128xf32, #tpu.memory_space<hbm>>) dst(%dma_wait3A_200 : memref<64x128xf32, #tpu.memory_space<vmem>>)
      "tpu.region"() ({
        %run_scoped3A_269 = tpu.sem_alloc : memref<!tpu.dma_semaphore, #tpu.memory_space<semaphore_mem>>
        %dma_start3A_270 = arith.constant 0 : i32
        %dma_start3A_271 = tpu.memref_slice %arg8[%mul3A_188, %dma_start3A_270] : memref<40x128xi32, #tpu.memory_space<vmem>> -> memref<1x128xi32, #tpu.memory_space<vmem>>
        %dma_start3A_272 = tpu.memref_squeeze %dma_start3A_271 : memref<1x128xi32, #tpu.memory_space<vmem>> -> memref<128xi32, #tpu.memory_space<vmem>>
        %dma_start3A_273 = arith.constant 0 : i32
        %dma_start3A_274 = arith.constant 0 : i32
        %dma_start3A_275 = tpu.memref_slice %arg11[%dma_start3A_273, %dma_start3A_274] : memref<10112x128xf32, #tpu.memory_space<vmem_shared>> -> memref<10112x128xf32, #tpu.memory_space<vmem_shared>>
        tpu.enqueue_indirect_dma source(%arg9 : memref<128x128xf32, #tpu.memory_space<vmem>>) target(%dma_start3A_275 : memref<10112x128xf32, #tpu.memory_space<vmem_shared>>) offsets(%dma_start3A_272 : memref<128xi32, #tpu.memory_space<vmem>>) semaphore(%run_scoped3A_269 : memref<!tpu.dma_semaphore, #tpu.memory_space<semaphore_mem>>) {add = true}
        %dma_wait3A_276 = arith.constant 0 : i32
        %dma_wait3A_277 = tpu.memref_slice %arg8[%mul3A_188, %dma_wait3A_276] : memref<40x128xi32, #tpu.memory_space<vmem>> -> memref<1x128xi32, #tpu.memory_space<vmem>>
        %dma_wait3A_278 = tpu.memref_squeeze %dma_wait3A_277 : memref<1x128xi32, #tpu.memory_space<vmem>> -> memref<128xi32, #tpu.memory_space<vmem>>
        %dma_wait3A_279 = arith.constant 0 : i32
        %dma_wait3A_280 = arith.constant 0 : i32
        %dma_wait3A_281 = tpu.memref_slice %arg11[%dma_wait3A_279, %dma_wait3A_280] : memref<10112x128xf32, #tpu.memory_space<vmem_shared>> -> memref<10112x128xf32, #tpu.memory_space<vmem_shared>>
        tpu.wait_indirect_dma semaphore(%run_scoped3A_269 : memref<!tpu.dma_semaphore, #tpu.memory_space<semaphore_mem>>) src(%arg9 : memref<128x128xf32, #tpu.memory_space<vmem>>) dst(%dma_wait3A_281 : memref<10112x128xf32, #tpu.memory_space<vmem_shared>>)
        tpu.yield
      }) : () -> ()
      %add3A_207 = arith.constant 2 : i32
      %add3A_208 = arith.addi %mul3A_188, %add3A_207 : i32
      %dma_start3A_209 = arith.constant 0 : i32
      %dma_start3A_210 = arith.constant 0 : i32
      %dma_start3A_211 = tpu.memref_slice %arg9[%dma_start3A_209, %dma_start3A_210] : memref<128x128xf32, #tpu.memory_space<vmem>> -> memref<64x128xf32, #tpu.memory_space<vmem>>
      %dma_start3A_212 = arith.constant 0 : i32
      %dma_start3A_213 = tpu.memref_slice %arg7[%add3A_208, %dma_start3A_212] : memref<40x128xi32, #tpu.memory_space<vmem>> -> memref<1x64xi32, #tpu.memory_space<vmem>>
      %dma_start3A_214 = tpu.memref_squeeze %dma_start3A_213 : memref<1x64xi32, #tpu.memory_space<vmem>> -> memref<64xi32, #tpu.memory_space<vmem>>
      %dma_start3A_215 = arith.constant 0 : i32
      %dma_start3A_216 = arith.constant 0 : i32
      %dma_start3A_217 = tpu.memref_slice %arg2[%dma_start3A_215, %dma_start3A_216] : memref<10000x128xf32, #tpu.memory_space<hbm>> -> memref<10000x128xf32, #tpu.memory_space<hbm>>
      tpu.enqueue_indirect_dma source(%dma_start3A_217 : memref<10000x128xf32, #tpu.memory_space<hbm>>) target(%dma_start3A_211 : memref<64x128xf32, #tpu.memory_space<vmem>>) offsets(%dma_start3A_214 : memref<64xi32, #tpu.memory_space<vmem>>) semaphore(%arg12 : memref<!tpu.dma_semaphore, #tpu.memory_space<semaphore_mem>>)
      %dma_start3A_218 = arith.constant 64 : i32
      %dma_start3A_219 = arith.constant 0 : i32
      %dma_start3A_220 = tpu.memref_slice %arg9[%dma_start3A_218, %dma_start3A_219] : memref<128x128xf32, #tpu.memory_space<vmem>> -> memref<64x128xf32, #tpu.memory_space<vmem>>
      %dma_start3A_221 = arith.constant 64 : i32
      %dma_start3A_222 = tpu.memref_slice %arg7[%add3A_208, %dma_start3A_221] : memref<40x128xi32, #tpu.memory_space<vmem>> -> memref<1x64xi32, #tpu.memory_space<vmem>>
      %dma_start3A_223 = tpu.memref_squeeze %dma_start3A_222 : memref<1x64xi32, #tpu.memory_space<vmem>> -> memref<64xi32, #tpu.memory_space<vmem>>
      %dma_start3A_224 = arith.constant 0 : i32
      %dma_start3A_225 = arith.constant 0 : i32
      %dma_start3A_226 = tpu.memref_slice %arg2[%dma_start3A_224, %dma_start3A_225] : memref<10000x128xf32, #tpu.memory_space<hbm>> -> memref<10000x128xf32, #tpu.memory_space<hbm>>
      tpu.enqueue_indirect_dma source(%dma_start3A_226 : memref<10000x128xf32, #tpu.memory_space<hbm>>) target(%dma_start3A_220 : memref<64x128xf32, #tpu.memory_space<vmem>>) offsets(%dma_start3A_223 : memref<64xi32, #tpu.memory_space<vmem>>) semaphore(%arg12 : memref<!tpu.dma_semaphore, #tpu.memory_space<semaphore_mem>>)
      %add3A_227 = arith.constant 1 : i32
      %add3A_228 = arith.addi %mul3A_188, %add3A_227 : i32
      %dma_wait3A_229 = arith.constant 0 : i32
      %dma_wait3A_230 = arith.constant 0 : i32
      %dma_wait3A_231 = tpu.memref_slice %arg10[%dma_wait3A_229, %dma_wait3A_230] : memref<128x128xf32, #tpu.memory_space<vmem>> -> memref<64x128xf32, #tpu.memory_space<vmem>>
      %dma_wait3A_232 = arith.constant 0 : i32
      %dma_wait3A_233 = tpu.memref_slice %arg7[%add3A_228, %dma_wait3A_232] : memref<40x128xi32, #tpu.memory_space<vmem>> -> memref<1x64xi32, #tpu.memory_space<vmem>>
      %dma_wait3A_234 = tpu.memref_squeeze %dma_wait3A_233 : memref<1x64xi32, #tpu.memory_space<vmem>> -> memref<64xi32, #tpu.memory_space<vmem>>
      %dma_wait3A_235 = arith.constant 0 : i32
      %dma_wait3A_236 = arith.constant 0 : i32
      %dma_wait3A_237 = tpu.memref_slice %arg2[%dma_wait3A_235, %dma_wait3A_236] : memref<10000x128xf32, #tpu.memory_space<hbm>> -> memref<10000x128xf32, #tpu.memory_space<hbm>>
      tpu.wait_indirect_dma semaphore(%arg13 : memref<!tpu.dma_semaphore, #tpu.memory_space<semaphore_mem>>) src(%dma_wait3A_237 : memref<10000x128xf32, #tpu.memory_space<hbm>>) dst(%dma_wait3A_231 : memref<64x128xf32, #tpu.memory_space<vmem>>)
      %dma_wait3A_238 = arith.constant 64 : i32
      %dma_wait3A_239 = arith.constant 0 : i32
      %dma_wait3A_240 = tpu.memref_slice %arg10[%dma_wait3A_238, %dma_wait3A_239] : memref<128x128xf32, #tpu.memory_space<vmem>> -> memref<64x128xf32, #tpu.memory_space<vmem>>
      %dma_wait3A_241 = arith.constant 64 : i32
      %dma_wait3A_242 = tpu.memref_slice %arg7[%add3A_228, %dma_wait3A_241] : memref<40x128xi32, #tpu.memory_space<vmem>> -> memref<1x64xi32, #tpu.memory_space<vmem>>
      %dma_wait3A_243 = tpu.memref_squeeze %dma_wait3A_242 : memref<1x64xi32, #tpu.memory_space<vmem>> -> memref<64xi32, #tpu.memory_space<vmem>>
      %dma_wait3A_244 = arith.constant 0 : i32
      %dma_wait3A_245 = arith.constant 0 : i32
      %dma_wait3A_246 = tpu.memref_slice %arg2[%dma_wait3A_244, %dma_wait3A_245] : memref<10000x128xf32, #tpu.memory_space<hbm>> -> memref<10000x128xf32, #tpu.memory_space<hbm>>
      tpu.wait_indirect_dma semaphore(%arg13 : memref<!tpu.dma_semaphore, #tpu.memory_space<semaphore_mem>>) src(%dma_wait3A_246 : memref<10000x128xf32, #tpu.memory_space<hbm>>) dst(%dma_wait3A_240 : memref<64x128xf32, #tpu.memory_space<vmem>>)
      %add3A_247 = arith.constant 1 : i32
      %add3A_248 = arith.addi %mul3A_188, %add3A_247 : i32
      "tpu.region"() ({
        %run_scoped3A_269 = tpu.sem_alloc : memref<!tpu.dma_semaphore, #tpu.memory_space<semaphore_mem>>
        %dma_start3A_270 = arith.constant 0 : i32
        %dma_start3A_271 = tpu.memref_slice %arg8[%add3A_248, %dma_start3A_270] : memref<40x128xi32, #tpu.memory_space<vmem>> -> memref<1x128xi32, #tpu.memory_space<vmem>>
        %dma_start3A_272 = tpu.memref_squeeze %dma_start3A_271 : memref<1x128xi32, #tpu.memory_space<vmem>> -> memref<128xi32, #tpu.memory_space<vmem>>
        %dma_start3A_273 = arith.constant 0 : i32
        %dma_start3A_274 = arith.constant 0 : i32
        %dma_start3A_275 = tpu.memref_slice %arg11[%dma_start3A_273, %dma_start3A_274] : memref<10112x128xf32, #tpu.memory_space<vmem_shared>> -> memref<10112x128xf32, #tpu.memory_space<vmem_shared>>
        tpu.enqueue_indirect_dma source(%arg10 : memref<128x128xf32, #tpu.memory_space<vmem>>) target(%dma_start3A_275 : memref<10112x128xf32, #tpu.memory_space<vmem_shared>>) offsets(%dma_start3A_272 : memref<128xi32, #tpu.memory_space<vmem>>) semaphore(%run_scoped3A_269 : memref<!tpu.dma_semaphore, #tpu.memory_space<semaphore_mem>>) {add = true}
        %dma_wait3A_276 = arith.constant 0 : i32
        %dma_wait3A_277 = tpu.memref_slice %arg8[%add3A_248, %dma_wait3A_276] : memref<40x128xi32, #tpu.memory_space<vmem>> -> memref<1x128xi32, #tpu.memory_space<vmem>>
        %dma_wait3A_278 = tpu.memref_squeeze %dma_wait3A_277 : memref<1x128xi32, #tpu.memory_space<vmem>> -> memref<128xi32, #tpu.memory_space<vmem>>
        %dma_wait3A_279 = arith.constant 0 : i32
        %dma_wait3A_280 = arith.constant 0 : i32
        %dma_wait3A_281 = tpu.memref_slice %arg11[%dma_wait3A_279, %dma_wait3A_280] : memref<10112x128xf32, #tpu.memory_space<vmem_shared>> -> memref<10112x128xf32, #tpu.memory_space<vmem_shared>>
        tpu.wait_indirect_dma semaphore(%run_scoped3A_269 : memref<!tpu.dma_semaphore, #tpu.memory_space<semaphore_mem>>) src(%arg10 : memref<128x128xf32, #tpu.memory_space<vmem>>) dst(%dma_wait3A_281 : memref<10112x128xf32, #tpu.memory_space<vmem_shared>>)
        tpu.yield
      }) : () -> ()
      %add3A_249 = arith.constant 3 : i32
      %add3A_250 = arith.addi %mul3A_188, %add3A_249 : i32
      %dma_start3A_251 = arith.constant 0 : i32
      %dma_start3A_252 = arith.constant 0 : i32
      %dma_start3A_253 = tpu.memref_slice %arg10[%dma_start3A_251, %dma_start3A_252] : memref<128x128xf32, #tpu.memory_space<vmem>> -> memref<64x128xf32, #tpu.memory_space<vmem>>
      %dma_start3A_254 = arith.constant 0 : i32
      %dma_start3A_255 = tpu.memref_slice %arg7[%add3A_250, %dma_start3A_254] : memref<40x128xi32, #tpu.memory_space<vmem>> -> memref<1x64xi32, #tpu.memory_space<vmem>>
      %dma_start3A_256 = tpu.memref_squeeze %dma_start3A_255 : memref<1x64xi32, #tpu.memory_space<vmem>> -> memref<64xi32, #tpu.memory_space<vmem>>
      %dma_start3A_257 = arith.constant 0 : i32
      %dma_start3A_258 = arith.constant 0 : i32
      %dma_start3A_259 = tpu.memref_slice %arg2[%dma_start3A_257, %dma_start3A_258] : memref<10000x128xf32, #tpu.memory_space<hbm>> -> memref<10000x128xf32, #tpu.memory_space<hbm>>
      tpu.enqueue_indirect_dma source(%dma_start3A_259 : memref<10000x128xf32, #tpu.memory_space<hbm>>) target(%dma_start3A_253 : memref<64x128xf32, #tpu.memory_space<vmem>>) offsets(%dma_start3A_256 : memref<64xi32, #tpu.memory_space<vmem>>) semaphore(%arg13 : memref<!tpu.dma_semaphore, #tpu.memory_space<semaphore_mem>>)
      %dma_start3A_260 = arith.constant 64 : i32
      %dma_start3A_261 = arith.constant 0 : i32
      %dma_start3A_262 = tpu.memref_slice %arg10[%dma_start3A_260, %dma_start3A_261] : memref<128x128xf32, #tpu.memory_space<vmem>> -> memref<64x128xf32, #tpu.memory_space<vmem>>
      %dma_start3A_263 = arith.constant 64 : i32
      %dma_start3A_264 = tpu.memref_slice %arg7[%add3A_250, %dma_start3A_263] : memref<40x128xi32, #tpu.memory_space<vmem>> -> memref<1x64xi32, #tpu.memory_space<vmem>>
      %dma_start3A_265 = tpu.memref_squeeze %dma_start3A_264 : memref<1x64xi32, #tpu.memory_space<vmem>> -> memref<64xi32, #tpu.memory_space<vmem>>
      %dma_start3A_266 = arith.constant 0 : i32
      %dma_start3A_267 = arith.constant 0 : i32
      %dma_start3A_268 = tpu.memref_slice %arg2[%dma_start3A_266, %dma_start3A_267] : memref<10000x128xf32, #tpu.memory_space<hbm>> -> memref<10000x128xf32, #tpu.memory_space<hbm>>
      tpu.enqueue_indirect_dma source(%dma_start3A_268 : memref<10000x128xf32, #tpu.memory_space<hbm>>) target(%dma_start3A_262 : memref<64x128xf32, #tpu.memory_space<vmem>>) offsets(%dma_start3A_265 : memref<64xi32, #tpu.memory_space<vmem>>) semaphore(%arg13 : memref<!tpu.dma_semaphore, #tpu.memory_space<semaphore_mem>>)
    }
    %scan3A_142 = arith.constant 19 : i32
    %dma_wait3A_143 = arith.constant 38 : i32
    %dma_wait3A_144 = arith.constant 0 : i32
    %dma_wait3A_145 = arith.constant 0 : i32
    %dma_wait3A_146 = tpu.memref_slice %arg9[%dma_wait3A_144, %dma_wait3A_145] : memref<128x128xf32, #tpu.memory_space<vmem>> -> memref<64x128xf32, #tpu.memory_space<vmem>>
    %dma_wait3A_147 = arith.constant 0 : i32
    %dma_wait3A_148 = tpu.memref_slice %arg7[%dma_wait3A_143, %dma_wait3A_147] : memref<40x128xi32, #tpu.memory_space<vmem>> -> memref<1x64xi32, #tpu.memory_space<vmem>>
    %dma_wait3A_149 = tpu.memref_squeeze %dma_wait3A_148 : memref<1x64xi32, #tpu.memory_space<vmem>> -> memref<64xi32, #tpu.memory_space<vmem>>
    %dma_wait3A_150 = arith.constant 0 : i32
    %dma_wait3A_151 = arith.constant 0 : i32
    %dma_wait3A_152 = tpu.memref_slice %arg2[%dma_wait3A_150, %dma_wait3A_151] : memref<10000x128xf32, #tpu.memory_space<hbm>> -> memref<10000x128xf32, #tpu.memory_space<hbm>>
    tpu.wait_indirect_dma semaphore(%arg12 : memref<!tpu.dma_semaphore, #tpu.memory_space<semaphore_mem>>) src(%dma_wait3A_152 : memref<10000x128xf32, #tpu.memory_space<hbm>>) dst(%dma_wait3A_146 : memref<64x128xf32, #tpu.memory_space<vmem>>)
    %dma_wait3A_153 = arith.constant 38 : i32
    %dma_wait3A_154 = arith.constant 64 : i32
    %dma_wait3A_155 = arith.constant 0 : i32
    %dma_wait3A_156 = tpu.memref_slice %arg9[%dma_wait3A_154, %dma_wait3A_155] : memref<128x128xf32, #tpu.memory_space<vmem>> -> memref<64x128xf32, #tpu.memory_space<vmem>>
    %dma_wait3A_157 = arith.constant 64 : i32
    %dma_wait3A_158 = tpu.memref_slice %arg7[%dma_wait3A_153, %dma_wait3A_157] : memref<40x128xi32, #tpu.memory_space<vmem>> -> memref<1x64xi32, #tpu.memory_space<vmem>>
    %dma_wait3A_159 = tpu.memref_squeeze %dma_wait3A_158 : memref<1x64xi32, #tpu.memory_space<vmem>> -> memref<64xi32, #tpu.memory_space<vmem>>
    %dma_wait3A_160 = arith.constant 0 : i32
    %dma_wait3A_161 = arith.constant 0 : i32
    %dma_wait3A_162 = tpu.memref_slice %arg2[%dma_wait3A_160, %dma_wait3A_161] : memref<10000x128xf32, #tpu.memory_space<hbm>> -> memref<10000x128xf32, #tpu.memory_space<hbm>>
    tpu.wait_indirect_dma semaphore(%arg12 : memref<!tpu.dma_semaphore, #tpu.memory_space<semaphore_mem>>) src(%dma_wait3A_162 : memref<10000x128xf32, #tpu.memory_space<hbm>>) dst(%dma_wait3A_156 : memref<64x128xf32, #tpu.memory_space<vmem>>)
    %run_scoped3A_163 = arith.constant 38 : i32
    "tpu.region"() ({
      %run_scoped3A_186 = tpu.sem_alloc : memref<!tpu.dma_semaphore, #tpu.memory_space<semaphore_mem>>
      %dma_start3A_187 = arith.constant 0 : i32
      %dma_start3A_188 = tpu.memref_slice %arg8[%run_scoped3A_163, %dma_start3A_187] : memref<40x128xi32, #tpu.memory_space<vmem>> -> memref<1x128xi32, #tpu.memory_space<vmem>>
      %dma_start3A_189 = tpu.memref_squeeze %dma_start3A_188 : memref<1x128xi32, #tpu.memory_space<vmem>> -> memref<128xi32, #tpu.memory_space<vmem>>
      %dma_start3A_190 = arith.constant 0 : i32
      %dma_start3A_191 = arith.constant 0 : i32
      %dma_start3A_192 = tpu.memref_slice %arg11[%dma_start3A_190, %dma_start3A_191] : memref<10112x128xf32, #tpu.memory_space<vmem_shared>> -> memref<10112x128xf32, #tpu.memory_space<vmem_shared>>
      tpu.enqueue_indirect_dma source(%arg9 : memref<128x128xf32, #tpu.memory_space<vmem>>) target(%dma_start3A_192 : memref<10112x128xf32, #tpu.memory_space<vmem_shared>>) offsets(%dma_start3A_189 : memref<128xi32, #tpu.memory_space<vmem>>) semaphore(%run_scoped3A_186 : memref<!tpu.dma_semaphore, #tpu.memory_space<semaphore_mem>>) {add = true}
      %dma_wait3A_193 = arith.constant 0 : i32
      %dma_wait3A_194 = tpu.memref_slice %arg8[%run_scoped3A_163, %dma_wait3A_193] : memref<40x128xi32, #tpu.memory_space<vmem>> -> memref<1x128xi32, #tpu.memory_space<vmem>>
      %dma_wait3A_195 = tpu.memref_squeeze %dma_wait3A_194 : memref<1x128xi32, #tpu.memory_space<vmem>> -> memref<128xi32, #tpu.memory_space<vmem>>
      %dma_wait3A_196 = arith.constant 0 : i32
      %dma_wait3A_197 = arith.constant 0 : i32
      %dma_wait3A_198 = tpu.memref_slice %arg11[%dma_wait3A_196, %dma_wait3A_197] : memref<10112x128xf32, #tpu.memory_space<vmem_shared>> -> memref<10112x128xf32, #tpu.memory_space<vmem_shared>>
      tpu.wait_indirect_dma semaphore(%run_scoped3A_186 : memref<!tpu.dma_semaphore, #tpu.memory_space<semaphore_mem>>) src(%arg9 : memref<128x128xf32, #tpu.memory_space<vmem>>) dst(%dma_wait3A_198 : memref<10112x128xf32, #tpu.memory_space<vmem_shared>>)
      tpu.yield
    }) : () -> ()
    %dma_wait3A_164 = arith.constant 39 : i32
    %dma_wait3A_165 = arith.constant 0 : i32
    %dma_wait3A_166 = arith.constant 0 : i32
    %dma_wait3A_167 = tpu.memref_slice %arg10[%dma_wait3A_165, %dma_wait3A_166] : memref<128x128xf32, #tpu.memory_space<vmem>> -> memref<64x128xf32, #tpu.memory_space<vmem>>
    %dma_wait3A_168 = arith.constant 0 : i32
    %dma_wait3A_169 = tpu.memref_slice %arg7[%dma_wait3A_164, %dma_wait3A_168] : memref<40x128xi32, #tpu.memory_space<vmem>> -> memref<1x64xi32, #tpu.memory_space<vmem>>
    %dma_wait3A_170 = tpu.memref_squeeze %dma_wait3A_169 : memref<1x64xi32, #tpu.memory_space<vmem>> -> memref<64xi32, #tpu.memory_space<vmem>>
    %dma_wait3A_171 = arith.constant 0 : i32
    %dma_wait3A_172 = arith.constant 0 : i32
    %dma_wait3A_173 = tpu.memref_slice %arg2[%dma_wait3A_171, %dma_wait3A_172] : memref<10000x128xf32, #tpu.memory_space<hbm>> -> memref<10000x128xf32, #tpu.memory_space<hbm>>
    tpu.wait_indirect_dma semaphore(%arg13 : memref<!tpu.dma_semaphore, #tpu.memory_space<semaphore_mem>>) src(%dma_wait3A_173 : memref<10000x128xf32, #tpu.memory_space<hbm>>) dst(%dma_wait3A_167 : memref<64x128xf32, #tpu.memory_space<vmem>>)
    %dma_wait3A_174 = arith.constant 39 : i32
    %dma_wait3A_175 = arith.constant 64 : i32
    %dma_wait3A_176 = arith.constant 0 : i32
    %dma_wait3A_177 = tpu.memref_slice %arg10[%dma_wait3A_175, %dma_wait3A_176] : memref<128x128xf32, #tpu.memory_space<vmem>> -> memref<64x128xf32, #tpu.memory_space<vmem>>
    %dma_wait3A_178 = arith.constant 64 : i32
    %dma_wait3A_179 = tpu.memref_slice %arg7[%dma_wait3A_174, %dma_wait3A_178] : memref<40x128xi32, #tpu.memory_space<vmem>> -> memref<1x64xi32, #tpu.memory_space<vmem>>
    %dma_wait3A_180 = tpu.memref_squeeze %dma_wait3A_179 : memref<1x64xi32, #tpu.memory_space<vmem>> -> memref<64xi32, #tpu.memory_space<vmem>>
    %dma_wait3A_181 = arith.constant 0 : i32
    %dma_wait3A_182 = arith.constant 0 : i32
    %dma_wait3A_183 = tpu.memref_slice %arg2[%dma_wait3A_181, %dma_wait3A_182] : memref<10000x128xf32, #tpu.memory_space<hbm>> -> memref<10000x128xf32, #tpu.memory_space<hbm>>
    tpu.wait_indirect_dma semaphore(%arg13 : memref<!tpu.dma_semaphore, #tpu.memory_space<semaphore_mem>>) src(%dma_wait3A_183 : memref<10000x128xf32, #tpu.memory_space<hbm>>) dst(%dma_wait3A_177 : memref<64x128xf32, #tpu.memory_space<vmem>>)
    %run_scoped3A_184 = arith.constant 39 : i32
    "tpu.region"() ({
      %run_scoped3A_186 = tpu.sem_alloc : memref<!tpu.dma_semaphore, #tpu.memory_space<semaphore_mem>>
      %dma_start3A_187 = arith.constant 0 : i32
      %dma_start3A_188 = tpu.memref_slice %arg8[%run_scoped3A_184, %dma_start3A_187] : memref<40x128xi32, #tpu.memory_space<vmem>> -> memref<1x128xi32, #tpu.memory_space<vmem>>
      %dma_start3A_189 = tpu.memref_squeeze %dma_start3A_188 : memref<1x128xi32, #tpu.memory_space<vmem>> -> memref<128xi32, #tpu.memory_space<vmem>>
      %dma_start3A_190 = arith.constant 0 : i32
      %dma_start3A_191 = arith.constant 0 : i32
      %dma_start3A_192 = tpu.memref_slice %arg11[%dma_start3A_190, %dma_start3A_191] : memref<10112x128xf32, #tpu.memory_space<vmem_shared>> -> memref<10112x128xf32, #tpu.memory_space<vmem_shared>>
      tpu.enqueue_indirect_dma source(%arg10 : memref<128x128xf32, #tpu.memory_space<vmem>>) target(%dma_start3A_192 : memref<10112x128xf32, #tpu.memory_space<vmem_shared>>) offsets(%dma_start3A_189 : memref<128xi32, #tpu.memory_space<vmem>>) semaphore(%run_scoped3A_186 : memref<!tpu.dma_semaphore, #tpu.memory_space<semaphore_mem>>) {add = true}
      %dma_wait3A_193 = arith.constant 0 : i32
      %dma_wait3A_194 = tpu.memref_slice %arg8[%run_scoped3A_184, %dma_wait3A_193] : memref<40x128xi32, #tpu.memory_space<vmem>> -> memref<1x128xi32, #tpu.memory_space<vmem>>
      %dma_wait3A_195 = tpu.memref_squeeze %dma_wait3A_194 : memref<1x128xi32, #tpu.memory_space<vmem>> -> memref<128xi32, #tpu.memory_space<vmem>>
      %dma_wait3A_196 = arith.constant 0 : i32
      %dma_wait3A_197 = arith.constant 0 : i32
      %dma_wait3A_198 = tpu.memref_slice %arg11[%dma_wait3A_196, %dma_wait3A_197] : memref<10112x128xf32, #tpu.memory_space<vmem_shared>> -> memref<10112x128xf32, #tpu.memory_space<vmem_shared>>
      tpu.wait_indirect_dma semaphore(%run_scoped3A_186 : memref<!tpu.dma_semaphore, #tpu.memory_space<semaphore_mem>>) src(%arg10 : memref<128x128xf32, #tpu.memory_space<vmem>>) dst(%dma_wait3A_198 : memref<10112x128xf32, #tpu.memory_space<vmem_shared>>)
      tpu.yield
    }) : () -> ()
    %barrier3A_185 = arith.constant 0 : index
    tpu.barrier barrier_id(%barrier3A_185)
    "tpu.region"() ({
      %run_scoped3A_186 = tpu.sem_alloc : memref<!tpu.dma_semaphore, #tpu.memory_space<semaphore_mem>>
      %dma_start3A_187 = arith.constant 0 : i32
      %dma_start3A_188 = tpu.memref_slice %arg6[%arg0, %mul3A_2, %dma_start3A_187] : memref<2x10112x128xf32, #tpu.memory_space<hbm>> -> memref<1x632x128xf32, #tpu.memory_space<hbm>>
      %dma_start3A_189 = tpu.memref_squeeze %dma_start3A_188 : memref<1x632x128xf32, #tpu.memory_space<hbm>> -> memref<632x128xf32, #tpu.memory_space<hbm>>
      %dma_start3A_190 = arith.constant 0 : i32
      %dma_start3A_191 = tpu.memref_slice %arg11[%mul3A_2, %dma_start3A_190] : memref<10112x128xf32, #tpu.memory_space<vmem_shared>> -> memref<632x128xf32, #tpu.memory_space<vmem_shared>>
      tpu.enqueue_dma source(%dma_start3A_191 : memref<632x128xf32, #tpu.memory_space<vmem_shared>>) target(%dma_start3A_189 : memref<632x128xf32, #tpu.memory_space<hbm>>) target_semaphore(%run_scoped3A_186 : memref<!tpu.dma_semaphore, #tpu.memory_space<semaphore_mem>>)
      %dma_wait3A_192 = arith.constant 0 : i32
      %dma_wait3A_193 = tpu.memref_slice %arg6[%arg0, %mul3A_2, %dma_wait3A_192] : memref<2x10112x128xf32, #tpu.memory_space<hbm>> -> memref<1x632x128xf32, #tpu.memory_space<hbm>>
      %dma_wait3A_194 = tpu.memref_squeeze %dma_wait3A_193 : memref<1x632x128xf32, #tpu.memory_space<hbm>> -> memref<632x128xf32, #tpu.memory_space<hbm>>
      %dma_wait3A_195 = arith.constant 0 : i32
      %dma_wait3A_196 = tpu.memref_slice %arg11[%mul3A_2, %dma_wait3A_195] : memref<10112x128xf32, #tpu.memory_space<vmem_shared>> -> memref<632x128xf32, #tpu.memory_space<vmem_shared>>
      tpu.wait_dma2 semaphore(%run_scoped3A_186 : memref<!tpu.dma_semaphore, #tpu.memory_space<semaphore_mem>>) src(%dma_wait3A_196 : memref<632x128xf32, #tpu.memory_space<vmem_shared>>) dst(%dma_wait3A_194 : memref<632x128xf32, #tpu.memory_space<hbm>>)
      tpu.yield
    }) : () -> ()
    return
  }
}

#map = affine_map<(d0, d1) -> (0, 0)>
#map1 = affine_map<(d0, d1) -> (0, 0, 0)>
module attributes {stable_mosaic.version = 14 : i64} {
  func.func @_agg_kernel(%arg0: i32, %arg1: i32, %arg2: memref<10000x128xf32, #tpu.memory_space<hbm>>, %arg3: memref<32x80x128xi32, #tpu.memory_space<hbm>>, %arg4: memref<32x80x128xi32, #tpu.memory_space<hbm>>, %arg5: memref<128x128xf32, #tpu.memory_space<hbm>>, %arg6: memref<2x10112x128xf32, #tpu.memory_space<hbm>>, %arg7: memref<40x128xi32, #tpu.memory_space<vmem>>, %arg8: memref<40x128xi32, #tpu.memory_space<vmem>>, %arg9: memref<128x128xf32, #tpu.memory_space<vmem>>, %arg10: memref<128x128xf32, #tpu.memory_space<vmem>>, %arg11: memref<10112x128xf32, #tpu.memory_space<vmem_shared>>, %arg12: memref<!tpu.dma_semaphore, #tpu.memory_space<semaphore_mem>>, %arg13: memref<!tpu.dma_semaphore, #tpu.memory_space<semaphore_mem>>) attributes {dimension_semantics = [#tpu.dimension_semantics<core_parallel>, #tpu.dimension_semantics<subcore_parallel>], iteration_bounds = array<i64: 2, 16>, scalar_prefetch = 0 : i64, scratch_operands = 7 : i64, tpu.core_type = #tpu.core_type<sc_vector_subcore>, window_params = [{transform_indices = #map}, {transform_indices = #map1}, {transform_indices = #map1}, {transform_indices = #map}, {transform_indices = #map1}]} {
    %mul3A = arith.constant 2 : i32
    %mul3A_0 = arith.muli %arg1, %mul3A : i32
    %add3A = arith.addi %mul3A_0, %arg0 : i32
    %mul3A_1 = arith.constant 632 : i32
    %mul3A_2 = arith.muli %arg1, %mul3A_1 : i32
    "tpu.region"() ({
      %run_scoped3A_186 = tpu.sem_alloc : memref<!tpu.dma_semaphore, #tpu.memory_space<semaphore_mem>>
      tpu.enqueue_dma source(%arg5 : memref<128x128xf32, #tpu.memory_space<hbm>>) target(%arg9 : memref<128x128xf32, #tpu.memory_space<vmem>>) target_semaphore(%run_scoped3A_186 : memref<!tpu.dma_semaphore, #tpu.memory_space<semaphore_mem>>)
      tpu.wait_dma2 semaphore(%run_scoped3A_186 : memref<!tpu.dma_semaphore, #tpu.memory_space<semaphore_mem>>) src(%arg5 : memref<128x128xf32, #tpu.memory_space<hbm>>) dst(%arg9 : memref<128x128xf32, #tpu.memory_space<vmem>>)
      tpu.yield
    }) : () -> ()
    %add3A_3 = arith.constant 0 : i32
    %add3A_4 = arith.addi %mul3A_2, %add3A_3 : i32
    "tpu.region"() ({
      %run_scoped3A_186 = tpu.sem_alloc : memref<!tpu.dma_semaphore, #tpu.memory_space<semaphore_mem>>
      %dma_start3A_187 = arith.constant 0 : i32
      %dma_start3A_188 = tpu.memref_slice %arg11[%add3A_4, %dma_start3A_187] : memref<10112x128xf32, #tpu.memory_space<vmem_shared>> -> memref<128x128xf32, #tpu.memory_space<vmem_shared>>
      %dma_start3A_189 = arith.constant 0 : i32
      %dma_start3A_190 = tpu.memref_slice %arg11[%add3A_4, %dma_start3A_189] : memref<10112x128xf32, #tpu.memory_space<vmem_shared>> -> memref<128x128xf32, #tpu.memory_space<vmem_shared>>
      tpu.enqueue_dma source(%arg9 : memref<128x128xf32, #tpu.memory_space<vmem>>) target(%dma_start3A_190 : memref<128x128xf32, #tpu.memory_space<vmem_shared>>) target_semaphore(%run_scoped3A_186 : memref<!tpu.dma_semaphore, #tpu.memory_space<semaphore_mem>>)
      %dma_wait3A_191 = arith.constant 0 : i32
      %dma_wait3A_192 = tpu.memref_slice %arg11[%add3A_4, %dma_wait3A_191] : memref<10112x128xf32, #tpu.memory_space<vmem_shared>> -> memref<128x128xf32, #tpu.memory_space<vmem_shared>>
      %dma_wait3A_193 = arith.constant 0 : i32
      %dma_wait3A_194 = tpu.memref_slice %arg11[%add3A_4, %dma_wait3A_193] : memref<10112x128xf32, #tpu.memory_space<vmem_shared>> -> memref<128x128xf32, #tpu.memory_space<vmem_shared>>
      tpu.wait_dma2 semaphore(%run_scoped3A_186 : memref<!tpu.dma_semaphore, #tpu.memory_space<semaphore_mem>>) src(%arg9 : memref<128x128xf32, #tpu.memory_space<vmem>>) dst(%dma_wait3A_194 : memref<128x128xf32, #tpu.memory_space<vmem_shared>>)
      tpu.yield
    }) : () -> ()
    %add3A_5 = arith.constant 128 : i32
    %add3A_6 = arith.addi %mul3A_2, %add3A_5 : i32
    "tpu.region"() ({
      %run_scoped3A_186 = tpu.sem_alloc : memref<!tpu.dma_semaphore, #tpu.memory_space<semaphore_mem>>
      %dma_start3A_187 = arith.constant 0 : i32
      %dma_start3A_188 = tpu.memref_slice %arg11[%add3A_6, %dma_start3A_187] : memref<10112x128xf32, #tpu.memory_space<vmem_shared>> -> memref<128x128xf32, #tpu.memory_space<vmem_shared>>
      %dma_start3A_189 = arith.constant 0 : i32
      %dma_start3A_190 = tpu.memref_slice %arg11[%add3A_6, %dma_start3A_189] : memref<10112x128xf32, #tpu.memory_space<vmem_shared>> -> memref<128x128xf32, #tpu.memory_space<vmem_shared>>
      tpu.enqueue_dma source(%arg9 : memref<128x128xf32, #tpu.memory_space<vmem>>) target(%dma_start3A_190 : memref<128x128xf32, #tpu.memory_space<vmem_shared>>) target_semaphore(%run_scoped3A_186 : memref<!tpu.dma_semaphore, #tpu.memory_space<semaphore_mem>>)
      %dma_wait3A_191 = arith.constant 0 : i32
      %dma_wait3A_192 = tpu.memref_slice %arg11[%add3A_6, %dma_wait3A_191] : memref<10112x128xf32, #tpu.memory_space<vmem_shared>> -> memref<128x128xf32, #tpu.memory_space<vmem_shared>>
      %dma_wait3A_193 = arith.constant 0 : i32
      %dma_wait3A_194 = tpu.memref_slice %arg11[%add3A_6, %dma_wait3A_193] : memref<10112x128xf32, #tpu.memory_space<vmem_shared>> -> memref<128x128xf32, #tpu.memory_space<vmem_shared>>
      tpu.wait_dma2 semaphore(%run_scoped3A_186 : memref<!tpu.dma_semaphore, #tpu.memory_space<semaphore_mem>>) src(%arg9 : memref<128x128xf32, #tpu.memory_space<vmem>>) dst(%dma_wait3A_194 : memref<128x128xf32, #tpu.memory_space<vmem_shared>>)
      tpu.yield
    }) : () -> ()
    %add3A_7 = arith.constant 256 : i32
    %add3A_8 = arith.addi %mul3A_2, %add3A_7 : i32
    "tpu.region"() ({
      %run_scoped3A_186 = tpu.sem_alloc : memref<!tpu.dma_semaphore, #tpu.memory_space<semaphore_mem>>
      %dma_start3A_187 = arith.constant 0 : i32
      %dma_start3A_188 = tpu.memref_slice %arg11[%add3A_8, %dma_start3A_187] : memref<10112x128xf32, #tpu.memory_space<vmem_shared>> -> memref<128x128xf32, #tpu.memory_space<vmem_shared>>
      %dma_start3A_189 = arith.constant 0 : i32
      %dma_start3A_190 = tpu.memref_slice %arg11[%add3A_8, %dma_start3A_189] : memref<10112x128xf32, #tpu.memory_space<vmem_shared>> -> memref<128x128xf32, #tpu.memory_space<vmem_shared>>
      tpu.enqueue_dma source(%arg9 : memref<128x128xf32, #tpu.memory_space<vmem>>) target(%dma_start3A_190 : memref<128x128xf32, #tpu.memory_space<vmem_shared>>) target_semaphore(%run_scoped3A_186 : memref<!tpu.dma_semaphore, #tpu.memory_space<semaphore_mem>>)
      %dma_wait3A_191 = arith.constant 0 : i32
      %dma_wait3A_192 = tpu.memref_slice %arg11[%add3A_8, %dma_wait3A_191] : memref<10112x128xf32, #tpu.memory_space<vmem_shared>> -> memref<128x128xf32, #tpu.memory_space<vmem_shared>>
      %dma_wait3A_193 = arith.constant 0 : i32
      %dma_wait3A_194 = tpu.memref_slice %arg11[%add3A_8, %dma_wait3A_193] : memref<10112x128xf32, #tpu.memory_space<vmem_shared>> -> memref<128x128xf32, #tpu.memory_space<vmem_shared>>
      tpu.wait_dma2 semaphore(%run_scoped3A_186 : memref<!tpu.dma_semaphore, #tpu.memory_space<semaphore_mem>>) src(%arg9 : memref<128x128xf32, #tpu.memory_space<vmem>>) dst(%dma_wait3A_194 : memref<128x128xf32, #tpu.memory_space<vmem_shared>>)
      tpu.yield
    }) : () -> ()
    %add3A_9 = arith.constant 384 : i32
    %add3A_10 = arith.addi %mul3A_2, %add3A_9 : i32
    "tpu.region"() ({
      %run_scoped3A_186 = tpu.sem_alloc : memref<!tpu.dma_semaphore, #tpu.memory_space<semaphore_mem>>
      %dma_start3A_187 = arith.constant 0 : i32
      %dma_start3A_188 = tpu.memref_slice %arg11[%add3A_10, %dma_start3A_187] : memref<10112x128xf32, #tpu.memory_space<vmem_shared>> -> memref<128x128xf32, #tpu.memory_space<vmem_shared>>
      %dma_start3A_189 = arith.constant 0 : i32
      %dma_start3A_190 = tpu.memref_slice %arg11[%add3A_10, %dma_start3A_189] : memref<10112x128xf32, #tpu.memory_space<vmem_shared>> -> memref<128x128xf32, #tpu.memory_space<vmem_shared>>
      tpu.enqueue_dma source(%arg9 : memref<128x128xf32, #tpu.memory_space<vmem>>) target(%dma_start3A_190 : memref<128x128xf32, #tpu.memory_space<vmem_shared>>) target_semaphore(%run_scoped3A_186 : memref<!tpu.dma_semaphore, #tpu.memory_space<semaphore_mem>>)
      %dma_wait3A_191 = arith.constant 0 : i32
      %dma_wait3A_192 = tpu.memref_slice %arg11[%add3A_10, %dma_wait3A_191] : memref<10112x128xf32, #tpu.memory_space<vmem_shared>> -> memref<128x128xf32, #tpu.memory_space<vmem_shared>>
      %dma_wait3A_193 = arith.constant 0 : i32
      %dma_wait3A_194 = tpu.memref_slice %arg11[%add3A_10, %dma_wait3A_193] : memref<10112x128xf32, #tpu.memory_space<vmem_shared>> -> memref<128x128xf32, #tpu.memory_space<vmem_shared>>
      tpu.wait_dma2 semaphore(%run_scoped3A_186 : memref<!tpu.dma_semaphore, #tpu.memory_space<semaphore_mem>>) src(%arg9 : memref<128x128xf32, #tpu.memory_space<vmem>>) dst(%dma_wait3A_194 : memref<128x128xf32, #tpu.memory_space<vmem_shared>>)
      tpu.yield
    }) : () -> ()
    %add3A_11 = arith.constant 512 : i32
    %add3A_12 = arith.addi %mul3A_2, %add3A_11 : i32
    "tpu.region"() ({
      %run_scoped3A_186 = tpu.sem_alloc : memref<!tpu.dma_semaphore, #tpu.memory_space<semaphore_mem>>
      %dma_start3A_187 = arith.constant 0 : i32
      %dma_start3A_188 = arith.constant 0 : i32
      %dma_start3A_189 = tpu.memref_slice %arg9[%dma_start3A_187, %dma_start3A_188] : memref<128x128xf32, #tpu.memory_space<vmem>> -> memref<120x128xf32, #tpu.memory_space<vmem>>
      %dma_start3A_190 = arith.constant 0 : i32
      %dma_start3A_191 = tpu.memref_slice %arg11[%add3A_12, %dma_start3A_190] : memref<10112x128xf32, #tpu.memory_space<vmem_shared>> -> memref<120x128xf32, #tpu.memory_space<vmem_shared>>
      %dma_start3A_192 = arith.constant 0 : i32
      %dma_start3A_193 = tpu.memref_slice %arg11[%add3A_12, %dma_start3A_192] : memref<10112x128xf32, #tpu.memory_space<vmem_shared>> -> memref<120x128xf32, #tpu.memory_space<vmem_shared>>
      %dma_start3A_194 = arith.constant 0 : i32
      %dma_start3A_195 = arith.constant 0 : i32
      %dma_start3A_196 = tpu.memref_slice %arg9[%dma_start3A_194, %dma_start3A_195] : memref<128x128xf32, #tpu.memory_space<vmem>> -> memref<120x128xf32, #tpu.memory_space<vmem>>
      tpu.enqueue_dma source(%dma_start3A_196 : memref<120x128xf32, #tpu.memory_space<vmem>>) target(%dma_start3A_193 : memref<120x128xf32, #tpu.memory_space<vmem_shared>>) target_semaphore(%run_scoped3A_186 : memref<!tpu.dma_semaphore, #tpu.memory_space<semaphore_mem>>)
      %dma_wait3A_197 = arith.constant 0 : i32
      %dma_wait3A_198 = arith.constant 0 : i32
      %dma_wait3A_199 = tpu.memref_slice %arg9[%dma_wait3A_197, %dma_wait3A_198] : memref<128x128xf32, #tpu.memory_space<vmem>> -> memref<120x128xf32, #tpu.memory_space<vmem>>
      %dma_wait3A_200 = arith.constant 0 : i32
      %dma_wait3A_201 = tpu.memref_slice %arg11[%add3A_12, %dma_wait3A_200] : memref<10112x128xf32, #tpu.memory_space<vmem_shared>> -> memref<120x128xf32, #tpu.memory_space<vmem_shared>>
      %dma_wait3A_202 = arith.constant 0 : i32
      %dma_wait3A_203 = tpu.memref_slice %arg11[%add3A_12, %dma_wait3A_202] : memref<10112x128xf32, #tpu.memory_space<vmem_shared>> -> memref<120x128xf32, #tpu.memory_space<vmem_shared>>
      %dma_wait3A_204 = arith.constant 0 : i32
      %dma_wait3A_205 = arith.constant 0 : i32
      %dma_wait3A_206 = tpu.memref_slice %arg9[%dma_wait3A_204, %dma_wait3A_205] : memref<128x128xf32, #tpu.memory_space<vmem>> -> memref<120x128xf32, #tpu.memory_space<vmem>>
      tpu.wait_dma2 semaphore(%run_scoped3A_186 : memref<!tpu.dma_semaphore, #tpu.memory_space<semaphore_mem>>) src(%dma_wait3A_206 : memref<120x128xf32, #tpu.memory_space<vmem>>) dst(%dma_wait3A_203 : memref<120x128xf32, #tpu.memory_space<vmem_shared>>)
      tpu.yield
    }) : () -> ()
    %barrier3A = arith.constant 0 : index
    tpu.barrier barrier_id(%barrier3A)
    "tpu.region"() ({
      %run_scoped3A_186 = tpu.sem_alloc : memref<!tpu.dma_semaphore, #tpu.memory_space<semaphore_mem>>
      %dma_start3A_187 = arith.constant 0 : i32
      %dma_start3A_188 = arith.constant 0 : i32
      %dma_start3A_189 = tpu.memref_slice %arg3[%add3A, %dma_start3A_187, %dma_start3A_188] : memref<32x80x128xi32, #tpu.memory_space<hbm>> -> memref<1x40x128xi32, #tpu.memory_space<hbm>>
      %dma_start3A_190 = tpu.memref_squeeze %dma_start3A_189 : memref<1x40x128xi32, #tpu.memory_space<hbm>> -> memref<40x128xi32, #tpu.memory_space<hbm>>
      %dma_start3A_191 = arith.constant 0 : i32
      %dma_start3A_192 = arith.constant 0 : i32
      %dma_start3A_193 = tpu.memref_slice %arg3[%add3A, %dma_start3A_191, %dma_start3A_192] : memref<32x80x128xi32, #tpu.memory_space<hbm>> -> memref<1x40x128xi32, #tpu.memory_space<hbm>>
      %dma_start3A_194 = tpu.memref_squeeze %dma_start3A_193 : memref<1x40x128xi32, #tpu.memory_space<hbm>> -> memref<40x128xi32, #tpu.memory_space<hbm>>
      tpu.enqueue_dma source(%dma_start3A_194 : memref<40x128xi32, #tpu.memory_space<hbm>>) target(%arg7 : memref<40x128xi32, #tpu.memory_space<vmem>>) target_semaphore(%run_scoped3A_186 : memref<!tpu.dma_semaphore, #tpu.memory_space<semaphore_mem>>)
      %dma_wait3A_195 = arith.constant 0 : i32
      %dma_wait3A_196 = arith.constant 0 : i32
      %dma_wait3A_197 = tpu.memref_slice %arg3[%add3A, %dma_wait3A_195, %dma_wait3A_196] : memref<32x80x128xi32, #tpu.memory_space<hbm>> -> memref<1x40x128xi32, #tpu.memory_space<hbm>>
      %dma_wait3A_198 = tpu.memref_squeeze %dma_wait3A_197 : memref<1x40x128xi32, #tpu.memory_space<hbm>> -> memref<40x128xi32, #tpu.memory_space<hbm>>
      %dma_wait3A_199 = arith.constant 0 : i32
      %dma_wait3A_200 = arith.constant 0 : i32
      %dma_wait3A_201 = tpu.memref_slice %arg3[%add3A, %dma_wait3A_199, %dma_wait3A_200] : memref<32x80x128xi32, #tpu.memory_space<hbm>> -> memref<1x40x128xi32, #tpu.memory_space<hbm>>
      %dma_wait3A_202 = tpu.memref_squeeze %dma_wait3A_201 : memref<1x40x128xi32, #tpu.memory_space<hbm>> -> memref<40x128xi32, #tpu.memory_space<hbm>>
      tpu.wait_dma2 semaphore(%run_scoped3A_186 : memref<!tpu.dma_semaphore, #tpu.memory_space<semaphore_mem>>) src(%dma_wait3A_202 : memref<40x128xi32, #tpu.memory_space<hbm>>) dst(%arg7 : memref<40x128xi32, #tpu.memory_space<vmem>>)
      tpu.yield
    }) : () -> ()
    "tpu.region"() ({
      %run_scoped3A_186 = tpu.sem_alloc : memref<!tpu.dma_semaphore, #tpu.memory_space<semaphore_mem>>
      %dma_start3A_187 = arith.constant 0 : i32
      %dma_start3A_188 = arith.constant 0 : i32
      %dma_start3A_189 = tpu.memref_slice %arg4[%add3A, %dma_start3A_187, %dma_start3A_188] : memref<32x80x128xi32, #tpu.memory_space<hbm>> -> memref<1x40x128xi32, #tpu.memory_space<hbm>>
      %dma_start3A_190 = tpu.memref_squeeze %dma_start3A_189 : memref<1x40x128xi32, #tpu.memory_space<hbm>> -> memref<40x128xi32, #tpu.memory_space<hbm>>
      %dma_start3A_191 = arith.constant 0 : i32
      %dma_start3A_192 = arith.constant 0 : i32
      %dma_start3A_193 = tpu.memref_slice %arg4[%add3A, %dma_start3A_191, %dma_start3A_192] : memref<32x80x128xi32, #tpu.memory_space<hbm>> -> memref<1x40x128xi32, #tpu.memory_space<hbm>>
      %dma_start3A_194 = tpu.memref_squeeze %dma_start3A_193 : memref<1x40x128xi32, #tpu.memory_space<hbm>> -> memref<40x128xi32, #tpu.memory_space<hbm>>
      tpu.enqueue_dma source(%dma_start3A_194 : memref<40x128xi32, #tpu.memory_space<hbm>>) target(%arg8 : memref<40x128xi32, #tpu.memory_space<vmem>>) target_semaphore(%run_scoped3A_186 : memref<!tpu.dma_semaphore, #tpu.memory_space<semaphore_mem>>)
      %dma_wait3A_195 = arith.constant 0 : i32
      %dma_wait3A_196 = arith.constant 0 : i32
      %dma_wait3A_197 = tpu.memref_slice %arg4[%add3A, %dma_wait3A_195, %dma_wait3A_196] : memref<32x80x128xi32, #tpu.memory_space<hbm>> -> memref<1x40x128xi32, #tpu.memory_space<hbm>>
      %dma_wait3A_198 = tpu.memref_squeeze %dma_wait3A_197 : memref<1x40x128xi32, #tpu.memory_space<hbm>> -> memref<40x128xi32, #tpu.memory_space<hbm>>
      %dma_wait3A_199 = arith.constant 0 : i32
      %dma_wait3A_200 = arith.constant 0 : i32
      %dma_wait3A_201 = tpu.memref_slice %arg4[%add3A, %dma_wait3A_199, %dma_wait3A_200] : memref<32x80x128xi32, #tpu.memory_space<hbm>> -> memref<1x40x128xi32, #tpu.memory_space<hbm>>
      %dma_wait3A_202 = tpu.memref_squeeze %dma_wait3A_201 : memref<1x40x128xi32, #tpu.memory_space<hbm>> -> memref<40x128xi32, #tpu.memory_space<hbm>>
      tpu.wait_dma2 semaphore(%run_scoped3A_186 : memref<!tpu.dma_semaphore, #tpu.memory_space<semaphore_mem>>) src(%dma_wait3A_202 : memref<40x128xi32, #tpu.memory_space<hbm>>) dst(%arg8 : memref<40x128xi32, #tpu.memory_space<vmem>>)
      tpu.yield
    }) : () -> ()
    %dma_start3A = arith.constant 0 : i32
    %dma_start3A_13 = arith.constant 0 : i32
    %dma_start3A_14 = arith.constant 0 : i32
    %dma_start3A_15 = tpu.memref_slice %arg9[%dma_start3A_13, %dma_start3A_14] : memref<128x128xf32, #tpu.memory_space<vmem>> -> memref<64x128xf32, #tpu.memory_space<vmem>>
    %dma_start3A_16 = arith.constant 0 : i32
    %dma_start3A_17 = tpu.memref_slice %arg7[%dma_start3A, %dma_start3A_16] : memref<40x128xi32, #tpu.memory_space<vmem>> -> memref<1x64xi32, #tpu.memory_space<vmem>>
    %dma_start3A_18 = tpu.memref_squeeze %dma_start3A_17 : memref<1x64xi32, #tpu.memory_space<vmem>> -> memref<64xi32, #tpu.memory_space<vmem>>
    %dma_start3A_19 = arith.constant 0 : i32
    %dma_start3A_20 = arith.constant 0 : i32
    %dma_start3A_21 = tpu.memref_slice %arg2[%dma_start3A_19, %dma_start3A_20] : memref<10000x128xf32, #tpu.memory_space<hbm>> -> memref<10000x128xf32, #tpu.memory_space<hbm>>
    tpu.enqueue_indirect_dma source(%dma_start3A_21 : memref<10000x128xf32, #tpu.memory_space<hbm>>) target(%dma_start3A_15 : memref<64x128xf32, #tpu.memory_space<vmem>>) offsets(%dma_start3A_18 : memref<64xi32, #tpu.memory_space<vmem>>) semaphore(%arg12 : memref<!tpu.dma_semaphore, #tpu.memory_space<semaphore_mem>>)
    %dma_start3A_22 = arith.constant 0 : i32
    %dma_start3A_23 = arith.constant 64 : i32
    %dma_start3A_24 = arith.constant 0 : i32
    %dma_start3A_25 = tpu.memref_slice %arg9[%dma_start3A_23, %dma_start3A_24] : memref<128x128xf32, #tpu.memory_space<vmem>> -> memref<64x128xf32, #tpu.memory_space<vmem>>
    %dma_start3A_26 = arith.constant 64 : i32
    %dma_start3A_27 = tpu.memref_slice %arg7[%dma_start3A_22, %dma_start3A_26] : memref<40x128xi32, #tpu.memory_space<vmem>> -> memref<1x64xi32, #tpu.memory_space<vmem>>
    %dma_start3A_28 = tpu.memref_squeeze %dma_start3A_27 : memref<1x64xi32, #tpu.memory_space<vmem>> -> memref<64xi32, #tpu.memory_space<vmem>>
    %dma_start3A_29 = arith.constant 0 : i32
    %dma_start3A_30 = arith.constant 0 : i32
    %dma_start3A_31 = tpu.memref_slice %arg2[%dma_start3A_29, %dma_start3A_30] : memref<10000x128xf32, #tpu.memory_space<hbm>> -> memref<10000x128xf32, #tpu.memory_space<hbm>>
    tpu.enqueue_indirect_dma source(%dma_start3A_31 : memref<10000x128xf32, #tpu.memory_space<hbm>>) target(%dma_start3A_25 : memref<64x128xf32, #tpu.memory_space<vmem>>) offsets(%dma_start3A_28 : memref<64xi32, #tpu.memory_space<vmem>>) semaphore(%arg12 : memref<!tpu.dma_semaphore, #tpu.memory_space<semaphore_mem>>)
    %dma_start3A_32 = arith.constant 1 : i32
    %dma_start3A_33 = arith.constant 0 : i32
    %dma_start3A_34 = arith.constant 0 : i32
    %dma_start3A_35 = tpu.memref_slice %arg10[%dma_start3A_33, %dma_start3A_34] : memref<128x128xf32, #tpu.memory_space<vmem>> -> memref<64x128xf32, #tpu.memory_space<vmem>>
    %dma_start3A_36 = arith.constant 0 : i32
    %dma_start3A_37 = tpu.memref_slice %arg7[%dma_start3A_32, %dma_start3A_36] : memref<40x128xi32, #tpu.memory_space<vmem>> -> memref<1x64xi32, #tpu.memory_space<vmem>>
    %dma_start3A_38 = tpu.memref_squeeze %dma_start3A_37 : memref<1x64xi32, #tpu.memory_space<vmem>> -> memref<64xi32, #tpu.memory_space<vmem>>
    %dma_start3A_39 = arith.constant 0 : i32
    %dma_start3A_40 = arith.constant 0 : i32
    %dma_start3A_41 = tpu.memref_slice %arg2[%dma_start3A_39, %dma_start3A_40] : memref<10000x128xf32, #tpu.memory_space<hbm>> -> memref<10000x128xf32, #tpu.memory_space<hbm>>
    tpu.enqueue_indirect_dma source(%dma_start3A_41 : memref<10000x128xf32, #tpu.memory_space<hbm>>) target(%dma_start3A_35 : memref<64x128xf32, #tpu.memory_space<vmem>>) offsets(%dma_start3A_38 : memref<64xi32, #tpu.memory_space<vmem>>) semaphore(%arg13 : memref<!tpu.dma_semaphore, #tpu.memory_space<semaphore_mem>>)
    %dma_start3A_42 = arith.constant 1 : i32
    %dma_start3A_43 = arith.constant 64 : i32
    %dma_start3A_44 = arith.constant 0 : i32
    %dma_start3A_45 = tpu.memref_slice %arg10[%dma_start3A_43, %dma_start3A_44] : memref<128x128xf32, #tpu.memory_space<vmem>> -> memref<64x128xf32, #tpu.memory_space<vmem>>
    %dma_start3A_46 = arith.constant 64 : i32
    %dma_start3A_47 = tpu.memref_slice %arg7[%dma_start3A_42, %dma_start3A_46] : memref<40x128xi32, #tpu.memory_space<vmem>> -> memref<1x64xi32, #tpu.memory_space<vmem>>
    %dma_start3A_48 = tpu.memref_squeeze %dma_start3A_47 : memref<1x64xi32, #tpu.memory_space<vmem>> -> memref<64xi32, #tpu.memory_space<vmem>>
    %dma_start3A_49 = arith.constant 0 : i32
    %dma_start3A_50 = arith.constant 0 : i32
    %dma_start3A_51 = tpu.memref_slice %arg2[%dma_start3A_49, %dma_start3A_50] : memref<10000x128xf32, #tpu.memory_space<hbm>> -> memref<10000x128xf32, #tpu.memory_space<hbm>>
    tpu.enqueue_indirect_dma source(%dma_start3A_51 : memref<10000x128xf32, #tpu.memory_space<hbm>>) target(%dma_start3A_45 : memref<64x128xf32, #tpu.memory_space<vmem>>) offsets(%dma_start3A_48 : memref<64xi32, #tpu.memory_space<vmem>>) semaphore(%arg13 : memref<!tpu.dma_semaphore, #tpu.memory_space<semaphore_mem>>)
    %scan3A = arith.constant 0 : i32
    %scan3A_52 = arith.constant 0 : i32
    %scan3A_53 = arith.constant 19 : i32
    %scan3A_54 = arith.addi %scan3A_52, %scan3A_53 : i32
    %scan3A_55 = arith.constant 1 : i32
    scf.for %scan3A_186 = %scan3A_52 to %scan3A_54 step %scan3A_55  : i32 {
      %mul3A_187 = arith.constant 2 : i32
      %mul3A_188 = arith.muli %mul3A_187, %scan3A_186 : i32
      %dma_wait3A_189 = arith.constant 0 : i32
      %dma_wait3A_190 = arith.constant 0 : i32
      %dma_wait3A_191 = tpu.memref_slice %arg9[%dma_wait3A_189, %dma_wait3A_190] : memref<128x128xf32, #tpu.memory_space<vmem>> -> memref<64x128xf32, #tpu.memory_space<vmem>>
      %dma_wait3A_192 = arith.constant 0 : i32
      %dma_wait3A_193 = tpu.memref_slice %arg7[%mul3A_188, %dma_wait3A_192] : memref<40x128xi32, #tpu.memory_space<vmem>> -> memref<1x64xi32, #tpu.memory_space<vmem>>
      %dma_wait3A_194 = tpu.memref_squeeze %dma_wait3A_193 : memref<1x64xi32, #tpu.memory_space<vmem>> -> memref<64xi32, #tpu.memory_space<vmem>>
      %dma_wait3A_195 = arith.constant 0 : i32
      %dma_wait3A_196 = arith.constant 0 : i32
      %dma_wait3A_197 = tpu.memref_slice %arg2[%dma_wait3A_195, %dma_wait3A_196] : memref<10000x128xf32, #tpu.memory_space<hbm>> -> memref<10000x128xf32, #tpu.memory_space<hbm>>
      tpu.wait_indirect_dma semaphore(%arg12 : memref<!tpu.dma_semaphore, #tpu.memory_space<semaphore_mem>>) src(%dma_wait3A_197 : memref<10000x128xf32, #tpu.memory_space<hbm>>) dst(%dma_wait3A_191 : memref<64x128xf32, #tpu.memory_space<vmem>>)
      %dma_wait3A_198 = arith.constant 64 : i32
      %dma_wait3A_199 = arith.constant 0 : i32
      %dma_wait3A_200 = tpu.memref_slice %arg9[%dma_wait3A_198, %dma_wait3A_199] : memref<128x128xf32, #tpu.memory_space<vmem>> -> memref<64x128xf32, #tpu.memory_space<vmem>>
      %dma_wait3A_201 = arith.constant 64 : i32
      %dma_wait3A_202 = tpu.memref_slice %arg7[%mul3A_188, %dma_wait3A_201] : memref<40x128xi32, #tpu.memory_space<vmem>> -> memref<1x64xi32, #tpu.memory_space<vmem>>
      %dma_wait3A_203 = tpu.memref_squeeze %dma_wait3A_202 : memref<1x64xi32, #tpu.memory_space<vmem>> -> memref<64xi32, #tpu.memory_space<vmem>>
      %dma_wait3A_204 = arith.constant 0 : i32
      %dma_wait3A_205 = arith.constant 0 : i32
      %dma_wait3A_206 = tpu.memref_slice %arg2[%dma_wait3A_204, %dma_wait3A_205] : memref<10000x128xf32, #tpu.memory_space<hbm>> -> memref<10000x128xf32, #tpu.memory_space<hbm>>
      tpu.wait_indirect_dma semaphore(%arg12 : memref<!tpu.dma_semaphore, #tpu.memory_space<semaphore_mem>>) src(%dma_wait3A_206 : memref<10000x128xf32, #tpu.memory_space<hbm>>) dst(%dma_wait3A_200 : memref<64x128xf32, #tpu.memory_space<vmem>>)
      "tpu.region"() ({
        %run_scoped3A_269 = tpu.sem_alloc : memref<!tpu.dma_semaphore, #tpu.memory_space<semaphore_mem>>
        %dma_start3A_270 = arith.constant 0 : i32
        %dma_start3A_271 = tpu.memref_slice %arg8[%mul3A_188, %dma_start3A_270] : memref<40x128xi32, #tpu.memory_space<vmem>> -> memref<1x128xi32, #tpu.memory_space<vmem>>
        %dma_start3A_272 = tpu.memref_squeeze %dma_start3A_271 : memref<1x128xi32, #tpu.memory_space<vmem>> -> memref<128xi32, #tpu.memory_space<vmem>>
        %dma_start3A_273 = arith.constant 0 : i32
        %dma_start3A_274 = arith.constant 0 : i32
        %dma_start3A_275 = tpu.memref_slice %arg11[%dma_start3A_273, %dma_start3A_274] : memref<10112x128xf32, #tpu.memory_space<vmem_shared>> -> memref<10112x128xf32, #tpu.memory_space<vmem_shared>>
        tpu.enqueue_indirect_dma source(%arg9 : memref<128x128xf32, #tpu.memory_space<vmem>>) target(%dma_start3A_275 : memref<10112x128xf32, #tpu.memory_space<vmem_shared>>) offsets(%dma_start3A_272 : memref<128xi32, #tpu.memory_space<vmem>>) semaphore(%run_scoped3A_269 : memref<!tpu.dma_semaphore, #tpu.memory_space<semaphore_mem>>) {add = true}
        %dma_wait3A_276 = arith.constant 0 : i32
        %dma_wait3A_277 = tpu.memref_slice %arg8[%mul3A_188, %dma_wait3A_276] : memref<40x128xi32, #tpu.memory_space<vmem>> -> memref<1x128xi32, #tpu.memory_space<vmem>>
        %dma_wait3A_278 = tpu.memref_squeeze %dma_wait3A_277 : memref<1x128xi32, #tpu.memory_space<vmem>> -> memref<128xi32, #tpu.memory_space<vmem>>
        %dma_wait3A_279 = arith.constant 0 : i32
        %dma_wait3A_280 = arith.constant 0 : i32
        %dma_wait3A_281 = tpu.memref_slice %arg11[%dma_wait3A_279, %dma_wait3A_280] : memref<10112x128xf32, #tpu.memory_space<vmem_shared>> -> memref<10112x128xf32, #tpu.memory_space<vmem_shared>>
        tpu.wait_indirect_dma semaphore(%run_scoped3A_269 : memref<!tpu.dma_semaphore, #tpu.memory_space<semaphore_mem>>) src(%arg9 : memref<128x128xf32, #tpu.memory_space<vmem>>) dst(%dma_wait3A_281 : memref<10112x128xf32, #tpu.memory_space<vmem_shared>>)
        tpu.yield
      }) : () -> ()
      %add3A_207 = arith.constant 2 : i32
      %add3A_208 = arith.addi %mul3A_188, %add3A_207 : i32
      %dma_start3A_209 = arith.constant 0 : i32
      %dma_start3A_210 = arith.constant 0 : i32
      %dma_start3A_211 = tpu.memref_slice %arg9[%dma_start3A_209, %dma_start3A_210] : memref<128x128xf32, #tpu.memory_space<vmem>> -> memref<64x128xf32, #tpu.memory_space<vmem>>
      %dma_start3A_212 = arith.constant 0 : i32
      %dma_start3A_213 = tpu.memref_slice %arg7[%add3A_208, %dma_start3A_212] : memref<40x128xi32, #tpu.memory_space<vmem>> -> memref<1x64xi32, #tpu.memory_space<vmem>>
      %dma_start3A_214 = tpu.memref_squeeze %dma_start3A_213 : memref<1x64xi32, #tpu.memory_space<vmem>> -> memref<64xi32, #tpu.memory_space<vmem>>
      %dma_start3A_215 = arith.constant 0 : i32
      %dma_start3A_216 = arith.constant 0 : i32
      %dma_start3A_217 = tpu.memref_slice %arg2[%dma_start3A_215, %dma_start3A_216] : memref<10000x128xf32, #tpu.memory_space<hbm>> -> memref<10000x128xf32, #tpu.memory_space<hbm>>
      tpu.enqueue_indirect_dma source(%dma_start3A_217 : memref<10000x128xf32, #tpu.memory_space<hbm>>) target(%dma_start3A_211 : memref<64x128xf32, #tpu.memory_space<vmem>>) offsets(%dma_start3A_214 : memref<64xi32, #tpu.memory_space<vmem>>) semaphore(%arg12 : memref<!tpu.dma_semaphore, #tpu.memory_space<semaphore_mem>>)
      %dma_start3A_218 = arith.constant 64 : i32
      %dma_start3A_219 = arith.constant 0 : i32
      %dma_start3A_220 = tpu.memref_slice %arg9[%dma_start3A_218, %dma_start3A_219] : memref<128x128xf32, #tpu.memory_space<vmem>> -> memref<64x128xf32, #tpu.memory_space<vmem>>
      %dma_start3A_221 = arith.constant 64 : i32
      %dma_start3A_222 = tpu.memref_slice %arg7[%add3A_208, %dma_start3A_221] : memref<40x128xi32, #tpu.memory_space<vmem>> -> memref<1x64xi32, #tpu.memory_space<vmem>>
      %dma_start3A_223 = tpu.memref_squeeze %dma_start3A_222 : memref<1x64xi32, #tpu.memory_space<vmem>> -> memref<64xi32, #tpu.memory_space<vmem>>
      %dma_start3A_224 = arith.constant 0 : i32
      %dma_start3A_225 = arith.constant 0 : i32
      %dma_start3A_226 = tpu.memref_slice %arg2[%dma_start3A_224, %dma_start3A_225] : memref<10000x128xf32, #tpu.memory_space<hbm>> -> memref<10000x128xf32, #tpu.memory_space<hbm>>
      tpu.enqueue_indirect_dma source(%dma_start3A_226 : memref<10000x128xf32, #tpu.memory_space<hbm>>) target(%dma_start3A_220 : memref<64x128xf32, #tpu.memory_space<vmem>>) offsets(%dma_start3A_223 : memref<64xi32, #tpu.memory_space<vmem>>) semaphore(%arg12 : memref<!tpu.dma_semaphore, #tpu.memory_space<semaphore_mem>>)
      %add3A_227 = arith.constant 1 : i32
      %add3A_228 = arith.addi %mul3A_188, %add3A_227 : i32
      %dma_wait3A_229 = arith.constant 0 : i32
      %dma_wait3A_230 = arith.constant 0 : i32
      %dma_wait3A_231 = tpu.memref_slice %arg10[%dma_wait3A_229, %dma_wait3A_230] : memref<128x128xf32, #tpu.memory_space<vmem>> -> memref<64x128xf32, #tpu.memory_space<vmem>>
      %dma_wait3A_232 = arith.constant 0 : i32
      %dma_wait3A_233 = tpu.memref_slice %arg7[%add3A_228, %dma_wait3A_232] : memref<40x128xi32, #tpu.memory_space<vmem>> -> memref<1x64xi32, #tpu.memory_space<vmem>>
      %dma_wait3A_234 = tpu.memref_squeeze %dma_wait3A_233 : memref<1x64xi32, #tpu.memory_space<vmem>> -> memref<64xi32, #tpu.memory_space<vmem>>
      %dma_wait3A_235 = arith.constant 0 : i32
      %dma_wait3A_236 = arith.constant 0 : i32
      %dma_wait3A_237 = tpu.memref_slice %arg2[%dma_wait3A_235, %dma_wait3A_236] : memref<10000x128xf32, #tpu.memory_space<hbm>> -> memref<10000x128xf32, #tpu.memory_space<hbm>>
      tpu.wait_indirect_dma semaphore(%arg13 : memref<!tpu.dma_semaphore, #tpu.memory_space<semaphore_mem>>) src(%dma_wait3A_237 : memref<10000x128xf32, #tpu.memory_space<hbm>>) dst(%dma_wait3A_231 : memref<64x128xf32, #tpu.memory_space<vmem>>)
      %dma_wait3A_238 = arith.constant 64 : i32
      %dma_wait3A_239 = arith.constant 0 : i32
      %dma_wait3A_240 = tpu.memref_slice %arg10[%dma_wait3A_238, %dma_wait3A_239] : memref<128x128xf32, #tpu.memory_space<vmem>> -> memref<64x128xf32, #tpu.memory_space<vmem>>
      %dma_wait3A_241 = arith.constant 64 : i32
      %dma_wait3A_242 = tpu.memref_slice %arg7[%add3A_228, %dma_wait3A_241] : memref<40x128xi32, #tpu.memory_space<vmem>> -> memref<1x64xi32, #tpu.memory_space<vmem>>
      %dma_wait3A_243 = tpu.memref_squeeze %dma_wait3A_242 : memref<1x64xi32, #tpu.memory_space<vmem>> -> memref<64xi32, #tpu.memory_space<vmem>>
      %dma_wait3A_244 = arith.constant 0 : i32
      %dma_wait3A_245 = arith.constant 0 : i32
      %dma_wait3A_246 = tpu.memref_slice %arg2[%dma_wait3A_244, %dma_wait3A_245] : memref<10000x128xf32, #tpu.memory_space<hbm>> -> memref<10000x128xf32, #tpu.memory_space<hbm>>
      tpu.wait_indirect_dma semaphore(%arg13 : memref<!tpu.dma_semaphore, #tpu.memory_space<semaphore_mem>>) src(%dma_wait3A_246 : memref<10000x128xf32, #tpu.memory_space<hbm>>) dst(%dma_wait3A_240 : memref<64x128xf32, #tpu.memory_space<vmem>>)
      %add3A_247 = arith.constant 1 : i32
      %add3A_248 = arith.addi %mul3A_188, %add3A_247 : i32
      "tpu.region"() ({
        %run_scoped3A_269 = tpu.sem_alloc : memref<!tpu.dma_semaphore, #tpu.memory_space<semaphore_mem>>
        %dma_start3A_270 = arith.constant 0 : i32
        %dma_start3A_271 = tpu.memref_slice %arg8[%add3A_248, %dma_start3A_270] : memref<40x128xi32, #tpu.memory_space<vmem>> -> memref<1x128xi32, #tpu.memory_space<vmem>>
        %dma_start3A_272 = tpu.memref_squeeze %dma_start3A_271 : memref<1x128xi32, #tpu.memory_space<vmem>> -> memref<128xi32, #tpu.memory_space<vmem>>
        %dma_start3A_273 = arith.constant 0 : i32
        %dma_start3A_274 = arith.constant 0 : i32
        %dma_start3A_275 = tpu.memref_slice %arg11[%dma_start3A_273, %dma_start3A_274] : memref<10112x128xf32, #tpu.memory_space<vmem_shared>> -> memref<10112x128xf32, #tpu.memory_space<vmem_shared>>
        tpu.enqueue_indirect_dma source(%arg10 : memref<128x128xf32, #tpu.memory_space<vmem>>) target(%dma_start3A_275 : memref<10112x128xf32, #tpu.memory_space<vmem_shared>>) offsets(%dma_start3A_272 : memref<128xi32, #tpu.memory_space<vmem>>) semaphore(%run_scoped3A_269 : memref<!tpu.dma_semaphore, #tpu.memory_space<semaphore_mem>>) {add = true}
        %dma_wait3A_276 = arith.constant 0 : i32
        %dma_wait3A_277 = tpu.memref_slice %arg8[%add3A_248, %dma_wait3A_276] : memref<40x128xi32, #tpu.memory_space<vmem>> -> memref<1x128xi32, #tpu.memory_space<vmem>>
        %dma_wait3A_278 = tpu.memref_squeeze %dma_wait3A_277 : memref<1x128xi32, #tpu.memory_space<vmem>> -> memref<128xi32, #tpu.memory_space<vmem>>
        %dma_wait3A_279 = arith.constant 0 : i32
        %dma_wait3A_280 = arith.constant 0 : i32
        %dma_wait3A_281 = tpu.memref_slice %arg11[%dma_wait3A_279, %dma_wait3A_280] : memref<10112x128xf32, #tpu.memory_space<vmem_shared>> -> memref<10112x128xf32, #tpu.memory_space<vmem_shared>>
        tpu.wait_indirect_dma semaphore(%run_scoped3A_269 : memref<!tpu.dma_semaphore, #tpu.memory_space<semaphore_mem>>) src(%arg10 : memref<128x128xf32, #tpu.memory_space<vmem>>) dst(%dma_wait3A_281 : memref<10112x128xf32, #tpu.memory_space<vmem_shared>>)
        tpu.yield
      }) : () -> ()
      %add3A_249 = arith.constant 3 : i32
      %add3A_250 = arith.addi %mul3A_188, %add3A_249 : i32
      %dma_start3A_251 = arith.constant 0 : i32
      %dma_start3A_252 = arith.constant 0 : i32
      %dma_start3A_253 = tpu.memref_slice %arg10[%dma_start3A_251, %dma_start3A_252] : memref<128x128xf32, #tpu.memory_space<vmem>> -> memref<64x128xf32, #tpu.memory_space<vmem>>
      %dma_start3A_254 = arith.constant 0 : i32
      %dma_start3A_255 = tpu.memref_slice %arg7[%add3A_250, %dma_start3A_254] : memref<40x128xi32, #tpu.memory_space<vmem>> -> memref<1x64xi32, #tpu.memory_space<vmem>>
      %dma_start3A_256 = tpu.memref_squeeze %dma_start3A_255 : memref<1x64xi32, #tpu.memory_space<vmem>> -> memref<64xi32, #tpu.memory_space<vmem>>
      %dma_start3A_257 = arith.constant 0 : i32
      %dma_start3A_258 = arith.constant 0 : i32
      %dma_start3A_259 = tpu.memref_slice %arg2[%dma_start3A_257, %dma_start3A_258] : memref<10000x128xf32, #tpu.memory_space<hbm>> -> memref<10000x128xf32, #tpu.memory_space<hbm>>
      tpu.enqueue_indirect_dma source(%dma_start3A_259 : memref<10000x128xf32, #tpu.memory_space<hbm>>) target(%dma_start3A_253 : memref<64x128xf32, #tpu.memory_space<vmem>>) offsets(%dma_start3A_256 : memref<64xi32, #tpu.memory_space<vmem>>) semaphore(%arg13 : memref<!tpu.dma_semaphore, #tpu.memory_space<semaphore_mem>>)
      %dma_start3A_260 = arith.constant 64 : i32
      %dma_start3A_261 = arith.constant 0 : i32
      %dma_start3A_262 = tpu.memref_slice %arg10[%dma_start3A_260, %dma_start3A_261] : memref<128x128xf32, #tpu.memory_space<vmem>> -> memref<64x128xf32, #tpu.memory_space<vmem>>
      %dma_start3A_263 = arith.constant 64 : i32
      %dma_start3A_264 = tpu.memref_slice %arg7[%add3A_250, %dma_start3A_263] : memref<40x128xi32, #tpu.memory_space<vmem>> -> memref<1x64xi32, #tpu.memory_space<vmem>>
      %dma_start3A_265 = tpu.memref_squeeze %dma_start3A_264 : memref<1x64xi32, #tpu.memory_space<vmem>> -> memref<64xi32, #tpu.memory_space<vmem>>
      %dma_start3A_266 = arith.constant 0 : i32
      %dma_start3A_267 = arith.constant 0 : i32
      %dma_start3A_268 = tpu.memref_slice %arg2[%dma_start3A_266, %dma_start3A_267] : memref<10000x128xf32, #tpu.memory_space<hbm>> -> memref<10000x128xf32, #tpu.memory_space<hbm>>
      tpu.enqueue_indirect_dma source(%dma_start3A_268 : memref<10000x128xf32, #tpu.memory_space<hbm>>) target(%dma_start3A_262 : memref<64x128xf32, #tpu.memory_space<vmem>>) offsets(%dma_start3A_265 : memref<64xi32, #tpu.memory_space<vmem>>) semaphore(%arg13 : memref<!tpu.dma_semaphore, #tpu.memory_space<semaphore_mem>>)
    }
    %scan3A_56 = arith.constant 19 : i32
    %dma_wait3A = arith.constant 38 : i32
    %dma_wait3A_57 = arith.constant 0 : i32
    %dma_wait3A_58 = arith.constant 0 : i32
    %dma_wait3A_59 = tpu.memref_slice %arg9[%dma_wait3A_57, %dma_wait3A_58] : memref<128x128xf32, #tpu.memory_space<vmem>> -> memref<64x128xf32, #tpu.memory_space<vmem>>
    %dma_wait3A_60 = arith.constant 0 : i32
    %dma_wait3A_61 = tpu.memref_slice %arg7[%dma_wait3A, %dma_wait3A_60] : memref<40x128xi32, #tpu.memory_space<vmem>> -> memref<1x64xi32, #tpu.memory_space<vmem>>
    %dma_wait3A_62 = tpu.memref_squeeze %dma_wait3A_61 : memref<1x64xi32, #tpu.memory_space<vmem>> -> memref<64xi32, #tpu.memory_space<vmem>>
    %dma_wait3A_63 = arith.constant 0 : i32
    %dma_wait3A_64 = arith.constant 0 : i32
    %dma_wait3A_65 = tpu.memref_slice %arg2[%dma_wait3A_63, %dma_wait3A_64] : memref<10000x128xf32, #tpu.memory_space<hbm>> -> memref<10000x128xf32, #tpu.memory_space<hbm>>
    tpu.wait_indirect_dma semaphore(%arg12 : memref<!tpu.dma_semaphore, #tpu.memory_space<semaphore_mem>>) src(%dma_wait3A_65 : memref<10000x128xf32, #tpu.memory_space<hbm>>) dst(%dma_wait3A_59 : memref<64x128xf32, #tpu.memory_space<vmem>>)
    %dma_wait3A_66 = arith.constant 38 : i32
    %dma_wait3A_67 = arith.constant 64 : i32
    %dma_wait3A_68 = arith.constant 0 : i32
    %dma_wait3A_69 = tpu.memref_slice %arg9[%dma_wait3A_67, %dma_wait3A_68] : memref<128x128xf32, #tpu.memory_space<vmem>> -> memref<64x128xf32, #tpu.memory_space<vmem>>
    %dma_wait3A_70 = arith.constant 64 : i32
    %dma_wait3A_71 = tpu.memref_slice %arg7[%dma_wait3A_66, %dma_wait3A_70] : memref<40x128xi32, #tpu.memory_space<vmem>> -> memref<1x64xi32, #tpu.memory_space<vmem>>
    %dma_wait3A_72 = tpu.memref_squeeze %dma_wait3A_71 : memref<1x64xi32, #tpu.memory_space<vmem>> -> memref<64xi32, #tpu.memory_space<vmem>>
    %dma_wait3A_73 = arith.constant 0 : i32
    %dma_wait3A_74 = arith.constant 0 : i32
    %dma_wait3A_75 = tpu.memref_slice %arg2[%dma_wait3A_73, %dma_wait3A_74] : memref<10000x128xf32, #tpu.memory_space<hbm>> -> memref<10000x128xf32, #tpu.memory_space<hbm>>
    tpu.wait_indirect_dma semaphore(%arg12 : memref<!tpu.dma_semaphore, #tpu.memory_space<semaphore_mem>>) src(%dma_wait3A_75 : memref<10000x128xf32, #tpu.memory_space<hbm>>) dst(%dma_wait3A_69 : memref<64x128xf32, #tpu.memory_space<vmem>>)
    %run_scoped3A = arith.constant 38 : i32
    "tpu.region"() ({
      %run_scoped3A_186 = tpu.sem_alloc : memref<!tpu.dma_semaphore, #tpu.memory_space<semaphore_mem>>
      %dma_start3A_187 = arith.constant 0 : i32
      %dma_start3A_188 = tpu.memref_slice %arg8[%run_scoped3A, %dma_start3A_187] : memref<40x128xi32, #tpu.memory_space<vmem>> -> memref<1x128xi32, #tpu.memory_space<vmem>>
      %dma_start3A_189 = tpu.memref_squeeze %dma_start3A_188 : memref<1x128xi32, #tpu.memory_space<vmem>> -> memref<128xi32, #tpu.memory_space<vmem>>
      %dma_start3A_190 = arith.constant 0 : i32
      %dma_start3A_191 = arith.constant 0 : i32
      %dma_start3A_192 = tpu.memref_slice %arg11[%dma_start3A_190, %dma_start3A_191] : memref<10112x128xf32, #tpu.memory_space<vmem_shared>> -> memref<10112x128xf32, #tpu.memory_space<vmem_shared>>
      tpu.enqueue_indirect_dma source(%arg9 : memref<128x128xf32, #tpu.memory_space<vmem>>) target(%dma_start3A_192 : memref<10112x128xf32, #tpu.memory_space<vmem_shared>>) offsets(%dma_start3A_189 : memref<128xi32, #tpu.memory_space<vmem>>) semaphore(%run_scoped3A_186 : memref<!tpu.dma_semaphore, #tpu.memory_space<semaphore_mem>>) {add = true}
      %dma_wait3A_193 = arith.constant 0 : i32
      %dma_wait3A_194 = tpu.memref_slice %arg8[%run_scoped3A, %dma_wait3A_193] : memref<40x128xi32, #tpu.memory_space<vmem>> -> memref<1x128xi32, #tpu.memory_space<vmem>>
      %dma_wait3A_195 = tpu.memref_squeeze %dma_wait3A_194 : memref<1x128xi32, #tpu.memory_space<vmem>> -> memref<128xi32, #tpu.memory_space<vmem>>
      %dma_wait3A_196 = arith.constant 0 : i32
      %dma_wait3A_197 = arith.constant 0 : i32
      %dma_wait3A_198 = tpu.memref_slice %arg11[%dma_wait3A_196, %dma_wait3A_197] : memref<10112x128xf32, #tpu.memory_space<vmem_shared>> -> memref<10112x128xf32, #tpu.memory_space<vmem_shared>>
      tpu.wait_indirect_dma semaphore(%run_scoped3A_186 : memref<!tpu.dma_semaphore, #tpu.memory_space<semaphore_mem>>) src(%arg9 : memref<128x128xf32, #tpu.memory_space<vmem>>) dst(%dma_wait3A_198 : memref<10112x128xf32, #tpu.memory_space<vmem_shared>>)
      tpu.yield
    }) : () -> ()
    %dma_wait3A_76 = arith.constant 39 : i32
    %dma_wait3A_77 = arith.constant 0 : i32
    %dma_wait3A_78 = arith.constant 0 : i32
    %dma_wait3A_79 = tpu.memref_slice %arg10[%dma_wait3A_77, %dma_wait3A_78] : memref<128x128xf32, #tpu.memory_space<vmem>> -> memref<64x128xf32, #tpu.memory_space<vmem>>
    %dma_wait3A_80 = arith.constant 0 : i32
    %dma_wait3A_81 = tpu.memref_slice %arg7[%dma_wait3A_76, %dma_wait3A_80] : memref<40x128xi32, #tpu.memory_space<vmem>> -> memref<1x64xi32, #tpu.memory_space<vmem>>
    %dma_wait3A_82 = tpu.memref_squeeze %dma_wait3A_81 : memref<1x64xi32, #tpu.memory_space<vmem>> -> memref<64xi32, #tpu.memory_space<vmem>>
    %dma_wait3A_83 = arith.constant 0 : i32
    %dma_wait3A_84 = arith.constant 0 : i32
    %dma_wait3A_85 = tpu.memref_slice %arg2[%dma_wait3A_83, %dma_wait3A_84] : memref<10000x128xf32, #tpu.memory_space<hbm>> -> memref<10000x128xf32, #tpu.memory_space<hbm>>
    tpu.wait_indirect_dma semaphore(%arg13 : memref<!tpu.dma_semaphore, #tpu.memory_space<semaphore_mem>>) src(%dma_wait3A_85 : memref<10000x128xf32, #tpu.memory_space<hbm>>) dst(%dma_wait3A_79 : memref<64x128xf32, #tpu.memory_space<vmem>>)
    %dma_wait3A_86 = arith.constant 39 : i32
    %dma_wait3A_87 = arith.constant 64 : i32
    %dma_wait3A_88 = arith.constant 0 : i32
    %dma_wait3A_89 = tpu.memref_slice %arg10[%dma_wait3A_87, %dma_wait3A_88] : memref<128x128xf32, #tpu.memory_space<vmem>> -> memref<64x128xf32, #tpu.memory_space<vmem>>
    %dma_wait3A_90 = arith.constant 64 : i32
    %dma_wait3A_91 = tpu.memref_slice %arg7[%dma_wait3A_86, %dma_wait3A_90] : memref<40x128xi32, #tpu.memory_space<vmem>> -> memref<1x64xi32, #tpu.memory_space<vmem>>
    %dma_wait3A_92 = tpu.memref_squeeze %dma_wait3A_91 : memref<1x64xi32, #tpu.memory_space<vmem>> -> memref<64xi32, #tpu.memory_space<vmem>>
    %dma_wait3A_93 = arith.constant 0 : i32
    %dma_wait3A_94 = arith.constant 0 : i32
    %dma_wait3A_95 = tpu.memref_slice %arg2[%dma_wait3A_93, %dma_wait3A_94] : memref<10000x128xf32, #tpu.memory_space<hbm>> -> memref<10000x128xf32, #tpu.memory_space<hbm>>
    tpu.wait_indirect_dma semaphore(%arg13 : memref<!tpu.dma_semaphore, #tpu.memory_space<semaphore_mem>>) src(%dma_wait3A_95 : memref<10000x128xf32, #tpu.memory_space<hbm>>) dst(%dma_wait3A_89 : memref<64x128xf32, #tpu.memory_space<vmem>>)
    %run_scoped3A_96 = arith.constant 39 : i32
    "tpu.region"() ({
      %run_scoped3A_186 = tpu.sem_alloc : memref<!tpu.dma_semaphore, #tpu.memory_space<semaphore_mem>>
      %dma_start3A_187 = arith.constant 0 : i32
      %dma_start3A_188 = tpu.memref_slice %arg8[%run_scoped3A_96, %dma_start3A_187] : memref<40x128xi32, #tpu.memory_space<vmem>> -> memref<1x128xi32, #tpu.memory_space<vmem>>
      %dma_start3A_189 = tpu.memref_squeeze %dma_start3A_188 : memref<1x128xi32, #tpu.memory_space<vmem>> -> memref<128xi32, #tpu.memory_space<vmem>>
      %dma_start3A_190 = arith.constant 0 : i32
      %dma_start3A_191 = arith.constant 0 : i32
      %dma_start3A_192 = tpu.memref_slice %arg11[%dma_start3A_190, %dma_start3A_191] : memref<10112x128xf32, #tpu.memory_space<vmem_shared>> -> memref<10112x128xf32, #tpu.memory_space<vmem_shared>>
      tpu.enqueue_indirect_dma source(%arg10 : memref<128x128xf32, #tpu.memory_space<vmem>>) target(%dma_start3A_192 : memref<10112x128xf32, #tpu.memory_space<vmem_shared>>) offsets(%dma_start3A_189 : memref<128xi32, #tpu.memory_space<vmem>>) semaphore(%run_scoped3A_186 : memref<!tpu.dma_semaphore, #tpu.memory_space<semaphore_mem>>) {add = true}
      %dma_wait3A_193 = arith.constant 0 : i32
      %dma_wait3A_194 = tpu.memref_slice %arg8[%run_scoped3A_96, %dma_wait3A_193] : memref<40x128xi32, #tpu.memory_space<vmem>> -> memref<1x128xi32, #tpu.memory_space<vmem>>
      %dma_wait3A_195 = tpu.memref_squeeze %dma_wait3A_194 : memref<1x128xi32, #tpu.memory_space<vmem>> -> memref<128xi32, #tpu.memory_space<vmem>>
      %dma_wait3A_196 = arith.constant 0 : i32
      %dma_wait3A_197 = arith.constant 0 : i32
      %dma_wait3A_198 = tpu.memref_slice %arg11[%dma_wait3A_196, %dma_wait3A_197] : memref<10112x128xf32, #tpu.memory_space<vmem_shared>> -> memref<10112x128xf32, #tpu.memory_space<vmem_shared>>
      tpu.wait_indirect_dma semaphore(%run_scoped3A_186 : memref<!tpu.dma_semaphore, #tpu.memory_space<semaphore_mem>>) src(%arg10 : memref<128x128xf32, #tpu.memory_space<vmem>>) dst(%dma_wait3A_198 : memref<10112x128xf32, #tpu.memory_space<vmem_shared>>)
      tpu.yield
    }) : () -> ()
    "tpu.region"() ({
      %run_scoped3A_186 = tpu.sem_alloc : memref<!tpu.dma_semaphore, #tpu.memory_space<semaphore_mem>>
      %dma_start3A_187 = arith.constant 40 : i32
      %dma_start3A_188 = arith.constant 0 : i32
      %dma_start3A_189 = tpu.memref_slice %arg3[%add3A, %dma_start3A_187, %dma_start3A_188] : memref<32x80x128xi32, #tpu.memory_space<hbm>> -> memref<1x40x128xi32, #tpu.memory_space<hbm>>
      %dma_start3A_190 = tpu.memref_squeeze %dma_start3A_189 : memref<1x40x128xi32, #tpu.memory_space<hbm>> -> memref<40x128xi32, #tpu.memory_space<hbm>>
      %dma_start3A_191 = arith.constant 40 : i32
      %dma_start3A_192 = arith.constant 0 : i32
      %dma_start3A_193 = tpu.memref_slice %arg3[%add3A, %dma_start3A_191, %dma_start3A_192] : memref<32x80x128xi32, #tpu.memory_space<hbm>> -> memref<1x40x128xi32, #tpu.memory_space<hbm>>
      %dma_start3A_194 = tpu.memref_squeeze %dma_start3A_193 : memref<1x40x128xi32, #tpu.memory_space<hbm>> -> memref<40x128xi32, #tpu.memory_space<hbm>>
      tpu.enqueue_dma source(%dma_start3A_194 : memref<40x128xi32, #tpu.memory_space<hbm>>) target(%arg7 : memref<40x128xi32, #tpu.memory_space<vmem>>) target_semaphore(%run_scoped3A_186 : memref<!tpu.dma_semaphore, #tpu.memory_space<semaphore_mem>>)
      %dma_wait3A_195 = arith.constant 40 : i32
      %dma_wait3A_196 = arith.constant 0 : i32
      %dma_wait3A_197 = tpu.memref_slice %arg3[%add3A, %dma_wait3A_195, %dma_wait3A_196] : memref<32x80x128xi32, #tpu.memory_space<hbm>> -> memref<1x40x128xi32, #tpu.memory_space<hbm>>
      %dma_wait3A_198 = tpu.memref_squeeze %dma_wait3A_197 : memref<1x40x128xi32, #tpu.memory_space<hbm>> -> memref<40x128xi32, #tpu.memory_space<hbm>>
      %dma_wait3A_199 = arith.constant 40 : i32
      %dma_wait3A_200 = arith.constant 0 : i32
      %dma_wait3A_201 = tpu.memref_slice %arg3[%add3A, %dma_wait3A_199, %dma_wait3A_200] : memref<32x80x128xi32, #tpu.memory_space<hbm>> -> memref<1x40x128xi32, #tpu.memory_space<hbm>>
      %dma_wait3A_202 = tpu.memref_squeeze %dma_wait3A_201 : memref<1x40x128xi32, #tpu.memory_space<hbm>> -> memref<40x128xi32, #tpu.memory_space<hbm>>
      tpu.wait_dma2 semaphore(%run_scoped3A_186 : memref<!tpu.dma_semaphore, #tpu.memory_space<semaphore_mem>>) src(%dma_wait3A_202 : memref<40x128xi32, #tpu.memory_space<hbm>>) dst(%arg7 : memref<40x128xi32, #tpu.memory_space<vmem>>)
      tpu.yield
    }) : () -> ()
    "tpu.region"() ({
      %run_scoped3A_186 = tpu.sem_alloc : memref<!tpu.dma_semaphore, #tpu.memory_space<semaphore_mem>>
      %dma_start3A_187 = arith.constant 40 : i32
      %dma_start3A_188 = arith.constant 0 : i32
      %dma_start3A_189 = tpu.memref_slice %arg4[%add3A, %dma_start3A_187, %dma_start3A_188] : memref<32x80x128xi32, #tpu.memory_space<hbm>> -> memref<1x40x128xi32, #tpu.memory_space<hbm>>
      %dma_start3A_190 = tpu.memref_squeeze %dma_start3A_189 : memref<1x40x128xi32, #tpu.memory_space<hbm>> -> memref<40x128xi32, #tpu.memory_space<hbm>>
      %dma_start3A_191 = arith.constant 40 : i32
      %dma_start3A_192 = arith.constant 0 : i32
      %dma_start3A_193 = tpu.memref_slice %arg4[%add3A, %dma_start3A_191, %dma_start3A_192] : memref<32x80x128xi32, #tpu.memory_space<hbm>> -> memref<1x40x128xi32, #tpu.memory_space<hbm>>
      %dma_start3A_194 = tpu.memref_squeeze %dma_start3A_193 : memref<1x40x128xi32, #tpu.memory_space<hbm>> -> memref<40x128xi32, #tpu.memory_space<hbm>>
      tpu.enqueue_dma source(%dma_start3A_194 : memref<40x128xi32, #tpu.memory_space<hbm>>) target(%arg8 : memref<40x128xi32, #tpu.memory_space<vmem>>) target_semaphore(%run_scoped3A_186 : memref<!tpu.dma_semaphore, #tpu.memory_space<semaphore_mem>>)
      %dma_wait3A_195 = arith.constant 40 : i32
      %dma_wait3A_196 = arith.constant 0 : i32
      %dma_wait3A_197 = tpu.memref_slice %arg4[%add3A, %dma_wait3A_195, %dma_wait3A_196] : memref<32x80x128xi32, #tpu.memory_space<hbm>> -> memref<1x40x128xi32, #tpu.memory_space<hbm>>
      %dma_wait3A_198 = tpu.memref_squeeze %dma_wait3A_197 : memref<1x40x128xi32, #tpu.memory_space<hbm>> -> memref<40x128xi32, #tpu.memory_space<hbm>>
      %dma_wait3A_199 = arith.constant 40 : i32
      %dma_wait3A_200 = arith.constant 0 : i32
      %dma_wait3A_201 = tpu.memref_slice %arg4[%add3A, %dma_wait3A_199, %dma_wait3A_200] : memref<32x80x128xi32, #tpu.memory_space<hbm>> -> memref<1x40x128xi32, #tpu.memory_space<hbm>>
      %dma_wait3A_202 = tpu.memref_squeeze %dma_wait3A_201 : memref<1x40x128xi32, #tpu.memory_space<hbm>> -> memref<40x128xi32, #tpu.memory_space<hbm>>
      tpu.wait_dma2 semaphore(%run_scoped3A_186 : memref<!tpu.dma_semaphore, #tpu.memory_space<semaphore_mem>>) src(%dma_wait3A_202 : memref<40x128xi32, #tpu.memory_space<hbm>>) dst(%arg8 : memref<40x128xi32, #tpu.memory_space<vmem>>)
      tpu.yield
    }) : () -> ()
    %dma_start3A_97 = arith.constant 0 : i32
    %dma_start3A_98 = arith.constant 0 : i32
    %dma_start3A_99 = arith.constant 0 : i32
    %dma_start3A_100 = tpu.memref_slice %arg9[%dma_start3A_98, %dma_start3A_99] : memref<128x128xf32, #tpu.memory_space<vmem>> -> memref<64x128xf32, #tpu.memory_space<vmem>>
    %dma_start3A_101 = arith.constant 0 : i32
    %dma_start3A_102 = tpu.memref_slice %arg7[%dma_start3A_97, %dma_start3A_101] : memref<40x128xi32, #tpu.memory_space<vmem>> -> memref<1x64xi32, #tpu.memory_space<vmem>>
    %dma_start3A_103 = tpu.memref_squeeze %dma_start3A_102 : memref<1x64xi32, #tpu.memory_space<vmem>> -> memref<64xi32, #tpu.memory_space<vmem>>
    %dma_start3A_104 = arith.constant 0 : i32
    %dma_start3A_105 = arith.constant 0 : i32
    %dma_start3A_106 = tpu.memref_slice %arg2[%dma_start3A_104, %dma_start3A_105] : memref<10000x128xf32, #tpu.memory_space<hbm>> -> memref<10000x128xf32, #tpu.memory_space<hbm>>
    tpu.enqueue_indirect_dma source(%dma_start3A_106 : memref<10000x128xf32, #tpu.memory_space<hbm>>) target(%dma_start3A_100 : memref<64x128xf32, #tpu.memory_space<vmem>>) offsets(%dma_start3A_103 : memref<64xi32, #tpu.memory_space<vmem>>) semaphore(%arg12 : memref<!tpu.dma_semaphore, #tpu.memory_space<semaphore_mem>>)
    %dma_start3A_107 = arith.constant 0 : i32
    %dma_start3A_108 = arith.constant 64 : i32
    %dma_start3A_109 = arith.constant 0 : i32
    %dma_start3A_110 = tpu.memref_slice %arg9[%dma_start3A_108, %dma_start3A_109] : memref<128x128xf32, #tpu.memory_space<vmem>> -> memref<64x128xf32, #tpu.memory_space<vmem>>
    %dma_start3A_111 = arith.constant 64 : i32
    %dma_start3A_112 = tpu.memref_slice %arg7[%dma_start3A_107, %dma_start3A_111] : memref<40x128xi32, #tpu.memory_space<vmem>> -> memref<1x64xi32, #tpu.memory_space<vmem>>
    %dma_start3A_113 = tpu.memref_squeeze %dma_start3A_112 : memref<1x64xi32, #tpu.memory_space<vmem>> -> memref<64xi32, #tpu.memory_space<vmem>>
    %dma_start3A_114 = arith.constant 0 : i32
    %dma_start3A_115 = arith.constant 0 : i32
    %dma_start3A_116 = tpu.memref_slice %arg2[%dma_start3A_114, %dma_start3A_115] : memref<10000x128xf32, #tpu.memory_space<hbm>> -> memref<10000x128xf32, #tpu.memory_space<hbm>>
    tpu.enqueue_indirect_dma source(%dma_start3A_116 : memref<10000x128xf32, #tpu.memory_space<hbm>>) target(%dma_start3A_110 : memref<64x128xf32, #tpu.memory_space<vmem>>) offsets(%dma_start3A_113 : memref<64xi32, #tpu.memory_space<vmem>>) semaphore(%arg12 : memref<!tpu.dma_semaphore, #tpu.memory_space<semaphore_mem>>)
    %dma_start3A_117 = arith.constant 1 : i32
    %dma_start3A_118 = arith.constant 0 : i32
    %dma_start3A_119 = arith.constant 0 : i32
    %dma_start3A_120 = tpu.memref_slice %arg10[%dma_start3A_118, %dma_start3A_119] : memref<128x128xf32, #tpu.memory_space<vmem>> -> memref<64x128xf32, #tpu.memory_space<vmem>>
    %dma_start3A_121 = arith.constant 0 : i32
    %dma_start3A_122 = tpu.memref_slice %arg7[%dma_start3A_117, %dma_start3A_121] : memref<40x128xi32, #tpu.memory_space<vmem>> -> memref<1x64xi32, #tpu.memory_space<vmem>>
    %dma_start3A_123 = tpu.memref_squeeze %dma_start3A_122 : memref<1x64xi32, #tpu.memory_space<vmem>> -> memref<64xi32, #tpu.memory_space<vmem>>
    %dma_start3A_124 = arith.constant 0 : i32
    %dma_start3A_125 = arith.constant 0 : i32
    %dma_start3A_126 = tpu.memref_slice %arg2[%dma_start3A_124, %dma_start3A_125] : memref<10000x128xf32, #tpu.memory_space<hbm>> -> memref<10000x128xf32, #tpu.memory_space<hbm>>
    tpu.enqueue_indirect_dma source(%dma_start3A_126 : memref<10000x128xf32, #tpu.memory_space<hbm>>) target(%dma_start3A_120 : memref<64x128xf32, #tpu.memory_space<vmem>>) offsets(%dma_start3A_123 : memref<64xi32, #tpu.memory_space<vmem>>) semaphore(%arg13 : memref<!tpu.dma_semaphore, #tpu.memory_space<semaphore_mem>>)
    %dma_start3A_127 = arith.constant 1 : i32
    %dma_start3A_128 = arith.constant 64 : i32
    %dma_start3A_129 = arith.constant 0 : i32
    %dma_start3A_130 = tpu.memref_slice %arg10[%dma_start3A_128, %dma_start3A_129] : memref<128x128xf32, #tpu.memory_space<vmem>> -> memref<64x128xf32, #tpu.memory_space<vmem>>
    %dma_start3A_131 = arith.constant 64 : i32
    %dma_start3A_132 = tpu.memref_slice %arg7[%dma_start3A_127, %dma_start3A_131] : memref<40x128xi32, #tpu.memory_space<vmem>> -> memref<1x64xi32, #tpu.memory_space<vmem>>
    %dma_start3A_133 = tpu.memref_squeeze %dma_start3A_132 : memref<1x64xi32, #tpu.memory_space<vmem>> -> memref<64xi32, #tpu.memory_space<vmem>>
    %dma_start3A_134 = arith.constant 0 : i32
    %dma_start3A_135 = arith.constant 0 : i32
    %dma_start3A_136 = tpu.memref_slice %arg2[%dma_start3A_134, %dma_start3A_135] : memref<10000x128xf32, #tpu.memory_space<hbm>> -> memref<10000x128xf32, #tpu.memory_space<hbm>>
    tpu.enqueue_indirect_dma source(%dma_start3A_136 : memref<10000x128xf32, #tpu.memory_space<hbm>>) target(%dma_start3A_130 : memref<64x128xf32, #tpu.memory_space<vmem>>) offsets(%dma_start3A_133 : memref<64xi32, #tpu.memory_space<vmem>>) semaphore(%arg13 : memref<!tpu.dma_semaphore, #tpu.memory_space<semaphore_mem>>)
    %scan3A_137 = arith.constant 0 : i32
    %scan3A_138 = arith.constant 0 : i32
    %scan3A_139 = arith.constant 19 : i32
    %scan3A_140 = arith.addi %scan3A_138, %scan3A_139 : i32
    %scan3A_141 = arith.constant 1 : i32
    scf.for %scan3A_186 = %scan3A_138 to %scan3A_140 step %scan3A_141  : i32 {
      %mul3A_187 = arith.constant 2 : i32
      %mul3A_188 = arith.muli %mul3A_187, %scan3A_186 : i32
      %dma_wait3A_189 = arith.constant 0 : i32
      %dma_wait3A_190 = arith.constant 0 : i32
      %dma_wait3A_191 = tpu.memref_slice %arg9[%dma_wait3A_189, %dma_wait3A_190] : memref<128x128xf32, #tpu.memory_space<vmem>> -> memref<64x128xf32, #tpu.memory_space<vmem>>
      %dma_wait3A_192 = arith.constant 0 : i32
      %dma_wait3A_193 = tpu.memref_slice %arg7[%mul3A_188, %dma_wait3A_192] : memref<40x128xi32, #tpu.memory_space<vmem>> -> memref<1x64xi32, #tpu.memory_space<vmem>>
      %dma_wait3A_194 = tpu.memref_squeeze %dma_wait3A_193 : memref<1x64xi32, #tpu.memory_space<vmem>> -> memref<64xi32, #tpu.memory_space<vmem>>
      %dma_wait3A_195 = arith.constant 0 : i32
      %dma_wait3A_196 = arith.constant 0 : i32
      %dma_wait3A_197 = tpu.memref_slice %arg2[%dma_wait3A_195, %dma_wait3A_196] : memref<10000x128xf32, #tpu.memory_space<hbm>> -> memref<10000x128xf32, #tpu.memory_space<hbm>>
      tpu.wait_indirect_dma semaphore(%arg12 : memref<!tpu.dma_semaphore, #tpu.memory_space<semaphore_mem>>) src(%dma_wait3A_197 : memref<10000x128xf32, #tpu.memory_space<hbm>>) dst(%dma_wait3A_191 : memref<64x128xf32, #tpu.memory_space<vmem>>)
      %dma_wait3A_198 = arith.constant 64 : i32
      %dma_wait3A_199 = arith.constant 0 : i32
      %dma_wait3A_200 = tpu.memref_slice %arg9[%dma_wait3A_198, %dma_wait3A_199] : memref<128x128xf32, #tpu.memory_space<vmem>> -> memref<64x128xf32, #tpu.memory_space<vmem>>
      %dma_wait3A_201 = arith.constant 64 : i32
      %dma_wait3A_202 = tpu.memref_slice %arg7[%mul3A_188, %dma_wait3A_201] : memref<40x128xi32, #tpu.memory_space<vmem>> -> memref<1x64xi32, #tpu.memory_space<vmem>>
      %dma_wait3A_203 = tpu.memref_squeeze %dma_wait3A_202 : memref<1x64xi32, #tpu.memory_space<vmem>> -> memref<64xi32, #tpu.memory_space<vmem>>
      %dma_wait3A_204 = arith.constant 0 : i32
      %dma_wait3A_205 = arith.constant 0 : i32
      %dma_wait3A_206 = tpu.memref_slice %arg2[%dma_wait3A_204, %dma_wait3A_205] : memref<10000x128xf32, #tpu.memory_space<hbm>> -> memref<10000x128xf32, #tpu.memory_space<hbm>>
      tpu.wait_indirect_dma semaphore(%arg12 : memref<!tpu.dma_semaphore, #tpu.memory_space<semaphore_mem>>) src(%dma_wait3A_206 : memref<10000x128xf32, #tpu.memory_space<hbm>>) dst(%dma_wait3A_200 : memref<64x128xf32, #tpu.memory_space<vmem>>)
      "tpu.region"() ({
        %run_scoped3A_269 = tpu.sem_alloc : memref<!tpu.dma_semaphore, #tpu.memory_space<semaphore_mem>>
        %dma_start3A_270 = arith.constant 0 : i32
        %dma_start3A_271 = tpu.memref_slice %arg8[%mul3A_188, %dma_start3A_270] : memref<40x128xi32, #tpu.memory_space<vmem>> -> memref<1x128xi32, #tpu.memory_space<vmem>>
        %dma_start3A_272 = tpu.memref_squeeze %dma_start3A_271 : memref<1x128xi32, #tpu.memory_space<vmem>> -> memref<128xi32, #tpu.memory_space<vmem>>
        %dma_start3A_273 = arith.constant 0 : i32
        %dma_start3A_274 = arith.constant 0 : i32
        %dma_start3A_275 = tpu.memref_slice %arg11[%dma_start3A_273, %dma_start3A_274] : memref<10112x128xf32, #tpu.memory_space<vmem_shared>> -> memref<10112x128xf32, #tpu.memory_space<vmem_shared>>
        tpu.enqueue_indirect_dma source(%arg9 : memref<128x128xf32, #tpu.memory_space<vmem>>) target(%dma_start3A_275 : memref<10112x128xf32, #tpu.memory_space<vmem_shared>>) offsets(%dma_start3A_272 : memref<128xi32, #tpu.memory_space<vmem>>) semaphore(%run_scoped3A_269 : memref<!tpu.dma_semaphore, #tpu.memory_space<semaphore_mem>>) {add = true}
        %dma_wait3A_276 = arith.constant 0 : i32
        %dma_wait3A_277 = tpu.memref_slice %arg8[%mul3A_188, %dma_wait3A_276] : memref<40x128xi32, #tpu.memory_space<vmem>> -> memref<1x128xi32, #tpu.memory_space<vmem>>
        %dma_wait3A_278 = tpu.memref_squeeze %dma_wait3A_277 : memref<1x128xi32, #tpu.memory_space<vmem>> -> memref<128xi32, #tpu.memory_space<vmem>>
        %dma_wait3A_279 = arith.constant 0 : i32
        %dma_wait3A_280 = arith.constant 0 : i32
        %dma_wait3A_281 = tpu.memref_slice %arg11[%dma_wait3A_279, %dma_wait3A_280] : memref<10112x128xf32, #tpu.memory_space<vmem_shared>> -> memref<10112x128xf32, #tpu.memory_space<vmem_shared>>
        tpu.wait_indirect_dma semaphore(%run_scoped3A_269 : memref<!tpu.dma_semaphore, #tpu.memory_space<semaphore_mem>>) src(%arg9 : memref<128x128xf32, #tpu.memory_space<vmem>>) dst(%dma_wait3A_281 : memref<10112x128xf32, #tpu.memory_space<vmem_shared>>)
        tpu.yield
      }) : () -> ()
      %add3A_207 = arith.constant 2 : i32
      %add3A_208 = arith.addi %mul3A_188, %add3A_207 : i32
      %dma_start3A_209 = arith.constant 0 : i32
      %dma_start3A_210 = arith.constant 0 : i32
      %dma_start3A_211 = tpu.memref_slice %arg9[%dma_start3A_209, %dma_start3A_210] : memref<128x128xf32, #tpu.memory_space<vmem>> -> memref<64x128xf32, #tpu.memory_space<vmem>>
      %dma_start3A_212 = arith.constant 0 : i32
      %dma_start3A_213 = tpu.memref_slice %arg7[%add3A_208, %dma_start3A_212] : memref<40x128xi32, #tpu.memory_space<vmem>> -> memref<1x64xi32, #tpu.memory_space<vmem>>
      %dma_start3A_214 = tpu.memref_squeeze %dma_start3A_213 : memref<1x64xi32, #tpu.memory_space<vmem>> -> memref<64xi32, #tpu.memory_space<vmem>>
      %dma_start3A_215 = arith.constant 0 : i32
      %dma_start3A_216 = arith.constant 0 : i32
      %dma_start3A_217 = tpu.memref_slice %arg2[%dma_start3A_215, %dma_start3A_216] : memref<10000x128xf32, #tpu.memory_space<hbm>> -> memref<10000x128xf32, #tpu.memory_space<hbm>>
      tpu.enqueue_indirect_dma source(%dma_start3A_217 : memref<10000x128xf32, #tpu.memory_space<hbm>>) target(%dma_start3A_211 : memref<64x128xf32, #tpu.memory_space<vmem>>) offsets(%dma_start3A_214 : memref<64xi32, #tpu.memory_space<vmem>>) semaphore(%arg12 : memref<!tpu.dma_semaphore, #tpu.memory_space<semaphore_mem>>)
      %dma_start3A_218 = arith.constant 64 : i32
      %dma_start3A_219 = arith.constant 0 : i32
      %dma_start3A_220 = tpu.memref_slice %arg9[%dma_start3A_218, %dma_start3A_219] : memref<128x128xf32, #tpu.memory_space<vmem>> -> memref<64x128xf32, #tpu.memory_space<vmem>>
      %dma_start3A_221 = arith.constant 64 : i32
      %dma_start3A_222 = tpu.memref_slice %arg7[%add3A_208, %dma_start3A_221] : memref<40x128xi32, #tpu.memory_space<vmem>> -> memref<1x64xi32, #tpu.memory_space<vmem>>
      %dma_start3A_223 = tpu.memref_squeeze %dma_start3A_222 : memref<1x64xi32, #tpu.memory_space<vmem>> -> memref<64xi32, #tpu.memory_space<vmem>>
      %dma_start3A_224 = arith.constant 0 : i32
      %dma_start3A_225 = arith.constant 0 : i32
      %dma_start3A_226 = tpu.memref_slice %arg2[%dma_start3A_224, %dma_start3A_225] : memref<10000x128xf32, #tpu.memory_space<hbm>> -> memref<10000x128xf32, #tpu.memory_space<hbm>>
      tpu.enqueue_indirect_dma source(%dma_start3A_226 : memref<10000x128xf32, #tpu.memory_space<hbm>>) target(%dma_start3A_220 : memref<64x128xf32, #tpu.memory_space<vmem>>) offsets(%dma_start3A_223 : memref<64xi32, #tpu.memory_space<vmem>>) semaphore(%arg12 : memref<!tpu.dma_semaphore, #tpu.memory_space<semaphore_mem>>)
      %add3A_227 = arith.constant 1 : i32
      %add3A_228 = arith.addi %mul3A_188, %add3A_227 : i32
      %dma_wait3A_229 = arith.constant 0 : i32
      %dma_wait3A_230 = arith.constant 0 : i32
      %dma_wait3A_231 = tpu.memref_slice %arg10[%dma_wait3A_229, %dma_wait3A_230] : memref<128x128xf32, #tpu.memory_space<vmem>> -> memref<64x128xf32, #tpu.memory_space<vmem>>
      %dma_wait3A_232 = arith.constant 0 : i32
      %dma_wait3A_233 = tpu.memref_slice %arg7[%add3A_228, %dma_wait3A_232] : memref<40x128xi32, #tpu.memory_space<vmem>> -> memref<1x64xi32, #tpu.memory_space<vmem>>
      %dma_wait3A_234 = tpu.memref_squeeze %dma_wait3A_233 : memref<1x64xi32, #tpu.memory_space<vmem>> -> memref<64xi32, #tpu.memory_space<vmem>>
      %dma_wait3A_235 = arith.constant 0 : i32
      %dma_wait3A_236 = arith.constant 0 : i32
      %dma_wait3A_237 = tpu.memref_slice %arg2[%dma_wait3A_235, %dma_wait3A_236] : memref<10000x128xf32, #tpu.memory_space<hbm>> -> memref<10000x128xf32, #tpu.memory_space<hbm>>
      tpu.wait_indirect_dma semaphore(%arg13 : memref<!tpu.dma_semaphore, #tpu.memory_space<semaphore_mem>>) src(%dma_wait3A_237 : memref<10000x128xf32, #tpu.memory_space<hbm>>) dst(%dma_wait3A_231 : memref<64x128xf32, #tpu.memory_space<vmem>>)
      %dma_wait3A_238 = arith.constant 64 : i32
      %dma_wait3A_239 = arith.constant 0 : i32
      %dma_wait3A_240 = tpu.memref_slice %arg10[%dma_wait3A_238, %dma_wait3A_239] : memref<128x128xf32, #tpu.memory_space<vmem>> -> memref<64x128xf32, #tpu.memory_space<vmem>>
      %dma_wait3A_241 = arith.constant 64 : i32
      %dma_wait3A_242 = tpu.memref_slice %arg7[%add3A_228, %dma_wait3A_241] : memref<40x128xi32, #tpu.memory_space<vmem>> -> memref<1x64xi32, #tpu.memory_space<vmem>>
      %dma_wait3A_243 = tpu.memref_squeeze %dma_wait3A_242 : memref<1x64xi32, #tpu.memory_space<vmem>> -> memref<64xi32, #tpu.memory_space<vmem>>
      %dma_wait3A_244 = arith.constant 0 : i32
      %dma_wait3A_245 = arith.constant 0 : i32
      %dma_wait3A_246 = tpu.memref_slice %arg2[%dma_wait3A_244, %dma_wait3A_245] : memref<10000x128xf32, #tpu.memory_space<hbm>> -> memref<10000x128xf32, #tpu.memory_space<hbm>>
      tpu.wait_indirect_dma semaphore(%arg13 : memref<!tpu.dma_semaphore, #tpu.memory_space<semaphore_mem>>) src(%dma_wait3A_246 : memref<10000x128xf32, #tpu.memory_space<hbm>>) dst(%dma_wait3A_240 : memref<64x128xf32, #tpu.memory_space<vmem>>)
      %add3A_247 = arith.constant 1 : i32
      %add3A_248 = arith.addi %mul3A_188, %add3A_247 : i32
      "tpu.region"() ({
        %run_scoped3A_269 = tpu.sem_alloc : memref<!tpu.dma_semaphore, #tpu.memory_space<semaphore_mem>>
        %dma_start3A_270 = arith.constant 0 : i32
        %dma_start3A_271 = tpu.memref_slice %arg8[%add3A_248, %dma_start3A_270] : memref<40x128xi32, #tpu.memory_space<vmem>> -> memref<1x128xi32, #tpu.memory_space<vmem>>
        %dma_start3A_272 = tpu.memref_squeeze %dma_start3A_271 : memref<1x128xi32, #tpu.memory_space<vmem>> -> memref<128xi32, #tpu.memory_space<vmem>>
        %dma_start3A_273 = arith.constant 0 : i32
        %dma_start3A_274 = arith.constant 0 : i32
        %dma_start3A_275 = tpu.memref_slice %arg11[%dma_start3A_273, %dma_start3A_274] : memref<10112x128xf32, #tpu.memory_space<vmem_shared>> -> memref<10112x128xf32, #tpu.memory_space<vmem_shared>>
        tpu.enqueue_indirect_dma source(%arg10 : memref<128x128xf32, #tpu.memory_space<vmem>>) target(%dma_start3A_275 : memref<10112x128xf32, #tpu.memory_space<vmem_shared>>) offsets(%dma_start3A_272 : memref<128xi32, #tpu.memory_space<vmem>>) semaphore(%run_scoped3A_269 : memref<!tpu.dma_semaphore, #tpu.memory_space<semaphore_mem>>) {add = true}
        %dma_wait3A_276 = arith.constant 0 : i32
        %dma_wait3A_277 = tpu.memref_slice %arg8[%add3A_248, %dma_wait3A_276] : memref<40x128xi32, #tpu.memory_space<vmem>> -> memref<1x128xi32, #tpu.memory_space<vmem>>
        %dma_wait3A_278 = tpu.memref_squeeze %dma_wait3A_277 : memref<1x128xi32, #tpu.memory_space<vmem>> -> memref<128xi32, #tpu.memory_space<vmem>>
        %dma_wait3A_279 = arith.constant 0 : i32
        %dma_wait3A_280 = arith.constant 0 : i32
        %dma_wait3A_281 = tpu.memref_slice %arg11[%dma_wait3A_279, %dma_wait3A_280] : memref<10112x128xf32, #tpu.memory_space<vmem_shared>> -> memref<10112x128xf32, #tpu.memory_space<vmem_shared>>
        tpu.wait_indirect_dma semaphore(%run_scoped3A_269 : memref<!tpu.dma_semaphore, #tpu.memory_space<semaphore_mem>>) src(%arg10 : memref<128x128xf32, #tpu.memory_space<vmem>>) dst(%dma_wait3A_281 : memref<10112x128xf32, #tpu.memory_space<vmem_shared>>)
        tpu.yield
      }) : () -> ()
      %add3A_249 = arith.constant 3 : i32
      %add3A_250 = arith.addi %mul3A_188, %add3A_249 : i32
      %dma_start3A_251 = arith.constant 0 : i32
      %dma_start3A_252 = arith.constant 0 : i32
      %dma_start3A_253 = tpu.memref_slice %arg10[%dma_start3A_251, %dma_start3A_252] : memref<128x128xf32, #tpu.memory_space<vmem>> -> memref<64x128xf32, #tpu.memory_space<vmem>>
      %dma_start3A_254 = arith.constant 0 : i32
      %dma_start3A_255 = tpu.memref_slice %arg7[%add3A_250, %dma_start3A_254] : memref<40x128xi32, #tpu.memory_space<vmem>> -> memref<1x64xi32, #tpu.memory_space<vmem>>
      %dma_start3A_256 = tpu.memref_squeeze %dma_start3A_255 : memref<1x64xi32, #tpu.memory_space<vmem>> -> memref<64xi32, #tpu.memory_space<vmem>>
      %dma_start3A_257 = arith.constant 0 : i32
      %dma_start3A_258 = arith.constant 0 : i32
      %dma_start3A_259 = tpu.memref_slice %arg2[%dma_start3A_257, %dma_start3A_258] : memref<10000x128xf32, #tpu.memory_space<hbm>> -> memref<10000x128xf32, #tpu.memory_space<hbm>>
      tpu.enqueue_indirect_dma source(%dma_start3A_259 : memref<10000x128xf32, #tpu.memory_space<hbm>>) target(%dma_start3A_253 : memref<64x128xf32, #tpu.memory_space<vmem>>) offsets(%dma_start3A_256 : memref<64xi32, #tpu.memory_space<vmem>>) semaphore(%arg13 : memref<!tpu.dma_semaphore, #tpu.memory_space<semaphore_mem>>)
      %dma_start3A_260 = arith.constant 64 : i32
      %dma_start3A_261 = arith.constant 0 : i32
      %dma_start3A_262 = tpu.memref_slice %arg10[%dma_start3A_260, %dma_start3A_261] : memref<128x128xf32, #tpu.memory_space<vmem>> -> memref<64x128xf32, #tpu.memory_space<vmem>>
      %dma_start3A_263 = arith.constant 64 : i32
      %dma_start3A_264 = tpu.memref_slice %arg7[%add3A_250, %dma_start3A_263] : memref<40x128xi32, #tpu.memory_space<vmem>> -> memref<1x64xi32, #tpu.memory_space<vmem>>
      %dma_start3A_265 = tpu.memref_squeeze %dma_start3A_264 : memref<1x64xi32, #tpu.memory_space<vmem>> -> memref<64xi32, #tpu.memory_space<vmem>>
      %dma_start3A_266 = arith.constant 0 : i32
      %dma_start3A_267 = arith.constant 0 : i32
      %dma_start3A_268 = tpu.memref_slice %arg2[%dma_start3A_266, %dma_start3A_267] : memref<10000x128xf32, #tpu.memory_space<hbm>> -> memref<10000x128xf32, #tpu.memory_space<hbm>>
      tpu.enqueue_indirect_dma source(%dma_start3A_268 : memref<10000x128xf32, #tpu.memory_space<hbm>>) target(%dma_start3A_262 : memref<64x128xf32, #tpu.memory_space<vmem>>) offsets(%dma_start3A_265 : memref<64xi32, #tpu.memory_space<vmem>>) semaphore(%arg13 : memref<!tpu.dma_semaphore, #tpu.memory_space<semaphore_mem>>)
    }
    %scan3A_142 = arith.constant 19 : i32
    %dma_wait3A_143 = arith.constant 38 : i32
    %dma_wait3A_144 = arith.constant 0 : i32
    %dma_wait3A_145 = arith.constant 0 : i32
    %dma_wait3A_146 = tpu.memref_slice %arg9[%dma_wait3A_144, %dma_wait3A_145] : memref<128x128xf32, #tpu.memory_space<vmem>> -> memref<64x128xf32, #tpu.memory_space<vmem>>
    %dma_wait3A_147 = arith.constant 0 : i32
    %dma_wait3A_148 = tpu.memref_slice %arg7[%dma_wait3A_143, %dma_wait3A_147] : memref<40x128xi32, #tpu.memory_space<vmem>> -> memref<1x64xi32, #tpu.memory_space<vmem>>
    %dma_wait3A_149 = tpu.memref_squeeze %dma_wait3A_148 : memref<1x64xi32, #tpu.memory_space<vmem>> -> memref<64xi32, #tpu.memory_space<vmem>>
    %dma_wait3A_150 = arith.constant 0 : i32
    %dma_wait3A_151 = arith.constant 0 : i32
    %dma_wait3A_152 = tpu.memref_slice %arg2[%dma_wait3A_150, %dma_wait3A_151] : memref<10000x128xf32, #tpu.memory_space<hbm>> -> memref<10000x128xf32, #tpu.memory_space<hbm>>
    tpu.wait_indirect_dma semaphore(%arg12 : memref<!tpu.dma_semaphore, #tpu.memory_space<semaphore_mem>>) src(%dma_wait3A_152 : memref<10000x128xf32, #tpu.memory_space<hbm>>) dst(%dma_wait3A_146 : memref<64x128xf32, #tpu.memory_space<vmem>>)
    %dma_wait3A_153 = arith.constant 38 : i32
    %dma_wait3A_154 = arith.constant 64 : i32
    %dma_wait3A_155 = arith.constant 0 : i32
    %dma_wait3A_156 = tpu.memref_slice %arg9[%dma_wait3A_154, %dma_wait3A_155] : memref<128x128xf32, #tpu.memory_space<vmem>> -> memref<64x128xf32, #tpu.memory_space<vmem>>
    %dma_wait3A_157 = arith.constant 64 : i32
    %dma_wait3A_158 = tpu.memref_slice %arg7[%dma_wait3A_153, %dma_wait3A_157] : memref<40x128xi32, #tpu.memory_space<vmem>> -> memref<1x64xi32, #tpu.memory_space<vmem>>
    %dma_wait3A_159 = tpu.memref_squeeze %dma_wait3A_158 : memref<1x64xi32, #tpu.memory_space<vmem>> -> memref<64xi32, #tpu.memory_space<vmem>>
    %dma_wait3A_160 = arith.constant 0 : i32
    %dma_wait3A_161 = arith.constant 0 : i32
    %dma_wait3A_162 = tpu.memref_slice %arg2[%dma_wait3A_160, %dma_wait3A_161] : memref<10000x128xf32, #tpu.memory_space<hbm>> -> memref<10000x128xf32, #tpu.memory_space<hbm>>
    tpu.wait_indirect_dma semaphore(%arg12 : memref<!tpu.dma_semaphore, #tpu.memory_space<semaphore_mem>>) src(%dma_wait3A_162 : memref<10000x128xf32, #tpu.memory_space<hbm>>) dst(%dma_wait3A_156 : memref<64x128xf32, #tpu.memory_space<vmem>>)
    %run_scoped3A_163 = arith.constant 38 : i32
    "tpu.region"() ({
      %run_scoped3A_186 = tpu.sem_alloc : memref<!tpu.dma_semaphore, #tpu.memory_space<semaphore_mem>>
      %dma_start3A_187 = arith.constant 0 : i32
      %dma_start3A_188 = tpu.memref_slice %arg8[%run_scoped3A_163, %dma_start3A_187] : memref<40x128xi32, #tpu.memory_space<vmem>> -> memref<1x128xi32, #tpu.memory_space<vmem>>
      %dma_start3A_189 = tpu.memref_squeeze %dma_start3A_188 : memref<1x128xi32, #tpu.memory_space<vmem>> -> memref<128xi32, #tpu.memory_space<vmem>>
      %dma_start3A_190 = arith.constant 0 : i32
      %dma_start3A_191 = arith.constant 0 : i32
      %dma_start3A_192 = tpu.memref_slice %arg11[%dma_start3A_190, %dma_start3A_191] : memref<10112x128xf32, #tpu.memory_space<vmem_shared>> -> memref<10112x128xf32, #tpu.memory_space<vmem_shared>>
      tpu.enqueue_indirect_dma source(%arg9 : memref<128x128xf32, #tpu.memory_space<vmem>>) target(%dma_start3A_192 : memref<10112x128xf32, #tpu.memory_space<vmem_shared>>) offsets(%dma_start3A_189 : memref<128xi32, #tpu.memory_space<vmem>>) semaphore(%run_scoped3A_186 : memref<!tpu.dma_semaphore, #tpu.memory_space<semaphore_mem>>) {add = true}
      %dma_wait3A_193 = arith.constant 0 : i32
      %dma_wait3A_194 = tpu.memref_slice %arg8[%run_scoped3A_163, %dma_wait3A_193] : memref<40x128xi32, #tpu.memory_space<vmem>> -> memref<1x128xi32, #tpu.memory_space<vmem>>
      %dma_wait3A_195 = tpu.memref_squeeze %dma_wait3A_194 : memref<1x128xi32, #tpu.memory_space<vmem>> -> memref<128xi32, #tpu.memory_space<vmem>>
      %dma_wait3A_196 = arith.constant 0 : i32
      %dma_wait3A_197 = arith.constant 0 : i32
      %dma_wait3A_198 = tpu.memref_slice %arg11[%dma_wait3A_196, %dma_wait3A_197] : memref<10112x128xf32, #tpu.memory_space<vmem_shared>> -> memref<10112x128xf32, #tpu.memory_space<vmem_shared>>
      tpu.wait_indirect_dma semaphore(%run_scoped3A_186 : memref<!tpu.dma_semaphore, #tpu.memory_space<semaphore_mem>>) src(%arg9 : memref<128x128xf32, #tpu.memory_space<vmem>>) dst(%dma_wait3A_198 : memref<10112x128xf32, #tpu.memory_space<vmem_shared>>)
      tpu.yield
    }) : () -> ()
    %dma_wait3A_164 = arith.constant 39 : i32
    %dma_wait3A_165 = arith.constant 0 : i32
    %dma_wait3A_166 = arith.constant 0 : i32
    %dma_wait3A_167 = tpu.memref_slice %arg10[%dma_wait3A_165, %dma_wait3A_166] : memref<128x128xf32, #tpu.memory_space<vmem>> -> memref<64x128xf32, #tpu.memory_space<vmem>>
    %dma_wait3A_168 = arith.constant 0 : i32
    %dma_wait3A_169 = tpu.memref_slice %arg7[%dma_wait3A_164, %dma_wait3A_168] : memref<40x128xi32, #tpu.memory_space<vmem>> -> memref<1x64xi32, #tpu.memory_space<vmem>>
    %dma_wait3A_170 = tpu.memref_squeeze %dma_wait3A_169 : memref<1x64xi32, #tpu.memory_space<vmem>> -> memref<64xi32, #tpu.memory_space<vmem>>
    %dma_wait3A_171 = arith.constant 0 : i32
    %dma_wait3A_172 = arith.constant 0 : i32
    %dma_wait3A_173 = tpu.memref_slice %arg2[%dma_wait3A_171, %dma_wait3A_172] : memref<10000x128xf32, #tpu.memory_space<hbm>> -> memref<10000x128xf32, #tpu.memory_space<hbm>>
    tpu.wait_indirect_dma semaphore(%arg13 : memref<!tpu.dma_semaphore, #tpu.memory_space<semaphore_mem>>) src(%dma_wait3A_173 : memref<10000x128xf32, #tpu.memory_space<hbm>>) dst(%dma_wait3A_167 : memref<64x128xf32, #tpu.memory_space<vmem>>)
    %dma_wait3A_174 = arith.constant 39 : i32
    %dma_wait3A_175 = arith.constant 64 : i32
    %dma_wait3A_176 = arith.constant 0 : i32
    %dma_wait3A_177 = tpu.memref_slice %arg10[%dma_wait3A_175, %dma_wait3A_176] : memref<128x128xf32, #tpu.memory_space<vmem>> -> memref<64x128xf32, #tpu.memory_space<vmem>>
    %dma_wait3A_178 = arith.constant 64 : i32
    %dma_wait3A_179 = tpu.memref_slice %arg7[%dma_wait3A_174, %dma_wait3A_178] : memref<40x128xi32, #tpu.memory_space<vmem>> -> memref<1x64xi32, #tpu.memory_space<vmem>>
    %dma_wait3A_180 = tpu.memref_squeeze %dma_wait3A_179 : memref<1x64xi32, #tpu.memory_space<vmem>> -> memref<64xi32, #tpu.memory_space<vmem>>
    %dma_wait3A_181 = arith.constant 0 : i32
    %dma_wait3A_182 = arith.constant 0 : i32
    %dma_wait3A_183 = tpu.memref_slice %arg2[%dma_wait3A_181, %dma_wait3A_182] : memref<10000x128xf32, #tpu.memory_space<hbm>> -> memref<10000x128xf32, #tpu.memory_space<hbm>>
    tpu.wait_indirect_dma semaphore(%arg13 : memref<!tpu.dma_semaphore, #tpu.memory_space<semaphore_mem>>) src(%dma_wait3A_183 : memref<10000x128xf32, #tpu.memory_space<hbm>>) dst(%dma_wait3A_177 : memref<64x128xf32, #tpu.memory_space<vmem>>)
    %run_scoped3A_184 = arith.constant 39 : i32
    "tpu.region"() ({
      %run_scoped3A_186 = tpu.sem_alloc : memref<!tpu.dma_semaphore, #tpu.memory_space<semaphore_mem>>
      %dma_start3A_187 = arith.constant 0 : i32
      %dma_start3A_188 = tpu.memref_slice %arg8[%run_scoped3A_184, %dma_start3A_187] : memref<40x128xi32, #tpu.memory_space<vmem>> -> memref<1x128xi32, #tpu.memory_space<vmem>>
      %dma_start3A_189 = tpu.memref_squeeze %dma_start3A_188 : memref<1x128xi32, #tpu.memory_space<vmem>> -> memref<128xi32, #tpu.memory_space<vmem>>
      %dma_start3A_190 = arith.constant 0 : i32
      %dma_start3A_191 = arith.constant 0 : i32
      %dma_start3A_192 = tpu.memref_slice %arg11[%dma_start3A_190, %dma_start3A_191] : memref<10112x128xf32, #tpu.memory_space<vmem_shared>> -> memref<10112x128xf32, #tpu.memory_space<vmem_shared>>
      tpu.enqueue_indirect_dma source(%arg10 : memref<128x128xf32, #tpu.memory_space<vmem>>) target(%dma_start3A_192 : memref<10112x128xf32, #tpu.memory_space<vmem_shared>>) offsets(%dma_start3A_189 : memref<128xi32, #tpu.memory_space<vmem>>) semaphore(%run_scoped3A_186 : memref<!tpu.dma_semaphore, #tpu.memory_space<semaphore_mem>>) {add = true}
      %dma_wait3A_193 = arith.constant 0 : i32
      %dma_wait3A_194 = tpu.memref_slice %arg8[%run_scoped3A_184, %dma_wait3A_193] : memref<40x128xi32, #tpu.memory_space<vmem>> -> memref<1x128xi32, #tpu.memory_space<vmem>>
      %dma_wait3A_195 = tpu.memref_squeeze %dma_wait3A_194 : memref<1x128xi32, #tpu.memory_space<vmem>> -> memref<128xi32, #tpu.memory_space<vmem>>
      %dma_wait3A_196 = arith.constant 0 : i32
      %dma_wait3A_197 = arith.constant 0 : i32
      %dma_wait3A_198 = tpu.memref_slice %arg11[%dma_wait3A_196, %dma_wait3A_197] : memref<10112x128xf32, #tpu.memory_space<vmem_shared>> -> memref<10112x128xf32, #tpu.memory_space<vmem_shared>>
      tpu.wait_indirect_dma semaphore(%run_scoped3A_186 : memref<!tpu.dma_semaphore, #tpu.memory_space<semaphore_mem>>) src(%arg10 : memref<128x128xf32, #tpu.memory_space<vmem>>) dst(%dma_wait3A_198 : memref<10112x128xf32, #tpu.memory_space<vmem_shared>>)
      tpu.yield
    }) : () -> ()
    %barrier3A_185 = arith.constant 0 : index
    tpu.barrier barrier_id(%barrier3A_185)
    "tpu.region"() ({
      %run_scoped3A_186 = tpu.sem_alloc : memref<!tpu.dma_semaphore, #tpu.memory_space<semaphore_mem>>
      %dma_start3A_187 = arith.constant 0 : i32
      %dma_start3A_188 = tpu.memref_slice %arg6[%arg0, %mul3A_2, %dma_start3A_187] : memref<2x10112x128xf32, #tpu.memory_space<hbm>> -> memref<1x632x128xf32, #tpu.memory_space<hbm>>
      %dma_start3A_189 = tpu.memref_squeeze %dma_start3A_188 : memref<1x632x128xf32, #tpu.memory_space<hbm>> -> memref<632x128xf32, #tpu.memory_space<hbm>>
      %dma_start3A_190 = arith.constant 0 : i32
      %dma_start3A_191 = tpu.memref_slice %arg11[%mul3A_2, %dma_start3A_190] : memref<10112x128xf32, #tpu.memory_space<vmem_shared>> -> memref<632x128xf32, #tpu.memory_space<vmem_shared>>
      tpu.enqueue_dma source(%dma_start3A_191 : memref<632x128xf32, #tpu.memory_space<vmem_shared>>) target(%dma_start3A_189 : memref<632x128xf32, #tpu.memory_space<hbm>>) target_semaphore(%run_scoped3A_186 : memref<!tpu.dma_semaphore, #tpu.memory_space<semaphore_mem>>)
      %dma_wait3A_192 = arith.constant 0 : i32
      %dma_wait3A_193 = tpu.memref_slice %arg6[%arg0, %mul3A_2, %dma_wait3A_192] : memref<2x10112x128xf32, #tpu.memory_space<hbm>> -> memref<1x632x128xf32, #tpu.memory_space<hbm>>
      %dma_wait3A_194 = tpu.memref_squeeze %dma_wait3A_193 : memref<1x632x128xf32, #tpu.memory_space<hbm>> -> memref<632x128xf32, #tpu.memory_space<hbm>>
      %dma_wait3A_195 = arith.constant 0 : i32
      %dma_wait3A_196 = tpu.memref_slice %arg11[%mul3A_2, %dma_wait3A_195] : memref<10112x128xf32, #tpu.memory_space<vmem_shared>> -> memref<632x128xf32, #tpu.memory_space<vmem_shared>>
      tpu.wait_dma2 semaphore(%run_scoped3A_186 : memref<!tpu.dma_semaphore, #tpu.memory_space<semaphore_mem>>) src(%dma_wait3A_196 : memref<632x128xf32, #tpu.memory_space<vmem_shared>>) dst(%dma_wait3A_194 : memref<632x128xf32, #tpu.memory_space<hbm>>)
      tpu.yield
    }) : () -> ()
    return
  }
}

module attributes {stable_mosaic.version = 14 : i64} {
  func.func @_first_body(%arg0: i32, %arg1: memref<1000x128xf32, #tpu.memory_space<vmem>>, %arg2: memref<128x128xf32, #tpu.memory_space<vmem>>, %arg3: memref<2x1000x128xf32, #tpu.memory_space<vmem>>, %arg4: memref<1000x128xf32, #tpu.memory_space<vmem>>) attributes {dimension_semantics = [#tpu.dimension_semantics<arbitrary>], iteration_bounds = array<i64: 10>, scalar_prefetch = 0 : i64, scratch_operands = 0 : i64, tpu.core_type = #tpu.core_type<tc>, window_params = [{transform_indices = @transform_0, window_bounds = array<i64: 1000, 128>}, {pipeline_mode = #tpu.pipeline_mode<synchronous>, transform_indices = @transform_1, window_bounds = array<i64: 128, 128>}, {transform_indices = @transform_2, window_bounds = array<i64: 2, 1000, 128>}, {transform_indices = @transform_3, window_bounds = array<i64: 1000, 128>}]} {
    %get3A = arith.constant 0 : index
    %get3A_0 = arith.constant 0 : index
    %get3A_1 = arith.constant 0 : index
    %get3A_2 = vector.load %arg3[%get3A, %get3A_0, %get3A_1] : memref<2x1000x128xf32, #tpu.memory_space<vmem>>, vector<2x1000x128xf32>
    %slice3A = vector.extract_strided_slice %get3A_2 {offsets = [0, 0, 0], sizes = [1, 1000, 128], strides = [1, 1, 1]} : vector<2x1000x128xf32> to vector<1x1000x128xf32>
    %squeeze3A = vector.shape_cast %slice3A : vector<1x1000x128xf32> to vector<1000x128xf32>
    %slice3A_3 = vector.extract_strided_slice %squeeze3A {offsets = [0, 0], sizes = [1000, 1], strides = [1, 1]} : vector<1000x128xf32> to vector<1000x1xf32>
    %slice3A_4 = vector.extract_strided_slice %get3A_2 {offsets = [1, 0, 0], sizes = [1, 1000, 128], strides = [1, 1, 1]} : vector<2x1000x128xf32> to vector<1x1000x128xf32>
    %squeeze3A_5 = vector.shape_cast %slice3A_4 : vector<1x1000x128xf32> to vector<1000x128xf32>
    %slice3A_6 = vector.extract_strided_slice %squeeze3A_5 {offsets = [0, 0], sizes = [1000, 1], strides = [1, 1]} : vector<1000x128xf32> to vector<1000x1xf32>
    %add3A = arith.addf %slice3A_3, %slice3A_6 : vector<1000x1xf32>
    %add3A_7 = arith.constant 1.000000e+00 : f32
    %add3A_8 = vector.broadcast %add3A_7 : f32 to vector<1000x1xf32>
    %add3A_9 = arith.addf %add3A, %add3A_8 : vector<1000x1xf32>
    %rsqrt3A = math.rsqrt %add3A_9 : vector<1000x1xf32>
    %get3A_10 = arith.constant 0 : index
    %get3A_11 = arith.constant 0 : index
    %get3A_12 = vector.load %arg1[%get3A_10, %get3A_11] : memref<1000x128xf32, #tpu.memory_space<vmem>>, vector<1000x128xf32>
    %get3A_13 = arith.constant 0 : index
    %get3A_14 = arith.constant 0 : index
    %get3A_15 = vector.load %arg2[%get3A_13, %get3A_14] : memref<128x128xf32, #tpu.memory_space<vmem>>, vector<128x128xf32>
    %dot_general3A = arith.constant dense<0.000000e+00> : vector<1000x128xf32>
    %dot_general3A_16 = tpu.matmul %get3A_12, %get3A_15, %dot_general3A {dimension_numbers = #tpu.dot_dimension_numbers<[1], [0], [0], [1], [0, 0, 1, 1], [], []>, transpose_lhs_hint = false} : vector<1000x128xf32>, vector<128x128xf32>, vector<1000x128xf32> -> vector<1000x128xf32>
    %mul3A = vector.broadcast %rsqrt3A : vector<1000x1xf32> to vector<1000x128xf32>
    %mul3A_17 = arith.mulf %dot_general3A_16, %mul3A : vector<1000x128xf32>
    %swap3A = arith.constant 0 : index
    %swap3A_18 = arith.constant 0 : index
    %swap3A_19 = vector.load %arg4[%swap3A, %swap3A_18] : memref<1000x128xf32, #tpu.memory_space<vmem>>, vector<1000x128xf32>
    tpu.vector_store %arg4[%swap3A, %swap3A_18], %mul3A_17 {strides = array<i32>} : memref<1000x128xf32, #tpu.memory_space<vmem>>, vector<1000x128xf32>,
    return
  }
  func.func @transform_0(%arg0: i32) -> (i32, i32) {
    %c0_i32 = arith.constant 0 : i32
    %c0_i32_0 = arith.constant 0 : i32
    return %arg0, %c0_i32 : i32, i32
  }
  func.func @transform_1(%arg0: i32) -> (i32, i32) {
    %c0_i32 = arith.constant 0 : i32
    %c0_i32_0 = arith.constant 0 : i32
    %c0_i32_1 = arith.constant 0 : i32
    return %c0_i32, %c0_i32_0 : i32, i32
  }
  func.func @transform_2(%arg0: i32) -> (i32, i32, i32) {
    %c0_i32 = arith.constant 0 : i32
    %c0_i32_0 = arith.constant 0 : i32
    %c0_i32_1 = arith.constant 0 : i32
    return %c0_i32, %arg0, %c0_i32_0 : i32, i32, i32
  }
  func.func @transform_3(%arg0: i32) -> (i32, i32) {
    %c0_i32 = arith.constant 0 : i32
    %c0_i32_0 = arith.constant 0 : i32
    return %arg0, %c0_i32 : i32, i32
  }
}

module attributes {stable_mosaic.version = 14 : i64} {
  func.func @_mid_body(%arg0: i32, %arg1: memref<2x1000x128xf32, #tpu.memory_space<vmem>>, %arg2: memref<1000x128xf32, #tpu.memory_space<vmem>>, %arg3: memref<2x1000x128xf32, #tpu.memory_space<vmem>>, %arg4: memref<1x128xf32, #tpu.memory_space<vmem>>, %arg5: memref<128x128xf32, #tpu.memory_space<vmem>>, %arg6: memref<1000x128xf32, #tpu.memory_space<vmem>>) attributes {dimension_semantics = [#tpu.dimension_semantics<arbitrary>], iteration_bounds = array<i64: 10>, scalar_prefetch = 0 : i64, scratch_operands = 0 : i64, tpu.core_type = #tpu.core_type<tc>, window_params = [{transform_indices = @transform_0, window_bounds = array<i64: 2, 1000, 128>}, {transform_indices = @transform_1, window_bounds = array<i64: 1000, 128>}, {transform_indices = @transform_2, window_bounds = array<i64: 2, 1000, 128>}, {pipeline_mode = #tpu.pipeline_mode<synchronous>, transform_indices = @transform_3, window_bounds = array<i64: 1, 128>}, {pipeline_mode = #tpu.pipeline_mode<synchronous>, transform_indices = @transform_4, window_bounds = array<i64: 128, 128>}, {transform_indices = @transform_5, window_bounds = array<i64: 1000, 128>}]} {
    %get3A = arith.constant 0 : index
    %get3A_0 = arith.constant 0 : index
    %get3A_1 = arith.constant 0 : index
    %get3A_2 = vector.load %arg3[%get3A, %get3A_0, %get3A_1] : memref<2x1000x128xf32, #tpu.memory_space<vmem>>, vector<2x1000x128xf32>
    %slice3A = vector.extract_strided_slice %get3A_2 {offsets = [0, 0, 0], sizes = [1, 1000, 128], strides = [1, 1, 1]} : vector<2x1000x128xf32> to vector<1x1000x128xf32>
    %squeeze3A = vector.shape_cast %slice3A : vector<1x1000x128xf32> to vector<1000x128xf32>
    %slice3A_3 = vector.extract_strided_slice %squeeze3A {offsets = [0, 0], sizes = [1000, 1], strides = [1, 1]} : vector<1000x128xf32> to vector<1000x1xf32>
    %slice3A_4 = vector.extract_strided_slice %get3A_2 {offsets = [1, 0, 0], sizes = [1, 1000, 128], strides = [1, 1, 1]} : vector<2x1000x128xf32> to vector<1x1000x128xf32>
    %squeeze3A_5 = vector.shape_cast %slice3A_4 : vector<1x1000x128xf32> to vector<1000x128xf32>
    %slice3A_6 = vector.extract_strided_slice %squeeze3A_5 {offsets = [0, 0], sizes = [1000, 1], strides = [1, 1]} : vector<1000x128xf32> to vector<1000x1xf32>
    %add3A = arith.addf %slice3A_3, %slice3A_6 : vector<1000x1xf32>
    %add3A_7 = arith.constant 1.000000e+00 : f32
    %add3A_8 = vector.broadcast %add3A_7 : f32 to vector<1000x1xf32>
    %add3A_9 = arith.addf %add3A, %add3A_8 : vector<1000x1xf32>
    %rsqrt3A = math.rsqrt %add3A_9 : vector<1000x1xf32>
    %get3A_10 = arith.constant 0 : index
    %get3A_11 = arith.constant 0 : index
    %get3A_12 = arith.constant 0 : index
    %get3A_13 = vector.load %arg1[%get3A_10, %get3A_11, %get3A_12] : memref<2x1000x128xf32, #tpu.memory_space<vmem>>, vector<1x1000x128xf32>
    %get3A_14 = vector.shape_cast %get3A_13 : vector<1x1000x128xf32> to vector<1000x128xf32>
    %get3A_15 = arith.constant 1 : index
    %get3A_16 = arith.constant 0 : index
    %get3A_17 = arith.constant 0 : index
    %get3A_18 = vector.load %arg1[%get3A_15, %get3A_16, %get3A_17] : memref<2x1000x128xf32, #tpu.memory_space<vmem>>, vector<1x1000x128xf32>
    %get3A_19 = vector.shape_cast %get3A_18 : vector<1x1000x128xf32> to vector<1000x128xf32>
    %add3A_20 = arith.addf %get3A_14, %get3A_19 : vector<1000x128xf32>
    %get3A_21 = arith.constant 0 : index
    %get3A_22 = arith.constant 0 : index
    %get3A_23 = vector.load %arg2[%get3A_21, %get3A_22] : memref<1000x128xf32, #tpu.memory_space<vmem>>, vector<1000x128xf32>
    %add3A_24 = arith.addf %add3A_20, %get3A_23 : vector<1000x128xf32>
    %mul3A = vector.broadcast %rsqrt3A : vector<1000x1xf32> to vector<1000x128xf32>
    %mul3A_25 = arith.mulf %add3A_24, %mul3A : vector<1000x128xf32>
    %get3A_26 = arith.constant 0 : index
    %get3A_27 = arith.constant 0 : index
    %get3A_28 = vector.load %arg4[%get3A_26, %get3A_27] : memref<1x128xf32, #tpu.memory_space<vmem>>, vector<1x128xf32>
    %add3A_29 = vector.broadcast %get3A_28 : vector<1x128xf32> to vector<1000x128xf32>
    %add3A_30 = arith.addf %mul3A_25, %add3A_29 : vector<1000x128xf32>
    %max3A = arith.constant 0.000000e+00 : f32
    %max3A_31 = vector.broadcast %max3A : f32 to vector<1000x128xf32>
    %max3A_32 = arith.maximumf %add3A_30, %max3A_31 : vector<1000x128xf32>
    %get3A_33 = arith.constant 0 : index
    %get3A_34 = arith.constant 0 : index
    %get3A_35 = vector.load %arg5[%get3A_33, %get3A_34] : memref<128x128xf32, #tpu.memory_space<vmem>>, vector<128x128xf32>
    %dot_general3A = arith.constant dense<0.000000e+00> : vector<1000x128xf32>
    %dot_general3A_36 = tpu.matmul %max3A_32, %get3A_35, %dot_general3A {dimension_numbers = #tpu.dot_dimension_numbers<[1], [0], [0], [1], [0, 0, 1, 1], [], []>, transpose_lhs_hint = false} : vector<1000x128xf32>, vector<128x128xf32>, vector<1000x128xf32> -> vector<1000x128xf32>
    %mul3A_37 = vector.broadcast %rsqrt3A : vector<1000x1xf32> to vector<1000x128xf32>
    %mul3A_38 = arith.mulf %dot_general3A_36, %mul3A_37 : vector<1000x128xf32>
    %swap3A = arith.constant 0 : index
    %swap3A_39 = arith.constant 0 : index
    %swap3A_40 = vector.load %arg6[%swap3A, %swap3A_39] : memref<1000x128xf32, #tpu.memory_space<vmem>>, vector<1000x128xf32>
    tpu.vector_store %arg6[%swap3A, %swap3A_39], %mul3A_38 {strides = array<i32>} : memref<1000x128xf32, #tpu.memory_space<vmem>>, vector<1000x128xf32>,
    return
  }
  func.func @transform_0(%arg0: i32) -> (i32, i32, i32) {
    %c0_i32 = arith.constant 0 : i32
    %c0_i32_0 = arith.constant 0 : i32
    %c0_i32_1 = arith.constant 0 : i32
    return %c0_i32, %arg0, %c0_i32_0 : i32, i32, i32
  }
  func.func @transform_1(%arg0: i32) -> (i32, i32) {
    %c0_i32 = arith.constant 0 : i32
    %c0_i32_0 = arith.constant 0 : i32
    return %arg0, %c0_i32 : i32, i32
  }
  func.func @transform_2(%arg0: i32) -> (i32, i32, i32) {
    %c0_i32 = arith.constant 0 : i32
    %c0_i32_0 = arith.constant 0 : i32
    %c0_i32_1 = arith.constant 0 : i32
    return %c0_i32, %arg0, %c0_i32_0 : i32, i32, i32
  }
  func.func @transform_3(%arg0: i32) -> (i32, i32) {
    %c0_i32 = arith.constant 0 : i32
    %c0_i32_0 = arith.constant 0 : i32
    %c0_i32_1 = arith.constant 0 : i32
    return %c0_i32, %c0_i32_0 : i32, i32
  }
  func.func @transform_4(%arg0: i32) -> (i32, i32) {
    %c0_i32 = arith.constant 0 : i32
    %c0_i32_0 = arith.constant 0 : i32
    %c0_i32_1 = arith.constant 0 : i32
    return %c0_i32, %c0_i32_0 : i32, i32
  }
  func.func @transform_5(%arg0: i32) -> (i32, i32) {
    %c0_i32 = arith.constant 0 : i32
    %c0_i32_0 = arith.constant 0 : i32
    return %arg0, %c0_i32 : i32, i32
  }
}

module attributes {stable_mosaic.version = 14 : i64} {
  func.func @_last_body(%arg0: i32, %arg1: memref<2x1000x128xf32, #tpu.memory_space<vmem>>, %arg2: memref<1000x128xf32, #tpu.memory_space<vmem>>, %arg3: memref<2x1000x128xf32, #tpu.memory_space<vmem>>, %arg4: memref<1x128xf32, #tpu.memory_space<vmem>>, %arg5: memref<1000x128xf32, #tpu.memory_space<vmem>>) attributes {dimension_semantics = [#tpu.dimension_semantics<arbitrary>], iteration_bounds = array<i64: 10>, scalar_prefetch = 0 : i64, scratch_operands = 0 : i64, tpu.core_type = #tpu.core_type<tc>, window_params = [{transform_indices = @transform_0, window_bounds = array<i64: 2, 1000, 128>}, {transform_indices = @transform_1, window_bounds = array<i64: 1000, 128>}, {transform_indices = @transform_2, window_bounds = array<i64: 2, 1000, 128>}, {pipeline_mode = #tpu.pipeline_mode<synchronous>, transform_indices = @transform_3, window_bounds = array<i64: 1, 128>}, {transform_indices = @transform_4, window_bounds = array<i64: 1000, 128>}]} {
    %get3A = arith.constant 0 : index
    %get3A_0 = arith.constant 0 : index
    %get3A_1 = arith.constant 0 : index
    %get3A_2 = vector.load %arg3[%get3A, %get3A_0, %get3A_1] : memref<2x1000x128xf32, #tpu.memory_space<vmem>>, vector<2x1000x128xf32>
    %slice3A = vector.extract_strided_slice %get3A_2 {offsets = [0, 0, 0], sizes = [1, 1000, 128], strides = [1, 1, 1]} : vector<2x1000x128xf32> to vector<1x1000x128xf32>
    %squeeze3A = vector.shape_cast %slice3A : vector<1x1000x128xf32> to vector<1000x128xf32>
    %slice3A_3 = vector.extract_strided_slice %squeeze3A {offsets = [0, 0], sizes = [1000, 1], strides = [1, 1]} : vector<1000x128xf32> to vector<1000x1xf32>
    %slice3A_4 = vector.extract_strided_slice %get3A_2 {offsets = [1, 0, 0], sizes = [1, 1000, 128], strides = [1, 1, 1]} : vector<2x1000x128xf32> to vector<1x1000x128xf32>
    %squeeze3A_5 = vector.shape_cast %slice3A_4 : vector<1x1000x128xf32> to vector<1000x128xf32>
    %slice3A_6 = vector.extract_strided_slice %squeeze3A_5 {offsets = [0, 0], sizes = [1000, 1], strides = [1, 1]} : vector<1000x128xf32> to vector<1000x1xf32>
    %add3A = arith.addf %slice3A_3, %slice3A_6 : vector<1000x1xf32>
    %add3A_7 = arith.constant 1.000000e+00 : f32
    %add3A_8 = vector.broadcast %add3A_7 : f32 to vector<1000x1xf32>
    %add3A_9 = arith.addf %add3A, %add3A_8 : vector<1000x1xf32>
    %rsqrt3A = math.rsqrt %add3A_9 : vector<1000x1xf32>
    %get3A_10 = arith.constant 0 : index
    %get3A_11 = arith.constant 0 : index
    %get3A_12 = arith.constant 0 : index
    %get3A_13 = vector.load %arg1[%get3A_10, %get3A_11, %get3A_12] : memref<2x1000x128xf32, #tpu.memory_space<vmem>>, vector<1x1000x128xf32>
    %get3A_14 = vector.shape_cast %get3A_13 : vector<1x1000x128xf32> to vector<1000x128xf32>
    %get3A_15 = arith.constant 1 : index
    %get3A_16 = arith.constant 0 : index
    %get3A_17 = arith.constant 0 : index
    %get3A_18 = vector.load %arg1[%get3A_15, %get3A_16, %get3A_17] : memref<2x1000x128xf32, #tpu.memory_space<vmem>>, vector<1x1000x128xf32>
    %get3A_19 = vector.shape_cast %get3A_18 : vector<1x1000x128xf32> to vector<1000x128xf32>
    %add3A_20 = arith.addf %get3A_14, %get3A_19 : vector<1000x128xf32>
    %get3A_21 = arith.constant 0 : index
    %get3A_22 = arith.constant 0 : index
    %get3A_23 = vector.load %arg2[%get3A_21, %get3A_22] : memref<1000x128xf32, #tpu.memory_space<vmem>>, vector<1000x128xf32>
    %add3A_24 = arith.addf %add3A_20, %get3A_23 : vector<1000x128xf32>
    %mul3A = vector.broadcast %rsqrt3A : vector<1000x1xf32> to vector<1000x128xf32>
    %mul3A_25 = arith.mulf %add3A_24, %mul3A : vector<1000x128xf32>
    %get3A_26 = arith.constant 0 : index
    %get3A_27 = arith.constant 0 : index
    %get3A_28 = vector.load %arg4[%get3A_26, %get3A_27] : memref<1x128xf32, #tpu.memory_space<vmem>>, vector<1x128xf32>
    %add3A_29 = vector.broadcast %get3A_28 : vector<1x128xf32> to vector<1000x128xf32>
    %add3A_30 = arith.addf %mul3A_25, %add3A_29 : vector<1000x128xf32>
    %swap3A = arith.constant 0 : index
    %swap3A_31 = arith.constant 0 : index
    %swap3A_32 = vector.load %arg5[%swap3A, %swap3A_31] : memref<1000x128xf32, #tpu.memory_space<vmem>>, vector<1000x128xf32>
    tpu.vector_store %arg5[%swap3A, %swap3A_31], %add3A_30 {strides = array<i32>} : memref<1000x128xf32, #tpu.memory_space<vmem>>, vector<1000x128xf32>,
    return
  }
  func.func @transform_0(%arg0: i32) -> (i32, i32, i32) {
    %c0_i32 = arith.constant 0 : i32
    %c0_i32_0 = arith.constant 0 : i32
    %c0_i32_1 = arith.constant 0 : i32
    return %c0_i32, %arg0, %c0_i32_0 : i32, i32, i32
  }
  func.func @transform_1(%arg0: i32) -> (i32, i32) {
    %c0_i32 = arith.constant 0 : i32
    %c0_i32_0 = arith.constant 0 : i32
    return %arg0, %c0_i32 : i32, i32
  }
  func.func @transform_2(%arg0: i32) -> (i32, i32, i32) {
    %c0_i32 = arith.constant 0 : i32
    %c0_i32_0 = arith.constant 0 : i32
    %c0_i32_1 = arith.constant 0 : i32
    return %c0_i32, %arg0, %c0_i32_0 : i32, i32, i32
  }
  func.func @transform_3(%arg0: i32) -> (i32, i32) {
    %c0_i32 = arith.constant 0 : i32
    %c0_i32_0 = arith.constant 0 : i32
    %c0_i32_1 = arith.constant 0 : i32
    return %c0_i32, %c0_i32_0 : i32, i32
  }
  func.func @transform_4(%arg0: i32) -> (i32, i32) {
    %c0_i32 = arith.constant 0 : i32
    %c0_i32_0 = arith.constant 0 : i32
    return %arg0, %c0_i32 : i32, i32
  }
}

</mosaic_0001>

<sc_bundles>
// kernel: kernel.10.cloned.1.call-start
scs
__scs_entry_jumppad:
0x0: {  	(pc) =	sbr.rel $0x88, $3  }
0x1: {  	(tag) =	ssettag $0x0;
	lr =	simm.s32 $0x1  }
0x2: {  	[smem:$0x3F99] =	sst lr;
	_ =	strace $0xD0000000  }
0x3: {  	_ = 	snop  }
0x4: {  	_ = 	snop  }
0x5: {  	_ = 	snop  }
0x6: {  	_ = 	snop  }
0x7: {  	_ = 	snop  }
__scs_overlays_trampoline_lowered:
0x8: {  	[smem:$0x3FA8] =	sst s0  }
0x9: {  	[smem:$0x3FA9] =	sst s1  }
0xa: {  	[smem:$0x3FAA] =	sst s2  }
0xb: {  	[smem:$0x3FAB] =	sst s3  }
0xc: {  	[smem:$0x3FAC] =	sst s4  }
0xd: {  	[smem:$0x3FAD] =	sst s5  }
0xe: {  	[smem:$0x3FAE] =	sst s6  }
0xf: {  	[smem:$0x3FAF] =	sst s7  }
0x10: {  	[smem:$0x3FB0] =	sst s8  }
0x11: {  	[smem:$0x3FB1] =	sst s9;
	s0 =	simm.s32 @!p0 $0x0  }
0x12: {  	s1 =	sld [smem:$0x3F97];
	s0 =	simm.s32 @p0 $0x1  }
0x13: {  	[smem:$0x3FB2] =	sst s0;
	s0 =	simm.s32 @!p1 $0x0  }
0x14: {  	s2 =	sld [smem:$0x3F96];
	s0 =	simm.s32 @p1 $0x1  }
0x15: {  	[smem:$0x3FB3] =	sst s0;
	s0 =	simm.s32 @!p2 $0x0  }
0x16: {  	s3 =	sld [smem:$0x3FDB];
	s0 =	simm.s32 @p2 $0x1  }
0x17: {  	s4 =	simm.s32 $0x1BF5;
	[smem:$0x3FB5] =	sst s0  }
0x18: {  	s0 =	sld [smem:$0x3F98];
	_ =	swait.ge [sflag:s4], $0x0  }
0x19: {  	s7 =	sld [smem:$0x3F99]  }
0x1a: {  	s8 =	sadd.s32 $0xFFFFE003, lr  }
0x1b: {  	s9 =	sadd.s32 $0xFFFFFEF7, lr;
	s5 =	simm.s32 $0xFFFFFFFF;
	p2 =	slt.u32 s8, $0xFFFFF086  }
0x1c: {  	p1 =	slt.u32 s9, $0xF7A;
	s5 =	simm.s32 @!p2 $0x0  }
0x1d: {  	s5 =	simm.s32 @p1 $0x1;
	p0 =	seq.s32 s7, s2  }
0x1e: {  	s7 =	smul.u32 @!p0 $0xF7A, s2;
	p2 =	seq.s32 @!p0 s5, $0x0  }
0x1f: {  	s9 =	smul.u32 $0xF7A, s1;
	s8 =	simm.s32 @!p0 $0x1BF5;
	p2 =	por !p2, p0  }
0x20: {  	[sflag:s8] =	ssyncset.s32 @!p0 $0xFFFFF086;
	s6 =	sadd.s32 @!p0 s3, s7;
	s7 =	simm.s32 @!p0 $0x108  }
0x21: {  	s3 =	sadd.s32 s3, s9;
	s6 =	sadd.s32 @!p0 $0x88, s6;
	s7 =	simm.s32 @p2 $0x1082  }
0x22: {  	[simem:s7], [sflag:s8] =	dma.local @!p0 [hbm:s6], $0xF7A  }
0x23: {  	s9 =	sor.u32 $0xD0000000, s2;
	s6 =	simm.s32 $0x108;
	_ =	swait.ge @!p0 [sflag:s8], $0x0  }
0x24: {  	s3 =	sadd.s32 $0x88, s3;
	s6 =	simm.s32 @!p1 $0x1082;
	[sflag:s4] =	ssyncset.s32 $0xFFFFF086  }
0x25: {  	[simem:s6], [sflag:s4] =	dma.local [hbm:s3], $0xF7A  }
0x26: {  	[smem:$0x3F99] =	sst s1;
	(tag) =	ssettag s2;
	_ =	strace s9  }
0x27: {  	s1 =	sld [smem:$0x3FA9]  }
0x28: {  	s2 =	sld [smem:$0x3FAA]  }
0x29: {  	s4 =	sld [smem:$0x3FAC]  }
0x2a: {  	p0 =	seq.s32 s5, $0x0;
	s5 =	sld [smem:$0x3FAD]  }
0x2b: {  	s6 =	sld [smem:$0x3FAE]  }
0x2c: {  	s7 =	sld [smem:$0x3FAF]  }
0x2d: {  	s3 =	simm.s32 $0x108;
	s8 =	sld [smem:$0x3FB0]  }
0x2e: {  	s3 =	simm.s32 @!p0 $0x1082;
	s9 =	sld [smem:$0x3FB1]  }
0x2f: {  	lr =	sadd.s32 s0, s3;
	s0 =	sld [smem:$0x3FA8]  }
0x30: {  	s3 =	sld [smem:$0x3FAB]  }
0x31: {  	[smem:$0x3FB4] =	sst s10  }
0x32: {  	s10 =	sld [smem:$0x3FB2];
	_ =	sdelay $0x3  }
0x33: {  	p0 =	seq.s32 s10, $0x1;
	s10 =	sld [smem:$0x3FB4];
	_ =	sdelay $0x3  }
0x34: {  	[smem:$0x3FB4] =	sst s10  }
0x35: {  	s10 =	sld [smem:$0x3FB3];
	_ =	sdelay $0x3  }
0x36: {  	p1 =	seq.s32 s10, $0x1;
	s10 =	sld [smem:$0x3FB4];
	_ =	sdelay $0x3  }
0x37: {  	[smem:$0x3FB4] =	sst s10  }
0x38: {  	s10 =	sld [smem:$0x3FB5]  }
0x39: {  	_ = 	snop;
	(pc) =	sbr.ind lr, $3  }
0x3a: {  	_ = 	snop  }
0x3b: {  	_ = 	snop  }
0x3c: {  	p2 =	seq.s32 s10, $0x1;
	s10 =	sld [smem:$0x3FB4]  }
0x3d: {  	_ =	shalt  }
0x3e: {  	_ =	shalt  }
0x3f: {  	_ =	shalt  }
0x40: {  	_ =	shalt  }
0x41: {  	_ =	shalt  }
0x42: {  	_ =	shalt  }
0x43: {  	_ =	shalt  }
0x44: {  	_ =	shalt  }
0x45: {  	_ =	shalt  }
0x46: {  	_ =	shalt  }
0x47: {  	_ =	shalt  }
0x48: {  	_ =	shalt  }
0x49: {  	_ =	shalt  }
0x4a: {  	_ =	shalt  }
0x4b: {  	_ =	shalt  }
0x4c: {  	_ =	shalt  }
0x4d: {  	_ =	shalt  }
0x4e: {  	_ =	shalt  }
0x4f: {  	_ =	shalt  }
0x50: {  	_ =	shalt  }
0x51: {  	_ =	shalt  }
0x52: {  	_ =	shalt  }
0x53: {  	_ =	shalt  }
0x54: {  	_ =	shalt  }
0x55: {  	_ =	shalt  }
0x56: {  	_ =	shalt  }
0x57: {  	_ =	shalt  }
0x58: {  	_ =	shalt  }
0x59: {  	_ =	shalt  }
0x5a: {  	_ =	shalt  }
0x5b: {  	_ =	shalt  }
0x5c: {  	_ =	shalt  }
0x5d: {  	_ =	shalt  }
0x5e: {  	_ =	shalt  }
0x5f: {  	_ =	shalt  }
0x60: {  	_ =	shalt  }
0x61: {  	_ =	shalt  }
0x62: {  	_ =	shalt  }
0x63: {  	_ =	shalt  }
0x64: {  	_ =	shalt  }
0x65: {  	_ =	shalt  }
0x66: {  	_ =	shalt  }
0x67: {  	_ =	shalt  }
0x68: {  	_ =	shalt  }
0x69: {  	_ =	shalt  }
0x6a: {  	_ =	shalt  }
0x6b: {  	_ =	shalt  }
0x6c: {  	_ =	shalt  }
0x6d: {  	_ =	shalt  }
0x6e: {  	_ =	shalt  }
0x6f: {  	_ =	shalt  }
0x70: {  	_ =	shalt  }
0x71: {  	_ =	shalt  }
0x72: {  	_ =	shalt  }
0x73: {  	_ =	shalt  }
0x74: {  	_ =	shalt  }
0x75: {  	_ =	shalt  }
0x76: {  	_ =	shalt  }
0x77: {  	_ =	shalt  }
0x78: {  	_ =	shalt  }
0x79: {  	_ =	shalt  }
0x7a: {  	_ =	shalt  }
0x7b: {  	_ =	shalt  }
0x7c: {  	_ =	shalt  }
0x7d: {  	_ =	shalt  }
0x7e: {  	_ =	shalt  }
0x7f: {  	_ =	shalt  }
0x80: {  	_ =	shalt  }
0x81: {  	_ =	shalt  }
0x82: {  	_ =	shalt  }
0x83: {  	_ =	shalt  }
0x84: {  	_ =	shalt  }
0x85: {  	_ =	shalt  }
0x86: {  	_ =	shalt  }
0x87: {  	_ =	shalt  }
.Lfunc_end0:
.L_simem_size_0:
called_computation_lowered:
.L_overlay_start_0:
0x88: {  	s2 =	sld [smem:$0x3FD9]  }
0x89: {  	s3 =	sld [smem:$0x3FFE];
	_ =	sdelay $0x1  }
0x8a: {  	s1 =	srdreg.scid  }
0x8b: {  	s0 =	sand.u32 $0x1, s1  }
0x8c: {  	s17 =	sshll.u32 s0, $0xA;
	s2 =	sadd.s32 s3, s2  }
0x8d: {  	s2 =	sadd.s32 s2, s17  }
0x8e: {  	[smem:$0x3FC0] =	sst s2  }
0x8f: {  	_ = 	snop  }
0x90: {  	s2 =	sld [smem:$0x3FD0];
	(tm) =	ssettm $0x1  }
0x91: {  	s18 =	sld [smem:$0x3FFB];
	_ =	sdelay $0x3  }
0x92: {  	_ =	strace s18  }
0x93: {  	s3 =	sld [smem:$0x3FFC];
	_ =	sdelay $0x3  }
0x94: {  	_ =	strace s3  }
0x95: {  	s3 =	sld [smem:$0x3FFD];
	_ =	sdelay $0x3  }
0x96: {  	_ =	strace s3  }
0x97: {  	_ =	strace $0x8FFFFFFF  }
0x98: {  	s19 =	sld [smem:$0x3FDB];
	_ =	sdelay $0x1  }
0x99: {  	s4 =	simm.s32 $_scs_section_size  }
0x9a: {  	s5 =	simm.s32 $_size__tile_overlayer_lowered;
	s6 =	simm.s32 $_tile_overlayer_lowered  }
0x9b: {  	s22 =	simm.s32 $0x1BFF;
	s21 =	sshll.u32 s6, $0x1;
	s3 =	sadd.s32 s4, s19  }
0x9c: {  	s7 =	simm.s32 $0x0;
	s20 =	sshll.u32 s5, $0x1;
	s5 =	sadd.s32 s21, s3  }
0x9d: {  	[timem:s7], [sflag:s22] =	dma.local [hbm:s5], s20  }
0x9e: {  	_ =	swait.ge [sflag:s22], s20  }
0x9f: {  	s4 =	ssub.s32 $0x0, s20;
	[sflag:s22] =	ssyncset.done $0x0  }
0xa0: {  	[sflag:s22] =	ssyncadd.s32 s4;
	_ =	sdelay $0x1  }
0xa1: {  	s23 =	simm.s32 $0x1B8B  }
0xa2: {  	_ =	swait.ge [sflag:s23], $0x1  }
0xa3: {  	[sflag:s23] =	ssyncset.done $0x0  }
0xa4: {  	s25 =	simm.s32 $0x1B8E;
	s24 =	sld [smem:$0x3FFE];
	[sflag:s23] =	ssyncadd.s32 $0xFFFFFFFF  }
0xa5: {  	s26 =	simm.s32 $execute0_lowered;
	[smem:$0x3FD2] =	sst s25  }
0xa6: {  	s5 =	sshll.u32 s26, $0x1;
	_ =	strace $0x80000046;
	[dreg:$0x1] =	wrdreg $0xFFFFFFFF  }
0xa7: {  	s28 =	simm.s32 $_size_execute0_lowered;
	s3 =	sadd.s32 s3, s5;
	[dreg:$0x0] =	wrdreg $0x0  }
0xa8: {  	s5 =	sshll.u32 s28, $0x1;
	[dreg:$0x2] =	wrdreg s3  }
0xa9: {  	[dreg:$0x3] =	wrdreg s5  }
0xaa: {  	[dreg:$0x4] =	wrdreg $0xC0  }
0xab: {  	_ =	task [dreg:s7], $0x5FFFF  }
0xac: {  	[dreg:$0x1] =	wrdreg $0xFFFFFFFF  }
0xad: {  	[dreg:$0x0] =	wrdreg $0x60  }
0xae: {  	[dreg:$0x2] =	wrdreg s24  }
0xaf: {  	[dreg:$0x3] =	wrdreg s2  }
0xb0: {  	[dreg:$0x4] =	wrdreg $0x68000  }
0xb1: {  	[dreg:$0x5] =	wrdreg $0x9  }
0xb2: {  	_ =	task.clear_ibuf [dreg:s7], $0x6FFFF;
	_ =	strace $0x90000046  }
0xb3: {  	s29 =	simm.s32 $0x9;
	_ =	strace $0x80000048  }
0xb4: {  	_ =	swait.ge [sflag:s29], $0x1  }
0xb5: {  	[sflag:s29] =	ssyncadd.s32 $0xFFFFFFFF  }
0xb6: {  	_ =	strace $0x90000048  }
0xb7: {  	_ =	sfence  }
0xb8: {  	s30 =	sld [smem:$0x0];
	_ =	sdelay $0x2  }
0xb9: {  	s31 =	sshll.u32 s1, $0xD;
	s1 =	sshrl.u32 s1, $0x2  }
0xba: {  	s3 =	sand.u32 $0x4000, s31;
	s1 =	sadd.s32 s1, s30  }
0xbb: {  	s0 =	sor.u32 s3, s0;
	s1 =	sshll.u32 s1, $0x11  }
0xbc: {  	s0 =	sor.u32 s1, s0  }
0xbd: {  	s0 =	sadd.s32 $0x8F2B, s0  }
0xbe: {  	[sflag:s0] =	ssyncadd.remote.s32 $0x1  }
0xbf: {  	_ =	sfence.sel $0xFFFF  }
0xc0: {  	[dreg:$0x0] =	wrdreg $0xFFFFFFFF;
	(pc) =	sbr.abs _section_cstart, $3  }
0xc1: {  	[dreg:$0x1] =	wrdreg $0xFFFFFFFF  }
0xc2: {  	_ =	task.clear_ibuf [dreg:s7], $0x2FFFF;
	_ =	strace $0x9FFFFFFF  }
0xc3: {  	(tm) =	ssettm $0x7FFFFFFF  }
tec
execute0_lowered:
.L_overlay_start_1:
0x0: {  	(tag) =	ssettag $0x1  }
0x1: {  	s1 =	srdreg.scid;
	s6 =	rddreg [dreg:$0x0]  }
0x2: {  	s0 =	stileid.u32;
	s2 =	rddreg [dreg:$0x1]  }
0x3: {  	s3 =	rddreg [dreg:$0x2];
	s4 =	simm.s32 $0x0;
	s14 =	simm.s32 $0x1  }
0x4: {  	s15 =	simm.s32 $0x2800;
	s16 =	simm.s32 $0x80;
	s19 =	simm.s32 $0x0  }
0x5: {  	s7 =	sand.u32 $0x1, s1;
	s29 =	sshll.u32 s0, $0x1;
	s9 =	smul.u32 $0x13C00, s0  }
0x6: {  	[smem:$0x7FF] =	sst s4;
	s10 =	smul.u32 $0x4F000, s0;
	s17 =	sshll.u32 s0, $0x6  }
0x7: {  	s1 =	sor.u32 s7, s29;
	s8 =	smul.u32 $0x13C000, s7;
	s7 =	ssub.s32 $0x2, s7  }
0x8: {  	s17 =	sor.u32 $0x1C01, s17;
	s5 =	smul.u32 $0x500, s1;
	s1 =	rddreg [dreg:$0x3]  }
0x9: {  	_ =	strace $0x80000047;
	s30 =	sshrl.u32 s10, $0x2;
	s31 =	sshrl.u32 s7, $0x1  }
0xa: {  	s8 =	sadd.s32 s9, s8;
	s13 =	ssub.s32 s7, s31;
	s11 =	sadd.s32 s5, s6  }
0xb: {  	s5 =	sadd.s32 $0xD600, s6;
	s8 =	sshrl.u32 s8, $0x3;
	s13 =	smax.u32 s13, $0x1  }
0xc: {  	s12 =	sadd.s32 s8, s6;
	s6 =	sadd.s32 s30, s3;
	s7 =	sadd.s32 $0x3600, s11  }
0xd: {  	s8 =	sadd.s32 $0x4000, s6;
	s9 =	sadd.s32 $0x8000, s6;
	s10 =	sadd.s32 $0xC000, s6  }
0xe: {  	s11 =	sadd.s32 $0x10000, s6;
	s12 =	sadd.s32 $0xDE00, s12;
	s18 =	sshrl.u32 s6, $0x3  }
.LBB2_1:
0xf: {  	[tilespmem:s4], [sflag:$0x1] =	stream.linear.gather [hbm4b:s7+s4], $0x2800, $0x38;
	[tilespmem:$0x1A400] =	vst v63  }
0x10: {  	_ =	swait.ge [sflag:s14], $0x2800  }
0x11: {  	[sflag:s14] =	ssyncset.done $0x0  }
0x12: {  	[sflag:s14] =	ssyncadd.s32 $0xFFFFD800  }
0x13: {  	[tilespmem:s15], [sflag:$0x1] =	stream.linear.gather [hbm4b:s5+s4], $0x4000, $0x38;
	[tilespmem:$0x1A400] =	vst v63  }
0x14: {  	_ =	swait.ge [sflag:s14], $0x4000  }
0x15: {  	[sflag:s14] =	ssyncset.done $0x0  }
0x16: {  	[sflag:s14] =	ssyncadd.s32 $0xFFFFC000  }
0x17: {  	[spmem:s6] =	stream.linear.scatter [tilespmem:s15], [sflag:$0x1], $0x4000, $0x38;
	[tilespmem:$0x1A400] =	vst v63  }
0x18: {  	_ =	swait.ge [sflag:s14], $0x4000  }
0x19: {  	[sflag:s14] =	ssyncset.done $0x0  }
0x1a: {  	[sflag:s14] =	ssyncadd.s32 $0xFFFFC000  }
0x1b: {  	[spmem:s8] =	stream.linear.scatter [tilespmem:s15], [sflag:$0x1], $0x4000, $0x38;
	[tilespmem:$0x1A400] =	vst v63  }
0x1c: {  	_ =	swait.ge [sflag:s14], $0x4000  }
0x1d: {  	[sflag:s14] =	ssyncset.done $0x0  }
0x1e: {  	[sflag:s14] =	ssyncadd.s32 $0xFFFFC000  }
0x1f: {  	[spmem:s9] =	stream.linear.scatter [tilespmem:s15], [sflag:$0x1], $0x4000, $0x38;
	[tilespmem:$0x1A400] =	vst v63  }
0x20: {  	_ =	swait.ge [sflag:s14], $0x4000  }
0x21: {  	[sflag:s14] =	ssyncset.done $0x0  }
0x22: {  	[sflag:s14] =	ssyncadd.s32 $0xFFFFC000  }
0x23: {  	[spmem:s10] =	stream.linear.scatter [tilespmem:s15], [sflag:$0x1], $0x4000, $0x38;
	[tilespmem:$0x1A400] =	vst v63  }
0x24: {  	_ =	swait.ge [sflag:s14], $0x4000  }
0x25: {  	[sflag:s14] =	ssyncset.done $0x0  }
0x26: {  	[sflag:s14] =	ssyncadd.s32 $0xFFFFC000  }
0x27: {  	[spmem:s11] =	stream.linear.scatter [tilespmem:s15], [sflag:$0x1], $0x3C00, $0x38;
	[tilespmem:$0x1A400] =	vst v63  }
0x28: {  	_ =	swait.ge [sflag:s14], $0x3C00  }
0x29: {  	[sflag:s14] =	ssyncset.done $0x0  }
0x2a: {  	[sflag:s14] =	ssyncadd.s32 $0xFFFFC400  }
0x2b: {  	[tilespmem:s15], [sflag:$0x1] =	stream.linear.gather [hbm4b:s2+s4], $0x4000, $0x38;
	[tilespmem:$0x1A400] =	vst v63  }
0x2c: {  	_ =	swait.ge [sflag:s14], $0x4000  }
0x2d: {  	[sflag:s14] =	ssyncset.done $0x0  }
0x2e: {  	[sflag:s14] =	ssyncadd.s32 $0xFFFFC000  }
0x2f: {  	s20 =	simm.s32 $0x0;
	[bflag:$0x0] =	sbarrier.arrive $0xFFFF  }
0x30: {  	[spmem:s3] =	stream.indirect.scatter.add.f32 [tilespmem:s15], [sflag:$0x1], $0x80, s20, s16, $0xb8;
	[tilespmem:$0x1A400] =	vst v63  }
0x31: {  	_ =	swait.ge [sflag:s14], $0x4000  }
0x32: {  	s20 =	simm.s32 $0x200;
	[sflag:s14] =	ssyncset.done $0x0  }
.LBB2_2:
0x33: {  	s21 =	sshra.s32 s20, $0x2;
	[sflag:s14] =	ssyncadd.s32 $0xFFFFC000;
	p0 =	sne.s32 s20, $0x9E00  }
0x34: {  	[spmem:s3] =	stream.indirect.scatter.add.f32 [tilespmem:s15], [sflag:$0x1], $0x80, s21, s16, $0xb8;
	[tilespmem:$0x1A400] =	vst v63  }
.Ltmp0:
0x35: {  	_ = 	snop;
	(pc) =	sbr.rel @p0 .LBB2_2-.Ltmp0, $4  }
0x36: {  	_ = 	snop  }
0x37: {  	s20 =	sadd.s32 $0x200, s20  }
0x38: {  	_ =	swait.ge [sflag:s14], $0x4000  }
0x39: {  	[sflag:s14] =	ssyncset.done $0x0  }
0x3a: {  	s19 =	sadd.s32 $0x1, s19  }
0x3b: {  	[sflag:s14] =	ssyncadd.s32 $0xFFFFC000;
	p0 =	sne.s32 s19, s13  }
.Ltmp1:
0x3c: {  	[bflag:$0x0] =	sbarrier.arrive $0xFFFF;
	(pc) =	sbr.rel @p0 .LBB2_1-.Ltmp1, $4  }
0x3d: {  	[hbm:s12], [sflag:s17] =	dma.local [spmem:s18], $0x2780  }
0x3e: {  	_ =	swait.ge [sflag:s14], $0x2780  }
0x3f: {  	[sflag:s14] =	ssyncset.done $0x0  }
0x40: {  	[sflag:s14] =	ssyncadd.s32 $0xFFFFD880  }
0x41: {  	_ =	sfence.sel $0x180000  }
0x42: {  	[bflag:$0x0] =	sbarrier.arrive $0xFFFF  }
0x43: {  	p0 =	sne.s32 s0, $0x0;
	_ =	strace $0x90000047  }
0x44: {  	s0 =	sadd.s32 @!p0 $0x100000, s1;
	[bflag:$0x2] =	sbarrier.arrive $0xFFFF  }
0x45: {  	[sflag:s0] =	ssyncadd.tile.s32 @!p0 $0x1;
	_ =	shalt  }
.Lfunc_end2:
_tile_overlayer_lowered:
.L_overlay_start_2:
0x46: {  	(tag) =	ssettag $0x2  }
0x47: {  	s0 =	rddreg [dreg:$0x0];
	s2 =	stileid.u32  }
0x48: {  	s1 =	rddreg [dreg:$0x1];
	p0 =	sne.s32 s2, $0x0  }
0x49: {  	s3 =	rddreg [dreg:$0x2];
	[bflag:$0x3] =	sbarrier.arrive $0xFFFF;
	s2 =	simm.s32 @!p0 $0x1C01  }
0x4a: {  	[timem:s3], [sflag:s2] =	dma.local @!p0 [hbm:s0], s1  }
0x4b: {  	s0 =	simm.s32 @!p0 $0x1  }
0x4c: {  	_ =	swait.ge @!p0 [sflag:s0], s1  }
0x4d: {  	s1 =	ssub.s32 @!p0 $0x0, s1;
	[sflag:s0] =	ssyncset.done @!p0 $0x0  }
0x4e: {  	[sflag:s0] =	ssyncadd.s32 @!p0 s1  }
0x4f: {  	[bflag:$0x3] =	sbarrier.arrive $0xFFFF  }
0x50: {  	_ =	shalt  }

// kernel: kernel.13.cloned.1.call-start
scs
__scs_entry_jumppad:
0x0: {  	(pc) =	sbr.rel $0x88, $3  }
0x1: {  	(tag) =	ssettag $0x0;
	lr =	simm.s32 $0x1  }
0x2: {  	[smem:$0x3F99] =	sst lr;
	_ =	strace $0xD0000000  }
0x3: {  	_ = 	snop  }
0x4: {  	_ = 	snop  }
0x5: {  	_ = 	snop  }
0x6: {  	_ = 	snop  }
0x7: {  	_ = 	snop  }
__scs_overlays_trampoline_lowered:
0x8: {  	[smem:$0x3FA8] =	sst s0  }
0x9: {  	[smem:$0x3FA9] =	sst s1  }
0xa: {  	[smem:$0x3FAA] =	sst s2  }
0xb: {  	[smem:$0x3FAB] =	sst s3  }
0xc: {  	[smem:$0x3FAC] =	sst s4  }
0xd: {  	[smem:$0x3FAD] =	sst s5  }
0xe: {  	[smem:$0x3FAE] =	sst s6  }
0xf: {  	[smem:$0x3FAF] =	sst s7  }
0x10: {  	[smem:$0x3FB0] =	sst s8  }
0x11: {  	[smem:$0x3FB1] =	sst s9;
	s0 =	simm.s32 @!p0 $0x0  }
0x12: {  	s1 =	sld [smem:$0x3F97];
	s0 =	simm.s32 @p0 $0x1  }
0x13: {  	[smem:$0x3FB2] =	sst s0;
	s0 =	simm.s32 @!p1 $0x0  }
0x14: {  	s2 =	sld [smem:$0x3F96];
	s0 =	simm.s32 @p1 $0x1  }
0x15: {  	[smem:$0x3FB3] =	sst s0;
	s0 =	simm.s32 @!p2 $0x0  }
0x16: {  	s3 =	sld [smem:$0x3FDB];
	s0 =	simm.s32 @p2 $0x1  }
0x17: {  	s4 =	simm.s32 $0x1BF5;
	[smem:$0x3FB5] =	sst s0  }
0x18: {  	s0 =	sld [smem:$0x3F98];
	_ =	swait.ge [sflag:s4], $0x0  }
0x19: {  	s7 =	sld [smem:$0x3F99]  }
0x1a: {  	s8 =	sadd.s32 $0xFFFFE003, lr  }
0x1b: {  	s9 =	sadd.s32 $0xFFFFFEF7, lr;
	s5 =	simm.s32 $0xFFFFFFFF;
	p2 =	slt.u32 s8, $0xFFFFF086  }
0x1c: {  	p1 =	slt.u32 s9, $0xF7A;
	s5 =	simm.s32 @!p2 $0x0  }
0x1d: {  	s5 =	simm.s32 @p1 $0x1;
	p0 =	seq.s32 s7, s2  }
0x1e: {  	s7 =	smul.u32 @!p0 $0xF7A, s2;
	p2 =	seq.s32 @!p0 s5, $0x0  }
0x1f: {  	s9 =	smul.u32 $0xF7A, s1;
	s8 =	simm.s32 @!p0 $0x1BF5;
	p2 =	por !p2, p0  }
0x20: {  	[sflag:s8] =	ssyncset.s32 @!p0 $0xFFFFF086;
	s6 =	sadd.s32 @!p0 s3, s7;
	s7 =	simm.s32 @!p0 $0x108  }
0x21: {  	s3 =	sadd.s32 s3, s9;
	s6 =	sadd.s32 @!p0 $0x88, s6;
	s7 =	simm.s32 @p2 $0x1082  }
0x22: {  	[simem:s7], [sflag:s8] =	dma.local @!p0 [hbm:s6], $0xF7A  }
0x23: {  	s9 =	sor.u32 $0xD0000000, s2;
	s6 =	simm.s32 $0x108;
	_ =	swait.ge @!p0 [sflag:s8], $0x0  }
0x24: {  	s3 =	sadd.s32 $0x88, s3;
	s6 =	simm.s32 @!p1 $0x1082;
	[sflag:s4] =	ssyncset.s32 $0xFFFFF086  }
0x25: {  	[simem:s6], [sflag:s4] =	dma.local [hbm:s3], $0xF7A  }
0x26: {  	[smem:$0x3F99] =	sst s1;
	(tag) =	ssettag s2;
	_ =	strace s9  }
0x27: {  	s1 =	sld [smem:$0x3FA9]  }
0x28: {  	s2 =	sld [smem:$0x3FAA]  }
0x29: {  	s4 =	sld [smem:$0x3FAC]  }
0x2a: {  	p0 =	seq.s32 s5, $0x0;
	s5 =	sld [smem:$0x3FAD]  }
0x2b: {  	s6 =	sld [smem:$0x3FAE]  }
0x2c: {  	s7 =	sld [smem:$0x3FAF]  }
0x2d: {  	s3 =	simm.s32 $0x108;
	s8 =	sld [smem:$0x3FB0]  }
0x2e: {  	s3 =	simm.s32 @!p0 $0x1082;
	s9 =	sld [smem:$0x3FB1]  }
0x2f: {  	lr =	sadd.s32 s0, s3;
	s0 =	sld [smem:$0x3FA8]  }
0x30: {  	s3 =	sld [smem:$0x3FAB]  }
0x31: {  	[smem:$0x3FB4] =	sst s10  }
0x32: {  	s10 =	sld [smem:$0x3FB2];
	_ =	sdelay $0x3  }
0x33: {  	p0 =	seq.s32 s10, $0x1;
	s10 =	sld [smem:$0x3FB4];
	_ =	sdelay $0x3  }
0x34: {  	[smem:$0x3FB4] =	sst s10  }
0x35: {  	s10 =	sld [smem:$0x3FB3];
	_ =	sdelay $0x3  }
0x36: {  	p1 =	seq.s32 s10, $0x1;
	s10 =	sld [smem:$0x3FB4];
	_ =	sdelay $0x3  }
0x37: {  	[smem:$0x3FB4] =	sst s10  }
0x38: {  	s10 =	sld [smem:$0x3FB5]  }
0x39: {  	_ = 	snop;
	(pc) =	sbr.ind lr, $3  }
0x3a: {  	_ = 	snop  }
0x3b: {  	_ = 	snop  }
0x3c: {  	p2 =	seq.s32 s10, $0x1;
	s10 =	sld [smem:$0x3FB4]  }
0x3d: {  	_ =	shalt  }
0x3e: {  	_ =	shalt  }
0x3f: {  	_ =	shalt  }
0x40: {  	_ =	shalt  }
0x41: {  	_ =	shalt  }
0x42: {  	_ =	shalt  }
0x43: {  	_ =	shalt  }
0x44: {  	_ =	shalt  }
0x45: {  	_ =	shalt  }
0x46: {  	_ =	shalt  }
0x47: {  	_ =	shalt  }
0x48: {  	_ =	shalt  }
0x49: {  	_ =	shalt  }
0x4a: {  	_ =	shalt  }
0x4b: {  	_ =	shalt  }
0x4c: {  	_ =	shalt  }
0x4d: {  	_ =	shalt  }
0x4e: {  	_ =	shalt  }
0x4f: {  	_ =	shalt  }
0x50: {  	_ =	shalt  }
0x51: {  	_ =	shalt  }
0x52: {  	_ =	shalt  }
0x53: {  	_ =	shalt  }
0x54: {  	_ =	shalt  }
0x55: {  	_ =	shalt  }
0x56: {  	_ =	shalt  }
0x57: {  	_ =	shalt  }
0x58: {  	_ =	shalt  }
0x59: {  	_ =	shalt  }
0x5a: {  	_ =	shalt  }
0x5b: {  	_ =	shalt  }
0x5c: {  	_ =	shalt  }
0x5d: {  	_ =	shalt  }
0x5e: {  	_ =	shalt  }
0x5f: {  	_ =	shalt  }
0x60: {  	_ =	shalt  }
0x61: {  	_ =	shalt  }
0x62: {  	_ =	shalt  }
0x63: {  	_ =	shalt  }
0x64: {  	_ =	shalt  }
0x65: {  	_ =	shalt  }
0x66: {  	_ =	shalt  }
0x67: {  	_ =	shalt  }
0x68: {  	_ =	shalt  }
0x69: {  	_ =	shalt  }
0x6a: {  	_ =	shalt  }
0x6b: {  	_ =	shalt  }
0x6c: {  	_ =	shalt  }
0x6d: {  	_ =	shalt  }
0x6e: {  	_ =	shalt  }
0x6f: {  	_ =	shalt  }
0x70: {  	_ =	shalt  }
0x71: {  	_ =	shalt  }
0x72: {  	_ =	shalt  }
0x73: {  	_ =	shalt  }
0x74: {  	_ =	shalt  }
0x75: {  	_ =	shalt  }
0x76: {  	_ =	shalt  }
0x77: {  	_ =	shalt  }
0x78: {  	_ =	shalt  }
0x79: {  	_ =	shalt  }
0x7a: {  	_ =	shalt  }
0x7b: {  	_ =	shalt  }
0x7c: {  	_ =	shalt  }
0x7d: {  	_ =	shalt  }
0x7e: {  	_ =	shalt  }
0x7f: {  	_ =	shalt  }
0x80: {  	_ =	shalt  }
0x81: {  	_ =	shalt  }
0x82: {  	_ =	shalt  }
0x83: {  	_ =	shalt  }
0x84: {  	_ =	shalt  }
0x85: {  	_ =	shalt  }
0x86: {  	_ =	shalt  }
0x87: {  	_ =	shalt  }
.Lfunc_end0:
.L_simem_size_0:
called_computation.1_lowered:
.L_overlay_start_0:
0x88: {  	s2 =	sld [smem:$0x3FD9]  }
0x89: {  	s3 =	sld [smem:$0x3FFE];
	_ =	sdelay $0x1  }
0x8a: {  	s1 =	srdreg.scid  }
0x8b: {  	s0 =	sand.u32 $0x1, s1  }
0x8c: {  	s17 =	sshll.u32 s0, $0xA;
	s2 =	sadd.s32 s3, s2  }
0x8d: {  	s2 =	sadd.s32 s2, s17  }
0x8e: {  	[smem:$0x3FC0] =	sst s2  }
0x8f: {  	_ = 	snop  }
0x90: {  	s2 =	sld [smem:$0x3FD0];
	(tm) =	ssettm $0x1  }
0x91: {  	s18 =	sld [smem:$0x3FFB];
	_ =	sdelay $0x3  }
0x92: {  	_ =	strace s18  }
0x93: {  	s3 =	sld [smem:$0x3FFC];
	_ =	sdelay $0x3  }
0x94: {  	_ =	strace s3  }
0x95: {  	s3 =	sld [smem:$0x3FFD];
	_ =	sdelay $0x3  }
0x96: {  	_ =	strace s3  }
0x97: {  	_ =	strace $0x8FFFFFFF  }
0x98: {  	s19 =	sld [smem:$0x3FDB];
	_ =	sdelay $0x1  }
0x99: {  	s4 =	simm.s32 $_scs_section_size  }
0x9a: {  	s5 =	simm.s32 $_size__tile_overlayer_lowered;
	s6 =	simm.s32 $_tile_overlayer_lowered  }
0x9b: {  	s22 =	simm.s32 $0x1BFF;
	s21 =	sshll.u32 s6, $0x1;
	s3 =	sadd.s32 s4, s19  }
0x9c: {  	s7 =	simm.s32 $0x0;
	s20 =	sshll.u32 s5, $0x1;
	s5 =	sadd.s32 s21, s3  }
0x9d: {  	[timem:s7], [sflag:s22] =	dma.local [hbm:s5], s20  }
0x9e: {  	_ =	swait.ge [sflag:s22], s20  }
0x9f: {  	s4 =	ssub.s32 $0x0, s20;
	[sflag:s22] =	ssyncset.done $0x0  }
0xa0: {  	[sflag:s22] =	ssyncadd.s32 s4;
	_ =	sdelay $0x1  }
0xa1: {  	s23 =	simm.s32 $0x1B8B  }
0xa2: {  	_ =	swait.ge [sflag:s23], $0x1  }
0xa3: {  	[sflag:s23] =	ssyncset.done $0x0  }
0xa4: {  	s25 =	simm.s32 $0x1B8E;
	s24 =	sld [smem:$0x3FFE];
	[sflag:s23] =	ssyncadd.s32 $0xFFFFFFFF  }
0xa5: {  	s26 =	simm.s32 $execute0_lowered;
	[smem:$0x3FD2] =	sst s25  }
0xa6: {  	s5 =	sshll.u32 s26, $0x1;
	_ =	strace $0x80000049;
	[dreg:$0x1] =	wrdreg $0xFFFFFFFF  }
0xa7: {  	s28 =	simm.s32 $_size_execute0_lowered;
	s3 =	sadd.s32 s3, s5;
	[dreg:$0x0] =	wrdreg $0x0  }
0xa8: {  	s5 =	sshll.u32 s28, $0x1;
	[dreg:$0x2] =	wrdreg s3  }
0xa9: {  	[dreg:$0x3] =	wrdreg s5  }
0xaa: {  	[dreg:$0x4] =	wrdreg $0xC0  }
0xab: {  	_ =	task [dreg:s7], $0x5FFFF  }
0xac: {  	[dreg:$0x1] =	wrdreg $0xFFFFFFFF  }
0xad: {  	[dreg:$0x0] =	wrdreg $0x60  }
0xae: {  	[dreg:$0x2] =	wrdreg s2  }
0xaf: {  	[dreg:$0x3] =	wrdreg s24  }
0xb0: {  	[dreg:$0x4] =	wrdreg $0xA8000  }
0xb1: {  	[dreg:$0x5] =	wrdreg $0x9  }
0xb2: {  	_ =	task.clear_ibuf [dreg:s7], $0x6FFFF;
	_ =	strace $0x90000049  }
0xb3: {  	s29 =	simm.s32 $0x9;
	_ =	strace $0x8000004B  }
0xb4: {  	_ =	swait.ge [sflag:s29], $0x1  }
0xb5: {  	[sflag:s29] =	ssyncadd.s32 $0xFFFFFFFF  }
0xb6: {  	_ =	strace $0x9000004B  }
0xb7: {  	_ =	sfence  }
0xb8: {  	s30 =	sld [smem:$0x0];
	_ =	sdelay $0x2  }
0xb9: {  	s31 =	sshll.u32 s1, $0xD;
	s1 =	sshrl.u32 s1, $0x2  }
0xba: {  	s3 =	sand.u32 $0x4000, s31;
	s1 =	sadd.s32 s1, s30  }
0xbb: {  	s0 =	sor.u32 s3, s0;
	s1 =	sshll.u32 s1, $0x11  }
0xbc: {  	s0 =	sor.u32 s1, s0  }
0xbd: {  	s0 =	sadd.s32 $0x8F2B, s0  }
0xbe: {  	[sflag:s0] =	ssyncadd.remote.s32 $0x1  }
0xbf: {  	_ =	sfence.sel $0xFFFF  }
0xc0: {  	[dreg:$0x0] =	wrdreg $0xFFFFFFFF;
	(pc) =	sbr.abs _section_cstart, $3  }
0xc1: {  	[dreg:$0x1] =	wrdreg $0xFFFFFFFF  }
0xc2: {  	_ =	task.clear_ibuf [dreg:s7], $0x2FFFF;
	_ =	strace $0x9FFFFFFF  }
0xc3: {  	(tm) =	ssettm $0x7FFFFFFF  }
tec
execute0_lowered:
.L_overlay_start_1:
0x0: {  	(tag) =	ssettag $0x1  }
0x1: {  	s0 =	rddreg [dreg:$0x0]  }
0x2: {  	s1 =	rddreg [dreg:$0x1];
	s2 =	srdreg.scid  }
0x3: {  	s3 =	rddreg [dreg:$0x2];
	s8 =	stileid.u32  }
0x4: {  	s4 =	simm.s32 $0x0;
	s17 =	simm.s32 $0x2800;
	s18 =	simm.s32 $0x3  }
0x5: {  	s19 =	simm.s32 $0x1400;
	s20 =	simm.s32 $0x40;
	s21 =	simm.s32 $0x4800  }
0x6: {  	s28 =	simm.s32 $0x2;
	s29 =	simm.s32 $0x2700;
	s30 =	simm.s32 $0x2780  }
0x7: {  	s31 =	simm.s32 $0x0;
	s2 =	sand.u32 $0x1, s2;
	s6 =	smul.u32 $0x13C00, s8  }
0x8: {  	[smem:$0x7FF] =	sst s4;
	s13 =	sadd.s32 $0x5CE00, s1;
	s14 =	sadd.s32 $0x3600, s1  }
0x9: {  	s7 =	smul.u32 $0x4F000, s8;
	s22 =	sadd.s32 $0xD600, s1;
	s23 =	sshll.u32 s8, $0x1  }
0xa: {  	s5 =	smul.u32 $0x13C000, s2;
	_ =	strace $0x8000004A;
	[dreg:$0x4] =	wrdreg s22  }
0xb: {  	s24 =	ssub.s32 $0x2, s2;
	s2 =	sor.u32 s2, s23;
	s22 =	simm.s32 $0x80  }
0xc: {  	s23 =	simm.s32 $0x6800;
	s25 =	sshrl.u32 s7, $0x2;
	s26 =	sshrl.u32 s24, $0x1  }
0xd: {  	s2 =	smul.u32 $0x2800, s2;
	s5 =	sadd.s32 s6, s5;
	s16 =	ssub.s32 s24, s26  }
0xe: {  	s24 =	simm.s32 $0xC0;
	s26 =	simm.s32 $0x1;
	s6 =	sshrl.u32 s5, $0x3  }
0xf: {  	s2 =	sshrl.u32 s2, $0x3;
	s16 =	smax.u32 s16, $0x1;
	s1 =	sadd.s32 s6, s1  }
0x10: {  	s6 =	sadd.s32 s25, s3;
	s11 =	sadd.s32 s13, s2;
	s12 =	sadd.s32 s14, s2  }
0x11: {  	s2 =	sadd.s32 $0x280, s2;
	s25 =	simm.s32 $0x8800;
	s7 =	sadd.s32 $0x4000, s6  }
0x12: {  	s8 =	sadd.s32 $0x8000, s6;
	s9 =	sadd.s32 $0xC000, s6;
	s10 =	sadd.s32 $0x10000, s6  }
0x13: {  	s13 =	sadd.s32 s13, s2;
	s14 =	sadd.s32 s14, s2;
	s15 =	sadd.s32 $0x66E00, s1  }
.LBB2_1:
0x14: {  	s1 =	rddreg [dreg:$0x4]  }
0x15: {  	[tilespmem:s17], [sflag:$0x3] =	stream.linear.gather [hbm4b:s1+s4], $0x4000, $0x38;
	[tilespmem:$0x1E400] =	vst v63  }
0x16: {  	_ =	swait.ge [sflag:s18], $0x4000  }
0x17: {  	[sflag:s18] =	ssyncset.done $0x0  }
0x18: {  	[sflag:s18] =	ssyncadd.s32 $0xFFFFC000  }
0x19: {  	[spmem:s6] =	stream.linear.scatter [tilespmem:s17], [sflag:$0x3], $0x4000, $0x38;
	[tilespmem:$0x1E400] =	vst v63  }
0x1a: {  	_ =	swait.ge [sflag:s18], $0x4000  }
0x1b: {  	[sflag:s18] =	ssyncset.done $0x0  }
0x1c: {  	[sflag:s18] =	ssyncadd.s32 $0xFFFFC000  }
0x1d: {  	[spmem:s7] =	stream.linear.scatter [tilespmem:s17], [sflag:$0x3], $0x4000, $0x38;
	[tilespmem:$0x1E400] =	vst v63  }
0x1e: {  	_ =	swait.ge [sflag:s18], $0x4000  }
0x1f: {  	[sflag:s18] =	ssyncset.done $0x0  }
0x20: {  	[sflag:s18] =	ssyncadd.s32 $0xFFFFC000  }
0x21: {  	[spmem:s8] =	stream.linear.scatter [tilespmem:s17], [sflag:$0x3], $0x4000, $0x38;
	[tilespmem:$0x1E400] =	vst v63  }
0x22: {  	_ =	swait.ge [sflag:s18], $0x4000  }
0x23: {  	[sflag:s18] =	ssyncset.done $0x0  }
0x24: {  	[sflag:s18] =	ssyncadd.s32 $0xFFFFC000  }
0x25: {  	[spmem:s9] =	stream.linear.scatter [tilespmem:s17], [sflag:$0x3], $0x4000, $0x38;
	[tilespmem:$0x1E400] =	vst v63  }
0x26: {  	_ =	swait.ge [sflag:s18], $0x4000  }
0x27: {  	[sflag:s18] =	ssyncset.done $0x0  }
0x28: {  	[sflag:s18] =	ssyncadd.s32 $0xFFFFC000  }
0x29: {  	[spmem:s10] =	stream.linear.scatter [tilespmem:s17], [sflag:$0x3], $0x3C00, $0x38;
	[tilespmem:$0x1E400] =	vst v63  }
0x2a: {  	_ =	swait.ge [sflag:s18], $0x3C00  }
0x2b: {  	[sflag:s18] =	ssyncset.done $0x0  }
0x2c: {  	[sflag:s18] =	ssyncadd.s32 $0xFFFFC400  }
0x2d: {  	[bflag:$0x0] =	sbarrier.arrive $0xFFFF  }
0x2e: {  	[tilespmem:s4], [sflag:$0x3] =	stream.linear.gather [hbm4b:s11+s4], $0x1400, $0x38;
	[tilespmem:$0x1E400] =	vst v63  }
0x2f: {  	_ =	swait.ge [sflag:s18], $0x1400  }
0x30: {  	[sflag:s18] =	ssyncset.done $0x0  }
0x31: {  	[sflag:s18] =	ssyncadd.s32 $0xFFFFEC00  }
0x32: {  	[tilespmem:s19], [sflag:$0x3] =	stream.linear.gather [hbm4b:s12+s4], $0x1400, $0x38;
	[tilespmem:$0x1E400] =	vst v63  }
0x33: {  	_ =	swait.ge [sflag:s18], $0x1400  }
0x34: {  	[sflag:s18] =	ssyncset.done $0x0  }
0x35: {  	[sflag:s18] =	ssyncadd.s32 $0xFFFFEC00  }
0x36: {  	[tilespmem:s17], [sflag:$0x1] =	stream.indirect.gather [hbm4b:s0+s20], $0x80, s4, s20, $0xb8;
	[tilespmem:$0x1E400] =	vst v63  }
0x37: {  	_ = 	snop  }
0x38: {  	[tilespmem:s21], [sflag:$0x1] =	stream.indirect.gather [hbm4b:s0+s20], $0x80, s20, s20, $0xb8;
	[tilespmem:$0x1E400] =	vst v63  }
0x39: {  	_ = 	snop  }
0x3a: {  	[tilespmem:s23], [sflag:$0x2] =	stream.indirect.gather [hbm4b:s0+s20], $0x80, s22, s20, $0xb8;
	[tilespmem:$0x1E400] =	vst v63  }
0x3b: {  	_ = 	snop  }
0x3c: {  	[tilespmem:s25], [sflag:$0x2] =	stream.indirect.gather [hbm4b:s0+s20], $0x80, s24, s20, $0xb8;
	[tilespmem:$0x1E400] =	vst v63  }
0x3d: {  	_ =	swait.ge [sflag:s26], $0x2000  }
0x3e: {  	[sflag:s26] =	ssyncset.done $0x0  }
0x3f: {  	[sflag:s26] =	ssyncadd.s32 $0xFFFFE000  }
0x40: {  	_ =	swait.ge [sflag:s26], $0x2000  }
0x41: {  	[sflag:s26] =	ssyncset.done $0x0  }
0x42: {  	s5 =	simm.s32 $0x1400;
	[sflag:s26] =	ssyncadd.s32 $0xFFFFE000  }
0x43: {  	[spmem:s3] =	stream.indirect.scatter.add.f32 [tilespmem:s17], [sflag:$0x3], $0x80, s5, s22, $0xb8;
	[tilespmem:$0x1E400] =	vst v63  }
0x44: {  	_ =	swait.ge [sflag:s18], $0x4000  }
0x45: {  	[sflag:s18] =	ssyncset.done $0x0  }
0x46: {  	s2 =	simm.s32 $0x100;
	[sflag:s18] =	ssyncadd.s32 $0xFFFFC000  }
0x47: {  	[tilespmem:s17], [sflag:$0x1] =	stream.indirect.gather [hbm4b:s0+s20], $0x80, s2, s20, $0xb8;
	[tilespmem:$0x1E400] =	vst v63  }
0x48: {  	s5 =	simm.s32 $0x140  }
0x49: {  	[tilespmem:s21], [sflag:$0x1] =	stream.indirect.gather [hbm4b:s0+s20], $0x80, s5, s20, $0xb8;
	[tilespmem:$0x1E400] =	vst v63  }
0x4a: {  	_ =	swait.ge [sflag:s28], $0x2000  }
0x4b: {  	[sflag:s28] =	ssyncset.done $0x0  }
0x4c: {  	[sflag:s28] =	ssyncadd.s32 $0xFFFFE000  }
0x4d: {  	_ =	swait.ge [sflag:s28], $0x2000  }
0x4e: {  	[sflag:s28] =	ssyncset.done $0x0  }
0x4f: {  	s2 =	simm.s32 $0x1480;
	[sflag:s28] =	ssyncadd.s32 $0xFFFFE000  }
0x50: {  	[spmem:s3] =	stream.indirect.scatter.add.f32 [tilespmem:s23], [sflag:$0x3], $0x80, s2, s22, $0xb8;
	[tilespmem:$0x1E400] =	vst v63  }
0x51: {  	_ =	swait.ge [sflag:s18], $0x4000  }
0x52: {  	s1 =	simm.s32 $0x400;
	[sflag:s18] =	ssyncset.done $0x0  }
0x53: {  	s5 =	simm.s32 $0x180;
	s2 =	simm.s32 $0x1C0;
	[sflag:s18] =	ssyncadd.s32 $0xFFFFC000  }
0x54: {  	[tilespmem:s23], [sflag:$0x2] =	stream.indirect.gather [hbm4b:s0+s20], $0x80, s5, s20, $0xb8;
	[tilespmem:$0x1E400] =	vst v63  }
.LBB2_2:
0x55: {  	[tilespmem:s25], [sflag:$0x2] =	stream.indirect.gather [hbm4b:s0+s20], $0x80, s2, s20, $0xb8;
	[tilespmem:$0x1E400] =	vst v63  }
0x56: {  	s2 =	smov.u32 s1  }
0x57: {  	p0 =	sne.s32 s1, $0x4800;
	s1 =	sadd.s32 $0x400, s1;
	_ =	swait.ge [sflag:s26], $0x2000  }
0x58: {  	[sflag:s26] =	ssyncset.done $0x0  }
0x59: {  	[sflag:s26] =	ssyncadd.s32 $0xFFFFE000  }
0x5a: {  	_ =	swait.ge [sflag:s26], $0x2000  }
0x5b: {  	s2 =	sshra.s32 s2, $0x2;
	[sflag:s26] =	ssyncset.done $0x0  }
0x5c: {  	s5 =	sadd.s32 $0x1400, s2;
	[sflag:s26] =	ssyncadd.s32 $0xFFFFE000  }
0x5d: {  	[spmem:s3] =	stream.indirect.scatter.add.f32 [tilespmem:s17], [sflag:$0x3], $0x80, s5, s22, $0xb8;
	[tilespmem:$0x1E400] =	vst v63  }
0x5e: {  	_ =	swait.ge [sflag:s18], $0x4000  }
0x5f: {  	[sflag:s18] =	ssyncset.done $0x0  }
0x60: {  	s5 =	sadd.s32 $0x100, s2;
	[sflag:s18] =	ssyncadd.s32 $0xFFFFC000  }
0x61: {  	[tilespmem:s17], [sflag:$0x1] =	stream.indirect.gather [hbm4b:s0+s20], $0x80, s5, s20, $0xb8;
	[tilespmem:$0x1E400] =	vst v63  }
0x62: {  	s5 =	sadd.s32 $0x140, s2  }
0x63: {  	[tilespmem:s21], [sflag:$0x1] =	stream.indirect.gather [hbm4b:s0+s20], $0x80, s5, s20, $0xb8;
	[tilespmem:$0x1E400] =	vst v63  }
0x64: {  	_ =	swait.ge [sflag:s28], $0x2000  }
0x65: {  	[sflag:s28] =	ssyncset.done $0x0  }
0x66: {  	[sflag:s28] =	ssyncadd.s32 $0xFFFFE000  }
0x67: {  	_ =	swait.ge [sflag:s28], $0x2000  }
0x68: {  	[sflag:s28] =	ssyncset.done $0x0  }
0x69: {  	s5 =	sadd.s32 $0x1480, s2;
	[sflag:s28] =	ssyncadd.s32 $0xFFFFE000  }
0x6a: {  	[spmem:s3] =	stream.indirect.scatter.add.f32 [tilespmem:s23], [sflag:$0x3], $0x80, s5, s22, $0xb8;
	[tilespmem:$0x1E400] =	vst v63  }
.Ltmp0:
0x6b: {  	_ =	swait.ge [sflag:s18], $0x4000;
	(pc) =	sbr.rel @p0 .LBB2_2-.Ltmp0, $4  }
0x6c: {  	[sflag:s18] =	ssyncset.done $0x0  }
0x6d: {  	s5 =	sadd.s32 $0x180, s2;
	[sflag:s18] =	ssyncadd.s32 $0xFFFFC000  }
0x6e: {  	[tilespmem:s23], [sflag:$0x2] =	stream.indirect.gather [hbm4b:s0+s20], $0x80, s5, s20, $0xb8;
	[tilespmem:$0x1E400] =	vst v63  }
0x6f: {  	s2 =	sadd.s32 $0x1C0, s2  }
0x70: {  	[tilespmem:s25], [sflag:$0x2] =	stream.indirect.gather [hbm4b:s0+s20], $0x80, s2, s20, $0xb8;
	[tilespmem:$0x1E400] =	vst v63  }
0x71: {  	_ =	swait.ge [sflag:s26], $0x2000  }
0x72: {  	[sflag:s26] =	ssyncset.done $0x0  }
0x73: {  	[sflag:s26] =	ssyncadd.s32 $0xFFFFE000  }
0x74: {  	_ =	swait.ge [sflag:s26], $0x2000  }
0x75: {  	[sflag:s26] =	ssyncset.done $0x0  }
0x76: {  	[sflag:s26] =	ssyncadd.s32 $0xFFFFE000  }
0x77: {  	[spmem:s3] =	stream.indirect.scatter.add.f32 [tilespmem:s17], [sflag:$0x3], $0x80, s29, s22, $0xb8;
	[tilespmem:$0x1E400] =	vst v63  }
0x78: {  	_ =	swait.ge [sflag:s18], $0x4000  }
0x79: {  	[sflag:s18] =	ssyncset.done $0x0  }
0x7a: {  	[sflag:s18] =	ssyncadd.s32 $0xFFFFC000  }
0x7b: {  	_ =	swait.ge [sflag:s28], $0x2000  }
0x7c: {  	[sflag:s28] =	ssyncset.done $0x0  }
0x7d: {  	[sflag:s28] =	ssyncadd.s32 $0xFFFFE000  }
0x7e: {  	_ =	swait.ge [sflag:s28], $0x2000  }
0x7f: {  	[sflag:s28] =	ssyncset.done $0x0  }
0x80: {  	[sflag:s28] =	ssyncadd.s32 $0xFFFFE000  }
0x81: {  	[spmem:s3] =	stream.indirect.scatter.add.f32 [tilespmem:s23], [sflag:$0x3], $0x80, s30, s22, $0xb8;
	[tilespmem:$0x1E400] =	vst v63  }
0x82: {  	_ =	swait.ge [sflag:s18], $0x4000  }
0x83: {  	[sflag:s18] =	ssyncset.done $0x0  }
0x84: {  	s1 =	simm.s32 $0x0;
	[sflag:s18] =	ssyncadd.s32 $0xFFFFC000  }
0x85: {  	[tilespmem:s1], [sflag:$0x3] =	stream.linear.gather [hbm4b:s13+s1], $0x1400, $0x38;
	[tilespmem:$0x1E400] =	vst v63  }
0x86: {  	_ =	swait.ge [sflag:s18], $0x1400  }
0x87: {  	[sflag:s18] =	ssyncset.done $0x0  }
0x88: {  	[sflag:s18] =	ssyncadd.s32 $0xFFFFEC00  }
0x89: {  	[tilespmem:s19], [sflag:$0x3] =	stream.linear.gather [hbm4b:s14+s1], $0x1400, $0x38;
	[tilespmem:$0x1E400] =	vst v63  }
0x8a: {  	_ =	swait.ge [sflag:s18], $0x1400  }
0x8b: {  	[sflag:s18] =	ssyncset.done $0x0  }
0x8c: {  	[sflag:s18] =	ssyncadd.s32 $0xFFFFEC00  }
0x8d: {  	[tilespmem:s17], [sflag:$0x1] =	stream.indirect.gather [hbm4b:s0+s20], $0x80, s1, s20, $0xb8;
	[tilespmem:$0x1E400] =	vst v63  }
0x8e: {  	_ = 	snop  }
0x8f: {  	[tilespmem:s21], [sflag:$0x1] =	stream.indirect.gather [hbm4b:s0+s20], $0x80, s20, s20, $0xb8;
	[tilespmem:$0x1E400] =	vst v63  }
0x90: {  	_ = 	snop  }
0x91: {  	[tilespmem:s23], [sflag:$0x2] =	stream.indirect.gather [hbm4b:s0+s20], $0x80, s22, s20, $0xb8;
	[tilespmem:$0x1E400] =	vst v63  }
0x92: {  	_ = 	snop  }
0x93: {  	[tilespmem:s25], [sflag:$0x2] =	stream.indirect.gather [hbm4b:s0+s20], $0x80, s24, s20, $0xb8;
	[tilespmem:$0x1E400] =	vst v63  }
0x94: {  	_ =	swait.ge [sflag:s26], $0x2000  }
0x95: {  	[sflag:s26] =	ssyncset.done $0x0  }
0x96: {  	[sflag:s26] =	ssyncadd.s32 $0xFFFFE000  }
0x97: {  	_ =	swait.ge [sflag:s26], $0x2000  }
0x98: {  	[sflag:s26] =	ssyncset.done $0x0  }
0x99: {  	s5 =	simm.s32 $0x1400;
	[sflag:s26] =	ssyncadd.s32 $0xFFFFE000  }
0x9a: {  	[spmem:s3] =	stream.indirect.scatter.add.f32 [tilespmem:s17], [sflag:$0x3], $0x80, s5, s22, $0xb8;
	[tilespmem:$0x1E400] =	vst v63  }
0x9b: {  	_ =	swait.ge [sflag:s18], $0x4000  }
0x9c: {  	[sflag:s18] =	ssyncset.done $0x0  }
0x9d: {  	s2 =	simm.s32 $0x100;
	[sflag:s18] =	ssyncadd.s32 $0xFFFFC000  }
0x9e: {  	[tilespmem:s17], [sflag:$0x1] =	stream.indirect.gather [hbm4b:s0+s20], $0x80, s2, s20, $0xb8;
	[tilespmem:$0x1E400] =	vst v63  }
0x9f: {  	s5 =	simm.s32 $0x140  }
0xa0: {  	[tilespmem:s21], [sflag:$0x1] =	stream.indirect.gather [hbm4b:s0+s20], $0x80, s5, s20, $0xb8;
	[tilespmem:$0x1E400] =	vst v63  }
0xa1: {  	_ =	swait.ge [sflag:s28], $0x2000  }
0xa2: {  	[sflag:s28] =	ssyncset.done $0x0  }
0xa3: {  	[sflag:s28] =	ssyncadd.s32 $0xFFFFE000  }
0xa4: {  	_ =	swait.ge [sflag:s28], $0x2000  }
0xa5: {  	[sflag:s28] =	ssyncset.done $0x0  }
0xa6: {  	s2 =	simm.s32 $0x1480;
	[sflag:s28] =	ssyncadd.s32 $0xFFFFE000  }
0xa7: {  	[spmem:s3] =	stream.indirect.scatter.add.f32 [tilespmem:s23], [sflag:$0x3], $0x80, s2, s22, $0xb8;
	[tilespmem:$0x1E400] =	vst v63  }
0xa8: {  	_ =	swait.ge [sflag:s18], $0x4000  }
0xa9: {  	s1 =	simm.s32 $0x400;
	[sflag:s18] =	ssyncset.done $0x0  }
0xaa: {  	s5 =	simm.s32 $0x180;
	s2 =	simm.s32 $0x1C0;
	[sflag:s18] =	ssyncadd.s32 $0xFFFFC000  }
0xab: {  	[tilespmem:s23], [sflag:$0x2] =	stream.indirect.gather [hbm4b:s0+s20], $0x80, s5, s20, $0xb8;
	[tilespmem:$0x1E400] =	vst v63  }
.LBB2_4:
0xac: {  	[tilespmem:s25], [sflag:$0x2] =	stream.indirect.gather [hbm4b:s0+s20], $0x80, s2, s20, $0xb8;
	[tilespmem:$0x1E400] =	vst v63  }
0xad: {  	s2 =	smov.u32 s1  }
0xae: {  	p0 =	sne.s32 s1, $0x4800;
	s1 =	sadd.s32 $0x400, s1;
	_ =	swait.ge [sflag:s26], $0x2000  }
0xaf: {  	[sflag:s26] =	ssyncset.done $0x0  }
0xb0: {  	[sflag:s26] =	ssyncadd.s32 $0xFFFFE000  }
0xb1: {  	_ =	swait.ge [sflag:s26], $0x2000  }
0xb2: {  	s2 =	sshra.s32 s2, $0x2;
	[sflag:s26] =	ssyncset.done $0x0  }
0xb3: {  	s5 =	sadd.s32 $0x1400, s2;
	[sflag:s26] =	ssyncadd.s32 $0xFFFFE000  }
0xb4: {  	[spmem:s3] =	stream.indirect.scatter.add.f32 [tilespmem:s17], [sflag:$0x3], $0x80, s5, s22, $0xb8;
	[tilespmem:$0x1E400] =	vst v63  }
0xb5: {  	_ =	swait.ge [sflag:s18], $0x4000  }
0xb6: {  	[sflag:s18] =	ssyncset.done $0x0  }
0xb7: {  	s5 =	sadd.s32 $0x100, s2;
	[sflag:s18] =	ssyncadd.s32 $0xFFFFC000  }
0xb8: {  	[tilespmem:s17], [sflag:$0x1] =	stream.indirect.gather [hbm4b:s0+s20], $0x80, s5, s20, $0xb8;
	[tilespmem:$0x1E400] =	vst v63  }
0xb9: {  	s5 =	sadd.s32 $0x140, s2  }
0xba: {  	[tilespmem:s21], [sflag:$0x1] =	stream.indirect.gather [hbm4b:s0+s20], $0x80, s5, s20, $0xb8;
	[tilespmem:$0x1E400] =	vst v63  }
0xbb: {  	_ =	swait.ge [sflag:s28], $0x2000  }
0xbc: {  	[sflag:s28] =	ssyncset.done $0x0  }
0xbd: {  	[sflag:s28] =	ssyncadd.s32 $0xFFFFE000  }
0xbe: {  	_ =	swait.ge [sflag:s28], $0x2000  }
0xbf: {  	[sflag:s28] =	ssyncset.done $0x0  }
0xc0: {  	s5 =	sadd.s32 $0x1480, s2;
	[sflag:s28] =	ssyncadd.s32 $0xFFFFE000  }
0xc1: {  	[spmem:s3] =	stream.indirect.scatter.add.f32 [tilespmem:s23], [sflag:$0x3], $0x80, s5, s22, $0xb8;
	[tilespmem:$0x1E400] =	vst v63  }
.Ltmp1:
0xc2: {  	_ =	swait.ge [sflag:s18], $0x4000;
	(pc) =	sbr.rel @p0 .LBB2_4-.Ltmp1, $4  }
0xc3: {  	[sflag:s18] =	ssyncset.done $0x0  }
0xc4: {  	s5 =	sadd.s32 $0x180, s2;
	[sflag:s18] =	ssyncadd.s32 $0xFFFFC000  }
0xc5: {  	[tilespmem:s23], [sflag:$0x2] =	stream.indirect.gather [hbm4b:s0+s20], $0x80, s5, s20, $0xb8;
	[tilespmem:$0x1E400] =	vst v63  }
0xc6: {  	s2 =	sadd.s32 $0x1C0, s2  }
0xc7: {  	[tilespmem:s25], [sflag:$0x2] =	stream.indirect.gather [hbm4b:s0+s20], $0x80, s2, s20, $0xb8;
	[tilespmem:$0x1E400] =	vst v63  }
0xc8: {  	_ =	swait.ge [sflag:s26], $0x2000  }
0xc9: {  	[sflag:s26] =	ssyncset.done $0x0  }
0xca: {  	[sflag:s26] =	ssyncadd.s32 $0xFFFFE000  }
0xcb: {  	_ =	swait.ge [sflag:s26], $0x2000  }
0xcc: {  	[sflag:s26] =	ssyncset.done $0x0  }
0xcd: {  	[sflag:s26] =	ssyncadd.s32 $0xFFFFE000  }
0xce: {  	[spmem:s3] =	stream.indirect.scatter.add.f32 [tilespmem:s17], [sflag:$0x3], $0x80, s29, s22, $0xb8;
	[tilespmem:$0x1E400] =	vst v63  }
0xcf: {  	_ =	swait.ge [sflag:s18], $0x4000  }
0xd0: {  	[sflag:s18] =	ssyncset.done $0x0  }
0xd1: {  	[sflag:s18] =	ssyncadd.s32 $0xFFFFC000  }
0xd2: {  	_ =	swait.ge [sflag:s28], $0x2000  }
0xd3: {  	[sflag:s28] =	ssyncset.done $0x0  }
0xd4: {  	[sflag:s28] =	ssyncadd.s32 $0xFFFFE000  }
0xd5: {  	_ =	swait.ge [sflag:s28], $0x2000  }
0xd6: {  	[sflag:s28] =	ssyncset.done $0x0  }
0xd7: {  	[sflag:s28] =	ssyncadd.s32 $0xFFFFE000  }
0xd8: {  	[spmem:s3] =	stream.indirect.scatter.add.f32 [tilespmem:s23], [sflag:$0x3], $0x80, s30, s22, $0xb8;
	[tilespmem:$0x1E400] =	vst v63  }
0xd9: {  	s1 =	stileid.u32;
	_ =	swait.ge [sflag:s18], $0x4000  }
0xda: {  	s5 =	sshrl.u32 s6, $0x3;
	s31 =	sadd.s32 $0x1, s31;
	[sflag:s18] =	ssyncset.done $0x0  }
0xdb: {  	s1 =	sshll.u32 s1, $0x6;
	p0 =	sne.s32 s31, s16;
	[sflag:s18] =	ssyncadd.s32 $0xFFFFC000  }
.Ltmp2:
0xdc: {  	s1 =	sor.u32 $0x1C03, s1;
	[bflag:$0x0] =	sbarrier.arrive $0xFFFF;
	(pc) =	sbr.rel @p0 .LBB2_1-.Ltmp2, $4  }
0xdd: {  	[hbm:s15], [sflag:s1] =	dma.local [spmem:s5], $0x2780  }
0xde: {  	_ =	swait.ge [sflag:s18], $0x2780  }
0xdf: {  	[sflag:s18] =	ssyncset.done $0x0  }
0xe0: {  	[sflag:s18] =	ssyncadd.s32 $0xFFFFD880  }
0xe1: {  	_ =	sfence.sel $0x180000  }
0xe2: {  	[bflag:$0x0] =	sbarrier.arrive $0xFFFF  }
0xe3: {  	_ =	strace $0x9000004A  }
0xe4: {  	s0 =	stileid.u32;
	[bflag:$0x2] =	sbarrier.arrive $0xFFFF  }
0xe5: {  	p0 =	sne.s32 s0, $0x0;
	s0 =	rddreg [dreg:$0x3]  }
0xe6: {  	s0 =	sadd.s32 @!p0 $0x100000, s0  }
0xe7: {  	[sflag:s0] =	ssyncadd.tile.s32 @!p0 $0x1;
	_ =	shalt  }
.Lfunc_end2:
_tile_overlayer_lowered:
.L_overlay_start_2:
0xe8: {  	(tag) =	ssettag $0x2  }
0xe9: {  	s0 =	rddreg [dreg:$0x0];
	s2 =	stileid.u32  }
0xea: {  	s1 =	rddreg [dreg:$0x1];
	p0 =	sne.s32 s2, $0x0  }
0xeb: {  	s3 =	rddreg [dreg:$0x2];
	[bflag:$0x3] =	sbarrier.arrive $0xFFFF;
	s2 =	simm.s32 @!p0 $0x1C03  }
0xec: {  	[timem:s3], [sflag:s2] =	dma.local @!p0 [hbm:s0], s1  }
0xed: {  	s0 =	simm.s32 @!p0 $0x3  }
0xee: {  	_ =	swait.ge @!p0 [sflag:s0], s1  }
0xef: {  	s1 =	ssub.s32 @!p0 $0x0, s1;
	[sflag:s0] =	ssyncset.done @!p0 $0x0  }
0xf0: {  	[sflag:s0] =	ssyncadd.s32 @!p0 s1  }
0xf1: {  	[bflag:$0x3] =	sbarrier.arrive $0xFFFF  }
0xf2: {  	_ =	shalt  }

// kernel: kernel.16.cloned.1.call-start
scs
__scs_entry_jumppad:
0x0: {  	(pc) =	sbr.rel $0x88, $3  }
0x1: {  	(tag) =	ssettag $0x0;
	lr =	simm.s32 $0x1  }
0x2: {  	[smem:$0x3F99] =	sst lr;
	_ =	strace $0xD0000000  }
0x3: {  	_ = 	snop  }
0x4: {  	_ = 	snop  }
0x5: {  	_ = 	snop  }
0x6: {  	_ = 	snop  }
0x7: {  	_ = 	snop  }
__scs_overlays_trampoline_lowered:
0x8: {  	[smem:$0x3FA8] =	sst s0  }
0x9: {  	[smem:$0x3FA9] =	sst s1  }
0xa: {  	[smem:$0x3FAA] =	sst s2  }
0xb: {  	[smem:$0x3FAB] =	sst s3  }
0xc: {  	[smem:$0x3FAC] =	sst s4  }
0xd: {  	[smem:$0x3FAD] =	sst s5  }
0xe: {  	[smem:$0x3FAE] =	sst s6  }
0xf: {  	[smem:$0x3FAF] =	sst s7  }
0x10: {  	[smem:$0x3FB0] =	sst s8  }
0x11: {  	[smem:$0x3FB1] =	sst s9;
	s0 =	simm.s32 @!p0 $0x0  }
0x12: {  	s1 =	sld [smem:$0x3F97];
	s0 =	simm.s32 @p0 $0x1  }
0x13: {  	[smem:$0x3FB2] =	sst s0;
	s0 =	simm.s32 @!p1 $0x0  }
0x14: {  	s2 =	sld [smem:$0x3F96];
	s0 =	simm.s32 @p1 $0x1  }
0x15: {  	[smem:$0x3FB3] =	sst s0;
	s0 =	simm.s32 @!p2 $0x0  }
0x16: {  	s3 =	sld [smem:$0x3FDB];
	s0 =	simm.s32 @p2 $0x1  }
0x17: {  	s4 =	simm.s32 $0x1BF5;
	[smem:$0x3FB5] =	sst s0  }
0x18: {  	s0 =	sld [smem:$0x3F98];
	_ =	swait.ge [sflag:s4], $0x0  }
0x19: {  	s7 =	sld [smem:$0x3F99]  }
0x1a: {  	s8 =	sadd.s32 $0xFFFFE003, lr  }
0x1b: {  	s9 =	sadd.s32 $0xFFFFFEF7, lr;
	s5 =	simm.s32 $0xFFFFFFFF;
	p2 =	slt.u32 s8, $0xFFFFF086  }
0x1c: {  	p1 =	slt.u32 s9, $0xF7A;
	s5 =	simm.s32 @!p2 $0x0  }
0x1d: {  	s5 =	simm.s32 @p1 $0x1;
	p0 =	seq.s32 s7, s2  }
0x1e: {  	s7 =	smul.u32 @!p0 $0xF7A, s2;
	p2 =	seq.s32 @!p0 s5, $0x0  }
0x1f: {  	s9 =	smul.u32 $0xF7A, s1;
	s8 =	simm.s32 @!p0 $0x1BF5;
	p2 =	por !p2, p0  }
0x20: {  	[sflag:s8] =	ssyncset.s32 @!p0 $0xFFFFF086;
	s6 =	sadd.s32 @!p0 s3, s7;
	s7 =	simm.s32 @!p0 $0x108  }
0x21: {  	s3 =	sadd.s32 s3, s9;
	s6 =	sadd.s32 @!p0 $0x88, s6;
	s7 =	simm.s32 @p2 $0x1082  }
0x22: {  	[simem:s7], [sflag:s8] =	dma.local @!p0 [hbm:s6], $0xF7A  }
0x23: {  	s9 =	sor.u32 $0xD0000000, s2;
	s6 =	simm.s32 $0x108;
	_ =	swait.ge @!p0 [sflag:s8], $0x0  }
0x24: {  	s3 =	sadd.s32 $0x88, s3;
	s6 =	simm.s32 @!p1 $0x1082;
	[sflag:s4] =	ssyncset.s32 $0xFFFFF086  }
0x25: {  	[simem:s6], [sflag:s4] =	dma.local [hbm:s3], $0xF7A  }
0x26: {  	[smem:$0x3F99] =	sst s1;
	(tag) =	ssettag s2;
	_ =	strace s9  }
0x27: {  	s1 =	sld [smem:$0x3FA9]  }
0x28: {  	s2 =	sld [smem:$0x3FAA]  }
0x29: {  	s4 =	sld [smem:$0x3FAC]  }
0x2a: {  	p0 =	seq.s32 s5, $0x0;
	s5 =	sld [smem:$0x3FAD]  }
0x2b: {  	s6 =	sld [smem:$0x3FAE]  }
0x2c: {  	s7 =	sld [smem:$0x3FAF]  }
0x2d: {  	s3 =	simm.s32 $0x108;
	s8 =	sld [smem:$0x3FB0]  }
0x2e: {  	s3 =	simm.s32 @!p0 $0x1082;
	s9 =	sld [smem:$0x3FB1]  }
0x2f: {  	lr =	sadd.s32 s0, s3;
	s0 =	sld [smem:$0x3FA8]  }
0x30: {  	s3 =	sld [smem:$0x3FAB]  }
0x31: {  	[smem:$0x3FB4] =	sst s10  }
0x32: {  	s10 =	sld [smem:$0x3FB2];
	_ =	sdelay $0x3  }
0x33: {  	p0 =	seq.s32 s10, $0x1;
	s10 =	sld [smem:$0x3FB4];
	_ =	sdelay $0x3  }
0x34: {  	[smem:$0x3FB4] =	sst s10  }
0x35: {  	s10 =	sld [smem:$0x3FB3];
	_ =	sdelay $0x3  }
0x36: {  	p1 =	seq.s32 s10, $0x1;
	s10 =	sld [smem:$0x3FB4];
	_ =	sdelay $0x3  }
0x37: {  	[smem:$0x3FB4] =	sst s10  }
0x38: {  	s10 =	sld [smem:$0x3FB5]  }
0x39: {  	_ = 	snop;
	(pc) =	sbr.ind lr, $3  }
0x3a: {  	_ = 	snop  }
0x3b: {  	_ = 	snop  }
0x3c: {  	p2 =	seq.s32 s10, $0x1;
	s10 =	sld [smem:$0x3FB4]  }
0x3d: {  	_ =	shalt  }
0x3e: {  	_ =	shalt  }
0x3f: {  	_ =	shalt  }
0x40: {  	_ =	shalt  }
0x41: {  	_ =	shalt  }
0x42: {  	_ =	shalt  }
0x43: {  	_ =	shalt  }
0x44: {  	_ =	shalt  }
0x45: {  	_ =	shalt  }
0x46: {  	_ =	shalt  }
0x47: {  	_ =	shalt  }
0x48: {  	_ =	shalt  }
0x49: {  	_ =	shalt  }
0x4a: {  	_ =	shalt  }
0x4b: {  	_ =	shalt  }
0x4c: {  	_ =	shalt  }
0x4d: {  	_ =	shalt  }
0x4e: {  	_ =	shalt  }
0x4f: {  	_ =	shalt  }
0x50: {  	_ =	shalt  }
0x51: {  	_ =	shalt  }
0x52: {  	_ =	shalt  }
0x53: {  	_ =	shalt  }
0x54: {  	_ =	shalt  }
0x55: {  	_ =	shalt  }
0x56: {  	_ =	shalt  }
0x57: {  	_ =	shalt  }
0x58: {  	_ =	shalt  }
0x59: {  	_ =	shalt  }
0x5a: {  	_ =	shalt  }
0x5b: {  	_ =	shalt  }
0x5c: {  	_ =	shalt  }
0x5d: {  	_ =	shalt  }
0x5e: {  	_ =	shalt  }
0x5f: {  	_ =	shalt  }
0x60: {  	_ =	shalt  }
0x61: {  	_ =	shalt  }
0x62: {  	_ =	shalt  }
0x63: {  	_ =	shalt  }
0x64: {  	_ =	shalt  }
0x65: {  	_ =	shalt  }
0x66: {  	_ =	shalt  }
0x67: {  	_ =	shalt  }
0x68: {  	_ =	shalt  }
0x69: {  	_ =	shalt  }
0x6a: {  	_ =	shalt  }
0x6b: {  	_ =	shalt  }
0x6c: {  	_ =	shalt  }
0x6d: {  	_ =	shalt  }
0x6e: {  	_ =	shalt  }
0x6f: {  	_ =	shalt  }
0x70: {  	_ =	shalt  }
0x71: {  	_ =	shalt  }
0x72: {  	_ =	shalt  }
0x73: {  	_ =	shalt  }
0x74: {  	_ =	shalt  }
0x75: {  	_ =	shalt  }
0x76: {  	_ =	shalt  }
0x77: {  	_ =	shalt  }
0x78: {  	_ =	shalt  }
0x79: {  	_ =	shalt  }
0x7a: {  	_ =	shalt  }
0x7b: {  	_ =	shalt  }
0x7c: {  	_ =	shalt  }
0x7d: {  	_ =	shalt  }
0x7e: {  	_ =	shalt  }
0x7f: {  	_ =	shalt  }
0x80: {  	_ =	shalt  }
0x81: {  	_ =	shalt  }
0x82: {  	_ =	shalt  }
0x83: {  	_ =	shalt  }
0x84: {  	_ =	shalt  }
0x85: {  	_ =	shalt  }
0x86: {  	_ =	shalt  }
0x87: {  	_ =	shalt  }
.Lfunc_end0:
.L_simem_size_0:
called_computation.2_lowered:
.L_overlay_start_0:
0x88: {  	s2 =	sld [smem:$0x3FD9]  }
0x89: {  	s3 =	sld [smem:$0x3FFE];
	_ =	sdelay $0x1  }
0x8a: {  	s1 =	srdreg.scid  }
0x8b: {  	s0 =	sand.u32 $0x1, s1  }
0x8c: {  	s17 =	sshll.u32 s0, $0xA;
	s2 =	sadd.s32 s3, s2  }
0x8d: {  	s2 =	sadd.s32 s2, s17  }
0x8e: {  	[smem:$0x3FC0] =	sst s2  }
0x8f: {  	_ = 	snop  }
0x90: {  	s2 =	sld [smem:$0x3FD0];
	(tm) =	ssettm $0x1  }
0x91: {  	s18 =	sld [smem:$0x3FFB];
	_ =	sdelay $0x3  }
0x92: {  	_ =	strace s18  }
0x93: {  	s3 =	sld [smem:$0x3FFC];
	_ =	sdelay $0x3  }
0x94: {  	_ =	strace s3  }
0x95: {  	s3 =	sld [smem:$0x3FFD];
	_ =	sdelay $0x3  }
0x96: {  	_ =	strace s3  }
0x97: {  	_ =	strace $0x8FFFFFFF  }
0x98: {  	s19 =	sld [smem:$0x3FDB];
	_ =	sdelay $0x1  }
0x99: {  	s4 =	simm.s32 $_scs_section_size  }
0x9a: {  	s5 =	simm.s32 $_size__tile_overlayer_lowered;
	s6 =	simm.s32 $_tile_overlayer_lowered  }
0x9b: {  	s22 =	simm.s32 $0x1BFF;
	s21 =	sshll.u32 s6, $0x1;
	s3 =	sadd.s32 s4, s19  }
0x9c: {  	s7 =	simm.s32 $0x0;
	s20 =	sshll.u32 s5, $0x1;
	s5 =	sadd.s32 s21, s3  }
0x9d: {  	[timem:s7], [sflag:s22] =	dma.local [hbm:s5], s20  }
0x9e: {  	_ =	swait.ge [sflag:s22], s20  }
0x9f: {  	s4 =	ssub.s32 $0x0, s20;
	[sflag:s22] =	ssyncset.done $0x0  }
0xa0: {  	[sflag:s22] =	ssyncadd.s32 s4;
	_ =	sdelay $0x1  }
0xa1: {  	s23 =	simm.s32 $0x1B8B  }
0xa2: {  	_ =	swait.ge [sflag:s23], $0x1  }
0xa3: {  	[sflag:s23] =	ssyncset.done $0x0  }
0xa4: {  	s25 =	simm.s32 $0x1B8E;
	s24 =	sld [smem:$0x3FFE];
	[sflag:s23] =	ssyncadd.s32 $0xFFFFFFFF  }
0xa5: {  	s26 =	simm.s32 $execute0_lowered;
	[smem:$0x3FD2] =	sst s25  }
0xa6: {  	s5 =	sshll.u32 s26, $0x1;
	_ =	strace $0x8000004C;
	[dreg:$0x1] =	wrdreg $0xFFFFFFFF  }
0xa7: {  	s28 =	simm.s32 $_size_execute0_lowered;
	s3 =	sadd.s32 s3, s5;
	[dreg:$0x0] =	wrdreg $0x0  }
0xa8: {  	s5 =	sshll.u32 s28, $0x1;
	[dreg:$0x2] =	wrdreg s3  }
0xa9: {  	[dreg:$0x3] =	wrdreg s5  }
0xaa: {  	[dreg:$0x4] =	wrdreg $0xC0  }
0xab: {  	_ =	task [dreg:s7], $0x5FFFF  }
0xac: {  	[dreg:$0x1] =	wrdreg $0xFFFFFFFF  }
0xad: {  	[dreg:$0x0] =	wrdreg $0x60  }
0xae: {  	[dreg:$0x2] =	wrdreg s2  }
0xaf: {  	[dreg:$0x3] =	wrdreg s24  }
0xb0: {  	[dreg:$0x4] =	wrdreg $0xA8000  }
0xb1: {  	[dreg:$0x5] =	wrdreg $0x9  }
0xb2: {  	_ =	task.clear_ibuf [dreg:s7], $0x6FFFF;
	_ =	strace $0x9000004C  }
0xb3: {  	s29 =	simm.s32 $0x9;
	_ =	strace $0x8000004E  }
0xb4: {  	_ =	swait.ge [sflag:s29], $0x1  }
0xb5: {  	[sflag:s29] =	ssyncadd.s32 $0xFFFFFFFF  }
0xb6: {  	_ =	strace $0x9000004E  }
0xb7: {  	_ =	sfence  }
0xb8: {  	s30 =	sld [smem:$0x0];
	_ =	sdelay $0x2  }
0xb9: {  	s31 =	sshll.u32 s1, $0xD;
	s1 =	sshrl.u32 s1, $0x2  }
0xba: {  	s3 =	sand.u32 $0x4000, s31;
	s1 =	sadd.s32 s1, s30  }
0xbb: {  	s0 =	sor.u32 s3, s0;
	s1 =	sshll.u32 s1, $0x11  }
0xbc: {  	s0 =	sor.u32 s1, s0  }
0xbd: {  	s0 =	sadd.s32 $0x8F2B, s0  }
0xbe: {  	[sflag:s0] =	ssyncadd.remote.s32 $0x1  }
0xbf: {  	_ =	sfence.sel $0xFFFF  }
0xc0: {  	[dreg:$0x0] =	wrdreg $0xFFFFFFFF;
	(pc) =	sbr.abs _section_cstart, $3  }
0xc1: {  	[dreg:$0x1] =	wrdreg $0xFFFFFFFF  }
0xc2: {  	_ =	task.clear_ibuf [dreg:s7], $0x2FFFF;
	_ =	strace $0x9FFFFFFF  }
0xc3: {  	(tm) =	ssettm $0x7FFFFFFF  }
tec
execute0_lowered:
.L_overlay_start_1:
0x0: {  	(tag) =	ssettag $0x1  }
0x1: {  	s0 =	rddreg [dreg:$0x0]  }
0x2: {  	s1 =	rddreg [dreg:$0x1];
	s2 =	srdreg.scid  }
0x3: {  	s3 =	rddreg [dreg:$0x2];
	s8 =	stileid.u32  }
0x4: {  	s4 =	simm.s32 $0x0;
	s17 =	simm.s32 $0x2800;
	s18 =	simm.s32 $0x3  }
0x5: {  	s19 =	simm.s32 $0x1400;
	s20 =	simm.s32 $0x40;
	s21 =	simm.s32 $0x4800  }
0x6: {  	s28 =	simm.s32 $0x2;
	s29 =	simm.s32 $0x2700;
	s30 =	simm.s32 $0x2780  }
0x7: {  	s31 =	simm.s32 $0x0;
	s2 =	sand.u32 $0x1, s2;
	s6 =	smul.u32 $0x13C00, s8  }
0x8: {  	[smem:$0x7FF] =	sst s4;
	s13 =	sadd.s32 $0x5CE00, s1;
	s14 =	sadd.s32 $0x3600, s1  }
0x9: {  	s7 =	smul.u32 $0x4F000, s8;
	s22 =	sadd.s32 $0xD600, s1;
	s23 =	sshll.u32 s8, $0x1  }
0xa: {  	s5 =	smul.u32 $0x13C000, s2;
	_ =	strace $0x8000004D;
	[dreg:$0x4] =	wrdreg s22  }
0xb: {  	s24 =	ssub.s32 $0x2, s2;
	s2 =	sor.u32 s2, s23;
	s22 =	simm.s32 $0x80  }
0xc: {  	s23 =	simm.s32 $0x6800;
	s25 =	sshrl.u32 s7, $0x2;
	s26 =	sshrl.u32 s24, $0x1  }
0xd: {  	s2 =	smul.u32 $0x2800, s2;
	s5 =	sadd.s32 s6, s5;
	s16 =	ssub.s32 s24, s26  }
0xe: {  	s24 =	simm.s32 $0xC0;
	s26 =	simm.s32 $0x1;
	s6 =	sshrl.u32 s5, $0x3  }
0xf: {  	s2 =	sshrl.u32 s2, $0x3;
	s16 =	smax.u32 s16, $0x1;
	s1 =	sadd.s32 s6, s1  }
0x10: {  	s6 =	sadd.s32 s25, s3;
	s11 =	sadd.s32 s13, s2;
	s12 =	sadd.s32 s14, s2  }
0x11: {  	s2 =	sadd.s32 $0x280, s2;
	s25 =	simm.s32 $0x8800;
	s7 =	sadd.s32 $0x4000, s6  }
0x12: {  	s8 =	sadd.s32 $0x8000, s6;
	s9 =	sadd.s32 $0xC000, s6;
	s10 =	sadd.s32 $0x10000, s6  }
0x13: {  	s13 =	sadd.s32 s13, s2;
	s14 =	sadd.s32 s14, s2;
	s15 =	sadd.s32 $0x66E00, s1  }
.LBB2_1:
0x14: {  	s1 =	rddreg [dreg:$0x4]  }
0x15: {  	[tilespmem:s17], [sflag:$0x3] =	stream.linear.gather [hbm4b:s1+s4], $0x4000, $0x38;
	[tilespmem:$0x1E400] =	vst v63  }
0x16: {  	_ =	swait.ge [sflag:s18], $0x4000  }
0x17: {  	[sflag:s18] =	ssyncset.done $0x0  }
0x18: {  	[sflag:s18] =	ssyncadd.s32 $0xFFFFC000  }
0x19: {  	[spmem:s6] =	stream.linear.scatter [tilespmem:s17], [sflag:$0x3], $0x4000, $0x38;
	[tilespmem:$0x1E400] =	vst v63  }
0x1a: {  	_ =	swait.ge [sflag:s18], $0x4000  }
0x1b: {  	[sflag:s18] =	ssyncset.done $0x0  }
0x1c: {  	[sflag:s18] =	ssyncadd.s32 $0xFFFFC000  }
0x1d: {  	[spmem:s7] =	stream.linear.scatter [tilespmem:s17], [sflag:$0x3], $0x4000, $0x38;
	[tilespmem:$0x1E400] =	vst v63  }
0x1e: {  	_ =	swait.ge [sflag:s18], $0x4000  }
0x1f: {  	[sflag:s18] =	ssyncset.done $0x0  }
0x20: {  	[sflag:s18] =	ssyncadd.s32 $0xFFFFC000  }
0x21: {  	[spmem:s8] =	stream.linear.scatter [tilespmem:s17], [sflag:$0x3], $0x4000, $0x38;
	[tilespmem:$0x1E400] =	vst v63  }
0x22: {  	_ =	swait.ge [sflag:s18], $0x4000  }
0x23: {  	[sflag:s18] =	ssyncset.done $0x0  }
0x24: {  	[sflag:s18] =	ssyncadd.s32 $0xFFFFC000  }
0x25: {  	[spmem:s9] =	stream.linear.scatter [tilespmem:s17], [sflag:$0x3], $0x4000, $0x38;
	[tilespmem:$0x1E400] =	vst v63  }
0x26: {  	_ =	swait.ge [sflag:s18], $0x4000  }
0x27: {  	[sflag:s18] =	ssyncset.done $0x0  }
0x28: {  	[sflag:s18] =	ssyncadd.s32 $0xFFFFC000  }
0x29: {  	[spmem:s10] =	stream.linear.scatter [tilespmem:s17], [sflag:$0x3], $0x3C00, $0x38;
	[tilespmem:$0x1E400] =	vst v63  }
0x2a: {  	_ =	swait.ge [sflag:s18], $0x3C00  }
0x2b: {  	[sflag:s18] =	ssyncset.done $0x0  }
0x2c: {  	[sflag:s18] =	ssyncadd.s32 $0xFFFFC400  }
0x2d: {  	[bflag:$0x0] =	sbarrier.arrive $0xFFFF  }
0x2e: {  	[tilespmem:s4], [sflag:$0x3] =	stream.linear.gather [hbm4b:s11+s4], $0x1400, $0x38;
	[tilespmem:$0x1E400] =	vst v63  }
0x2f: {  	_ =	swait.ge [sflag:s18], $0x1400  }
0x30: {  	[sflag:s18] =	ssyncset.done $0x0  }
0x31: {  	[sflag:s18] =	ssyncadd.s32 $0xFFFFEC00  }
0x32: {  	[tilespmem:s19], [sflag:$0x3] =	stream.linear.gather [hbm4b:s12+s4], $0x1400, $0x38;
	[tilespmem:$0x1E400] =	vst v63  }
0x33: {  	_ =	swait.ge [sflag:s18], $0x1400  }
0x34: {  	[sflag:s18] =	ssyncset.done $0x0  }
0x35: {  	[sflag:s18] =	ssyncadd.s32 $0xFFFFEC00  }
0x36: {  	[tilespmem:s17], [sflag:$0x1] =	stream.indirect.gather [hbm4b:s0+s20], $0x80, s4, s20, $0xb8;
	[tilespmem:$0x1E400] =	vst v63  }
0x37: {  	_ = 	snop  }
0x38: {  	[tilespmem:s21], [sflag:$0x1] =	stream.indirect.gather [hbm4b:s0+s20], $0x80, s20, s20, $0xb8;
	[tilespmem:$0x1E400] =	vst v63  }
0x39: {  	_ = 	snop  }
0x3a: {  	[tilespmem:s23], [sflag:$0x2] =	stream.indirect.gather [hbm4b:s0+s20], $0x80, s22, s20, $0xb8;
	[tilespmem:$0x1E400] =	vst v63  }
0x3b: {  	_ = 	snop  }
0x3c: {  	[tilespmem:s25], [sflag:$0x2] =	stream.indirect.gather [hbm4b:s0+s20], $0x80, s24, s20, $0xb8;
	[tilespmem:$0x1E400] =	vst v63  }
0x3d: {  	_ =	swait.ge [sflag:s26], $0x2000  }
0x3e: {  	[sflag:s26] =	ssyncset.done $0x0  }
0x3f: {  	[sflag:s26] =	ssyncadd.s32 $0xFFFFE000  }
0x40: {  	_ =	swait.ge [sflag:s26], $0x2000  }
0x41: {  	[sflag:s26] =	ssyncset.done $0x0  }
0x42: {  	s5 =	simm.s32 $0x1400;
	[sflag:s26] =	ssyncadd.s32 $0xFFFFE000  }
0x43: {  	[spmem:s3] =	stream.indirect.scatter.add.f32 [tilespmem:s17], [sflag:$0x3], $0x80, s5, s22, $0xb8;
	[tilespmem:$0x1E400] =	vst v63  }
0x44: {  	_ =	swait.ge [sflag:s18], $0x4000  }
0x45: {  	[sflag:s18] =	ssyncset.done $0x0  }
0x46: {  	s2 =	simm.s32 $0x100;
	[sflag:s18] =	ssyncadd.s32 $0xFFFFC000  }
0x47: {  	[tilespmem:s17], [sflag:$0x1] =	stream.indirect.gather [hbm4b:s0+s20], $0x80, s2, s20, $0xb8;
	[tilespmem:$0x1E400] =	vst v63  }
0x48: {  	s5 =	simm.s32 $0x140  }
0x49: {  	[tilespmem:s21], [sflag:$0x1] =	stream.indirect.gather [hbm4b:s0+s20], $0x80, s5, s20, $0xb8;
	[tilespmem:$0x1E400] =	vst v63  }
0x4a: {  	_ =	swait.ge [sflag:s28], $0x2000  }
0x4b: {  	[sflag:s28] =	ssyncset.done $0x0  }
0x4c: {  	[sflag:s28] =	ssyncadd.s32 $0xFFFFE000  }
0x4d: {  	_ =	swait.ge [sflag:s28], $0x2000  }
0x4e: {  	[sflag:s28] =	ssyncset.done $0x0  }
0x4f: {  	s2 =	simm.s32 $0x1480;
	[sflag:s28] =	ssyncadd.s32 $0xFFFFE000  }
0x50: {  	[spmem:s3] =	stream.indirect.scatter.add.f32 [tilespmem:s23], [sflag:$0x3], $0x80, s2, s22, $0xb8;
	[tilespmem:$0x1E400] =	vst v63  }
0x51: {  	_ =	swait.ge [sflag:s18], $0x4000  }
0x52: {  	s1 =	simm.s32 $0x400;
	[sflag:s18] =	ssyncset.done $0x0  }
0x53: {  	s5 =	simm.s32 $0x180;
	s2 =	simm.s32 $0x1C0;
	[sflag:s18] =	ssyncadd.s32 $0xFFFFC000  }
0x54: {  	[tilespmem:s23], [sflag:$0x2] =	stream.indirect.gather [hbm4b:s0+s20], $0x80, s5, s20, $0xb8;
	[tilespmem:$0x1E400] =	vst v63  }
.LBB2_2:
0x55: {  	[tilespmem:s25], [sflag:$0x2] =	stream.indirect.gather [hbm4b:s0+s20], $0x80, s2, s20, $0xb8;
	[tilespmem:$0x1E400] =	vst v63  }
0x56: {  	s2 =	smov.u32 s1  }
0x57: {  	p0 =	sne.s32 s1, $0x4800;
	s1 =	sadd.s32 $0x400, s1;
	_ =	swait.ge [sflag:s26], $0x2000  }
0x58: {  	[sflag:s26] =	ssyncset.done $0x0  }
0x59: {  	[sflag:s26] =	ssyncadd.s32 $0xFFFFE000  }
0x5a: {  	_ =	swait.ge [sflag:s26], $0x2000  }
0x5b: {  	s2 =	sshra.s32 s2, $0x2;
	[sflag:s26] =	ssyncset.done $0x0  }
0x5c: {  	s5 =	sadd.s32 $0x1400, s2;
	[sflag:s26] =	ssyncadd.s32 $0xFFFFE000  }
0x5d: {  	[spmem:s3] =	stream.indirect.scatter.add.f32 [tilespmem:s17], [sflag:$0x3], $0x80, s5, s22, $0xb8;
	[tilespmem:$0x1E400] =	vst v63  }
0x5e: {  	_ =	swait.ge [sflag:s18], $0x4000  }
0x5f: {  	[sflag:s18] =	ssyncset.done $0x0  }
0x60: {  	s5 =	sadd.s32 $0x100, s2;
	[sflag:s18] =	ssyncadd.s32 $0xFFFFC000  }
0x61: {  	[tilespmem:s17], [sflag:$0x1] =	stream.indirect.gather [hbm4b:s0+s20], $0x80, s5, s20, $0xb8;
	[tilespmem:$0x1E400] =	vst v63  }
0x62: {  	s5 =	sadd.s32 $0x140, s2  }
0x63: {  	[tilespmem:s21], [sflag:$0x1] =	stream.indirect.gather [hbm4b:s0+s20], $0x80, s5, s20, $0xb8;
	[tilespmem:$0x1E400] =	vst v63  }
0x64: {  	_ =	swait.ge [sflag:s28], $0x2000  }
0x65: {  	[sflag:s28] =	ssyncset.done $0x0  }
0x66: {  	[sflag:s28] =	ssyncadd.s32 $0xFFFFE000  }
0x67: {  	_ =	swait.ge [sflag:s28], $0x2000  }
0x68: {  	[sflag:s28] =	ssyncset.done $0x0  }
0x69: {  	s5 =	sadd.s32 $0x1480, s2;
	[sflag:s28] =	ssyncadd.s32 $0xFFFFE000  }
0x6a: {  	[spmem:s3] =	stream.indirect.scatter.add.f32 [tilespmem:s23], [sflag:$0x3], $0x80, s5, s22, $0xb8;
	[tilespmem:$0x1E400] =	vst v63  }
.Ltmp0:
0x6b: {  	_ =	swait.ge [sflag:s18], $0x4000;
	(pc) =	sbr.rel @p0 .LBB2_2-.Ltmp0, $4  }
0x6c: {  	[sflag:s18] =	ssyncset.done $0x0  }
0x6d: {  	s5 =	sadd.s32 $0x180, s2;
	[sflag:s18] =	ssyncadd.s32 $0xFFFFC000  }
0x6e: {  	[tilespmem:s23], [sflag:$0x2] =	stream.indirect.gather [hbm4b:s0+s20], $0x80, s5, s20, $0xb8;
	[tilespmem:$0x1E400] =	vst v63  }
0x6f: {  	s2 =	sadd.s32 $0x1C0, s2  }
0x70: {  	[tilespmem:s25], [sflag:$0x2] =	stream.indirect.gather [hbm4b:s0+s20], $0x80, s2, s20, $0xb8;
	[tilespmem:$0x1E400] =	vst v63  }
0x71: {  	_ =	swait.ge [sflag:s26], $0x2000  }
0x72: {  	[sflag:s26] =	ssyncset.done $0x0  }
0x73: {  	[sflag:s26] =	ssyncadd.s32 $0xFFFFE000  }
0x74: {  	_ =	swait.ge [sflag:s26], $0x2000  }
0x75: {  	[sflag:s26] =	ssyncset.done $0x0  }
0x76: {  	[sflag:s26] =	ssyncadd.s32 $0xFFFFE000  }
0x77: {  	[spmem:s3] =	stream.indirect.scatter.add.f32 [tilespmem:s17], [sflag:$0x3], $0x80, s29, s22, $0xb8;
	[tilespmem:$0x1E400] =	vst v63  }
0x78: {  	_ =	swait.ge [sflag:s18], $0x4000  }
0x79: {  	[sflag:s18] =	ssyncset.done $0x0  }
0x7a: {  	[sflag:s18] =	ssyncadd.s32 $0xFFFFC000  }
0x7b: {  	_ =	swait.ge [sflag:s28], $0x2000  }
0x7c: {  	[sflag:s28] =	ssyncset.done $0x0  }
0x7d: {  	[sflag:s28] =	ssyncadd.s32 $0xFFFFE000  }
0x7e: {  	_ =	swait.ge [sflag:s28], $0x2000  }
0x7f: {  	[sflag:s28] =	ssyncset.done $0x0  }
0x80: {  	[sflag:s28] =	ssyncadd.s32 $0xFFFFE000  }
0x81: {  	[spmem:s3] =	stream.indirect.scatter.add.f32 [tilespmem:s23], [sflag:$0x3], $0x80, s30, s22, $0xb8;
	[tilespmem:$0x1E400] =	vst v63  }
0x82: {  	_ =	swait.ge [sflag:s18], $0x4000  }
0x83: {  	[sflag:s18] =	ssyncset.done $0x0  }
0x84: {  	s1 =	simm.s32 $0x0;
	[sflag:s18] =	ssyncadd.s32 $0xFFFFC000  }
0x85: {  	[tilespmem:s1], [sflag:$0x3] =	stream.linear.gather [hbm4b:s13+s1], $0x1400, $0x38;
	[tilespmem:$0x1E400] =	vst v63  }
0x86: {  	_ =	swait.ge [sflag:s18], $0x1400  }
0x87: {  	[sflag:s18] =	ssyncset.done $0x0  }
0x88: {  	[sflag:s18] =	ssyncadd.s32 $0xFFFFEC00  }
0x89: {  	[tilespmem:s19], [sflag:$0x3] =	stream.linear.gather [hbm4b:s14+s1], $0x1400, $0x38;
	[tilespmem:$0x1E400] =	vst v63  }
0x8a: {  	_ =	swait.ge [sflag:s18], $0x1400  }
0x8b: {  	[sflag:s18] =	ssyncset.done $0x0  }
0x8c: {  	[sflag:s18] =	ssyncadd.s32 $0xFFFFEC00  }
0x8d: {  	[tilespmem:s17], [sflag:$0x1] =	stream.indirect.gather [hbm4b:s0+s20], $0x80, s1, s20, $0xb8;
	[tilespmem:$0x1E400] =	vst v63  }
0x8e: {  	_ = 	snop  }
0x8f: {  	[tilespmem:s21], [sflag:$0x1] =	stream.indirect.gather [hbm4b:s0+s20], $0x80, s20, s20, $0xb8;
	[tilespmem:$0x1E400] =	vst v63  }
0x90: {  	_ = 	snop  }
0x91: {  	[tilespmem:s23], [sflag:$0x2] =	stream.indirect.gather [hbm4b:s0+s20], $0x80, s22, s20, $0xb8;
	[tilespmem:$0x1E400] =	vst v63  }
0x92: {  	_ = 	snop  }
0x93: {  	[tilespmem:s25], [sflag:$0x2] =	stream.indirect.gather [hbm4b:s0+s20], $0x80, s24, s20, $0xb8;
	[tilespmem:$0x1E400] =	vst v63  }
0x94: {  	_ =	swait.ge [sflag:s26], $0x2000  }
0x95: {  	[sflag:s26] =	ssyncset.done $0x0  }
0x96: {  	[sflag:s26] =	ssyncadd.s32 $0xFFFFE000  }
0x97: {  	_ =	swait.ge [sflag:s26], $0x2000  }
0x98: {  	[sflag:s26] =	ssyncset.done $0x0  }
0x99: {  	s5 =	simm.s32 $0x1400;
	[sflag:s26] =	ssyncadd.s32 $0xFFFFE000  }
0x9a: {  	[spmem:s3] =	stream.indirect.scatter.add.f32 [tilespmem:s17], [sflag:$0x3], $0x80, s5, s22, $0xb8;
	[tilespmem:$0x1E400] =	vst v63  }
0x9b: {  	_ =	swait.ge [sflag:s18], $0x4000  }
0x9c: {  	[sflag:s18] =	ssyncset.done $0x0  }
0x9d: {  	s2 =	simm.s32 $0x100;
	[sflag:s18] =	ssyncadd.s32 $0xFFFFC000  }
0x9e: {  	[tilespmem:s17], [sflag:$0x1] =	stream.indirect.gather [hbm4b:s0+s20], $0x80, s2, s20, $0xb8;
	[tilespmem:$0x1E400] =	vst v63  }
0x9f: {  	s5 =	simm.s32 $0x140  }
0xa0: {  	[tilespmem:s21], [sflag:$0x1] =	stream.indirect.gather [hbm4b:s0+s20], $0x80, s5, s20, $0xb8;
	[tilespmem:$0x1E400] =	vst v63  }
0xa1: {  	_ =	swait.ge [sflag:s28], $0x2000  }
0xa2: {  	[sflag:s28] =	ssyncset.done $0x0  }
0xa3: {  	[sflag:s28] =	ssyncadd.s32 $0xFFFFE000  }
0xa4: {  	_ =	swait.ge [sflag:s28], $0x2000  }
0xa5: {  	[sflag:s28] =	ssyncset.done $0x0  }
0xa6: {  	s2 =	simm.s32 $0x1480;
	[sflag:s28] =	ssyncadd.s32 $0xFFFFE000  }
0xa7: {  	[spmem:s3] =	stream.indirect.scatter.add.f32 [tilespmem:s23], [sflag:$0x3], $0x80, s2, s22, $0xb8;
	[tilespmem:$0x1E400] =	vst v63  }
0xa8: {  	_ =	swait.ge [sflag:s18], $0x4000  }
0xa9: {  	s1 =	simm.s32 $0x400;
	[sflag:s18] =	ssyncset.done $0x0  }
0xaa: {  	s5 =	simm.s32 $0x180;
	s2 =	simm.s32 $0x1C0;
	[sflag:s18] =	ssyncadd.s32 $0xFFFFC000  }
0xab: {  	[tilespmem:s23], [sflag:$0x2] =	stream.indirect.gather [hbm4b:s0+s20], $0x80, s5, s20, $0xb8;
	[tilespmem:$0x1E400] =	vst v63  }
.LBB2_4:
0xac: {  	[tilespmem:s25], [sflag:$0x2] =	stream.indirect.gather [hbm4b:s0+s20], $0x80, s2, s20, $0xb8;
	[tilespmem:$0x1E400] =	vst v63  }
0xad: {  	s2 =	smov.u32 s1  }
0xae: {  	p0 =	sne.s32 s1, $0x4800;
	s1 =	sadd.s32 $0x400, s1;
	_ =	swait.ge [sflag:s26], $0x2000  }
0xaf: {  	[sflag:s26] =	ssyncset.done $0x0  }
0xb0: {  	[sflag:s26] =	ssyncadd.s32 $0xFFFFE000  }
0xb1: {  	_ =	swait.ge [sflag:s26], $0x2000  }
0xb2: {  	s2 =	sshra.s32 s2, $0x2;
	[sflag:s26] =	ssyncset.done $0x0  }
0xb3: {  	s5 =	sadd.s32 $0x1400, s2;
	[sflag:s26] =	ssyncadd.s32 $0xFFFFE000  }
0xb4: {  	[spmem:s3] =	stream.indirect.scatter.add.f32 [tilespmem:s17], [sflag:$0x3], $0x80, s5, s22, $0xb8;
	[tilespmem:$0x1E400] =	vst v63  }
0xb5: {  	_ =	swait.ge [sflag:s18], $0x4000  }
0xb6: {  	[sflag:s18] =	ssyncset.done $0x0  }
0xb7: {  	s5 =	sadd.s32 $0x100, s2;
	[sflag:s18] =	ssyncadd.s32 $0xFFFFC000  }
0xb8: {  	[tilespmem:s17], [sflag:$0x1] =	stream.indirect.gather [hbm4b:s0+s20], $0x80, s5, s20, $0xb8;
	[tilespmem:$0x1E400] =	vst v63  }
0xb9: {  	s5 =	sadd.s32 $0x140, s2  }
0xba: {  	[tilespmem:s21], [sflag:$0x1] =	stream.indirect.gather [hbm4b:s0+s20], $0x80, s5, s20, $0xb8;
	[tilespmem:$0x1E400] =	vst v63  }
0xbb: {  	_ =	swait.ge [sflag:s28], $0x2000  }
0xbc: {  	[sflag:s28] =	ssyncset.done $0x0  }
0xbd: {  	[sflag:s28] =	ssyncadd.s32 $0xFFFFE000  }
0xbe: {  	_ =	swait.ge [sflag:s28], $0x2000  }
0xbf: {  	[sflag:s28] =	ssyncset.done $0x0  }
0xc0: {  	s5 =	sadd.s32 $0x1480, s2;
	[sflag:s28] =	ssyncadd.s32 $0xFFFFE000  }
0xc1: {  	[spmem:s3] =	stream.indirect.scatter.add.f32 [tilespmem:s23], [sflag:$0x3], $0x80, s5, s22, $0xb8;
	[tilespmem:$0x1E400] =	vst v63  }
.Ltmp1:
0xc2: {  	_ =	swait.ge [sflag:s18], $0x4000;
	(pc) =	sbr.rel @p0 .LBB2_4-.Ltmp1, $4  }
0xc3: {  	[sflag:s18] =	ssyncset.done $0x0  }
0xc4: {  	s5 =	sadd.s32 $0x180, s2;
	[sflag:s18] =	ssyncadd.s32 $0xFFFFC000  }
0xc5: {  	[tilespmem:s23], [sflag:$0x2] =	stream.indirect.gather [hbm4b:s0+s20], $0x80, s5, s20, $0xb8;
	[tilespmem:$0x1E400] =	vst v63  }
0xc6: {  	s2 =	sadd.s32 $0x1C0, s2  }
0xc7: {  	[tilespmem:s25], [sflag:$0x2] =	stream.indirect.gather [hbm4b:s0+s20], $0x80, s2, s20, $0xb8;
	[tilespmem:$0x1E400] =	vst v63  }
0xc8: {  	_ =	swait.ge [sflag:s26], $0x2000  }
0xc9: {  	[sflag:s26] =	ssyncset.done $0x0  }
0xca: {  	[sflag:s26] =	ssyncadd.s32 $0xFFFFE000  }
0xcb: {  	_ =	swait.ge [sflag:s26], $0x2000  }
0xcc: {  	[sflag:s26] =	ssyncset.done $0x0  }
0xcd: {  	[sflag:s26] =	ssyncadd.s32 $0xFFFFE000  }
0xce: {  	[spmem:s3] =	stream.indirect.scatter.add.f32 [tilespmem:s17], [sflag:$0x3], $0x80, s29, s22, $0xb8;
	[tilespmem:$0x1E400] =	vst v63  }
0xcf: {  	_ =	swait.ge [sflag:s18], $0x4000  }
0xd0: {  	[sflag:s18] =	ssyncset.done $0x0  }
0xd1: {  	[sflag:s18] =	ssyncadd.s32 $0xFFFFC000  }
0xd2: {  	_ =	swait.ge [sflag:s28], $0x2000  }
0xd3: {  	[sflag:s28] =	ssyncset.done $0x0  }
0xd4: {  	[sflag:s28] =	ssyncadd.s32 $0xFFFFE000  }
0xd5: {  	_ =	swait.ge [sflag:s28], $0x2000  }
0xd6: {  	[sflag:s28] =	ssyncset.done $0x0  }
0xd7: {  	[sflag:s28] =	ssyncadd.s32 $0xFFFFE000  }
0xd8: {  	[spmem:s3] =	stream.indirect.scatter.add.f32 [tilespmem:s23], [sflag:$0x3], $0x80, s30, s22, $0xb8;
	[tilespmem:$0x1E400] =	vst v63  }
0xd9: {  	s1 =	stileid.u32;
	_ =	swait.ge [sflag:s18], $0x4000  }
0xda: {  	s5 =	sshrl.u32 s6, $0x3;
	s31 =	sadd.s32 $0x1, s31;
	[sflag:s18] =	ssyncset.done $0x0  }
0xdb: {  	s1 =	sshll.u32 s1, $0x6;
	p0 =	sne.s32 s31, s16;
	[sflag:s18] =	ssyncadd.s32 $0xFFFFC000  }
.Ltmp2:
0xdc: {  	s1 =	sor.u32 $0x1C03, s1;
	[bflag:$0x0] =	sbarrier.arrive $0xFFFF;
	(pc) =	sbr.rel @p0 .LBB2_1-.Ltmp2, $4  }
0xdd: {  	[hbm:s15], [sflag:s1] =	dma.local [spmem:s5], $0x2780  }
0xde: {  	_ =	swait.ge [sflag:s18], $0x2780  }
0xdf: {  	[sflag:s18] =	ssyncset.done $0x0  }
0xe0: {  	[sflag:s18] =	ssyncadd.s32 $0xFFFFD880  }
0xe1: {  	_ =	sfence.sel $0x180000  }
0xe2: {  	[bflag:$0x0] =	sbarrier.arrive $0xFFFF  }
0xe3: {  	_ =	strace $0x9000004D  }
0xe4: {  	s0 =	stileid.u32;
	[bflag:$0x2] =	sbarrier.arrive $0xFFFF  }
0xe5: {  	p0 =	sne.s32 s0, $0x0;
	s0 =	rddreg [dreg:$0x3]  }
0xe6: {  	s0 =	sadd.s32 @!p0 $0x100000, s0  }
0xe7: {  	[sflag:s0] =	ssyncadd.tile.s32 @!p0 $0x1;
	_ =	shalt  }
.Lfunc_end2:
_tile_overlayer_lowered:
.L_overlay_start_2:
0xe8: {  	(tag) =	ssettag $0x2  }
0xe9: {  	s0 =	rddreg [dreg:$0x0];
	s2 =	stileid.u32  }
0xea: {  	s1 =	rddreg [dreg:$0x1];
	p0 =	sne.s32 s2, $0x0  }
0xeb: {  	s3 =	rddreg [dreg:$0x2];
	[bflag:$0x3] =	sbarrier.arrive $0xFFFF;
	s2 =	simm.s32 @!p0 $0x1C03  }
0xec: {  	[timem:s3], [sflag:s2] =	dma.local @!p0 [hbm:s0], s1  }
0xed: {  	s0 =	simm.s32 @!p0 $0x3  }
0xee: {  	_ =	swait.ge @!p0 [sflag:s0], s1  }
0xef: {  	s1 =	ssub.s32 @!p0 $0x0, s1;
	[sflag:s0] =	ssyncset.done @!p0 $0x0  }
0xf0: {  	[sflag:s0] =	ssyncadd.s32 @!p0 s1  }
0xf1: {  	[bflag:$0x3] =	sbarrier.arrive $0xFFFF  }
0xf2: {  	_ =	shalt  }

// kernel: kernel.19.cloned.1.call-start
scs
__scs_entry_jumppad:
0x0: {  	(pc) =	sbr.rel $0x88, $3  }
0x1: {  	(tag) =	ssettag $0x0;
	lr =	simm.s32 $0x1  }
0x2: {  	[smem:$0x3F99] =	sst lr;
	_ =	strace $0xD0000000  }
0x3: {  	_ = 	snop  }
0x4: {  	_ = 	snop  }
0x5: {  	_ = 	snop  }
0x6: {  	_ = 	snop  }
0x7: {  	_ = 	snop  }
__scs_overlays_trampoline_lowered:
0x8: {  	[smem:$0x3FA8] =	sst s0  }
0x9: {  	[smem:$0x3FA9] =	sst s1  }
0xa: {  	[smem:$0x3FAA] =	sst s2  }
0xb: {  	[smem:$0x3FAB] =	sst s3  }
0xc: {  	[smem:$0x3FAC] =	sst s4  }
0xd: {  	[smem:$0x3FAD] =	sst s5  }
0xe: {  	[smem:$0x3FAE] =	sst s6  }
0xf: {  	[smem:$0x3FAF] =	sst s7  }
0x10: {  	[smem:$0x3FB0] =	sst s8  }
0x11: {  	[smem:$0x3FB1] =	sst s9;
	s0 =	simm.s32 @!p0 $0x0  }
0x12: {  	s1 =	sld [smem:$0x3F97];
	s0 =	simm.s32 @p0 $0x1  }
0x13: {  	[smem:$0x3FB2] =	sst s0;
	s0 =	simm.s32 @!p1 $0x0  }
0x14: {  	s2 =	sld [smem:$0x3F96];
	s0 =	simm.s32 @p1 $0x1  }
0x15: {  	[smem:$0x3FB3] =	sst s0;
	s0 =	simm.s32 @!p2 $0x0  }
0x16: {  	s3 =	sld [smem:$0x3FDB];
	s0 =	simm.s32 @p2 $0x1  }
0x17: {  	s4 =	simm.s32 $0x1BF5;
	[smem:$0x3FB5] =	sst s0  }
0x18: {  	s0 =	sld [smem:$0x3F98];
	_ =	swait.ge [sflag:s4], $0x0  }
0x19: {  	s7 =	sld [smem:$0x3F99]  }
0x1a: {  	s8 =	sadd.s32 $0xFFFFE003, lr  }
0x1b: {  	s9 =	sadd.s32 $0xFFFFFEF7, lr;
	s5 =	simm.s32 $0xFFFFFFFF;
	p2 =	slt.u32 s8, $0xFFFFF086  }
0x1c: {  	p1 =	slt.u32 s9, $0xF7A;
	s5 =	simm.s32 @!p2 $0x0  }
0x1d: {  	s5 =	simm.s32 @p1 $0x1;
	p0 =	seq.s32 s7, s2  }
0x1e: {  	s7 =	smul.u32 @!p0 $0xF7A, s2;
	p2 =	seq.s32 @!p0 s5, $0x0  }
0x1f: {  	s9 =	smul.u32 $0xF7A, s1;
	s8 =	simm.s32 @!p0 $0x1BF5;
	p2 =	por !p2, p0  }
0x20: {  	[sflag:s8] =	ssyncset.s32 @!p0 $0xFFFFF086;
	s6 =	sadd.s32 @!p0 s3, s7;
	s7 =	simm.s32 @!p0 $0x108  }
0x21: {  	s3 =	sadd.s32 s3, s9;
	s6 =	sadd.s32 @!p0 $0x88, s6;
	s7 =	simm.s32 @p2 $0x1082  }
0x22: {  	[simem:s7], [sflag:s8] =	dma.local @!p0 [hbm:s6], $0xF7A  }
0x23: {  	s9 =	sor.u32 $0xD0000000, s2;
	s6 =	simm.s32 $0x108;
	_ =	swait.ge @!p0 [sflag:s8], $0x0  }
0x24: {  	s3 =	sadd.s32 $0x88, s3;
	s6 =	simm.s32 @!p1 $0x1082;
	[sflag:s4] =	ssyncset.s32 $0xFFFFF086  }
0x25: {  	[simem:s6], [sflag:s4] =	dma.local [hbm:s3], $0xF7A  }
0x26: {  	[smem:$0x3F99] =	sst s1;
	(tag) =	ssettag s2;
	_ =	strace s9  }
0x27: {  	s1 =	sld [smem:$0x3FA9]  }
0x28: {  	s2 =	sld [smem:$0x3FAA]  }
0x29: {  	s4 =	sld [smem:$0x3FAC]  }
0x2a: {  	p0 =	seq.s32 s5, $0x0;
	s5 =	sld [smem:$0x3FAD]  }
0x2b: {  	s6 =	sld [smem:$0x3FAE]  }
0x2c: {  	s7 =	sld [smem:$0x3FAF]  }
0x2d: {  	s3 =	simm.s32 $0x108;
	s8 =	sld [smem:$0x3FB0]  }
0x2e: {  	s3 =	simm.s32 @!p0 $0x1082;
	s9 =	sld [smem:$0x3FB1]  }
0x2f: {  	lr =	sadd.s32 s0, s3;
	s0 =	sld [smem:$0x3FA8]  }
0x30: {  	s3 =	sld [smem:$0x3FAB]  }
0x31: {  	[smem:$0x3FB4] =	sst s10  }
0x32: {  	s10 =	sld [smem:$0x3FB2];
	_ =	sdelay $0x3  }
0x33: {  	p0 =	seq.s32 s10, $0x1;
	s10 =	sld [smem:$0x3FB4];
	_ =	sdelay $0x3  }
0x34: {  	[smem:$0x3FB4] =	sst s10  }
0x35: {  	s10 =	sld [smem:$0x3FB3];
	_ =	sdelay $0x3  }
0x36: {  	p1 =	seq.s32 s10, $0x1;
	s10 =	sld [smem:$0x3FB4];
	_ =	sdelay $0x3  }
0x37: {  	[smem:$0x3FB4] =	sst s10  }
0x38: {  	s10 =	sld [smem:$0x3FB5]  }
0x39: {  	_ = 	snop;
	(pc) =	sbr.ind lr, $3  }
0x3a: {  	_ = 	snop  }
0x3b: {  	_ = 	snop  }
0x3c: {  	p2 =	seq.s32 s10, $0x1;
	s10 =	sld [smem:$0x3FB4]  }
0x3d: {  	_ =	shalt  }
0x3e: {  	_ =	shalt  }
0x3f: {  	_ =	shalt  }
0x40: {  	_ =	shalt  }
0x41: {  	_ =	shalt  }
0x42: {  	_ =	shalt  }
0x43: {  	_ =	shalt  }
0x44: {  	_ =	shalt  }
0x45: {  	_ =	shalt  }
0x46: {  	_ =	shalt  }
0x47: {  	_ =	shalt  }
0x48: {  	_ =	shalt  }
0x49: {  	_ =	shalt  }
0x4a: {  	_ =	shalt  }
0x4b: {  	_ =	shalt  }
0x4c: {  	_ =	shalt  }
0x4d: {  	_ =	shalt  }
0x4e: {  	_ =	shalt  }
0x4f: {  	_ =	shalt  }
0x50: {  	_ =	shalt  }
0x51: {  	_ =	shalt  }
0x52: {  	_ =	shalt  }
0x53: {  	_ =	shalt  }
0x54: {  	_ =	shalt  }
0x55: {  	_ =	shalt  }
0x56: {  	_ =	shalt  }
0x57: {  	_ =	shalt  }
0x58: {  	_ =	shalt  }
0x59: {  	_ =	shalt  }
0x5a: {  	_ =	shalt  }
0x5b: {  	_ =	shalt  }
0x5c: {  	_ =	shalt  }
0x5d: {  	_ =	shalt  }
0x5e: {  	_ =	shalt  }
0x5f: {  	_ =	shalt  }
0x60: {  	_ =	shalt  }
0x61: {  	_ =	shalt  }
0x62: {  	_ =	shalt  }
0x63: {  	_ =	shalt  }
0x64: {  	_ =	shalt  }
0x65: {  	_ =	shalt  }
0x66: {  	_ =	shalt  }
0x67: {  	_ =	shalt  }
0x68: {  	_ =	shalt  }
0x69: {  	_ =	shalt  }
0x6a: {  	_ =	shalt  }
0x6b: {  	_ =	shalt  }
0x6c: {  	_ =	shalt  }
0x6d: {  	_ =	shalt  }
0x6e: {  	_ =	shalt  }
0x6f: {  	_ =	shalt  }
0x70: {  	_ =	shalt  }
0x71: {  	_ =	shalt  }
0x72: {  	_ =	shalt  }
0x73: {  	_ =	shalt  }
0x74: {  	_ =	shalt  }
0x75: {  	_ =	shalt  }
0x76: {  	_ =	shalt  }
0x77: {  	_ =	shalt  }
0x78: {  	_ =	shalt  }
0x79: {  	_ =	shalt  }
0x7a: {  	_ =	shalt  }
0x7b: {  	_ =	shalt  }
0x7c: {  	_ =	shalt  }
0x7d: {  	_ =	shalt  }
0x7e: {  	_ =	shalt  }
0x7f: {  	_ =	shalt  }
0x80: {  	_ =	shalt  }
0x81: {  	_ =	shalt  }
0x82: {  	_ =	shalt  }
0x83: {  	_ =	shalt  }
0x84: {  	_ =	shalt  }
0x85: {  	_ =	shalt  }
0x86: {  	_ =	shalt  }
0x87: {  	_ =	shalt  }
.Lfunc_end0:
.L_simem_size_0:
called_computation.3_lowered:
.L_overlay_start_0:
0x88: {  	s2 =	sld [smem:$0x3FD9]  }
0x89: {  	s3 =	sld [smem:$0x3FFE];
	_ =	sdelay $0x1  }
0x8a: {  	s1 =	srdreg.scid  }
0x8b: {  	s0 =	sand.u32 $0x1, s1  }
0x8c: {  	s17 =	sshll.u32 s0, $0xA;
	s2 =	sadd.s32 s3, s2  }
0x8d: {  	s2 =	sadd.s32 s2, s17  }
0x8e: {  	[smem:$0x3FC0] =	sst s2  }
0x8f: {  	_ = 	snop  }
0x90: {  	s2 =	sld [smem:$0x3FD0];
	(tm) =	ssettm $0x1  }
0x91: {  	s18 =	sld [smem:$0x3FFB];
	_ =	sdelay $0x3  }
0x92: {  	_ =	strace s18  }
0x93: {  	s3 =	sld [smem:$0x3FFC];
	_ =	sdelay $0x3  }
0x94: {  	_ =	strace s3  }
0x95: {  	s3 =	sld [smem:$0x3FFD];
	_ =	sdelay $0x3  }
0x96: {  	_ =	strace s3  }
0x97: {  	_ =	strace $0x8FFFFFFF  }
0x98: {  	s19 =	sld [smem:$0x3FDB];
	_ =	sdelay $0x1  }
0x99: {  	s4 =	simm.s32 $_scs_section_size  }
0x9a: {  	s5 =	simm.s32 $_size__tile_overlayer_lowered;
	s6 =	simm.s32 $_tile_overlayer_lowered  }
0x9b: {  	s22 =	simm.s32 $0x1BFF;
	s21 =	sshll.u32 s6, $0x1;
	s3 =	sadd.s32 s4, s19  }
0x9c: {  	s7 =	simm.s32 $0x0;
	s20 =	sshll.u32 s5, $0x1;
	s5 =	sadd.s32 s21, s3  }
0x9d: {  	[timem:s7], [sflag:s22] =	dma.local [hbm:s5], s20  }
0x9e: {  	_ =	swait.ge [sflag:s22], s20  }
0x9f: {  	s4 =	ssub.s32 $0x0, s20;
	[sflag:s22] =	ssyncset.done $0x0  }
0xa0: {  	[sflag:s22] =	ssyncadd.s32 s4;
	_ =	sdelay $0x1  }
0xa1: {  	s23 =	simm.s32 $0x1B8B  }
0xa2: {  	_ =	swait.ge [sflag:s23], $0x1  }
0xa3: {  	[sflag:s23] =	ssyncset.done $0x0  }
0xa4: {  	s25 =	simm.s32 $0x1B8E;
	s24 =	sld [smem:$0x3FFE];
	[sflag:s23] =	ssyncadd.s32 $0xFFFFFFFF  }
0xa5: {  	s26 =	simm.s32 $execute0_lowered;
	[smem:$0x3FD2] =	sst s25  }
0xa6: {  	s5 =	sshll.u32 s26, $0x1;
	_ =	strace $0x8000004F;
	[dreg:$0x1] =	wrdreg $0xFFFFFFFF  }
0xa7: {  	s28 =	simm.s32 $_size_execute0_lowered;
	s3 =	sadd.s32 s3, s5;
	[dreg:$0x0] =	wrdreg $0x0  }
0xa8: {  	s5 =	sshll.u32 s28, $0x1;
	[dreg:$0x2] =	wrdreg s3  }
0xa9: {  	[dreg:$0x3] =	wrdreg s5  }
0xaa: {  	[dreg:$0x4] =	wrdreg $0xC0  }
0xab: {  	_ =	task [dreg:s7], $0x5FFFF  }
0xac: {  	[dreg:$0x1] =	wrdreg $0xFFFFFFFF  }
0xad: {  	[dreg:$0x0] =	wrdreg $0x60  }
0xae: {  	[dreg:$0x2] =	wrdreg s2  }
0xaf: {  	[dreg:$0x3] =	wrdreg s24  }
0xb0: {  	[dreg:$0x4] =	wrdreg $0xA8000  }
0xb1: {  	[dreg:$0x5] =	wrdreg $0x9  }
0xb2: {  	_ =	task.clear_ibuf [dreg:s7], $0x6FFFF;
	_ =	strace $0x9000004F  }
0xb3: {  	s29 =	simm.s32 $0x9;
	_ =	strace $0x80000051  }
0xb4: {  	_ =	swait.ge [sflag:s29], $0x1  }
0xb5: {  	[sflag:s29] =	ssyncadd.s32 $0xFFFFFFFF  }
0xb6: {  	_ =	strace $0x90000051  }
0xb7: {  	_ =	sfence  }
0xb8: {  	s30 =	sld [smem:$0x0];
	_ =	sdelay $0x2  }
0xb9: {  	s31 =	sshll.u32 s1, $0xD;
	s1 =	sshrl.u32 s1, $0x2  }
0xba: {  	s3 =	sand.u32 $0x4000, s31;
	s1 =	sadd.s32 s1, s30  }
0xbb: {  	s0 =	sor.u32 s3, s0;
	s1 =	sshll.u32 s1, $0x11  }
0xbc: {  	s0 =	sor.u32 s1, s0  }
0xbd: {  	s0 =	sadd.s32 $0x8F2B, s0  }
0xbe: {  	[sflag:s0] =	ssyncadd.remote.s32 $0x1  }
0xbf: {  	_ =	sfence.sel $0xFFFF  }
0xc0: {  	[dreg:$0x0] =	wrdreg $0xFFFFFFFF;
	(pc) =	sbr.abs _section_cstart, $3  }
0xc1: {  	[dreg:$0x1] =	wrdreg $0xFFFFFFFF  }
0xc2: {  	_ =	task.clear_ibuf [dreg:s7], $0x2FFFF;
	_ =	strace $0x9FFFFFFF  }
0xc3: {  	(tm) =	ssettm $0x7FFFFFFF  }
tec
execute0_lowered:
.L_overlay_start_1:
0x0: {  	(tag) =	ssettag $0x1  }
0x1: {  	s0 =	rddreg [dreg:$0x0]  }
0x2: {  	s1 =	rddreg [dreg:$0x1];
	s2 =	srdreg.scid  }
0x3: {  	s3 =	rddreg [dreg:$0x2];
	s8 =	stileid.u32  }
0x4: {  	s4 =	simm.s32 $0x0;
	s17 =	simm.s32 $0x2800;
	s18 =	simm.s32 $0x3  }
0x5: {  	s19 =	simm.s32 $0x1400;
	s20 =	simm.s32 $0x40;
	s21 =	simm.s32 $0x4800  }
0x6: {  	s28 =	simm.s32 $0x2;
	s29 =	simm.s32 $0x2700;
	s30 =	simm.s32 $0x2780  }
0x7: {  	s31 =	simm.s32 $0x0;
	s2 =	sand.u32 $0x1, s2;
	s6 =	smul.u32 $0x13C00, s8  }
0x8: {  	[smem:$0x7FF] =	sst s4;
	s13 =	sadd.s32 $0x5CE00, s1;
	s14 =	sadd.s32 $0x3600, s1  }
0x9: {  	s7 =	smul.u32 $0x4F000, s8;
	s22 =	sadd.s32 $0xD600, s1;
	s23 =	sshll.u32 s8, $0x1  }
0xa: {  	s5 =	smul.u32 $0x13C000, s2;
	_ =	strace $0x80000050;
	[dreg:$0x4] =	wrdreg s22  }
0xb: {  	s24 =	ssub.s32 $0x2, s2;
	s2 =	sor.u32 s2, s23;
	s22 =	simm.s32 $0x80  }
0xc: {  	s23 =	simm.s32 $0x6800;
	s25 =	sshrl.u32 s7, $0x2;
	s26 =	sshrl.u32 s24, $0x1  }
0xd: {  	s2 =	smul.u32 $0x2800, s2;
	s5 =	sadd.s32 s6, s5;
	s16 =	ssub.s32 s24, s26  }
0xe: {  	s24 =	simm.s32 $0xC0;
	s26 =	simm.s32 $0x1;
	s6 =	sshrl.u32 s5, $0x3  }
0xf: {  	s2 =	sshrl.u32 s2, $0x3;
	s16 =	smax.u32 s16, $0x1;
	s1 =	sadd.s32 s6, s1  }
0x10: {  	s6 =	sadd.s32 s25, s3;
	s11 =	sadd.s32 s13, s2;
	s12 =	sadd.s32 s14, s2  }
0x11: {  	s2 =	sadd.s32 $0x280, s2;
	s25 =	simm.s32 $0x8800;
	s7 =	sadd.s32 $0x4000, s6  }
0x12: {  	s8 =	sadd.s32 $0x8000, s6;
	s9 =	sadd.s32 $0xC000, s6;
	s10 =	sadd.s32 $0x10000, s6  }
0x13: {  	s13 =	sadd.s32 s13, s2;
	s14 =	sadd.s32 s14, s2;
	s15 =	sadd.s32 $0x66E00, s1  }
.LBB2_1:
0x14: {  	s1 =	rddreg [dreg:$0x4]  }
0x15: {  	[tilespmem:s17], [sflag:$0x3] =	stream.linear.gather [hbm4b:s1+s4], $0x4000, $0x38;
	[tilespmem:$0x1E400] =	vst v63  }
0x16: {  	_ =	swait.ge [sflag:s18], $0x4000  }
0x17: {  	[sflag:s18] =	ssyncset.done $0x0  }
0x18: {  	[sflag:s18] =	ssyncadd.s32 $0xFFFFC000  }
0x19: {  	[spmem:s6] =	stream.linear.scatter [tilespmem:s17], [sflag:$0x3], $0x4000, $0x38;
	[tilespmem:$0x1E400] =	vst v63  }
0x1a: {  	_ =	swait.ge [sflag:s18], $0x4000  }
0x1b: {  	[sflag:s18] =	ssyncset.done $0x0  }
0x1c: {  	[sflag:s18] =	ssyncadd.s32 $0xFFFFC000  }
0x1d: {  	[spmem:s7] =	stream.linear.scatter [tilespmem:s17], [sflag:$0x3], $0x4000, $0x38;
	[tilespmem:$0x1E400] =	vst v63  }
0x1e: {  	_ =	swait.ge [sflag:s18], $0x4000  }
0x1f: {  	[sflag:s18] =	ssyncset.done $0x0  }
0x20: {  	[sflag:s18] =	ssyncadd.s32 $0xFFFFC000  }
0x21: {  	[spmem:s8] =	stream.linear.scatter [tilespmem:s17], [sflag:$0x3], $0x4000, $0x38;
	[tilespmem:$0x1E400] =	vst v63  }
0x22: {  	_ =	swait.ge [sflag:s18], $0x4000  }
0x23: {  	[sflag:s18] =	ssyncset.done $0x0  }
0x24: {  	[sflag:s18] =	ssyncadd.s32 $0xFFFFC000  }
0x25: {  	[spmem:s9] =	stream.linear.scatter [tilespmem:s17], [sflag:$0x3], $0x4000, $0x38;
	[tilespmem:$0x1E400] =	vst v63  }
0x26: {  	_ =	swait.ge [sflag:s18], $0x4000  }
0x27: {  	[sflag:s18] =	ssyncset.done $0x0  }
0x28: {  	[sflag:s18] =	ssyncadd.s32 $0xFFFFC000  }
0x29: {  	[spmem:s10] =	stream.linear.scatter [tilespmem:s17], [sflag:$0x3], $0x3C00, $0x38;
	[tilespmem:$0x1E400] =	vst v63  }
0x2a: {  	_ =	swait.ge [sflag:s18], $0x3C00  }
0x2b: {  	[sflag:s18] =	ssyncset.done $0x0  }
0x2c: {  	[sflag:s18] =	ssyncadd.s32 $0xFFFFC400  }
0x2d: {  	[bflag:$0x0] =	sbarrier.arrive $0xFFFF  }
0x2e: {  	[tilespmem:s4], [sflag:$0x3] =	stream.linear.gather [hbm4b:s11+s4], $0x1400, $0x38;
	[tilespmem:$0x1E400] =	vst v63  }
0x2f: {  	_ =	swait.ge [sflag:s18], $0x1400  }
0x30: {  	[sflag:s18] =	ssyncset.done $0x0  }
0x31: {  	[sflag:s18] =	ssyncadd.s32 $0xFFFFEC00  }
0x32: {  	[tilespmem:s19], [sflag:$0x3] =	stream.linear.gather [hbm4b:s12+s4], $0x1400, $0x38;
	[tilespmem:$0x1E400] =	vst v63  }
0x33: {  	_ =	swait.ge [sflag:s18], $0x1400  }
0x34: {  	[sflag:s18] =	ssyncset.done $0x0  }
0x35: {  	[sflag:s18] =	ssyncadd.s32 $0xFFFFEC00  }
0x36: {  	[tilespmem:s17], [sflag:$0x1] =	stream.indirect.gather [hbm4b:s0+s20], $0x80, s4, s20, $0xb8;
	[tilespmem:$0x1E400] =	vst v63  }
0x37: {  	_ = 	snop  }
0x38: {  	[tilespmem:s21], [sflag:$0x1] =	stream.indirect.gather [hbm4b:s0+s20], $0x80, s20, s20, $0xb8;
	[tilespmem:$0x1E400] =	vst v63  }
0x39: {  	_ = 	snop  }
0x3a: {  	[tilespmem:s23], [sflag:$0x2] =	stream.indirect.gather [hbm4b:s0+s20], $0x80, s22, s20, $0xb8;
	[tilespmem:$0x1E400] =	vst v63  }
0x3b: {  	_ = 	snop  }
0x3c: {  	[tilespmem:s25], [sflag:$0x2] =	stream.indirect.gather [hbm4b:s0+s20], $0x80, s24, s20, $0xb8;
	[tilespmem:$0x1E400] =	vst v63  }
0x3d: {  	_ =	swait.ge [sflag:s26], $0x2000  }
0x3e: {  	[sflag:s26] =	ssyncset.done $0x0  }
0x3f: {  	[sflag:s26] =	ssyncadd.s32 $0xFFFFE000  }
0x40: {  	_ =	swait.ge [sflag:s26], $0x2000  }
0x41: {  	[sflag:s26] =	ssyncset.done $0x0  }
0x42: {  	s5 =	simm.s32 $0x1400;
	[sflag:s26] =	ssyncadd.s32 $0xFFFFE000  }
0x43: {  	[spmem:s3] =	stream.indirect.scatter.add.f32 [tilespmem:s17], [sflag:$0x3], $0x80, s5, s22, $0xb8;
	[tilespmem:$0x1E400] =	vst v63  }
0x44: {  	_ =	swait.ge [sflag:s18], $0x4000  }
0x45: {  	[sflag:s18] =	ssyncset.done $0x0  }
0x46: {  	s2 =	simm.s32 $0x100;
	[sflag:s18] =	ssyncadd.s32 $0xFFFFC000  }
0x47: {  	[tilespmem:s17], [sflag:$0x1] =	stream.indirect.gather [hbm4b:s0+s20], $0x80, s2, s20, $0xb8;
	[tilespmem:$0x1E400] =	vst v63  }
0x48: {  	s5 =	simm.s32 $0x140  }
0x49: {  	[tilespmem:s21], [sflag:$0x1] =	stream.indirect.gather [hbm4b:s0+s20], $0x80, s5, s20, $0xb8;
	[tilespmem:$0x1E400] =	vst v63  }
0x4a: {  	_ =	swait.ge [sflag:s28], $0x2000  }
0x4b: {  	[sflag:s28] =	ssyncset.done $0x0  }
0x4c: {  	[sflag:s28] =	ssyncadd.s32 $0xFFFFE000  }
0x4d: {  	_ =	swait.ge [sflag:s28], $0x2000  }
0x4e: {  	[sflag:s28] =	ssyncset.done $0x0  }
0x4f: {  	s2 =	simm.s32 $0x1480;
	[sflag:s28] =	ssyncadd.s32 $0xFFFFE000  }
0x50: {  	[spmem:s3] =	stream.indirect.scatter.add.f32 [tilespmem:s23], [sflag:$0x3], $0x80, s2, s22, $0xb8;
	[tilespmem:$0x1E400] =	vst v63  }
0x51: {  	_ =	swait.ge [sflag:s18], $0x4000  }
0x52: {  	s1 =	simm.s32 $0x400;
	[sflag:s18] =	ssyncset.done $0x0  }
0x53: {  	s5 =	simm.s32 $0x180;
	s2 =	simm.s32 $0x1C0;
	[sflag:s18] =	ssyncadd.s32 $0xFFFFC000  }
0x54: {  	[tilespmem:s23], [sflag:$0x2] =	stream.indirect.gather [hbm4b:s0+s20], $0x80, s5, s20, $0xb8;
	[tilespmem:$0x1E400] =	vst v63  }
.LBB2_2:
0x55: {  	[tilespmem:s25], [sflag:$0x2] =	stream.indirect.gather [hbm4b:s0+s20], $0x80, s2, s20, $0xb8;
	[tilespmem:$0x1E400] =	vst v63  }
0x56: {  	s2 =	smov.u32 s1  }
0x57: {  	p0 =	sne.s32 s1, $0x4800;
	s1 =	sadd.s32 $0x400, s1;
	_ =	swait.ge [sflag:s26], $0x2000  }
0x58: {  	[sflag:s26] =	ssyncset.done $0x0  }
0x59: {  	[sflag:s26] =	ssyncadd.s32 $0xFFFFE000  }
0x5a: {  	_ =	swait.ge [sflag:s26], $0x2000  }
0x5b: {  	s2 =	sshra.s32 s2, $0x2;
	[sflag:s26] =	ssyncset.done $0x0  }
0x5c: {  	s5 =	sadd.s32 $0x1400, s2;
	[sflag:s26] =	ssyncadd.s32 $0xFFFFE000  }
0x5d: {  	[spmem:s3] =	stream.indirect.scatter.add.f32 [tilespmem:s17], [sflag:$0x3], $0x80, s5, s22, $0xb8;
	[tilespmem:$0x1E400] =	vst v63  }
0x5e: {  	_ =	swait.ge [sflag:s18], $0x4000  }
0x5f: {  	[sflag:s18] =	ssyncset.done $0x0  }
0x60: {  	s5 =	sadd.s32 $0x100, s2;
	[sflag:s18] =	ssyncadd.s32 $0xFFFFC000  }
0x61: {  	[tilespmem:s17], [sflag:$0x1] =	stream.indirect.gather [hbm4b:s0+s20], $0x80, s5, s20, $0xb8;
	[tilespmem:$0x1E400] =	vst v63  }
0x62: {  	s5 =	sadd.s32 $0x140, s2  }
0x63: {  	[tilespmem:s21], [sflag:$0x1] =	stream.indirect.gather [hbm4b:s0+s20], $0x80, s5, s20, $0xb8;
	[tilespmem:$0x1E400] =	vst v63  }
0x64: {  	_ =	swait.ge [sflag:s28], $0x2000  }
0x65: {  	[sflag:s28] =	ssyncset.done $0x0  }
0x66: {  	[sflag:s28] =	ssyncadd.s32 $0xFFFFE000  }
0x67: {  	_ =	swait.ge [sflag:s28], $0x2000  }
0x68: {  	[sflag:s28] =	ssyncset.done $0x0  }
0x69: {  	s5 =	sadd.s32 $0x1480, s2;
	[sflag:s28] =	ssyncadd.s32 $0xFFFFE000  }
0x6a: {  	[spmem:s3] =	stream.indirect.scatter.add.f32 [tilespmem:s23], [sflag:$0x3], $0x80, s5, s22, $0xb8;
	[tilespmem:$0x1E400] =	vst v63  }
.Ltmp0:
0x6b: {  	_ =	swait.ge [sflag:s18], $0x4000;
	(pc) =	sbr.rel @p0 .LBB2_2-.Ltmp0, $4  }
0x6c: {  	[sflag:s18] =	ssyncset.done $0x0  }
0x6d: {  	s5 =	sadd.s32 $0x180, s2;
	[sflag:s18] =	ssyncadd.s32 $0xFFFFC000  }
0x6e: {  	[tilespmem:s23], [sflag:$0x2] =	stream.indirect.gather [hbm4b:s0+s20], $0x80, s5, s20, $0xb8;
	[tilespmem:$0x1E400] =	vst v63  }
0x6f: {  	s2 =	sadd.s32 $0x1C0, s2  }
0x70: {  	[tilespmem:s25], [sflag:$0x2] =	stream.indirect.gather [hbm4b:s0+s20], $0x80, s2, s20, $0xb8;
	[tilespmem:$0x1E400] =	vst v63  }
0x71: {  	_ =	swait.ge [sflag:s26], $0x2000  }
0x72: {  	[sflag:s26] =	ssyncset.done $0x0  }
0x73: {  	[sflag:s26] =	ssyncadd.s32 $0xFFFFE000  }
0x74: {  	_ =	swait.ge [sflag:s26], $0x2000  }
0x75: {  	[sflag:s26] =	ssyncset.done $0x0  }
0x76: {  	[sflag:s26] =	ssyncadd.s32 $0xFFFFE000  }
0x77: {  	[spmem:s3] =	stream.indirect.scatter.add.f32 [tilespmem:s17], [sflag:$0x3], $0x80, s29, s22, $0xb8;
	[tilespmem:$0x1E400] =	vst v63  }
0x78: {  	_ =	swait.ge [sflag:s18], $0x4000  }
0x79: {  	[sflag:s18] =	ssyncset.done $0x0  }
0x7a: {  	[sflag:s18] =	ssyncadd.s32 $0xFFFFC000  }
0x7b: {  	_ =	swait.ge [sflag:s28], $0x2000  }
0x7c: {  	[sflag:s28] =	ssyncset.done $0x0  }
0x7d: {  	[sflag:s28] =	ssyncadd.s32 $0xFFFFE000  }
0x7e: {  	_ =	swait.ge [sflag:s28], $0x2000  }
0x7f: {  	[sflag:s28] =	ssyncset.done $0x0  }
0x80: {  	[sflag:s28] =	ssyncadd.s32 $0xFFFFE000  }
0x81: {  	[spmem:s3] =	stream.indirect.scatter.add.f32 [tilespmem:s23], [sflag:$0x3], $0x80, s30, s22, $0xb8;
	[tilespmem:$0x1E400] =	vst v63  }
0x82: {  	_ =	swait.ge [sflag:s18], $0x4000  }
0x83: {  	[sflag:s18] =	ssyncset.done $0x0  }
0x84: {  	s1 =	simm.s32 $0x0;
	[sflag:s18] =	ssyncadd.s32 $0xFFFFC000  }
0x85: {  	[tilespmem:s1], [sflag:$0x3] =	stream.linear.gather [hbm4b:s13+s1], $0x1400, $0x38;
	[tilespmem:$0x1E400] =	vst v63  }
0x86: {  	_ =	swait.ge [sflag:s18], $0x1400  }
0x87: {  	[sflag:s18] =	ssyncset.done $0x0  }
0x88: {  	[sflag:s18] =	ssyncadd.s32 $0xFFFFEC00  }
0x89: {  	[tilespmem:s19], [sflag:$0x3] =	stream.linear.gather [hbm4b:s14+s1], $0x1400, $0x38;
	[tilespmem:$0x1E400] =	vst v63  }
0x8a: {  	_ =	swait.ge [sflag:s18], $0x1400  }
0x8b: {  	[sflag:s18] =	ssyncset.done $0x0  }
0x8c: {  	[sflag:s18] =	ssyncadd.s32 $0xFFFFEC00  }
0x8d: {  	[tilespmem:s17], [sflag:$0x1] =	stream.indirect.gather [hbm4b:s0+s20], $0x80, s1, s20, $0xb8;
	[tilespmem:$0x1E400] =	vst v63  }
0x8e: {  	_ = 	snop  }
0x8f: {  	[tilespmem:s21], [sflag:$0x1] =	stream.indirect.gather [hbm4b:s0+s20], $0x80, s20, s20, $0xb8;
	[tilespmem:$0x1E400] =	vst v63  }
0x90: {  	_ = 	snop  }
0x91: {  	[tilespmem:s23], [sflag:$0x2] =	stream.indirect.gather [hbm4b:s0+s20], $0x80, s22, s20, $0xb8;
	[tilespmem:$0x1E400] =	vst v63  }
0x92: {  	_ = 	snop  }
0x93: {  	[tilespmem:s25], [sflag:$0x2] =	stream.indirect.gather [hbm4b:s0+s20], $0x80, s24, s20, $0xb8;
	[tilespmem:$0x1E400] =	vst v63  }
0x94: {  	_ =	swait.ge [sflag:s26], $0x2000  }
0x95: {  	[sflag:s26] =	ssyncset.done $0x0  }
0x96: {  	[sflag:s26] =	ssyncadd.s32 $0xFFFFE000  }
0x97: {  	_ =	swait.ge [sflag:s26], $0x2000  }
0x98: {  	[sflag:s26] =	ssyncset.done $0x0  }
0x99: {  	s5 =	simm.s32 $0x1400;
	[sflag:s26] =	ssyncadd.s32 $0xFFFFE000  }
0x9a: {  	[spmem:s3] =	stream.indirect.scatter.add.f32 [tilespmem:s17], [sflag:$0x3], $0x80, s5, s22, $0xb8;
	[tilespmem:$0x1E400] =	vst v63  }
0x9b: {  	_ =	swait.ge [sflag:s18], $0x4000  }
0x9c: {  	[sflag:s18] =	ssyncset.done $0x0  }
0x9d: {  	s2 =	simm.s32 $0x100;
	[sflag:s18] =	ssyncadd.s32 $0xFFFFC000  }
0x9e: {  	[tilespmem:s17], [sflag:$0x1] =	stream.indirect.gather [hbm4b:s0+s20], $0x80, s2, s20, $0xb8;
	[tilespmem:$0x1E400] =	vst v63  }
0x9f: {  	s5 =	simm.s32 $0x140  }
0xa0: {  	[tilespmem:s21], [sflag:$0x1] =	stream.indirect.gather [hbm4b:s0+s20], $0x80, s5, s20, $0xb8;
	[tilespmem:$0x1E400] =	vst v63  }
0xa1: {  	_ =	swait.ge [sflag:s28], $0x2000  }
0xa2: {  	[sflag:s28] =	ssyncset.done $0x0  }
0xa3: {  	[sflag:s28] =	ssyncadd.s32 $0xFFFFE000  }
0xa4: {  	_ =	swait.ge [sflag:s28], $0x2000  }
0xa5: {  	[sflag:s28] =	ssyncset.done $0x0  }
0xa6: {  	s2 =	simm.s32 $0x1480;
	[sflag:s28] =	ssyncadd.s32 $0xFFFFE000  }
0xa7: {  	[spmem:s3] =	stream.indirect.scatter.add.f32 [tilespmem:s23], [sflag:$0x3], $0x80, s2, s22, $0xb8;
	[tilespmem:$0x1E400] =	vst v63  }
0xa8: {  	_ =	swait.ge [sflag:s18], $0x4000  }
0xa9: {  	s1 =	simm.s32 $0x400;
	[sflag:s18] =	ssyncset.done $0x0  }
0xaa: {  	s5 =	simm.s32 $0x180;
	s2 =	simm.s32 $0x1C0;
	[sflag:s18] =	ssyncadd.s32 $0xFFFFC000  }
0xab: {  	[tilespmem:s23], [sflag:$0x2] =	stream.indirect.gather [hbm4b:s0+s20], $0x80, s5, s20, $0xb8;
	[tilespmem:$0x1E400] =	vst v63  }
.LBB2_4:
0xac: {  	[tilespmem:s25], [sflag:$0x2] =	stream.indirect.gather [hbm4b:s0+s20], $0x80, s2, s20, $0xb8;
	[tilespmem:$0x1E400] =	vst v63  }
0xad: {  	s2 =	smov.u32 s1  }
0xae: {  	p0 =	sne.s32 s1, $0x4800;
	s1 =	sadd.s32 $0x400, s1;
	_ =	swait.ge [sflag:s26], $0x2000  }
0xaf: {  	[sflag:s26] =	ssyncset.done $0x0  }
0xb0: {  	[sflag:s26] =	ssyncadd.s32 $0xFFFFE000  }
0xb1: {  	_ =	swait.ge [sflag:s26], $0x2000  }
0xb2: {  	s2 =	sshra.s32 s2, $0x2;
	[sflag:s26] =	ssyncset.done $0x0  }
0xb3: {  	s5 =	sadd.s32 $0x1400, s2;
	[sflag:s26] =	ssyncadd.s32 $0xFFFFE000  }
0xb4: {  	[spmem:s3] =	stream.indirect.scatter.add.f32 [tilespmem:s17], [sflag:$0x3], $0x80, s5, s22, $0xb8;
	[tilespmem:$0x1E400] =	vst v63  }
0xb5: {  	_ =	swait.ge [sflag:s18], $0x4000  }
0xb6: {  	[sflag:s18] =	ssyncset.done $0x0  }
0xb7: {  	s5 =	sadd.s32 $0x100, s2;
	[sflag:s18] =	ssyncadd.s32 $0xFFFFC000  }
0xb8: {  	[tilespmem:s17], [sflag:$0x1] =	stream.indirect.gather [hbm4b:s0+s20], $0x80, s5, s20, $0xb8;
	[tilespmem:$0x1E400] =	vst v63  }
0xb9: {  	s5 =	sadd.s32 $0x140, s2  }
0xba: {  	[tilespmem:s21], [sflag:$0x1] =	stream.indirect.gather [hbm4b:s0+s20], $0x80, s5, s20, $0xb8;
	[tilespmem:$0x1E400] =	vst v63  }
0xbb: {  	_ =	swait.ge [sflag:s28], $0x2000  }
0xbc: {  	[sflag:s28] =	ssyncset.done $0x0  }
0xbd: {  	[sflag:s28] =	ssyncadd.s32 $0xFFFFE000  }
0xbe: {  	_ =	swait.ge [sflag:s28], $0x2000  }
0xbf: {  	[sflag:s28] =	ssyncset.done $0x0  }
0xc0: {  	s5 =	sadd.s32 $0x1480, s2;
	[sflag:s28] =	ssyncadd.s32 $0xFFFFE000  }
0xc1: {  	[spmem:s3] =	stream.indirect.scatter.add.f32 [tilespmem:s23], [sflag:$0x3], $0x80, s5, s22, $0xb8;
	[tilespmem:$0x1E400] =	vst v63  }
.Ltmp1:
0xc2: {  	_ =	swait.ge [sflag:s18], $0x4000;
	(pc) =	sbr.rel @p0 .LBB2_4-.Ltmp1, $4  }
0xc3: {  	[sflag:s18] =	ssyncset.done $0x0  }
0xc4: {  	s5 =	sadd.s32 $0x180, s2;
	[sflag:s18] =	ssyncadd.s32 $0xFFFFC000  }
0xc5: {  	[tilespmem:s23], [sflag:$0x2] =	stream.indirect.gather [hbm4b:s0+s20], $0x80, s5, s20, $0xb8;
	[tilespmem:$0x1E400] =	vst v63  }
0xc6: {  	s2 =	sadd.s32 $0x1C0, s2  }
0xc7: {  	[tilespmem:s25], [sflag:$0x2] =	stream.indirect.gather [hbm4b:s0+s20], $0x80, s2, s20, $0xb8;
	[tilespmem:$0x1E400] =	vst v63  }
0xc8: {  	_ =	swait.ge [sflag:s26], $0x2000  }
0xc9: {  	[sflag:s26] =	ssyncset.done $0x0  }
0xca: {  	[sflag:s26] =	ssyncadd.s32 $0xFFFFE000  }
0xcb: {  	_ =	swait.ge [sflag:s26], $0x2000  }
0xcc: {  	[sflag:s26] =	ssyncset.done $0x0  }
0xcd: {  	[sflag:s26] =	ssyncadd.s32 $0xFFFFE000  }
0xce: {  	[spmem:s3] =	stream.indirect.scatter.add.f32 [tilespmem:s17], [sflag:$0x3], $0x80, s29, s22, $0xb8;
	[tilespmem:$0x1E400] =	vst v63  }
0xcf: {  	_ =	swait.ge [sflag:s18], $0x4000  }
0xd0: {  	[sflag:s18] =	ssyncset.done $0x0  }
0xd1: {  	[sflag:s18] =	ssyncadd.s32 $0xFFFFC000  }
0xd2: {  	_ =	swait.ge [sflag:s28], $0x2000  }
0xd3: {  	[sflag:s28] =	ssyncset.done $0x0  }
0xd4: {  	[sflag:s28] =	ssyncadd.s32 $0xFFFFE000  }
0xd5: {  	_ =	swait.ge [sflag:s28], $0x2000  }
0xd6: {  	[sflag:s28] =	ssyncset.done $0x0  }
0xd7: {  	[sflag:s28] =	ssyncadd.s32 $0xFFFFE000  }
0xd8: {  	[spmem:s3] =	stream.indirect.scatter.add.f32 [tilespmem:s23], [sflag:$0x3], $0x80, s30, s22, $0xb8;
	[tilespmem:$0x1E400] =	vst v63  }
0xd9: {  	s1 =	stileid.u32;
	_ =	swait.ge [sflag:s18], $0x4000  }
0xda: {  	s5 =	sshrl.u32 s6, $0x3;
	s31 =	sadd.s32 $0x1, s31;
	[sflag:s18] =	ssyncset.done $0x0  }
0xdb: {  	s1 =	sshll.u32 s1, $0x6;
	p0 =	sne.s32 s31, s16;
	[sflag:s18] =	ssyncadd.s32 $0xFFFFC000  }
.Ltmp2:
0xdc: {  	s1 =	sor.u32 $0x1C03, s1;
	[bflag:$0x0] =	sbarrier.arrive $0xFFFF;
	(pc) =	sbr.rel @p0 .LBB2_1-.Ltmp2, $4  }
0xdd: {  	[hbm:s15], [sflag:s1] =	dma.local [spmem:s5], $0x2780  }
0xde: {  	_ =	swait.ge [sflag:s18], $0x2780  }
0xdf: {  	[sflag:s18] =	ssyncset.done $0x0  }
0xe0: {  	[sflag:s18] =	ssyncadd.s32 $0xFFFFD880  }
0xe1: {  	_ =	sfence.sel $0x180000  }
0xe2: {  	[bflag:$0x0] =	sbarrier.arrive $0xFFFF  }
0xe3: {  	_ =	strace $0x90000050  }
0xe4: {  	s0 =	stileid.u32;
	[bflag:$0x2] =	sbarrier.arrive $0xFFFF  }
0xe5: {  	p0 =	sne.s32 s0, $0x0;
	s0 =	rddreg [dreg:$0x3]  }
0xe6: {  	s0 =	sadd.s32 @!p0 $0x100000, s0  }
0xe7: {  	[sflag:s0] =	ssyncadd.tile.s32 @!p0 $0x1;
	_ =	shalt  }
.Lfunc_end2:
_tile_overlayer_lowered:
.L_overlay_start_2:
0xe8: {  	(tag) =	ssettag $0x2  }
0xe9: {  	s0 =	rddreg [dreg:$0x0];
	s2 =	stileid.u32  }
0xea: {  	s1 =	rddreg [dreg:$0x1];
	p0 =	sne.s32 s2, $0x0  }
0xeb: {  	s3 =	rddreg [dreg:$0x2];
	[bflag:$0x3] =	sbarrier.arrive $0xFFFF;
	s2 =	simm.s32 @!p0 $0x1C03  }
0xec: {  	[timem:s3], [sflag:s2] =	dma.local @!p0 [hbm:s0], s1  }
0xed: {  	s0 =	simm.s32 @!p0 $0x3  }
0xee: {  	_ =	swait.ge @!p0 [sflag:s0], s1  }
0xef: {  	s1 =	ssub.s32 @!p0 $0x0, s1;
	[sflag:s0] =	ssyncset.done @!p0 $0x0  }
0xf0: {  	[sflag:s0] =	ssyncadd.s32 @!p0 s1  }
0xf1: {  	[bflag:$0x3] =	sbarrier.arrive $0xFFFF  }
0xf2: {  	_ =	shalt  }

</sc_bundles>
